<compile_context>
chip_gen: v7x
topology: tpu7x:2x2x1
jax: 0.10.2.dev20260603
libtpu: 0.0.44.dev20260713+nightly
codegen_flags: <defaults>
</compile_context>

<pallas_src>
import functools

import jax
import jax.numpy as jnp
from jax import lax
from jax.experimental import pallas as pl
from jax.experimental.pallas import tpu as pltpu
from jax.experimental.pallas import tpu_sc as plsc

N = 10000
E = 320000
D_IN = 128
D = 16

NC = 2
NS = 16
NW = NC * NS
EPW = E // NW
K = 1000
NCH = EPW // K
EPT = E // NS
HCH = EPT // K
NP = 10240
NPT = NP // NS
NV = NPT // 16

RB = NP // 8
BR8 = NP // 8 // 8


def _proj1_body(x_ref, wl_ref, wr_ref, b_ref, y_ref, r_ref):
    xb = x_ref[...]
    y_ref[...] = jnp.dot(xb, wl_ref[...], preferred_element_type=jnp.float32)
    r_ref[...] = (
        jnp.dot(xb, wr_ref[...], preferred_element_type=jnp.float32) + b_ref[...]
    )


def _proj1(x, W1l, W1r, b1):
    return pl.pallas_call(
        _proj1_body,
        grid=(8,),
        in_specs=[
            pl.BlockSpec((RB, D_IN), lambda i: (i, 0)),
            pl.BlockSpec((D_IN, D), lambda i: (0, 0)),
            pl.BlockSpec((D_IN, D), lambda i: (0, 0)),
            pl.BlockSpec((1, D), lambda i: (0, 0)),
        ],
        out_specs=[
            pl.BlockSpec((RB, D), lambda i: (i, 0)),
            pl.BlockSpec((RB, D), lambda i: (i, 0)),
        ],
        out_shape=[
            jax.ShapeDtypeStruct((NP, D), jnp.float32),
            jax.ShapeDtypeStruct((NP, D), jnp.float32),
        ],
    )(x, W1l, W1r, b1.reshape(1, D))


def _make_agg(first_layer, fold_r=True):
    mesh = plsc.VectorSubcoreMesh(core_axis_name="c", subcore_axis_name="s")
    out_type = [jax.ShapeDtypeStruct((NC * NP, D), jnp.float32)]
    if first_layer:
        out_type.append(jax.ShapeDtypeStruct((NP,), jnp.float32))
    scratch_types = [
        pltpu.VMEM((K,), jnp.int32),
        pltpu.VMEM((K,), jnp.int32),
        pltpu.VMEM((K, D), jnp.float32),
        pltpu.VMEM((K,), jnp.int32),
        pltpu.VMEM((K,), jnp.int32),
        pltpu.VMEM((K, D), jnp.float32),
        pltpu.VMEM((NPT,), jnp.float32),
        pltpu.VMEM((NPT, D), jnp.float32),
        pltpu.VMEM_SHARED((N, D), jnp.float32),
        pltpu.VMEM_SHARED((NP, D), jnp.float32),
    ]
    if first_layer:
        scratch_types += [
            pltpu.VMEM((NP,), jnp.float32),
            pltpu.VMEM((NS, NPT), jnp.float32),
            pltpu.VMEM_SHARED((NS, NP), jnp.float32),
        ]
    scratch_types += [pltpu.SemaphoreType.DMA] * 6

    def body(*args):
        if first_layer:
            (y_hbm, src_hbm, dst_hbm, r_hbm, out_hbm, inv_hbm,
             src_a, dst_a, rows_a, src_b, dst_b, rows_b, ivec_v, rbuf_v,
             tab_sh, acc_sh, cnt_v, cbuf_v, cnt_sh,
             gsem_a, gsem_b, ssem_a, ssem_b, stg_sem, zsem) = args
        else:
            (y_hbm, src_hbm, dst_hbm, inv_hbm, r_hbm, out_hbm,
             src_a, dst_a, rows_a, src_b, dst_b, rows_b, ivec_v, rbuf_v,
             tab_sh, acc_sh,
             gsem_a, gsem_b, ssem_a, ssem_b, stg_sem, zsem) = args
        c = lax.axis_index("c")
        s = lax.axis_index("s")
        wid = c * NS + s
        zeros16 = jnp.zeros((16,), jnp.float32)

        @pl.when(s < 10)
        def _stage():
            pltpu.async_copy(y_hbm.at[pl.ds(s * 1000, 1000)],
                             tab_sh.at[pl.ds(s * 1000, 1000)], stg_sem)


        def zfill(i, _):
            rows_a[i, :] = zeros16
            return 0
        lax.fori_loop(0, NPT, zfill, 0)
        pltpu.sync_copy(rows_a.at[pl.ds(0, NPT)],
                        acc_sh.at[pl.ds(s * NPT, NPT)])

        if first_layer:
            def hzero(i, _):
                cnt_v[pl.ds(i * 16, 16)] = zeros16
                return 0
            lax.fori_loop(0, NP // 16, hzero, 0)
            ones16 = jnp.ones((16,), jnp.float32)
            for jc in range(HCH):
                pltpu.sync_copy(dst_hbm.at[pl.ds(s * EPT + jc * K, K)],
                                dst_a)

                def hbin(i, _):
                    idx = dst_a[pl.ds(i * 16, 16)]
                    plsc.addupdate_scatter(cnt_v, [idx], ones16)
                    return 0
                lax.fori_loop(0, K // 16, hbin, 0)
            pltpu.sync_copy(cnt_v, cnt_sh.at[s])
        else:
            pltpu.sync_copy(inv_hbm.at[pl.ds(s * NPT, NPT)], ivec_v)

        @pl.when(s < 10)
        def _stagewait():
            pltpu.make_async_copy(y_hbm.at[pl.ds(s * 1000, 1000)],
                                  tab_sh.at[pl.ds(s * 1000, 1000)],
                                  stg_sem).wait()
        plsc.subcore_barrier()

        ebase = wid * EPW
        for j in range(NCH):
            off = ebase + j * K
            pltpu.sync_copy(src_hbm.at[pl.ds(off, K)], src_a)
            pltpu.sync_copy(dst_hbm.at[pl.ds(off, K)], dst_a)
            pltpu.async_copy(tab_sh.at[src_a], rows_a, gsem_a).wait()
            pltpu.sync_copy(rows_a, acc_sh.at[dst_a], add=True)

        pltpu.sync_copy(r_hbm.at[pl.ds(s * NPT, NPT)], rbuf_v)
        if first_layer:
            pltpu.sync_copy(cnt_sh.at[:, pl.ds(s * NPT, NPT)], cbuf_v)

            def hmerge(i, _):
                tot = cbuf_v[0, pl.ds(i * 16, 16)]
                for r in range(1, NS):
                    tot = tot + cbuf_v[r, pl.ds(i * 16, 16)]
                ivec_v[pl.ds(i * 16, 16)] = 1.0 / jnp.maximum(tot, 1.0)
                return 0
            lax.fori_loop(0, NV, hmerge, 0)
        plsc.subcore_barrier()

        rb = s * NPT
        pltpu.sync_copy(acc_sh.at[pl.ds(rb, NPT)], rows_a.at[pl.ds(0, NPT)])
        rmask = jnp.full((16,), jnp.where(c == 0, 1.0, 0.0), jnp.float32)
        if not fold_r:
            rmask = rmask * 0.0

        def scale(i, _):
            iv = ivec_v[pl.ds(i * 16, 16)]
            for l in range(16):
                r = i * 16 + l
                rows_a[r, :] = (rows_a[r, :] * jnp.full((16,), iv[l],
                                                        jnp.float32)
                                + rbuf_v[r, :] * rmask)
            return 0
        lax.fori_loop(0, NV, scale, 0)
        pltpu.sync_copy(rows_a.at[pl.ds(0, NPT)],
                        out_hbm.at[pl.ds(c * NP + rb, NPT)])
        if first_layer:
            @pl.when(c == 0)
            def _winv():
                pltpu.sync_copy(ivec_v, inv_hbm.at[pl.ds(rb, NPT)])

    return functools.partial(
        pl.kernel, mesh=mesh, out_type=out_type, scratch_types=scratch_types,
        compiler_params=pltpu.CompilerParams(use_tc_tiling_on_sc=False,
                                             needs_layout_passes=False),
    )(body)


_agg1 = _make_agg(first_layer=True)
_agg2 = _make_agg(first_layer=False)


def _mid_body(pa_ref, pb_ref, wl_ref, wr_ref, b_ref, y_ref, rr_ref):
    h8 = jnp.maximum(pa_ref[...] + pb_ref[...], 0.0)
    y_ref[...] = jnp.dot(h8, wl_ref[...], preferred_element_type=jnp.float32)
    rr_ref[...] = (
        jnp.dot(h8, wr_ref[...], preferred_element_type=jnp.float32) + b_ref[...]
    )


def _mid(p8, W2l8, W2r8, b2_8):
    return pl.pallas_call(
        _mid_body,
        grid=(8,),
        in_specs=[
            pl.BlockSpec((BR8, 128), lambda i: (i, 0)),
            pl.BlockSpec((BR8, 128), lambda i: (i + 8, 0)),
            pl.BlockSpec((128, 128), lambda i: (0, 0)),
            pl.BlockSpec((128, 128), lambda i: (0, 0)),
            pl.BlockSpec((1, 128), lambda i: (0, 0)),
        ],
        out_specs=[
            pl.BlockSpec((BR8, 128), lambda i: (i, 0)),
            pl.BlockSpec((BR8, 128), lambda i: (i, 0)),
        ],
        out_shape=[
            jax.ShapeDtypeStruct((NP // 8, 128), jnp.float32),
            jax.ShapeDtypeStruct((NP // 8, 128), jnp.float32),
        ],
    )(p8, p8, W2l8, W2r8, b2_8.reshape(1, 128))


def _fin_body(qa_ref, qb_ref, ones_ref, o_ref):
    z8 = qa_ref[...] + qb_ref[...]
    e8 = jnp.exp(z8)
    s8 = jnp.dot(e8, ones_ref[...], preferred_element_type=jnp.float32,
                 precision=lax.Precision.HIGHEST)
    o_ref[...] = e8 / s8


def _fin(q8, ones8):
    return pl.pallas_call(
        _fin_body,
        grid=(8,),
        in_specs=[
            pl.BlockSpec((BR8, 128), lambda i: (i, 0)),
            pl.BlockSpec((BR8, 128), lambda i: (i + 8, 0)),
            pl.BlockSpec((128, 128), lambda i: (0, 0)),
        ],
        out_specs=pl.BlockSpec((BR8, 128), lambda i: (i, 0)),
        out_shape=jax.ShapeDtypeStruct((NP // 8, 128), jnp.float32),
    )(q8, q8, ones8)


def _block_diag8(w):
    z = jnp.zeros((8, D, 8, D), jnp.float32)
    idx = jnp.arange(8)
    z = z.at[idx, :, idx, :].set(w)
    return z.reshape(8 * D, 8 * D)


def kernel(x, edge_index, W1l, b1, W1r, W2l, b2, W2r):
    src = edge_index[0].astype(jnp.int32)
    dst = edge_index[1].astype(jnp.int32)
    W2l8 = _block_diag8(W2l)
    W2r8 = _block_diag8(W2r)
    b2_8 = jnp.tile(b2, 8)
    ones8 = _block_diag8(jnp.ones((D, D), jnp.float32))
    y1, r1 = _proj1(x, W1l, W1r, b1)
    p1, inv = _agg1(y1, src, dst, r1)
    y2_8, r2_8 = _mid(p1.reshape(NC * NP // 8, 128), W2l8, W2r8, b2_8)
    (q,) = _agg2(y2_8.reshape(NP, D), src, dst, inv, r2_8.reshape(NP, D))
    out8 = _fin(q.reshape(NC * NP // 8, 128), ones8)
    return out8.reshape(NP, D)[:N]

# --- scband reference (transcript-rebuilt; emitter-appended) ---
"""Pipeline reference for scband-sageconv-net-34359738929 (READ-ONLY COPY).

The authoritative reference and input builder live on the scoring server;
editing this copy changes nothing except your own understanding.
"""

import jax, jax.numpy as jnp
import numpy as np

N_NODES = 10000
N_EDGES = 320000
D_IN = 128
D_HID = 16
D_OUT = 16


def setup_inputs(seed: int = 0) -> dict:
    key = jax.random.key(seed)
    ks = jax.random.split(key, 10)
    x = jax.random.normal(ks[0], (N_NODES, D_IN), dtype=jnp.float32)
    edge_index = jax.random.randint(ks[1], (2, N_EDGES), 0, N_NODES, dtype=jnp.int64)
    s1 = 1.0 / np.sqrt(D_IN)
    s2 = 1.0 / np.sqrt(D_HID)
    W1l = jax.random.uniform(ks[2], (D_IN, D_HID), jnp.float32, -s1, s1)
    b1 = jax.random.uniform(ks[3], (D_HID,), jnp.float32, -s1, s1)
    W1r = jax.random.uniform(ks[4], (D_IN, D_HID), jnp.float32, -s1, s1)
    W2l = jax.random.uniform(ks[5], (D_HID, D_OUT), jnp.float32, -s2, s2)
    b2 = jax.random.uniform(ks[6], (D_OUT,), jnp.float32, -s2, s2)
    W2r = jax.random.uniform(ks[7], (D_HID, D_OUT), jnp.float32, -s2, s2)
    return {"x": x, "edge_index": edge_index, "W1l": W1l, "b1": b1, "W1r": W1r,
            "W2l": W2l, "b2": b2, "W2r": W2r}


def _sage_conv(x, src, dst, Wl, bl, Wr, n_nodes):
    # PyG SAGEConv with mean aggregation:
    # out = lin_l(mean_{j in N(i)} x_j) + lin_r(x_i)
    msgs = jnp.take(x, src, axis=0)                                  # gather [E, d]
    agg = jax.ops.segment_sum(msgs, dst, num_segments=n_nodes)       # scatter-add
    cnt = jax.ops.segment_sum(jnp.ones((src.shape[0], 1), x.dtype), dst,
                              num_segments=n_nodes)
    agg = agg / jnp.maximum(cnt, 1.0)                                # mean
    return agg @ Wl + bl + x @ Wr


def reference(x, edge_index, W1l, b1, W1r, W2l, b2, W2r):
    src = edge_index[0]
    dst = edge_index[1]
    h = _sage_conv(x, src, dst, W1l, b1, W1r, N_NODES)
    h = jax.nn.relu(h)
    # dropout is identity in eval mode (training=False)
    h = _sage_conv(h, src, dst, W2l, b2, W2r, N_NODES)
    return jax.nn.softmax(h, axis=1)

if __name__ == "__main__":
    import jax
    _d = setup_inputs()
    print(jax.jit(kernel)(*tuple(_d.values())))

</pallas_src>

<mosaic_0001>
#map = affine_map<(d0, d1) -> (0, 0)>
#map1 = affine_map<(d0, d1) -> (0)>
module attributes {stable_mosaic.version = 14 : i64} {
  func.func @body(%arg0: i32, %arg1: i32, %arg2: memref<10240x16xf32, #tpu.memory_space<hbm>>, %arg3: memref<320000xi32, #tpu.memory_space<hbm>>, %arg4: memref<320000xi32, #tpu.memory_space<hbm>>, %arg5: memref<10240x16xf32, #tpu.memory_space<hbm>>, %arg6: memref<20480x16xf32, #tpu.memory_space<hbm>>, %arg7: memref<10240xf32, #tpu.memory_space<hbm>>, %arg8: memref<1000xi32, #tpu.memory_space<vmem>>, %arg9: memref<1000xi32, #tpu.memory_space<vmem>>, %arg10: memref<1000x16xf32, #tpu.memory_space<vmem>>, %arg11: memref<1000xi32, #tpu.memory_space<vmem>>, %arg12: memref<1000xi32, #tpu.memory_space<vmem>>, %arg13: memref<1000x16xf32, #tpu.memory_space<vmem>>, %arg14: memref<640xf32, #tpu.memory_space<vmem>>, %arg15: memref<640x16xf32, #tpu.memory_space<vmem>>, %arg16: memref<10000x16xf32, #tpu.memory_space<vmem_shared>>, %arg17: memref<10240x16xf32, #tpu.memory_space<vmem_shared>>, %arg18: memref<10240xf32, #tpu.memory_space<vmem>>, %arg19: memref<16x640xf32, #tpu.memory_space<vmem>>, %arg20: memref<16x10240xf32, #tpu.memory_space<vmem_shared>>, %arg21: memref<!tpu.dma_semaphore, #tpu.memory_space<semaphore_mem>>, %arg22: memref<!tpu.dma_semaphore, #tpu.memory_space<semaphore_mem>>, %arg23: memref<!tpu.dma_semaphore, #tpu.memory_space<semaphore_mem>>, %arg24: memref<!tpu.dma_semaphore, #tpu.memory_space<semaphore_mem>>, %arg25: memref<!tpu.dma_semaphore, #tpu.memory_space<semaphore_mem>>, %arg26: memref<!tpu.dma_semaphore, #tpu.memory_space<semaphore_mem>>) attributes {dimension_semantics = [#tpu.dimension_semantics<core_parallel>, #tpu.dimension_semantics<subcore_parallel>], iteration_bounds = array<i64: 2, 16>, scalar_prefetch = 0 : i64, scratch_operands = 19 : i64, tpu.core_type = #tpu.core_type<sc_vector_subcore>, window_params = [{transform_indices = #map}, {transform_indices = #map1}, {transform_indices = #map1}, {transform_indices = #map}, {transform_indices = #map}, {transform_indices = #map1}]} {
    %mul3A = arith.constant 16 : i32
    %mul3A_0 = arith.muli %arg0, %mul3A : i32
    %add3A = arith.addi %mul3A_0, %arg1 : i32
    %broadcast_in_dim3A = arith.constant 0.000000e+00 : f32
    %broadcast_in_dim3A_1 = vector.broadcast %broadcast_in_dim3A : f32 to vector<16xf32>
    %lt3A = arith.constant 10 : i32
    %lt3A_2 = arith.cmpi slt, %arg1, %lt3A : i32
    %convert_element_type3A = arith.extui %lt3A_2 : i1 to i32
    %cond3A = arith.constant 0 : i32
    %cond3A_3 = arith.cmpi ne, %convert_element_type3A, %cond3A : i32
    scf.if %cond3A_3 {
      %mul3A_358 = arith.constant 1000 : i32
      %mul3A_359 = arith.muli %arg1, %mul3A_358 : i32
      %mul3A_360 = arith.constant 1000 : i32
      %mul3A_361 = arith.muli %arg1, %mul3A_360 : i32
      %dma_start3A_362 = arith.constant 0 : i32
      %dma_start3A_363 = tpu.memref_slice %arg16[%mul3A_361, %dma_start3A_362] : memref<10000x16xf32, #tpu.memory_space<vmem_shared>> -> memref<1000x16xf32, #tpu.memory_space<vmem_shared>>
      %dma_start3A_364 = arith.constant 0 : i32
      %dma_start3A_365 = tpu.memref_slice %arg2[%mul3A_359, %dma_start3A_364] : memref<10240x16xf32, #tpu.memory_space<hbm>> -> memref<1000x16xf32, #tpu.memory_space<hbm>>
      tpu.enqueue_dma source(%dma_start3A_365 : memref<1000x16xf32, #tpu.memory_space<hbm>>) target(%dma_start3A_363 : memref<1000x16xf32, #tpu.memory_space<vmem_shared>>) target_semaphore(%arg25 : memref<!tpu.dma_semaphore, #tpu.memory_space<semaphore_mem>>)
    } else {
    }
    %scan3A = arith.constant 0 : i32
    %scan3A_4 = arith.constant 0 : i32
    %scan3A_5 = arith.constant 640 : i32
    %scan3A_6 = arith.addi %scan3A_4, %scan3A_5 : i32
    %scan3A_7 = arith.constant 1 : i32
    %scan3A_8 = scf.for %scan3A_358 = %scan3A_4 to %scan3A_6 step %scan3A_7 iter_args(%scan3A_359 = %scan3A) -> (i32)  : i32 {
      %swap3A = arith.index_cast %scan3A_358 : i32 to index
      %swap3A_360 = arith.constant 0 : index
      %swap3A_361 = tpu.vector_load %arg10[%swap3A, %swap3A_360] {strides = array<i32>} : memref<1000x16xf32, #tpu.memory_space<vmem>>, vector<16xf32>,
      tpu.vector_store %arg10[%swap3A, %swap3A_360], %broadcast_in_dim3A_1 {strides = array<i32>} : memref<1000x16xf32, #tpu.memory_space<vmem>>, vector<16xf32>,
      %scan3A_362 = arith.constant 0 : i32
      scf.yield %scan3A_362 : i32
    }
    %scan3A_9 = arith.constant 640 : i32
    %mul3A_10 = arith.constant 640 : i32
    %mul3A_11 = arith.muli %arg1, %mul3A_10 : i32
    "tpu.region"() ({
      %run_scoped3A = tpu.sem_alloc : memref<!tpu.dma_semaphore, #tpu.memory_space<semaphore_mem>>
      %dma_start3A_358 = arith.constant 0 : i32
      %dma_start3A_359 = arith.constant 0 : i32
      %dma_start3A_360 = tpu.memref_slice %arg10[%dma_start3A_358, %dma_start3A_359] : memref<1000x16xf32, #tpu.memory_space<vmem>> -> memref<640x16xf32, #tpu.memory_space<vmem>>
      %dma_start3A_361 = arith.constant 0 : i32
      %dma_start3A_362 = tpu.memref_slice %arg17[%mul3A_11, %dma_start3A_361] : memref<10240x16xf32, #tpu.memory_space<vmem_shared>> -> memref<640x16xf32, #tpu.memory_space<vmem_shared>>
      %dma_start3A_363 = arith.constant 0 : i32
      %dma_start3A_364 = tpu.memref_slice %arg17[%mul3A_11, %dma_start3A_363] : memref<10240x16xf32, #tpu.memory_space<vmem_shared>> -> memref<640x16xf32, #tpu.memory_space<vmem_shared>>
      %dma_start3A_365 = arith.constant 0 : i32
      %dma_start3A_366 = arith.constant 0 : i32
      %dma_start3A_367 = tpu.memref_slice %arg10[%dma_start3A_365, %dma_start3A_366] : memref<1000x16xf32, #tpu.memory_space<vmem>> -> memref<640x16xf32, #tpu.memory_space<vmem>>
      tpu.enqueue_dma source(%dma_start3A_367 : memref<640x16xf32, #tpu.memory_space<vmem>>) target(%dma_start3A_364 : memref<640x16xf32, #tpu.memory_space<vmem_shared>>) target_semaphore(%run_scoped3A : memref<!tpu.dma_semaphore, #tpu.memory_space<semaphore_mem>>)
      %dma_wait3A_368 = arith.constant 0 : i32
      %dma_wait3A_369 = arith.constant 0 : i32
      %dma_wait3A_370 = tpu.memref_slice %arg10[%dma_wait3A_368, %dma_wait3A_369] : memref<1000x16xf32, #tpu.memory_space<vmem>> -> memref<640x16xf32, #tpu.memory_space<vmem>>
      %dma_wait3A_371 = arith.constant 0 : i32
      %dma_wait3A_372 = tpu.memref_slice %arg17[%mul3A_11, %dma_wait3A_371] : memref<10240x16xf32, #tpu.memory_space<vmem_shared>> -> memref<640x16xf32, #tpu.memory_space<vmem_shared>>
      %dma_wait3A_373 = arith.constant 0 : i32
      %dma_wait3A_374 = tpu.memref_slice %arg17[%mul3A_11, %dma_wait3A_373] : memref<10240x16xf32, #tpu.memory_space<vmem_shared>> -> memref<640x16xf32, #tpu.memory_space<vmem_shared>>
      %dma_wait3A_375 = arith.constant 0 : i32
      %dma_wait3A_376 = arith.constant 0 : i32
      %dma_wait3A_377 = tpu.memref_slice %arg10[%dma_wait3A_375, %dma_wait3A_376] : memref<1000x16xf32, #tpu.memory_space<vmem>> -> memref<640x16xf32, #tpu.memory_space<vmem>>
      tpu.wait_dma2 semaphore(%run_scoped3A : memref<!tpu.dma_semaphore, #tpu.memory_space<semaphore_mem>>) src(%dma_wait3A_377 : memref<640x16xf32, #tpu.memory_space<vmem>>) dst(%dma_wait3A_374 : memref<640x16xf32, #tpu.memory_space<vmem_shared>>)
      tpu.yield
    }) : () -> ()
    %scan3A_12 = arith.constant 0 : i32
    %scan3A_13 = arith.constant 0 : i32
    %scan3A_14 = arith.constant 640 : i32
    %scan3A_15 = arith.addi %scan3A_13, %scan3A_14 : i32
    %scan3A_16 = arith.constant 1 : i32
    %scan3A_17 = scf.for %scan3A_358 = %scan3A_13 to %scan3A_15 step %scan3A_16 iter_args(%scan3A_359 = %scan3A_12) -> (i32)  : i32 {
      %mul3A_360 = arith.constant 16 : i32
      %mul3A_361 = arith.muli %scan3A_358, %mul3A_360 : i32
      %swap3A = arith.index_cast %mul3A_361 : i32 to index
      %swap3A_362 = tpu.vector_load %arg18[%swap3A] {strides = array<i32>} : memref<10240xf32, #tpu.memory_space<vmem>>, vector<16xf32>,
      tpu.vector_store %arg18[%swap3A], %broadcast_in_dim3A_1 {strides = array<i32>} : memref<10240xf32, #tpu.memory_space<vmem>>, vector<16xf32>,
      %scan3A_363 = arith.constant 0 : i32
      scf.yield %scan3A_363 : i32
    }
    %scan3A_18 = arith.constant 640 : i32
    %broadcast_in_dim3A_19 = arith.constant 1.000000e+00 : f32
    %broadcast_in_dim3A_20 = vector.broadcast %broadcast_in_dim3A_19 : f32 to vector<16xf32>
    %mul3A_21 = arith.constant 20000 : i32
    %mul3A_22 = arith.muli %arg1, %mul3A_21 : i32
    %add3A_23 = arith.constant 0 : i32
    %add3A_24 = arith.addi %mul3A_22, %add3A_23 : i32
    "tpu.region"() ({
      %run_scoped3A = tpu.sem_alloc : memref<!tpu.dma_semaphore, #tpu.memory_space<semaphore_mem>>
      %dma_start3A_358 = tpu.memref_slice %arg4[%add3A_24] : memref<320000xi32, #tpu.memory_space<hbm>> -> memref<1000xi32, #tpu.memory_space<hbm>>
      %dma_start3A_359 = tpu.memref_slice %arg4[%add3A_24] : memref<320000xi32, #tpu.memory_space<hbm>> -> memref<1000xi32, #tpu.memory_space<hbm>>
      tpu.enqueue_dma source(%dma_start3A_359 : memref<1000xi32, #tpu.memory_space<hbm>>) target(%arg9 : memref<1000xi32, #tpu.memory_space<vmem>>) target_semaphore(%run_scoped3A : memref<!tpu.dma_semaphore, #tpu.memory_space<semaphore_mem>>)
      %dma_wait3A_360 = tpu.memref_slice %arg4[%add3A_24] : memref<320000xi32, #tpu.memory_space<hbm>> -> memref<1000xi32, #tpu.memory_space<hbm>>
      %dma_wait3A_361 = tpu.memref_slice %arg4[%add3A_24] : memref<320000xi32, #tpu.memory_space<hbm>> -> memref<1000xi32, #tpu.memory_space<hbm>>
      tpu.wait_dma2 semaphore(%run_scoped3A : memref<!tpu.dma_semaphore, #tpu.memory_space<semaphore_mem>>) src(%dma_wait3A_361 : memref<1000xi32, #tpu.memory_space<hbm>>) dst(%arg9 : memref<1000xi32, #tpu.memory_space<vmem>>)
      tpu.yield
    }) : () -> ()
    %scan3A_25 = arith.constant 0 : i32
    %scan3A_26 = arith.constant 0 : i32
    %scan3A_27 = arith.constant 62 : i32
    %scan3A_28 = arith.addi %scan3A_26, %scan3A_27 : i32
    %scan3A_29 = arith.constant 1 : i32
    %scan3A_30 = scf.for %scan3A_358 = %scan3A_26 to %scan3A_28 step %scan3A_29 iter_args(%scan3A_359 = %scan3A_25) -> (i32)  : i32 {
      %mul3A_360 = arith.constant 16 : i32
      %mul3A_361 = arith.muli %scan3A_358, %mul3A_360 : i32
      %get3A = arith.index_cast %mul3A_361 : i32 to index
      %get3A_362 = tpu.vector_load %arg9[%get3A] {strides = array<i32>} : memref<1000xi32, #tpu.memory_space<vmem>>, vector<16xi32>,
      tpu.vector_store_idx %arg18[%get3A_362], %broadcast_in_dim3A_20 {add = true} : memref<10240xf32, #tpu.memory_space<vmem>>[vector<16xi32>], vector<16xf32>,
      %scan3A_363 = arith.constant 0 : i32
      scf.yield %scan3A_363 : i32
    }
    %scan3A_31 = arith.constant 62 : i32
    %mul3A_32 = arith.constant 20000 : i32
    %mul3A_33 = arith.muli %arg1, %mul3A_32 : i32
    %add3A_34 = arith.constant 1000 : i32
    %add3A_35 = arith.addi %mul3A_33, %add3A_34 : i32
    "tpu.region"() ({
      %run_scoped3A = tpu.sem_alloc : memref<!tpu.dma_semaphore, #tpu.memory_space<semaphore_mem>>
      %dma_start3A_358 = tpu.memref_slice %arg4[%add3A_35] : memref<320000xi32, #tpu.memory_space<hbm>> -> memref<1000xi32, #tpu.memory_space<hbm>>
      %dma_start3A_359 = tpu.memref_slice %arg4[%add3A_35] : memref<320000xi32, #tpu.memory_space<hbm>> -> memref<1000xi32, #tpu.memory_space<hbm>>
      tpu.enqueue_dma source(%dma_start3A_359 : memref<1000xi32, #tpu.memory_space<hbm>>) target(%arg9 : memref<1000xi32, #tpu.memory_space<vmem>>) target_semaphore(%run_scoped3A : memref<!tpu.dma_semaphore, #tpu.memory_space<semaphore_mem>>)
      %dma_wait3A_360 = tpu.memref_slice %arg4[%add3A_35] : memref<320000xi32, #tpu.memory_space<hbm>> -> memref<1000xi32, #tpu.memory_space<hbm>>
      %dma_wait3A_361 = tpu.memref_slice %arg4[%add3A_35] : memref<320000xi32, #tpu.memory_space<hbm>> -> memref<1000xi32, #tpu.memory_space<hbm>>
      tpu.wait_dma2 semaphore(%run_scoped3A : memref<!tpu.dma_semaphore, #tpu.memory_space<semaphore_mem>>) src(%dma_wait3A_361 : memref<1000xi32, #tpu.memory_space<hbm>>) dst(%arg9 : memref<1000xi32, #tpu.memory_space<vmem>>)
      tpu.yield
    }) : () -> ()
    %scan3A_36 = arith.constant 0 : i32
    %scan3A_37 = arith.constant 0 : i32
    %scan3A_38 = arith.constant 62 : i32
    %scan3A_39 = arith.addi %scan3A_37, %scan3A_38 : i32
    %scan3A_40 = arith.constant 1 : i32
    %scan3A_41 = scf.for %scan3A_358 = %scan3A_37 to %scan3A_39 step %scan3A_40 iter_args(%scan3A_359 = %scan3A_36) -> (i32)  : i32 {
      %mul3A_360 = arith.constant 16 : i32
      %mul3A_361 = arith.muli %scan3A_358, %mul3A_360 : i32
      %get3A = arith.index_cast %mul3A_361 : i32 to index
      %get3A_362 = tpu.vector_load %arg9[%get3A] {strides = array<i32>} : memref<1000xi32, #tpu.memory_space<vmem>>, vector<16xi32>,
      tpu.vector_store_idx %arg18[%get3A_362], %broadcast_in_dim3A_20 {add = true} : memref<10240xf32, #tpu.memory_space<vmem>>[vector<16xi32>], vector<16xf32>,
      %scan3A_363 = arith.constant 0 : i32
      scf.yield %scan3A_363 : i32
    }
    %scan3A_42 = arith.constant 62 : i32
    %mul3A_43 = arith.constant 20000 : i32
    %mul3A_44 = arith.muli %arg1, %mul3A_43 : i32
    %add3A_45 = arith.constant 2000 : i32
    %add3A_46 = arith.addi %mul3A_44, %add3A_45 : i32
    "tpu.region"() ({
      %run_scoped3A = tpu.sem_alloc : memref<!tpu.dma_semaphore, #tpu.memory_space<semaphore_mem>>
      %dma_start3A_358 = tpu.memref_slice %arg4[%add3A_46] : memref<320000xi32, #tpu.memory_space<hbm>> -> memref<1000xi32, #tpu.memory_space<hbm>>
      %dma_start3A_359 = tpu.memref_slice %arg4[%add3A_46] : memref<320000xi32, #tpu.memory_space<hbm>> -> memref<1000xi32, #tpu.memory_space<hbm>>
      tpu.enqueue_dma source(%dma_start3A_359 : memref<1000xi32, #tpu.memory_space<hbm>>) target(%arg9 : memref<1000xi32, #tpu.memory_space<vmem>>) target_semaphore(%run_scoped3A : memref<!tpu.dma_semaphore, #tpu.memory_space<semaphore_mem>>)
      %dma_wait3A_360 = tpu.memref_slice %arg4[%add3A_46] : memref<320000xi32, #tpu.memory_space<hbm>> -> memref<1000xi32, #tpu.memory_space<hbm>>
      %dma_wait3A_361 = tpu.memref_slice %arg4[%add3A_46] : memref<320000xi32, #tpu.memory_space<hbm>> -> memref<1000xi32, #tpu.memory_space<hbm>>
      tpu.wait_dma2 semaphore(%run_scoped3A : memref<!tpu.dma_semaphore, #tpu.memory_space<semaphore_mem>>) src(%dma_wait3A_361 : memref<1000xi32, #tpu.memory_space<hbm>>) dst(%arg9 : memref<1000xi32, #tpu.memory_space<vmem>>)
      tpu.yield
    }) : () -> ()
    %scan3A_47 = arith.constant 0 : i32
    %scan3A_48 = arith.constant 0 : i32
    %scan3A_49 = arith.constant 62 : i32
    %scan3A_50 = arith.addi %scan3A_48, %scan3A_49 : i32
    %scan3A_51 = arith.constant 1 : i32
    %scan3A_52 = scf.for %scan3A_358 = %scan3A_48 to %scan3A_50 step %scan3A_51 iter_args(%scan3A_359 = %scan3A_47) -> (i32)  : i32 {
      %mul3A_360 = arith.constant 16 : i32
      %mul3A_361 = arith.muli %scan3A_358, %mul3A_360 : i32
      %get3A = arith.index_cast %mul3A_361 : i32 to index
      %get3A_362 = tpu.vector_load %arg9[%get3A] {strides = array<i32>} : memref<1000xi32, #tpu.memory_space<vmem>>, vector<16xi32>,
      tpu.vector_store_idx %arg18[%get3A_362], %broadcast_in_dim3A_20 {add = true} : memref<10240xf32, #tpu.memory_space<vmem>>[vector<16xi32>], vector<16xf32>,
      %scan3A_363 = arith.constant 0 : i32
      scf.yield %scan3A_363 : i32
    }
    %scan3A_53 = arith.constant 62 : i32
    %mul3A_54 = arith.constant 20000 : i32
    %mul3A_55 = arith.muli %arg1, %mul3A_54 : i32
    %add3A_56 = arith.constant 3000 : i32
    %add3A_57 = arith.addi %mul3A_55, %add3A_56 : i32
    "tpu.region"() ({
      %run_scoped3A = tpu.sem_alloc : memref<!tpu.dma_semaphore, #tpu.memory_space<semaphore_mem>>
      %dma_start3A_358 = tpu.memref_slice %arg4[%add3A_57] : memref<320000xi32, #tpu.memory_space<hbm>> -> memref<1000xi32, #tpu.memory_space<hbm>>
      %dma_start3A_359 = tpu.memref_slice %arg4[%add3A_57] : memref<320000xi32, #tpu.memory_space<hbm>> -> memref<1000xi32, #tpu.memory_space<hbm>>
      tpu.enqueue_dma source(%dma_start3A_359 : memref<1000xi32, #tpu.memory_space<hbm>>) target(%arg9 : memref<1000xi32, #tpu.memory_space<vmem>>) target_semaphore(%run_scoped3A : memref<!tpu.dma_semaphore, #tpu.memory_space<semaphore_mem>>)
      %dma_wait3A_360 = tpu.memref_slice %arg4[%add3A_57] : memref<320000xi32, #tpu.memory_space<hbm>> -> memref<1000xi32, #tpu.memory_space<hbm>>
      %dma_wait3A_361 = tpu.memref_slice %arg4[%add3A_57] : memref<320000xi32, #tpu.memory_space<hbm>> -> memref<1000xi32, #tpu.memory_space<hbm>>
      tpu.wait_dma2 semaphore(%run_scoped3A : memref<!tpu.dma_semaphore, #tpu.memory_space<semaphore_mem>>) src(%dma_wait3A_361 : memref<1000xi32, #tpu.memory_space<hbm>>) dst(%arg9 : memref<1000xi32, #tpu.memory_space<vmem>>)
      tpu.yield
    }) : () -> ()
    %scan3A_58 = arith.constant 0 : i32
    %scan3A_59 = arith.constant 0 : i32
    %scan3A_60 = arith.constant 62 : i32
    %scan3A_61 = arith.addi %scan3A_59, %scan3A_60 : i32
    %scan3A_62 = arith.constant 1 : i32
    %scan3A_63 = scf.for %scan3A_358 = %scan3A_59 to %scan3A_61 step %scan3A_62 iter_args(%scan3A_359 = %scan3A_58) -> (i32)  : i32 {
      %mul3A_360 = arith.constant 16 : i32
      %mul3A_361 = arith.muli %scan3A_358, %mul3A_360 : i32
      %get3A = arith.index_cast %mul3A_361 : i32 to index
      %get3A_362 = tpu.vector_load %arg9[%get3A] {strides = array<i32>} : memref<1000xi32, #tpu.memory_space<vmem>>, vector<16xi32>,
      tpu.vector_store_idx %arg18[%get3A_362], %broadcast_in_dim3A_20 {add = true} : memref<10240xf32, #tpu.memory_space<vmem>>[vector<16xi32>], vector<16xf32>,
      %scan3A_363 = arith.constant 0 : i32
      scf.yield %scan3A_363 : i32
    }
    %scan3A_64 = arith.constant 62 : i32
    %mul3A_65 = arith.constant 20000 : i32
    %mul3A_66 = arith.muli %arg1, %mul3A_65 : i32
    %add3A_67 = arith.constant 4000 : i32
    %add3A_68 = arith.addi %mul3A_66, %add3A_67 : i32
    "tpu.region"() ({
      %run_scoped3A = tpu.sem_alloc : memref<!tpu.dma_semaphore, #tpu.memory_space<semaphore_mem>>
      %dma_start3A_358 = tpu.memref_slice %arg4[%add3A_68] : memref<320000xi32, #tpu.memory_space<hbm>> -> memref<1000xi32, #tpu.memory_space<hbm>>
      %dma_start3A_359 = tpu.memref_slice %arg4[%add3A_68] : memref<320000xi32, #tpu.memory_space<hbm>> -> memref<1000xi32, #tpu.memory_space<hbm>>
      tpu.enqueue_dma source(%dma_start3A_359 : memref<1000xi32, #tpu.memory_space<hbm>>) target(%arg9 : memref<1000xi32, #tpu.memory_space<vmem>>) target_semaphore(%run_scoped3A : memref<!tpu.dma_semaphore, #tpu.memory_space<semaphore_mem>>)
      %dma_wait3A_360 = tpu.memref_slice %arg4[%add3A_68] : memref<320000xi32, #tpu.memory_space<hbm>> -> memref<1000xi32, #tpu.memory_space<hbm>>
      %dma_wait3A_361 = tpu.memref_slice %arg4[%add3A_68] : memref<320000xi32, #tpu.memory_space<hbm>> -> memref<1000xi32, #tpu.memory_space<hbm>>
      tpu.wait_dma2 semaphore(%run_scoped3A : memref<!tpu.dma_semaphore, #tpu.memory_space<semaphore_mem>>) src(%dma_wait3A_361 : memref<1000xi32, #tpu.memory_space<hbm>>) dst(%arg9 : memref<1000xi32, #tpu.memory_space<vmem>>)
      tpu.yield
    }) : () -> ()
    %scan3A_69 = arith.constant 0 : i32
    %scan3A_70 = arith.constant 0 : i32
    %scan3A_71 = arith.constant 62 : i32
    %scan3A_72 = arith.addi %scan3A_70, %scan3A_71 : i32
    %scan3A_73 = arith.constant 1 : i32
    %scan3A_74 = scf.for %scan3A_358 = %scan3A_70 to %scan3A_72 step %scan3A_73 iter_args(%scan3A_359 = %scan3A_69) -> (i32)  : i32 {
      %mul3A_360 = arith.constant 16 : i32
      %mul3A_361 = arith.muli %scan3A_358, %mul3A_360 : i32
      %get3A = arith.index_cast %mul3A_361 : i32 to index
      %get3A_362 = tpu.vector_load %arg9[%get3A] {strides = array<i32>} : memref<1000xi32, #tpu.memory_space<vmem>>, vector<16xi32>,
      tpu.vector_store_idx %arg18[%get3A_362], %broadcast_in_dim3A_20 {add = true} : memref<10240xf32, #tpu.memory_space<vmem>>[vector<16xi32>], vector<16xf32>,
      %scan3A_363 = arith.constant 0 : i32
      scf.yield %scan3A_363 : i32
    }
    %scan3A_75 = arith.constant 62 : i32
    %mul3A_76 = arith.constant 20000 : i32
    %mul3A_77 = arith.muli %arg1, %mul3A_76 : i32
    %add3A_78 = arith.constant 5000 : i32
    %add3A_79 = arith.addi %mul3A_77, %add3A_78 : i32
    "tpu.region"() ({
      %run_scoped3A = tpu.sem_alloc : memref<!tpu.dma_semaphore, #tpu.memory_space<semaphore_mem>>
      %dma_start3A_358 = tpu.memref_slice %arg4[%add3A_79] : memref<320000xi32, #tpu.memory_space<hbm>> -> memref<1000xi32, #tpu.memory_space<hbm>>
      %dma_start3A_359 = tpu.memref_slice %arg4[%add3A_79] : memref<320000xi32, #tpu.memory_space<hbm>> -> memref<1000xi32, #tpu.memory_space<hbm>>
      tpu.enqueue_dma source(%dma_start3A_359 : memref<1000xi32, #tpu.memory_space<hbm>>) target(%arg9 : memref<1000xi32, #tpu.memory_space<vmem>>) target_semaphore(%run_scoped3A : memref<!tpu.dma_semaphore, #tpu.memory_space<semaphore_mem>>)
      %dma_wait3A_360 = tpu.memref_slice %arg4[%add3A_79] : memref<320000xi32, #tpu.memory_space<hbm>> -> memref<1000xi32, #tpu.memory_space<hbm>>
      %dma_wait3A_361 = tpu.memref_slice %arg4[%add3A_79] : memref<320000xi32, #tpu.memory_space<hbm>> -> memref<1000xi32, #tpu.memory_space<hbm>>
      tpu.wait_dma2 semaphore(%run_scoped3A : memref<!tpu.dma_semaphore, #tpu.memory_space<semaphore_mem>>) src(%dma_wait3A_361 : memref<1000xi32, #tpu.memory_space<hbm>>) dst(%arg9 : memref<1000xi32, #tpu.memory_space<vmem>>)
      tpu.yield
    }) : () -> ()
    %scan3A_80 = arith.constant 0 : i32
    %scan3A_81 = arith.constant 0 : i32
    %scan3A_82 = arith.constant 62 : i32
    %scan3A_83 = arith.addi %scan3A_81, %scan3A_82 : i32
    %scan3A_84 = arith.constant 1 : i32
    %scan3A_85 = scf.for %scan3A_358 = %scan3A_81 to %scan3A_83 step %scan3A_84 iter_args(%scan3A_359 = %scan3A_80) -> (i32)  : i32 {
      %mul3A_360 = arith.constant 16 : i32
      %mul3A_361 = arith.muli %scan3A_358, %mul3A_360 : i32
      %get3A = arith.index_cast %mul3A_361 : i32 to index
      %get3A_362 = tpu.vector_load %arg9[%get3A] {strides = array<i32>} : memref<1000xi32, #tpu.memory_space<vmem>>, vector<16xi32>,
      tpu.vector_store_idx %arg18[%get3A_362], %broadcast_in_dim3A_20 {add = true} : memref<10240xf32, #tpu.memory_space<vmem>>[vector<16xi32>], vector<16xf32>,
      %scan3A_363 = arith.constant 0 : i32
      scf.yield %scan3A_363 : i32
    }
    %scan3A_86 = arith.constant 62 : i32
    %mul3A_87 = arith.constant 20000 : i32
    %mul3A_88 = arith.muli %arg1, %mul3A_87 : i32
    %add3A_89 = arith.constant 6000 : i32
    %add3A_90 = arith.addi %mul3A_88, %add3A_89 : i32
    "tpu.region"() ({
      %run_scoped3A = tpu.sem_alloc : memref<!tpu.dma_semaphore, #tpu.memory_space<semaphore_mem>>
      %dma_start3A_358 = tpu.memref_slice %arg4[%add3A_90] : memref<320000xi32, #tpu.memory_space<hbm>> -> memref<1000xi32, #tpu.memory_space<hbm>>
      %dma_start3A_359 = tpu.memref_slice %arg4[%add3A_90] : memref<320000xi32, #tpu.memory_space<hbm>> -> memref<1000xi32, #tpu.memory_space<hbm>>
      tpu.enqueue_dma source(%dma_start3A_359 : memref<1000xi32, #tpu.memory_space<hbm>>) target(%arg9 : memref<1000xi32, #tpu.memory_space<vmem>>) target_semaphore(%run_scoped3A : memref<!tpu.dma_semaphore, #tpu.memory_space<semaphore_mem>>)
      %dma_wait3A_360 = tpu.memref_slice %arg4[%add3A_90] : memref<320000xi32, #tpu.memory_space<hbm>> -> memref<1000xi32, #tpu.memory_space<hbm>>
      %dma_wait3A_361 = tpu.memref_slice %arg4[%add3A_90] : memref<320000xi32, #tpu.memory_space<hbm>> -> memref<1000xi32, #tpu.memory_space<hbm>>
      tpu.wait_dma2 semaphore(%run_scoped3A : memref<!tpu.dma_semaphore, #tpu.memory_space<semaphore_mem>>) src(%dma_wait3A_361 : memref<1000xi32, #tpu.memory_space<hbm>>) dst(%arg9 : memref<1000xi32, #tpu.memory_space<vmem>>)
      tpu.yield
    }) : () -> ()
    %scan3A_91 = arith.constant 0 : i32
    %scan3A_92 = arith.constant 0 : i32
    %scan3A_93 = arith.constant 62 : i32
    %scan3A_94 = arith.addi %scan3A_92, %scan3A_93 : i32
    %scan3A_95 = arith.constant 1 : i32
    %scan3A_96 = scf.for %scan3A_358 = %scan3A_92 to %scan3A_94 step %scan3A_95 iter_args(%scan3A_359 = %scan3A_91) -> (i32)  : i32 {
      %mul3A_360 = arith.constant 16 : i32
      %mul3A_361 = arith.muli %scan3A_358, %mul3A_360 : i32
      %get3A = arith.index_cast %mul3A_361 : i32 to index
      %get3A_362 = tpu.vector_load %arg9[%get3A] {strides = array<i32>} : memref<1000xi32, #tpu.memory_space<vmem>>, vector<16xi32>,
      tpu.vector_store_idx %arg18[%get3A_362], %broadcast_in_dim3A_20 {add = true} : memref<10240xf32, #tpu.memory_space<vmem>>[vector<16xi32>], vector<16xf32>,
      %scan3A_363 = arith.constant 0 : i32
      scf.yield %scan3A_363 : i32
    }
    %scan3A_97 = arith.constant 62 : i32
    %mul3A_98 = arith.constant 20000 : i32
    %mul3A_99 = arith.muli %arg1, %mul3A_98 : i32
    %add3A_100 = arith.constant 7000 : i32
    %add3A_101 = arith.addi %mul3A_99, %add3A_100 : i32
    "tpu.region"() ({
      %run_scoped3A = tpu.sem_alloc : memref<!tpu.dma_semaphore, #tpu.memory_space<semaphore_mem>>
      %dma_start3A_358 = tpu.memref_slice %arg4[%add3A_101] : memref<320000xi32, #tpu.memory_space<hbm>> -> memref<1000xi32, #tpu.memory_space<hbm>>
      %dma_start3A_359 = tpu.memref_slice %arg4[%add3A_101] : memref<320000xi32, #tpu.memory_space<hbm>> -> memref<1000xi32, #tpu.memory_space<hbm>>
      tpu.enqueue_dma source(%dma_start3A_359 : memref<1000xi32, #tpu.memory_space<hbm>>) target(%arg9 : memref<1000xi32, #tpu.memory_space<vmem>>) target_semaphore(%run_scoped3A : memref<!tpu.dma_semaphore, #tpu.memory_space<semaphore_mem>>)
      %dma_wait3A_360 = tpu.memref_slice %arg4[%add3A_101] : memref<320000xi32, #tpu.memory_space<hbm>> -> memref<1000xi32, #tpu.memory_space<hbm>>
      %dma_wait3A_361 = tpu.memref_slice %arg4[%add3A_101] : memref<320000xi32, #tpu.memory_space<hbm>> -> memref<1000xi32, #tpu.memory_space<hbm>>
      tpu.wait_dma2 semaphore(%run_scoped3A : memref<!tpu.dma_semaphore, #tpu.memory_space<semaphore_mem>>) src(%dma_wait3A_361 : memref<1000xi32, #tpu.memory_space<hbm>>) dst(%arg9 : memref<1000xi32, #tpu.memory_space<vmem>>)
      tpu.yield
    }) : () -> ()
    %scan3A_102 = arith.constant 0 : i32
    %scan3A_103 = arith.constant 0 : i32
    %scan3A_104 = arith.constant 62 : i32
    %scan3A_105 = arith.addi %scan3A_103, %scan3A_104 : i32
    %scan3A_106 = arith.constant 1 : i32
    %scan3A_107 = scf.for %scan3A_358 = %scan3A_103 to %scan3A_105 step %scan3A_106 iter_args(%scan3A_359 = %scan3A_102) -> (i32)  : i32 {
      %mul3A_360 = arith.constant 16 : i32
      %mul3A_361 = arith.muli %scan3A_358, %mul3A_360 : i32
      %get3A = arith.index_cast %mul3A_361 : i32 to index
      %get3A_362 = tpu.vector_load %arg9[%get3A] {strides = array<i32>} : memref<1000xi32, #tpu.memory_space<vmem>>, vector<16xi32>,
      tpu.vector_store_idx %arg18[%get3A_362], %broadcast_in_dim3A_20 {add = true} : memref<10240xf32, #tpu.memory_space<vmem>>[vector<16xi32>], vector<16xf32>,
      %scan3A_363 = arith.constant 0 : i32
      scf.yield %scan3A_363 : i32
    }
    %scan3A_108 = arith.constant 62 : i32
    %mul3A_109 = arith.constant 20000 : i32
    %mul3A_110 = arith.muli %arg1, %mul3A_109 : i32
    %add3A_111 = arith.constant 8000 : i32
    %add3A_112 = arith.addi %mul3A_110, %add3A_111 : i32
    "tpu.region"() ({
      %run_scoped3A = tpu.sem_alloc : memref<!tpu.dma_semaphore, #tpu.memory_space<semaphore_mem>>
      %dma_start3A_358 = tpu.memref_slice %arg4[%add3A_112] : memref<320000xi32, #tpu.memory_space<hbm>> -> memref<1000xi32, #tpu.memory_space<hbm>>
      %dma_start3A_359 = tpu.memref_slice %arg4[%add3A_112] : memref<320000xi32, #tpu.memory_space<hbm>> -> memref<1000xi32, #tpu.memory_space<hbm>>
      tpu.enqueue_dma source(%dma_start3A_359 : memref<1000xi32, #tpu.memory_space<hbm>>) target(%arg9 : memref<1000xi32, #tpu.memory_space<vmem>>) target_semaphore(%run_scoped3A : memref<!tpu.dma_semaphore, #tpu.memory_space<semaphore_mem>>)
      %dma_wait3A_360 = tpu.memref_slice %arg4[%add3A_112] : memref<320000xi32, #tpu.memory_space<hbm>> -> memref<1000xi32, #tpu.memory_space<hbm>>
      %dma_wait3A_361 = tpu.memref_slice %arg4[%add3A_112] : memref<320000xi32, #tpu.memory_space<hbm>> -> memref<1000xi32, #tpu.memory_space<hbm>>
      tpu.wait_dma2 semaphore(%run_scoped3A : memref<!tpu.dma_semaphore, #tpu.memory_space<semaphore_mem>>) src(%dma_wait3A_361 : memref<1000xi32, #tpu.memory_space<hbm>>) dst(%arg9 : memref<1000xi32, #tpu.memory_space<vmem>>)
      tpu.yield
    }) : () -> ()
    %scan3A_113 = arith.constant 0 : i32
    %scan3A_114 = arith.constant 0 : i32
    %scan3A_115 = arith.constant 62 : i32
    %scan3A_116 = arith.addi %scan3A_114, %scan3A_115 : i32
    %scan3A_117 = arith.constant 1 : i32
    %scan3A_118 = scf.for %scan3A_358 = %scan3A_114 to %scan3A_116 step %scan3A_117 iter_args(%scan3A_359 = %scan3A_113) -> (i32)  : i32 {
      %mul3A_360 = arith.constant 16 : i32
      %mul3A_361 = arith.muli %scan3A_358, %mul3A_360 : i32
      %get3A = arith.index_cast %mul3A_361 : i32 to index
      %get3A_362 = tpu.vector_load %arg9[%get3A] {strides = array<i32>} : memref<1000xi32, #tpu.memory_space<vmem>>, vector<16xi32>,
      tpu.vector_store_idx %arg18[%get3A_362], %broadcast_in_dim3A_20 {add = true} : memref<10240xf32, #tpu.memory_space<vmem>>[vector<16xi32>], vector<16xf32>,
      %scan3A_363 = arith.constant 0 : i32
      scf.yield %scan3A_363 : i32
    }
    %scan3A_119 = arith.constant 62 : i32
    %mul3A_120 = arith.constant 20000 : i32
    %mul3A_121 = arith.muli %arg1, %mul3A_120 : i32
    %add3A_122 = arith.constant 9000 : i32
    %add3A_123 = arith.addi %mul3A_121, %add3A_122 : i32
    "tpu.region"() ({
      %run_scoped3A = tpu.sem_alloc : memref<!tpu.dma_semaphore, #tpu.memory_space<semaphore_mem>>
      %dma_start3A_358 = tpu.memref_slice %arg4[%add3A_123] : memref<320000xi32, #tpu.memory_space<hbm>> -> memref<1000xi32, #tpu.memory_space<hbm>>
      %dma_start3A_359 = tpu.memref_slice %arg4[%add3A_123] : memref<320000xi32, #tpu.memory_space<hbm>> -> memref<1000xi32, #tpu.memory_space<hbm>>
      tpu.enqueue_dma source(%dma_start3A_359 : memref<1000xi32, #tpu.memory_space<hbm>>) target(%arg9 : memref<1000xi32, #tpu.memory_space<vmem>>) target_semaphore(%run_scoped3A : memref<!tpu.dma_semaphore, #tpu.memory_space<semaphore_mem>>)
      %dma_wait3A_360 = tpu.memref_slice %arg4[%add3A_123] : memref<320000xi32, #tpu.memory_space<hbm>> -> memref<1000xi32, #tpu.memory_space<hbm>>
      %dma_wait3A_361 = tpu.memref_slice %arg4[%add3A_123] : memref<320000xi32, #tpu.memory_space<hbm>> -> memref<1000xi32, #tpu.memory_space<hbm>>
      tpu.wait_dma2 semaphore(%run_scoped3A : memref<!tpu.dma_semaphore, #tpu.memory_space<semaphore_mem>>) src(%dma_wait3A_361 : memref<1000xi32, #tpu.memory_space<hbm>>) dst(%arg9 : memref<1000xi32, #tpu.memory_space<vmem>>)
      tpu.yield
    }) : () -> ()
    %scan3A_124 = arith.constant 0 : i32
    %scan3A_125 = arith.constant 0 : i32
    %scan3A_126 = arith.constant 62 : i32
    %scan3A_127 = arith.addi %scan3A_125, %scan3A_126 : i32
    %scan3A_128 = arith.constant 1 : i32
    %scan3A_129 = scf.for %scan3A_358 = %scan3A_125 to %scan3A_127 step %scan3A_128 iter_args(%scan3A_359 = %scan3A_124) -> (i32)  : i32 {
      %mul3A_360 = arith.constant 16 : i32
      %mul3A_361 = arith.muli %scan3A_358, %mul3A_360 : i32
      %get3A = arith.index_cast %mul3A_361 : i32 to index
      %get3A_362 = tpu.vector_load %arg9[%get3A] {strides = array<i32>} : memref<1000xi32, #tpu.memory_space<vmem>>, vector<16xi32>,
      tpu.vector_store_idx %arg18[%get3A_362], %broadcast_in_dim3A_20 {add = true} : memref<10240xf32, #tpu.memory_space<vmem>>[vector<16xi32>], vector<16xf32>,
      %scan3A_363 = arith.constant 0 : i32
      scf.yield %scan3A_363 : i32
    }
    %scan3A_130 = arith.constant 62 : i32
    %mul3A_131 = arith.constant 20000 : i32
    %mul3A_132 = arith.muli %arg1, %mul3A_131 : i32
    %add3A_133 = arith.constant 10000 : i32
    %add3A_134 = arith.addi %mul3A_132, %add3A_133 : i32
    "tpu.region"() ({
      %run_scoped3A = tpu.sem_alloc : memref<!tpu.dma_semaphore, #tpu.memory_space<semaphore_mem>>
      %dma_start3A_358 = tpu.memref_slice %arg4[%add3A_134] : memref<320000xi32, #tpu.memory_space<hbm>> -> memref<1000xi32, #tpu.memory_space<hbm>>
      %dma_start3A_359 = tpu.memref_slice %arg4[%add3A_134] : memref<320000xi32, #tpu.memory_space<hbm>> -> memref<1000xi32, #tpu.memory_space<hbm>>
      tpu.enqueue_dma source(%dma_start3A_359 : memref<1000xi32, #tpu.memory_space<hbm>>) target(%arg9 : memref<1000xi32, #tpu.memory_space<vmem>>) target_semaphore(%run_scoped3A : memref<!tpu.dma_semaphore, #tpu.memory_space<semaphore_mem>>)
      %dma_wait3A_360 = tpu.memref_slice %arg4[%add3A_134] : memref<320000xi32, #tpu.memory_space<hbm>> -> memref<1000xi32, #tpu.memory_space<hbm>>
      %dma_wait3A_361 = tpu.memref_slice %arg4[%add3A_134] : memref<320000xi32, #tpu.memory_space<hbm>> -> memref<1000xi32, #tpu.memory_space<hbm>>
      tpu.wait_dma2 semaphore(%run_scoped3A : memref<!tpu.dma_semaphore, #tpu.memory_space<semaphore_mem>>) src(%dma_wait3A_361 : memref<1000xi32, #tpu.memory_space<hbm>>) dst(%arg9 : memref<1000xi32, #tpu.memory_space<vmem>>)
      tpu.yield
    }) : () -> ()
    %scan3A_135 = arith.constant 0 : i32
    %scan3A_136 = arith.constant 0 : i32
    %scan3A_137 = arith.constant 62 : i32
    %scan3A_138 = arith.addi %scan3A_136, %scan3A_137 : i32
    %scan3A_139 = arith.constant 1 : i32
    %scan3A_140 = scf.for %scan3A_358 = %scan3A_136 to %scan3A_138 step %scan3A_139 iter_args(%scan3A_359 = %scan3A_135) -> (i32)  : i32 {
      %mul3A_360 = arith.constant 16 : i32
      %mul3A_361 = arith.muli %scan3A_358, %mul3A_360 : i32
      %get3A = arith.index_cast %mul3A_361 : i32 to index
      %get3A_362 = tpu.vector_load %arg9[%get3A] {strides = array<i32>} : memref<1000xi32, #tpu.memory_space<vmem>>, vector<16xi32>,
      tpu.vector_store_idx %arg18[%get3A_362], %broadcast_in_dim3A_20 {add = true} : memref<10240xf32, #tpu.memory_space<vmem>>[vector<16xi32>], vector<16xf32>,
      %scan3A_363 = arith.constant 0 : i32
      scf.yield %scan3A_363 : i32
    }
    %scan3A_141 = arith.constant 62 : i32
    %mul3A_142 = arith.constant 20000 : i32
    %mul3A_143 = arith.muli %arg1, %mul3A_142 : i32
    %add3A_144 = arith.constant 11000 : i32
    %add3A_145 = arith.addi %mul3A_143, %add3A_144 : i32
    "tpu.region"() ({
      %run_scoped3A = tpu.sem_alloc : memref<!tpu.dma_semaphore, #tpu.memory_space<semaphore_mem>>
      %dma_start3A_358 = tpu.memref_slice %arg4[%add3A_145] : memref<320000xi32, #tpu.memory_space<hbm>> -> memref<1000xi32, #tpu.memory_space<hbm>>
      %dma_start3A_359 = tpu.memref_slice %arg4[%add3A_145] : memref<320000xi32, #tpu.memory_space<hbm>> -> memref<1000xi32, #tpu.memory_space<hbm>>
      tpu.enqueue_dma source(%dma_start3A_359 : memref<1000xi32, #tpu.memory_space<hbm>>) target(%arg9 : memref<1000xi32, #tpu.memory_space<vmem>>) target_semaphore(%run_scoped3A : memref<!tpu.dma_semaphore, #tpu.memory_space<semaphore_mem>>)
      %dma_wait3A_360 = tpu.memref_slice %arg4[%add3A_145] : memref<320000xi32, #tpu.memory_space<hbm>> -> memref<1000xi32, #tpu.memory_space<hbm>>
      %dma_wait3A_361 = tpu.memref_slice %arg4[%add3A_145] : memref<320000xi32, #tpu.memory_space<hbm>> -> memref<1000xi32, #tpu.memory_space<hbm>>
      tpu.wait_dma2 semaphore(%run_scoped3A : memref<!tpu.dma_semaphore, #tpu.memory_space<semaphore_mem>>) src(%dma_wait3A_361 : memref<1000xi32, #tpu.memory_space<hbm>>) dst(%arg9 : memref<1000xi32, #tpu.memory_space<vmem>>)
      tpu.yield
    }) : () -> ()
    %scan3A_146 = arith.constant 0 : i32
    %scan3A_147 = arith.constant 0 : i32
    %scan3A_148 = arith.constant 62 : i32
    %scan3A_149 = arith.addi %scan3A_147, %scan3A_148 : i32
    %scan3A_150 = arith.constant 1 : i32
    %scan3A_151 = scf.for %scan3A_358 = %scan3A_147 to %scan3A_149 step %scan3A_150 iter_args(%scan3A_359 = %scan3A_146) -> (i32)  : i32 {
      %mul3A_360 = arith.constant 16 : i32
      %mul3A_361 = arith.muli %scan3A_358, %mul3A_360 : i32
      %get3A = arith.index_cast %mul3A_361 : i32 to index
      %get3A_362 = tpu.vector_load %arg9[%get3A] {strides = array<i32>} : memref<1000xi32, #tpu.memory_space<vmem>>, vector<16xi32>,
      tpu.vector_store_idx %arg18[%get3A_362], %broadcast_in_dim3A_20 {add = true} : memref<10240xf32, #tpu.memory_space<vmem>>[vector<16xi32>], vector<16xf32>,
      %scan3A_363 = arith.constant 0 : i32
      scf.yield %scan3A_363 : i32
    }
    %scan3A_152 = arith.constant 62 : i32
    %mul3A_153 = arith.constant 20000 : i32
    %mul3A_154 = arith.muli %arg1, %mul3A_153 : i32
    %add3A_155 = arith.constant 12000 : i32
    %add3A_156 = arith.addi %mul3A_154, %add3A_155 : i32
    "tpu.region"() ({
      %run_scoped3A = tpu.sem_alloc : memref<!tpu.dma_semaphore, #tpu.memory_space<semaphore_mem>>
      %dma_start3A_358 = tpu.memref_slice %arg4[%add3A_156] : memref<320000xi32, #tpu.memory_space<hbm>> -> memref<1000xi32, #tpu.memory_space<hbm>>
      %dma_start3A_359 = tpu.memref_slice %arg4[%add3A_156] : memref<320000xi32, #tpu.memory_space<hbm>> -> memref<1000xi32, #tpu.memory_space<hbm>>
      tpu.enqueue_dma source(%dma_start3A_359 : memref<1000xi32, #tpu.memory_space<hbm>>) target(%arg9 : memref<1000xi32, #tpu.memory_space<vmem>>) target_semaphore(%run_scoped3A : memref<!tpu.dma_semaphore, #tpu.memory_space<semaphore_mem>>)
      %dma_wait3A_360 = tpu.memref_slice %arg4[%add3A_156] : memref<320000xi32, #tpu.memory_space<hbm>> -> memref<1000xi32, #tpu.memory_space<hbm>>
      %dma_wait3A_361 = tpu.memref_slice %arg4[%add3A_156] : memref<320000xi32, #tpu.memory_space<hbm>> -> memref<1000xi32, #tpu.memory_space<hbm>>
      tpu.wait_dma2 semaphore(%run_scoped3A : memref<!tpu.dma_semaphore, #tpu.memory_space<semaphore_mem>>) src(%dma_wait3A_361 : memref<1000xi32, #tpu.memory_space<hbm>>) dst(%arg9 : memref<1000xi32, #tpu.memory_space<vmem>>)
      tpu.yield
    }) : () -> ()
    %scan3A_157 = arith.constant 0 : i32
    %scan3A_158 = arith.constant 0 : i32
    %scan3A_159 = arith.constant 62 : i32
    %scan3A_160 = arith.addi %scan3A_158, %scan3A_159 : i32
    %scan3A_161 = arith.constant 1 : i32
    %scan3A_162 = scf.for %scan3A_358 = %scan3A_158 to %scan3A_160 step %scan3A_161 iter_args(%scan3A_359 = %scan3A_157) -> (i32)  : i32 {
      %mul3A_360 = arith.constant 16 : i32
      %mul3A_361 = arith.muli %scan3A_358, %mul3A_360 : i32
      %get3A = arith.index_cast %mul3A_361 : i32 to index
      %get3A_362 = tpu.vector_load %arg9[%get3A] {strides = array<i32>} : memref<1000xi32, #tpu.memory_space<vmem>>, vector<16xi32>,
      tpu.vector_store_idx %arg18[%get3A_362], %broadcast_in_dim3A_20 {add = true} : memref<10240xf32, #tpu.memory_space<vmem>>[vector<16xi32>], vector<16xf32>,
      %scan3A_363 = arith.constant 0 : i32
      scf.yield %scan3A_363 : i32
    }
    %scan3A_163 = arith.constant 62 : i32
    %mul3A_164 = arith.constant 20000 : i32
    %mul3A_165 = arith.muli %arg1, %mul3A_164 : i32
    %add3A_166 = arith.constant 13000 : i32
    %add3A_167 = arith.addi %mul3A_165, %add3A_166 : i32
    "tpu.region"() ({
      %run_scoped3A = tpu.sem_alloc : memref<!tpu.dma_semaphore, #tpu.memory_space<semaphore_mem>>
      %dma_start3A_358 = tpu.memref_slice %arg4[%add3A_167] : memref<320000xi32, #tpu.memory_space<hbm>> -> memref<1000xi32, #tpu.memory_space<hbm>>
      %dma_start3A_359 = tpu.memref_slice %arg4[%add3A_167] : memref<320000xi32, #tpu.memory_space<hbm>> -> memref<1000xi32, #tpu.memory_space<hbm>>
      tpu.enqueue_dma source(%dma_start3A_359 : memref<1000xi32, #tpu.memory_space<hbm>>) target(%arg9 : memref<1000xi32, #tpu.memory_space<vmem>>) target_semaphore(%run_scoped3A : memref<!tpu.dma_semaphore, #tpu.memory_space<semaphore_mem>>)
      %dma_wait3A_360 = tpu.memref_slice %arg4[%add3A_167] : memref<320000xi32, #tpu.memory_space<hbm>> -> memref<1000xi32, #tpu.memory_space<hbm>>
      %dma_wait3A_361 = tpu.memref_slice %arg4[%add3A_167] : memref<320000xi32, #tpu.memory_space<hbm>> -> memref<1000xi32, #tpu.memory_space<hbm>>
      tpu.wait_dma2 semaphore(%run_scoped3A : memref<!tpu.dma_semaphore, #tpu.memory_space<semaphore_mem>>) src(%dma_wait3A_361 : memref<1000xi32, #tpu.memory_space<hbm>>) dst(%arg9 : memref<1000xi32, #tpu.memory_space<vmem>>)
      tpu.yield
    }) : () -> ()
    %scan3A_168 = arith.constant 0 : i32
    %scan3A_169 = arith.constant 0 : i32
    %scan3A_170 = arith.constant 62 : i32
    %scan3A_171 = arith.addi %scan3A_169, %scan3A_170 : i32
    %scan3A_172 = arith.constant 1 : i32
    %scan3A_173 = scf.for %scan3A_358 = %scan3A_169 to %scan3A_171 step %scan3A_172 iter_args(%scan3A_359 = %scan3A_168) -> (i32)  : i32 {
      %mul3A_360 = arith.constant 16 : i32
      %mul3A_361 = arith.muli %scan3A_358, %mul3A_360 : i32
      %get3A = arith.index_cast %mul3A_361 : i32 to index
      %get3A_362 = tpu.vector_load %arg9[%get3A] {strides = array<i32>} : memref<1000xi32, #tpu.memory_space<vmem>>, vector<16xi32>,
      tpu.vector_store_idx %arg18[%get3A_362], %broadcast_in_dim3A_20 {add = true} : memref<10240xf32, #tpu.memory_space<vmem>>[vector<16xi32>], vector<16xf32>,
      %scan3A_363 = arith.constant 0 : i32
      scf.yield %scan3A_363 : i32
    }
    %scan3A_174 = arith.constant 62 : i32
    %mul3A_175 = arith.constant 20000 : i32
    %mul3A_176 = arith.muli %arg1, %mul3A_175 : i32
    %add3A_177 = arith.constant 14000 : i32
    %add3A_178 = arith.addi %mul3A_176, %add3A_177 : i32
    "tpu.region"() ({
      %run_scoped3A = tpu.sem_alloc : memref<!tpu.dma_semaphore, #tpu.memory_space<semaphore_mem>>
      %dma_start3A_358 = tpu.memref_slice %arg4[%add3A_178] : memref<320000xi32, #tpu.memory_space<hbm>> -> memref<1000xi32, #tpu.memory_space<hbm>>
      %dma_start3A_359 = tpu.memref_slice %arg4[%add3A_178] : memref<320000xi32, #tpu.memory_space<hbm>> -> memref<1000xi32, #tpu.memory_space<hbm>>
      tpu.enqueue_dma source(%dma_start3A_359 : memref<1000xi32, #tpu.memory_space<hbm>>) target(%arg9 : memref<1000xi32, #tpu.memory_space<vmem>>) target_semaphore(%run_scoped3A : memref<!tpu.dma_semaphore, #tpu.memory_space<semaphore_mem>>)
      %dma_wait3A_360 = tpu.memref_slice %arg4[%add3A_178] : memref<320000xi32, #tpu.memory_space<hbm>> -> memref<1000xi32, #tpu.memory_space<hbm>>
      %dma_wait3A_361 = tpu.memref_slice %arg4[%add3A_178] : memref<320000xi32, #tpu.memory_space<hbm>> -> memref<1000xi32, #tpu.memory_space<hbm>>
      tpu.wait_dma2 semaphore(%run_scoped3A : memref<!tpu.dma_semaphore, #tpu.memory_space<semaphore_mem>>) src(%dma_wait3A_361 : memref<1000xi32, #tpu.memory_space<hbm>>) dst(%arg9 : memref<1000xi32, #tpu.memory_space<vmem>>)
      tpu.yield
    }) : () -> ()
    %scan3A_179 = arith.constant 0 : i32
    %scan3A_180 = arith.constant 0 : i32
    %scan3A_181 = arith.constant 62 : i32
    %scan3A_182 = arith.addi %scan3A_180, %scan3A_181 : i32
    %scan3A_183 = arith.constant 1 : i32
    %scan3A_184 = scf.for %scan3A_358 = %scan3A_180 to %scan3A_182 step %scan3A_183 iter_args(%scan3A_359 = %scan3A_179) -> (i32)  : i32 {
      %mul3A_360 = arith.constant 16 : i32
      %mul3A_361 = arith.muli %scan3A_358, %mul3A_360 : i32
      %get3A = arith.index_cast %mul3A_361 : i32 to index
      %get3A_362 = tpu.vector_load %arg9[%get3A] {strides = array<i32>} : memref<1000xi32, #tpu.memory_space<vmem>>, vector<16xi32>,
      tpu.vector_store_idx %arg18[%get3A_362], %broadcast_in_dim3A_20 {add = true} : memref<10240xf32, #tpu.memory_space<vmem>>[vector<16xi32>], vector<16xf32>,
      %scan3A_363 = arith.constant 0 : i32
      scf.yield %scan3A_363 : i32
    }
    %scan3A_185 = arith.constant 62 : i32
    %mul3A_186 = arith.constant 20000 : i32
    %mul3A_187 = arith.muli %arg1, %mul3A_186 : i32
    %add3A_188 = arith.constant 15000 : i32
    %add3A_189 = arith.addi %mul3A_187, %add3A_188 : i32
    "tpu.region"() ({
      %run_scoped3A = tpu.sem_alloc : memref<!tpu.dma_semaphore, #tpu.memory_space<semaphore_mem>>
      %dma_start3A_358 = tpu.memref_slice %arg4[%add3A_189] : memref<320000xi32, #tpu.memory_space<hbm>> -> memref<1000xi32, #tpu.memory_space<hbm>>
      %dma_start3A_359 = tpu.memref_slice %arg4[%add3A_189] : memref<320000xi32, #tpu.memory_space<hbm>> -> memref<1000xi32, #tpu.memory_space<hbm>>
      tpu.enqueue_dma source(%dma_start3A_359 : memref<1000xi32, #tpu.memory_space<hbm>>) target(%arg9 : memref<1000xi32, #tpu.memory_space<vmem>>) target_semaphore(%run_scoped3A : memref<!tpu.dma_semaphore, #tpu.memory_space<semaphore_mem>>)
      %dma_wait3A_360 = tpu.memref_slice %arg4[%add3A_189] : memref<320000xi32, #tpu.memory_space<hbm>> -> memref<1000xi32, #tpu.memory_space<hbm>>
      %dma_wait3A_361 = tpu.memref_slice %arg4[%add3A_189] : memref<320000xi32, #tpu.memory_space<hbm>> -> memref<1000xi32, #tpu.memory_space<hbm>>
      tpu.wait_dma2 semaphore(%run_scoped3A : memref<!tpu.dma_semaphore, #tpu.memory_space<semaphore_mem>>) src(%dma_wait3A_361 : memref<1000xi32, #tpu.memory_space<hbm>>) dst(%arg9 : memref<1000xi32, #tpu.memory_space<vmem>>)
      tpu.yield
    }) : () -> ()
    %scan3A_190 = arith.constant 0 : i32
    %scan3A_191 = arith.constant 0 : i32
    %scan3A_192 = arith.constant 62 : i32
    %scan3A_193 = arith.addi %scan3A_191, %scan3A_192 : i32
    %scan3A_194 = arith.constant 1 : i32
    %scan3A_195 = scf.for %scan3A_358 = %scan3A_191 to %scan3A_193 step %scan3A_194 iter_args(%scan3A_359 = %scan3A_190) -> (i32)  : i32 {
      %mul3A_360 = arith.constant 16 : i32
      %mul3A_361 = arith.muli %scan3A_358, %mul3A_360 : i32
      %get3A = arith.index_cast %mul3A_361 : i32 to index
      %get3A_362 = tpu.vector_load %arg9[%get3A] {strides = array<i32>} : memref<1000xi32, #tpu.memory_space<vmem>>, vector<16xi32>,
      tpu.vector_store_idx %arg18[%get3A_362], %broadcast_in_dim3A_20 {add = true} : memref<10240xf32, #tpu.memory_space<vmem>>[vector<16xi32>], vector<16xf32>,
      %scan3A_363 = arith.constant 0 : i32
      scf.yield %scan3A_363 : i32
    }
    %scan3A_196 = arith.constant 62 : i32
    %mul3A_197 = arith.constant 20000 : i32
    %mul3A_198 = arith.muli %arg1, %mul3A_197 : i32
    %add3A_199 = arith.constant 16000 : i32
    %add3A_200 = arith.addi %mul3A_198, %add3A_199 : i32
    "tpu.region"() ({
      %run_scoped3A = tpu.sem_alloc : memref<!tpu.dma_semaphore, #tpu.memory_space<semaphore_mem>>
      %dma_start3A_358 = tpu.memref_slice %arg4[%add3A_200] : memref<320000xi32, #tpu.memory_space<hbm>> -> memref<1000xi32, #tpu.memory_space<hbm>>
      %dma_start3A_359 = tpu.memref_slice %arg4[%add3A_200] : memref<320000xi32, #tpu.memory_space<hbm>> -> memref<1000xi32, #tpu.memory_space<hbm>>
      tpu.enqueue_dma source(%dma_start3A_359 : memref<1000xi32, #tpu.memory_space<hbm>>) target(%arg9 : memref<1000xi32, #tpu.memory_space<vmem>>) target_semaphore(%run_scoped3A : memref<!tpu.dma_semaphore, #tpu.memory_space<semaphore_mem>>)
      %dma_wait3A_360 = tpu.memref_slice %arg4[%add3A_200] : memref<320000xi32, #tpu.memory_space<hbm>> -> memref<1000xi32, #tpu.memory_space<hbm>>
      %dma_wait3A_361 = tpu.memref_slice %arg4[%add3A_200] : memref<320000xi32, #tpu.memory_space<hbm>> -> memref<1000xi32, #tpu.memory_space<hbm>>
      tpu.wait_dma2 semaphore(%run_scoped3A : memref<!tpu.dma_semaphore, #tpu.memory_space<semaphore_mem>>) src(%dma_wait3A_361 : memref<1000xi32, #tpu.memory_space<hbm>>) dst(%arg9 : memref<1000xi32, #tpu.memory_space<vmem>>)
      tpu.yield
    }) : () -> ()
    %scan3A_201 = arith.constant 0 : i32
    %scan3A_202 = arith.constant 0 : i32
    %scan3A_203 = arith.constant 62 : i32
    %scan3A_204 = arith.addi %scan3A_202, %scan3A_203 : i32
    %scan3A_205 = arith.constant 1 : i32
    %scan3A_206 = scf.for %scan3A_358 = %scan3A_202 to %scan3A_204 step %scan3A_205 iter_args(%scan3A_359 = %scan3A_201) -> (i32)  : i32 {
      %mul3A_360 = arith.constant 16 : i32
      %mul3A_361 = arith.muli %scan3A_358, %mul3A_360 : i32
      %get3A = arith.index_cast %mul3A_361 : i32 to index
      %get3A_362 = tpu.vector_load %arg9[%get3A] {strides = array<i32>} : memref<1000xi32, #tpu.memory_space<vmem>>, vector<16xi32>,
      tpu.vector_store_idx %arg18[%get3A_362], %broadcast_in_dim3A_20 {add = true} : memref<10240xf32, #tpu.memory_space<vmem>>[vector<16xi32>], vector<16xf32>,
      %scan3A_363 = arith.constant 0 : i32
      scf.yield %scan3A_363 : i32
    }
    %scan3A_207 = arith.constant 62 : i32
    %mul3A_208 = arith.constant 20000 : i32
    %mul3A_209 = arith.muli %arg1, %mul3A_208 : i32
    %add3A_210 = arith.constant 17000 : i32
    %add3A_211 = arith.addi %mul3A_209, %add3A_210 : i32
    "tpu.region"() ({
      %run_scoped3A = tpu.sem_alloc : memref<!tpu.dma_semaphore, #tpu.memory_space<semaphore_mem>>
      %dma_start3A_358 = tpu.memref_slice %arg4[%add3A_211] : memref<320000xi32, #tpu.memory_space<hbm>> -> memref<1000xi32, #tpu.memory_space<hbm>>
      %dma_start3A_359 = tpu.memref_slice %arg4[%add3A_211] : memref<320000xi32, #tpu.memory_space<hbm>> -> memref<1000xi32, #tpu.memory_space<hbm>>
      tpu.enqueue_dma source(%dma_start3A_359 : memref<1000xi32, #tpu.memory_space<hbm>>) target(%arg9 : memref<1000xi32, #tpu.memory_space<vmem>>) target_semaphore(%run_scoped3A : memref<!tpu.dma_semaphore, #tpu.memory_space<semaphore_mem>>)
      %dma_wait3A_360 = tpu.memref_slice %arg4[%add3A_211] : memref<320000xi32, #tpu.memory_space<hbm>> -> memref<1000xi32, #tpu.memory_space<hbm>>
      %dma_wait3A_361 = tpu.memref_slice %arg4[%add3A_211] : memref<320000xi32, #tpu.memory_space<hbm>> -> memref<1000xi32, #tpu.memory_space<hbm>>
      tpu.wait_dma2 semaphore(%run_scoped3A : memref<!tpu.dma_semaphore, #tpu.memory_space<semaphore_mem>>) src(%dma_wait3A_361 : memref<1000xi32, #tpu.memory_space<hbm>>) dst(%arg9 : memref<1000xi32, #tpu.memory_space<vmem>>)
      tpu.yield
    }) : () -> ()
    %scan3A_212 = arith.constant 0 : i32
    %scan3A_213 = arith.constant 0 : i32
    %scan3A_214 = arith.constant 62 : i32
    %scan3A_215 = arith.addi %scan3A_213, %scan3A_214 : i32
    %scan3A_216 = arith.constant 1 : i32
    %scan3A_217 = scf.for %scan3A_358 = %scan3A_213 to %scan3A_215 step %scan3A_216 iter_args(%scan3A_359 = %scan3A_212) -> (i32)  : i32 {
      %mul3A_360 = arith.constant 16 : i32
      %mul3A_361 = arith.muli %scan3A_358, %mul3A_360 : i32
      %get3A = arith.index_cast %mul3A_361 : i32 to index
      %get3A_362 = tpu.vector_load %arg9[%get3A] {strides = array<i32>} : memref<1000xi32, #tpu.memory_space<vmem>>, vector<16xi32>,
      tpu.vector_store_idx %arg18[%get3A_362], %broadcast_in_dim3A_20 {add = true} : memref<10240xf32, #tpu.memory_space<vmem>>[vector<16xi32>], vector<16xf32>,
      %scan3A_363 = arith.constant 0 : i32
      scf.yield %scan3A_363 : i32
    }
    %scan3A_218 = arith.constant 62 : i32
    %mul3A_219 = arith.constant 20000 : i32
    %mul3A_220 = arith.muli %arg1, %mul3A_219 : i32
    %add3A_221 = arith.constant 18000 : i32
    %add3A_222 = arith.addi %mul3A_220, %add3A_221 : i32
    "tpu.region"() ({
      %run_scoped3A = tpu.sem_alloc : memref<!tpu.dma_semaphore, #tpu.memory_space<semaphore_mem>>
      %dma_start3A_358 = tpu.memref_slice %arg4[%add3A_222] : memref<320000xi32, #tpu.memory_space<hbm>> -> memref<1000xi32, #tpu.memory_space<hbm>>
      %dma_start3A_359 = tpu.memref_slice %arg4[%add3A_222] : memref<320000xi32, #tpu.memory_space<hbm>> -> memref<1000xi32, #tpu.memory_space<hbm>>
      tpu.enqueue_dma source(%dma_start3A_359 : memref<1000xi32, #tpu.memory_space<hbm>>) target(%arg9 : memref<1000xi32, #tpu.memory_space<vmem>>) target_semaphore(%run_scoped3A : memref<!tpu.dma_semaphore, #tpu.memory_space<semaphore_mem>>)
      %dma_wait3A_360 = tpu.memref_slice %arg4[%add3A_222] : memref<320000xi32, #tpu.memory_space<hbm>> -> memref<1000xi32, #tpu.memory_space<hbm>>
      %dma_wait3A_361 = tpu.memref_slice %arg4[%add3A_222] : memref<320000xi32, #tpu.memory_space<hbm>> -> memref<1000xi32, #tpu.memory_space<hbm>>
      tpu.wait_dma2 semaphore(%run_scoped3A : memref<!tpu.dma_semaphore, #tpu.memory_space<semaphore_mem>>) src(%dma_wait3A_361 : memref<1000xi32, #tpu.memory_space<hbm>>) dst(%arg9 : memref<1000xi32, #tpu.memory_space<vmem>>)
      tpu.yield
    }) : () -> ()
    %scan3A_223 = arith.constant 0 : i32
    %scan3A_224 = arith.constant 0 : i32
    %scan3A_225 = arith.constant 62 : i32
    %scan3A_226 = arith.addi %scan3A_224, %scan3A_225 : i32
    %scan3A_227 = arith.constant 1 : i32
    %scan3A_228 = scf.for %scan3A_358 = %scan3A_224 to %scan3A_226 step %scan3A_227 iter_args(%scan3A_359 = %scan3A_223) -> (i32)  : i32 {
      %mul3A_360 = arith.constant 16 : i32
      %mul3A_361 = arith.muli %scan3A_358, %mul3A_360 : i32
      %get3A = arith.index_cast %mul3A_361 : i32 to index
      %get3A_362 = tpu.vector_load %arg9[%get3A] {strides = array<i32>} : memref<1000xi32, #tpu.memory_space<vmem>>, vector<16xi32>,
      tpu.vector_store_idx %arg18[%get3A_362], %broadcast_in_dim3A_20 {add = true} : memref<10240xf32, #tpu.memory_space<vmem>>[vector<16xi32>], vector<16xf32>,
      %scan3A_363 = arith.constant 0 : i32
      scf.yield %scan3A_363 : i32
    }
    %scan3A_229 = arith.constant 62 : i32
    %mul3A_230 = arith.constant 20000 : i32
    %mul3A_231 = arith.muli %arg1, %mul3A_230 : i32
    %add3A_232 = arith.constant 19000 : i32
    %add3A_233 = arith.addi %mul3A_231, %add3A_232 : i32
    "tpu.region"() ({
      %run_scoped3A = tpu.sem_alloc : memref<!tpu.dma_semaphore, #tpu.memory_space<semaphore_mem>>
      %dma_start3A_358 = tpu.memref_slice %arg4[%add3A_233] : memref<320000xi32, #tpu.memory_space<hbm>> -> memref<1000xi32, #tpu.memory_space<hbm>>
      %dma_start3A_359 = tpu.memref_slice %arg4[%add3A_233] : memref<320000xi32, #tpu.memory_space<hbm>> -> memref<1000xi32, #tpu.memory_space<hbm>>
      tpu.enqueue_dma source(%dma_start3A_359 : memref<1000xi32, #tpu.memory_space<hbm>>) target(%arg9 : memref<1000xi32, #tpu.memory_space<vmem>>) target_semaphore(%run_scoped3A : memref<!tpu.dma_semaphore, #tpu.memory_space<semaphore_mem>>)
      %dma_wait3A_360 = tpu.memref_slice %arg4[%add3A_233] : memref<320000xi32, #tpu.memory_space<hbm>> -> memref<1000xi32, #tpu.memory_space<hbm>>
      %dma_wait3A_361 = tpu.memref_slice %arg4[%add3A_233] : memref<320000xi32, #tpu.memory_space<hbm>> -> memref<1000xi32, #tpu.memory_space<hbm>>
      tpu.wait_dma2 semaphore(%run_scoped3A : memref<!tpu.dma_semaphore, #tpu.memory_space<semaphore_mem>>) src(%dma_wait3A_361 : memref<1000xi32, #tpu.memory_space<hbm>>) dst(%arg9 : memref<1000xi32, #tpu.memory_space<vmem>>)
      tpu.yield
    }) : () -> ()
    %scan3A_234 = arith.constant 0 : i32
    %scan3A_235 = arith.constant 0 : i32
    %scan3A_236 = arith.constant 62 : i32
    %scan3A_237 = arith.addi %scan3A_235, %scan3A_236 : i32
    %scan3A_238 = arith.constant 1 : i32
    %scan3A_239 = scf.for %scan3A_358 = %scan3A_235 to %scan3A_237 step %scan3A_238 iter_args(%scan3A_359 = %scan3A_234) -> (i32)  : i32 {
      %mul3A_360 = arith.constant 16 : i32
      %mul3A_361 = arith.muli %scan3A_358, %mul3A_360 : i32
      %get3A = arith.index_cast %mul3A_361 : i32 to index
      %get3A_362 = tpu.vector_load %arg9[%get3A] {strides = array<i32>} : memref<1000xi32, #tpu.memory_space<vmem>>, vector<16xi32>,
      tpu.vector_store_idx %arg18[%get3A_362], %broadcast_in_dim3A_20 {add = true} : memref<10240xf32, #tpu.memory_space<vmem>>[vector<16xi32>], vector<16xf32>,
      %scan3A_363 = arith.constant 0 : i32
      scf.yield %scan3A_363 : i32
    }
    %scan3A_240 = arith.constant 62 : i32
    "tpu.region"() ({
      %run_scoped3A = tpu.sem_alloc : memref<!tpu.dma_semaphore, #tpu.memory_space<semaphore_mem>>
      %dma_start3A_358 = arith.constant 0 : i32
      %dma_start3A_359 = tpu.memref_slice %arg20[%arg1, %dma_start3A_358] : memref<16x10240xf32, #tpu.memory_space<vmem_shared>> -> memref<1x10240xf32, #tpu.memory_space<vmem_shared>>
      %dma_start3A_360 = tpu.memref_squeeze %dma_start3A_359 : memref<1x10240xf32, #tpu.memory_space<vmem_shared>> -> memref<10240xf32, #tpu.memory_space<vmem_shared>>
      %dma_start3A_361 = arith.constant 0 : i32
      %dma_start3A_362 = tpu.memref_slice %arg20[%arg1, %dma_start3A_361] : memref<16x10240xf32, #tpu.memory_space<vmem_shared>> -> memref<1x10240xf32, #tpu.memory_space<vmem_shared>>
      %dma_start3A_363 = tpu.memref_squeeze %dma_start3A_362 : memref<1x10240xf32, #tpu.memory_space<vmem_shared>> -> memref<10240xf32, #tpu.memory_space<vmem_shared>>
      tpu.enqueue_dma source(%arg18 : memref<10240xf32, #tpu.memory_space<vmem>>) target(%dma_start3A_363 : memref<10240xf32, #tpu.memory_space<vmem_shared>>) target_semaphore(%run_scoped3A : memref<!tpu.dma_semaphore, #tpu.memory_space<semaphore_mem>>)
      %dma_wait3A_364 = arith.constant 0 : i32
      %dma_wait3A_365 = tpu.memref_slice %arg20[%arg1, %dma_wait3A_364] : memref<16x10240xf32, #tpu.memory_space<vmem_shared>> -> memref<1x10240xf32, #tpu.memory_space<vmem_shared>>
      %dma_wait3A_366 = tpu.memref_squeeze %dma_wait3A_365 : memref<1x10240xf32, #tpu.memory_space<vmem_shared>> -> memref<10240xf32, #tpu.memory_space<vmem_shared>>
      %dma_wait3A_367 = arith.constant 0 : i32
      %dma_wait3A_368 = tpu.memref_slice %arg20[%arg1, %dma_wait3A_367] : memref<16x10240xf32, #tpu.memory_space<vmem_shared>> -> memref<1x10240xf32, #tpu.memory_space<vmem_shared>>
      %dma_wait3A_369 = tpu.memref_squeeze %dma_wait3A_368 : memref<1x10240xf32, #tpu.memory_space<vmem_shared>> -> memref<10240xf32, #tpu.memory_space<vmem_shared>>
      tpu.wait_dma2 semaphore(%run_scoped3A : memref<!tpu.dma_semaphore, #tpu.memory_space<semaphore_mem>>) src(%arg18 : memref<10240xf32, #tpu.memory_space<vmem>>) dst(%dma_wait3A_369 : memref<10240xf32, #tpu.memory_space<vmem_shared>>)
      tpu.yield
    }) : () -> ()
    %lt3A_241 = arith.constant 10 : i32
    %lt3A_242 = arith.cmpi slt, %arg1, %lt3A_241 : i32
    %convert_element_type3A_243 = arith.extui %lt3A_242 : i1 to i32
    %cond3A_244 = arith.constant 0 : i32
    %cond3A_245 = arith.cmpi ne, %convert_element_type3A_243, %cond3A_244 : i32
    scf.if %cond3A_245 {
      %mul3A_358 = arith.constant 1000 : i32
      %mul3A_359 = arith.muli %arg1, %mul3A_358 : i32
      %mul3A_360 = arith.constant 1000 : i32
      %mul3A_361 = arith.muli %arg1, %mul3A_360 : i32
      %dma_wait3A_362 = arith.constant 0 : i32
      %dma_wait3A_363 = tpu.memref_slice %arg16[%mul3A_361, %dma_wait3A_362] : memref<10000x16xf32, #tpu.memory_space<vmem_shared>> -> memref<1000x16xf32, #tpu.memory_space<vmem_shared>>
      %dma_wait3A_364 = arith.constant 0 : i32
      %dma_wait3A_365 = tpu.memref_slice %arg2[%mul3A_359, %dma_wait3A_364] : memref<10240x16xf32, #tpu.memory_space<hbm>> -> memref<1000x16xf32, #tpu.memory_space<hbm>>
      tpu.wait_dma2 semaphore(%arg25 : memref<!tpu.dma_semaphore, #tpu.memory_space<semaphore_mem>>) src(%dma_wait3A_365 : memref<1000x16xf32, #tpu.memory_space<hbm>>) dst(%dma_wait3A_363 : memref<1000x16xf32, #tpu.memory_space<vmem_shared>>)
    } else {
    }
    %barrier3A = arith.constant 0 : index
    tpu.barrier barrier_id(%barrier3A)
    %mul3A_246 = arith.constant 10000 : i32
    %mul3A_247 = arith.muli %add3A, %mul3A_246 : i32
    %add3A_248 = arith.constant 0 : i32
    %add3A_249 = arith.addi %mul3A_247, %add3A_248 : i32
    "tpu.region"() ({
      %run_scoped3A = tpu.sem_alloc : memref<!tpu.dma_semaphore, #tpu.memory_space<semaphore_mem>>
      %dma_start3A_358 = tpu.memref_slice %arg3[%add3A_249] : memref<320000xi32, #tpu.memory_space<hbm>> -> memref<1000xi32, #tpu.memory_space<hbm>>
      %dma_start3A_359 = tpu.memref_slice %arg3[%add3A_249] : memref<320000xi32, #tpu.memory_space<hbm>> -> memref<1000xi32, #tpu.memory_space<hbm>>
      tpu.enqueue_dma source(%dma_start3A_359 : memref<1000xi32, #tpu.memory_space<hbm>>) target(%arg8 : memref<1000xi32, #tpu.memory_space<vmem>>) target_semaphore(%run_scoped3A : memref<!tpu.dma_semaphore, #tpu.memory_space<semaphore_mem>>)
      %dma_wait3A_360 = tpu.memref_slice %arg3[%add3A_249] : memref<320000xi32, #tpu.memory_space<hbm>> -> memref<1000xi32, #tpu.memory_space<hbm>>
      %dma_wait3A_361 = tpu.memref_slice %arg3[%add3A_249] : memref<320000xi32, #tpu.memory_space<hbm>> -> memref<1000xi32, #tpu.memory_space<hbm>>
      tpu.wait_dma2 semaphore(%run_scoped3A : memref<!tpu.dma_semaphore, #tpu.memory_space<semaphore_mem>>) src(%dma_wait3A_361 : memref<1000xi32, #tpu.memory_space<hbm>>) dst(%arg8 : memref<1000xi32, #tpu.memory_space<vmem>>)
      tpu.yield
    }) : () -> ()
    "tpu.region"() ({
      %run_scoped3A = tpu.sem_alloc : memref<!tpu.dma_semaphore, #tpu.memory_space<semaphore_mem>>
      %dma_start3A_358 = tpu.memref_slice %arg4[%add3A_249] : memref<320000xi32, #tpu.memory_space<hbm>> -> memref<1000xi32, #tpu.memory_space<hbm>>
      %dma_start3A_359 = tpu.memref_slice %arg4[%add3A_249] : memref<320000xi32, #tpu.memory_space<hbm>> -> memref<1000xi32, #tpu.memory_space<hbm>>
      tpu.enqueue_dma source(%dma_start3A_359 : memref<1000xi32, #tpu.memory_space<hbm>>) target(%arg9 : memref<1000xi32, #tpu.memory_space<vmem>>) target_semaphore(%run_scoped3A : memref<!tpu.dma_semaphore, #tpu.memory_space<semaphore_mem>>)
      %dma_wait3A_360 = tpu.memref_slice %arg4[%add3A_249] : memref<320000xi32, #tpu.memory_space<hbm>> -> memref<1000xi32, #tpu.memory_space<hbm>>
      %dma_wait3A_361 = tpu.memref_slice %arg4[%add3A_249] : memref<320000xi32, #tpu.memory_space<hbm>> -> memref<1000xi32, #tpu.memory_space<hbm>>
      tpu.wait_dma2 semaphore(%run_scoped3A : memref<!tpu.dma_semaphore, #tpu.memory_space<semaphore_mem>>) src(%dma_wait3A_361 : memref<1000xi32, #tpu.memory_space<hbm>>) dst(%arg9 : memref<1000xi32, #tpu.memory_space<vmem>>)
      tpu.yield
    }) : () -> ()
    %dma_start3A = arith.constant 0 : i32
    %dma_start3A_250 = arith.constant 0 : i32
    %dma_start3A_251 = tpu.memref_slice %arg16[%dma_start3A, %dma_start3A_250] : memref<10000x16xf32, #tpu.memory_space<vmem_shared>> -> memref<10000x16xf32, #tpu.memory_space<vmem_shared>>
    tpu.enqueue_indirect_dma source(%dma_start3A_251 : memref<10000x16xf32, #tpu.memory_space<vmem_shared>>) target(%arg10 : memref<1000x16xf32, #tpu.memory_space<vmem>>) offsets(%arg8 : memref<1000xi32, #tpu.memory_space<vmem>>) semaphore(%arg21 : memref<!tpu.dma_semaphore, #tpu.memory_space<semaphore_mem>>)
    %dma_wait3A = arith.constant 0 : i32
    %dma_wait3A_252 = arith.constant 0 : i32
    %dma_wait3A_253 = tpu.memref_slice %arg16[%dma_wait3A, %dma_wait3A_252] : memref<10000x16xf32, #tpu.memory_space<vmem_shared>> -> memref<10000x16xf32, #tpu.memory_space<vmem_shared>>
    tpu.wait_indirect_dma semaphore(%arg21 : memref<!tpu.dma_semaphore, #tpu.memory_space<semaphore_mem>>) src(%dma_wait3A_253 : memref<10000x16xf32, #tpu.memory_space<vmem_shared>>) dst(%arg10 : memref<1000x16xf32, #tpu.memory_space<vmem>>)
    "tpu.region"() ({
      %run_scoped3A = tpu.sem_alloc : memref<!tpu.dma_semaphore, #tpu.memory_space<semaphore_mem>>
      %dma_start3A_358 = arith.constant 0 : i32
      %dma_start3A_359 = arith.constant 0 : i32
      %dma_start3A_360 = tpu.memref_slice %arg17[%dma_start3A_358, %dma_start3A_359] : memref<10240x16xf32, #tpu.memory_space<vmem_shared>> -> memref<10240x16xf32, #tpu.memory_space<vmem_shared>>
      tpu.enqueue_indirect_dma source(%arg10 : memref<1000x16xf32, #tpu.memory_space<vmem>>) target(%dma_start3A_360 : memref<10240x16xf32, #tpu.memory_space<vmem_shared>>) offsets(%arg9 : memref<1000xi32, #tpu.memory_space<vmem>>) semaphore(%run_scoped3A : memref<!tpu.dma_semaphore, #tpu.memory_space<semaphore_mem>>) {add = true}
      %dma_wait3A_361 = arith.constant 0 : i32
      %dma_wait3A_362 = arith.constant 0 : i32
      %dma_wait3A_363 = tpu.memref_slice %arg17[%dma_wait3A_361, %dma_wait3A_362] : memref<10240x16xf32, #tpu.memory_space<vmem_shared>> -> memref<10240x16xf32, #tpu.memory_space<vmem_shared>>
      tpu.wait_indirect_dma semaphore(%run_scoped3A : memref<!tpu.dma_semaphore, #tpu.memory_space<semaphore_mem>>) src(%arg10 : memref<1000x16xf32, #tpu.memory_space<vmem>>) dst(%dma_wait3A_363 : memref<10240x16xf32, #tpu.memory_space<vmem_shared>>)
      tpu.yield
    }) : () -> ()
    %add3A_254 = arith.constant 1000 : i32
    %add3A_255 = arith.addi %mul3A_247, %add3A_254 : i32
    "tpu.region"() ({
      %run_scoped3A = tpu.sem_alloc : memref<!tpu.dma_semaphore, #tpu.memory_space<semaphore_mem>>
      %dma_start3A_358 = tpu.memref_slice %arg3[%add3A_255] : memref<320000xi32, #tpu.memory_space<hbm>> -> memref<1000xi32, #tpu.memory_space<hbm>>
      %dma_start3A_359 = tpu.memref_slice %arg3[%add3A_255] : memref<320000xi32, #tpu.memory_space<hbm>> -> memref<1000xi32, #tpu.memory_space<hbm>>
      tpu.enqueue_dma source(%dma_start3A_359 : memref<1000xi32, #tpu.memory_space<hbm>>) target(%arg8 : memref<1000xi32, #tpu.memory_space<vmem>>) target_semaphore(%run_scoped3A : memref<!tpu.dma_semaphore, #tpu.memory_space<semaphore_mem>>)
      %dma_wait3A_360 = tpu.memref_slice %arg3[%add3A_255] : memref<320000xi32, #tpu.memory_space<hbm>> -> memref<1000xi32, #tpu.memory_space<hbm>>
      %dma_wait3A_361 = tpu.memref_slice %arg3[%add3A_255] : memref<320000xi32, #tpu.memory_space<hbm>> -> memref<1000xi32, #tpu.memory_space<hbm>>
      tpu.wait_dma2 semaphore(%run_scoped3A : memref<!tpu.dma_semaphore, #tpu.memory_space<semaphore_mem>>) src(%dma_wait3A_361 : memref<1000xi32, #tpu.memory_space<hbm>>) dst(%arg8 : memref<1000xi32, #tpu.memory_space<vmem>>)
      tpu.yield
    }) : () -> ()
    "tpu.region"() ({
      %run_scoped3A = tpu.sem_alloc : memref<!tpu.dma_semaphore, #tpu.memory_space<semaphore_mem>>
      %dma_start3A_358 = tpu.memref_slice %arg4[%add3A_255] : memref<320000xi32, #tpu.memory_space<hbm>> -> memref<1000xi32, #tpu.memory_space<hbm>>
      %dma_start3A_359 = tpu.memref_slice %arg4[%add3A_255] : memref<320000xi32, #tpu.memory_space<hbm>> -> memref<1000xi32, #tpu.memory_space<hbm>>
      tpu.enqueue_dma source(%dma_start3A_359 : memref<1000xi32, #tpu.memory_space<hbm>>) target(%arg9 : memref<1000xi32, #tpu.memory_space<vmem>>) target_semaphore(%run_scoped3A : memref<!tpu.dma_semaphore, #tpu.memory_space<semaphore_mem>>)
      %dma_wait3A_360 = tpu.memref_slice %arg4[%add3A_255] : memref<320000xi32, #tpu.memory_space<hbm>> -> memref<1000xi32, #tpu.memory_space<hbm>>
      %dma_wait3A_361 = tpu.memref_slice %arg4[%add3A_255] : memref<320000xi32, #tpu.memory_space<hbm>> -> memref<1000xi32, #tpu.memory_space<hbm>>
      tpu.wait_dma2 semaphore(%run_scoped3A : memref<!tpu.dma_semaphore, #tpu.memory_space<semaphore_mem>>) src(%dma_wait3A_361 : memref<1000xi32, #tpu.memory_space<hbm>>) dst(%arg9 : memref<1000xi32, #tpu.memory_space<vmem>>)
      tpu.yield
    }) : () -> ()
    %dma_start3A_256 = arith.constant 0 : i32
    %dma_start3A_257 = arith.constant 0 : i32
    %dma_start3A_258 = tpu.memref_slice %arg16[%dma_start3A_256, %dma_start3A_257] : memref<10000x16xf32, #tpu.memory_space<vmem_shared>> -> memref<10000x16xf32, #tpu.memory_space<vmem_shared>>
    tpu.enqueue_indirect_dma source(%dma_start3A_258 : memref<10000x16xf32, #tpu.memory_space<vmem_shared>>) target(%arg10 : memref<1000x16xf32, #tpu.memory_space<vmem>>) offsets(%arg8 : memref<1000xi32, #tpu.memory_space<vmem>>) semaphore(%arg21 : memref<!tpu.dma_semaphore, #tpu.memory_space<semaphore_mem>>)
    %dma_wait3A_259 = arith.constant 0 : i32
    %dma_wait3A_260 = arith.constant 0 : i32
    %dma_wait3A_261 = tpu.memref_slice %arg16[%dma_wait3A_259, %dma_wait3A_260] : memref<10000x16xf32, #tpu.memory_space<vmem_shared>> -> memref<10000x16xf32, #tpu.memory_space<vmem_shared>>
    tpu.wait_indirect_dma semaphore(%arg21 : memref<!tpu.dma_semaphore, #tpu.memory_space<semaphore_mem>>) src(%dma_wait3A_261 : memref<10000x16xf32, #tpu.memory_space<vmem_shared>>) dst(%arg10 : memref<1000x16xf32, #tpu.memory_space<vmem>>)
    "tpu.region"() ({
      %run_scoped3A = tpu.sem_alloc : memref<!tpu.dma_semaphore, #tpu.memory_space<semaphore_mem>>
      %dma_start3A_358 = arith.constant 0 : i32
      %dma_start3A_359 = arith.constant 0 : i32
      %dma_start3A_360 = tpu.memref_slice %arg17[%dma_start3A_358, %dma_start3A_359] : memref<10240x16xf32, #tpu.memory_space<vmem_shared>> -> memref<10240x16xf32, #tpu.memory_space<vmem_shared>>
      tpu.enqueue_indirect_dma source(%arg10 : memref<1000x16xf32, #tpu.memory_space<vmem>>) target(%dma_start3A_360 : memref<10240x16xf32, #tpu.memory_space<vmem_shared>>) offsets(%arg9 : memref<1000xi32, #tpu.memory_space<vmem>>) semaphore(%run_scoped3A : memref<!tpu.dma_semaphore, #tpu.memory_space<semaphore_mem>>) {add = true}
      %dma_wait3A_361 = arith.constant 0 : i32
      %dma_wait3A_362 = arith.constant 0 : i32
      %dma_wait3A_363 = tpu.memref_slice %arg17[%dma_wait3A_361, %dma_wait3A_362] : memref<10240x16xf32, #tpu.memory_space<vmem_shared>> -> memref<10240x16xf32, #tpu.memory_space<vmem_shared>>
      tpu.wait_indirect_dma semaphore(%run_scoped3A : memref<!tpu.dma_semaphore, #tpu.memory_space<semaphore_mem>>) src(%arg10 : memref<1000x16xf32, #tpu.memory_space<vmem>>) dst(%dma_wait3A_363 : memref<10240x16xf32, #tpu.memory_space<vmem_shared>>)
      tpu.yield
    }) : () -> ()
    %add3A_262 = arith.constant 2000 : i32
    %add3A_263 = arith.addi %mul3A_247, %add3A_262 : i32
    "tpu.region"() ({
      %run_scoped3A = tpu.sem_alloc : memref<!tpu.dma_semaphore, #tpu.memory_space<semaphore_mem>>
      %dma_start3A_358 = tpu.memref_slice %arg3[%add3A_263] : memref<320000xi32, #tpu.memory_space<hbm>> -> memref<1000xi32, #tpu.memory_space<hbm>>
      %dma_start3A_359 = tpu.memref_slice %arg3[%add3A_263] : memref<320000xi32, #tpu.memory_space<hbm>> -> memref<1000xi32, #tpu.memory_space<hbm>>
      tpu.enqueue_dma source(%dma_start3A_359 : memref<1000xi32, #tpu.memory_space<hbm>>) target(%arg8 : memref<1000xi32, #tpu.memory_space<vmem>>) target_semaphore(%run_scoped3A : memref<!tpu.dma_semaphore, #tpu.memory_space<semaphore_mem>>)
      %dma_wait3A_360 = tpu.memref_slice %arg3[%add3A_263] : memref<320000xi32, #tpu.memory_space<hbm>> -> memref<1000xi32, #tpu.memory_space<hbm>>
      %dma_wait3A_361 = tpu.memref_slice %arg3[%add3A_263] : memref<320000xi32, #tpu.memory_space<hbm>> -> memref<1000xi32, #tpu.memory_space<hbm>>
      tpu.wait_dma2 semaphore(%run_scoped3A : memref<!tpu.dma_semaphore, #tpu.memory_space<semaphore_mem>>) src(%dma_wait3A_361 : memref<1000xi32, #tpu.memory_space<hbm>>) dst(%arg8 : memref<1000xi32, #tpu.memory_space<vmem>>)
      tpu.yield
    }) : () -> ()
    "tpu.region"() ({
      %run_scoped3A = tpu.sem_alloc : memref<!tpu.dma_semaphore, #tpu.memory_space<semaphore_mem>>
      %dma_start3A_358 = tpu.memref_slice %arg4[%add3A_263] : memref<320000xi32, #tpu.memory_space<hbm>> -> memref<1000xi32, #tpu.memory_space<hbm>>
      %dma_start3A_359 = tpu.memref_slice %arg4[%add3A_263] : memref<320000xi32, #tpu.memory_space<hbm>> -> memref<1000xi32, #tpu.memory_space<hbm>>
      tpu.enqueue_dma source(%dma_start3A_359 : memref<1000xi32, #tpu.memory_space<hbm>>) target(%arg9 : memref<1000xi32, #tpu.memory_space<vmem>>) target_semaphore(%run_scoped3A : memref<!tpu.dma_semaphore, #tpu.memory_space<semaphore_mem>>)
      %dma_wait3A_360 = tpu.memref_slice %arg4[%add3A_263] : memref<320000xi32, #tpu.memory_space<hbm>> -> memref<1000xi32, #tpu.memory_space<hbm>>
      %dma_wait3A_361 = tpu.memref_slice %arg4[%add3A_263] : memref<320000xi32, #tpu.memory_space<hbm>> -> memref<1000xi32, #tpu.memory_space<hbm>>
      tpu.wait_dma2 semaphore(%run_scoped3A : memref<!tpu.dma_semaphore, #tpu.memory_space<semaphore_mem>>) src(%dma_wait3A_361 : memref<1000xi32, #tpu.memory_space<hbm>>) dst(%arg9 : memref<1000xi32, #tpu.memory_space<vmem>>)
      tpu.yield
    }) : () -> ()
    %dma_start3A_264 = arith.constant 0 : i32
    %dma_start3A_265 = arith.constant 0 : i32
    %dma_start3A_266 = tpu.memref_slice %arg16[%dma_start3A_264, %dma_start3A_265] : memref<10000x16xf32, #tpu.memory_space<vmem_shared>> -> memref<10000x16xf32, #tpu.memory_space<vmem_shared>>
    tpu.enqueue_indirect_dma source(%dma_start3A_266 : memref<10000x16xf32, #tpu.memory_space<vmem_shared>>) target(%arg10 : memref<1000x16xf32, #tpu.memory_space<vmem>>) offsets(%arg8 : memref<1000xi32, #tpu.memory_space<vmem>>) semaphore(%arg21 : memref<!tpu.dma_semaphore, #tpu.memory_space<semaphore_mem>>)
    %dma_wait3A_267 = arith.constant 0 : i32
    %dma_wait3A_268 = arith.constant 0 : i32
    %dma_wait3A_269 = tpu.memref_slice %arg16[%dma_wait3A_267, %dma_wait3A_268] : memref<10000x16xf32, #tpu.memory_space<vmem_shared>> -> memref<10000x16xf32, #tpu.memory_space<vmem_shared>>
    tpu.wait_indirect_dma semaphore(%arg21 : memref<!tpu.dma_semaphore, #tpu.memory_space<semaphore_mem>>) src(%dma_wait3A_269 : memref<10000x16xf32, #tpu.memory_space<vmem_shared>>) dst(%arg10 : memref<1000x16xf32, #tpu.memory_space<vmem>>)
    "tpu.region"() ({
      %run_scoped3A = tpu.sem_alloc : memref<!tpu.dma_semaphore, #tpu.memory_space<semaphore_mem>>
      %dma_start3A_358 = arith.constant 0 : i32
      %dma_start3A_359 = arith.constant 0 : i32
      %dma_start3A_360 = tpu.memref_slice %arg17[%dma_start3A_358, %dma_start3A_359] : memref<10240x16xf32, #tpu.memory_space<vmem_shared>> -> memref<10240x16xf32, #tpu.memory_space<vmem_shared>>
      tpu.enqueue_indirect_dma source(%arg10 : memref<1000x16xf32, #tpu.memory_space<vmem>>) target(%dma_start3A_360 : memref<10240x16xf32, #tpu.memory_space<vmem_shared>>) offsets(%arg9 : memref<1000xi32, #tpu.memory_space<vmem>>) semaphore(%run_scoped3A : memref<!tpu.dma_semaphore, #tpu.memory_space<semaphore_mem>>) {add = true}
      %dma_wait3A_361 = arith.constant 0 : i32
      %dma_wait3A_362 = arith.constant 0 : i32
      %dma_wait3A_363 = tpu.memref_slice %arg17[%dma_wait3A_361, %dma_wait3A_362] : memref<10240x16xf32, #tpu.memory_space<vmem_shared>> -> memref<10240x16xf32, #tpu.memory_space<vmem_shared>>
      tpu.wait_indirect_dma semaphore(%run_scoped3A : memref<!tpu.dma_semaphore, #tpu.memory_space<semaphore_mem>>) src(%arg10 : memref<1000x16xf32, #tpu.memory_space<vmem>>) dst(%dma_wait3A_363 : memref<10240x16xf32, #tpu.memory_space<vmem_shared>>)
      tpu.yield
    }) : () -> ()
    %add3A_270 = arith.constant 3000 : i32
    %add3A_271 = arith.addi %mul3A_247, %add3A_270 : i32
    "tpu.region"() ({
      %run_scoped3A = tpu.sem_alloc : memref<!tpu.dma_semaphore, #tpu.memory_space<semaphore_mem>>
      %dma_start3A_358 = tpu.memref_slice %arg3[%add3A_271] : memref<320000xi32, #tpu.memory_space<hbm>> -> memref<1000xi32, #tpu.memory_space<hbm>>
      %dma_start3A_359 = tpu.memref_slice %arg3[%add3A_271] : memref<320000xi32, #tpu.memory_space<hbm>> -> memref<1000xi32, #tpu.memory_space<hbm>>
      tpu.enqueue_dma source(%dma_start3A_359 : memref<1000xi32, #tpu.memory_space<hbm>>) target(%arg8 : memref<1000xi32, #tpu.memory_space<vmem>>) target_semaphore(%run_scoped3A : memref<!tpu.dma_semaphore, #tpu.memory_space<semaphore_mem>>)
      %dma_wait3A_360 = tpu.memref_slice %arg3[%add3A_271] : memref<320000xi32, #tpu.memory_space<hbm>> -> memref<1000xi32, #tpu.memory_space<hbm>>
      %dma_wait3A_361 = tpu.memref_slice %arg3[%add3A_271] : memref<320000xi32, #tpu.memory_space<hbm>> -> memref<1000xi32, #tpu.memory_space<hbm>>
      tpu.wait_dma2 semaphore(%run_scoped3A : memref<!tpu.dma_semaphore, #tpu.memory_space<semaphore_mem>>) src(%dma_wait3A_361 : memref<1000xi32, #tpu.memory_space<hbm>>) dst(%arg8 : memref<1000xi32, #tpu.memory_space<vmem>>)
      tpu.yield
    }) : () -> ()
    "tpu.region"() ({
      %run_scoped3A = tpu.sem_alloc : memref<!tpu.dma_semaphore, #tpu.memory_space<semaphore_mem>>
      %dma_start3A_358 = tpu.memref_slice %arg4[%add3A_271] : memref<320000xi32, #tpu.memory_space<hbm>> -> memref<1000xi32, #tpu.memory_space<hbm>>
      %dma_start3A_359 = tpu.memref_slice %arg4[%add3A_271] : memref<320000xi32, #tpu.memory_space<hbm>> -> memref<1000xi32, #tpu.memory_space<hbm>>
      tpu.enqueue_dma source(%dma_start3A_359 : memref<1000xi32, #tpu.memory_space<hbm>>) target(%arg9 : memref<1000xi32, #tpu.memory_space<vmem>>) target_semaphore(%run_scoped3A : memref<!tpu.dma_semaphore, #tpu.memory_space<semaphore_mem>>)
      %dma_wait3A_360 = tpu.memref_slice %arg4[%add3A_271] : memref<320000xi32, #tpu.memory_space<hbm>> -> memref<1000xi32, #tpu.memory_space<hbm>>
      %dma_wait3A_361 = tpu.memref_slice %arg4[%add3A_271] : memref<320000xi32, #tpu.memory_space<hbm>> -> memref<1000xi32, #tpu.memory_space<hbm>>
      tpu.wait_dma2 semaphore(%run_scoped3A : memref<!tpu.dma_semaphore, #tpu.memory_space<semaphore_mem>>) src(%dma_wait3A_361 : memref<1000xi32, #tpu.memory_space<hbm>>) dst(%arg9 : memref<1000xi32, #tpu.memory_space<vmem>>)
      tpu.yield
    }) : () -> ()
    %dma_start3A_272 = arith.constant 0 : i32
    %dma_start3A_273 = arith.constant 0 : i32
    %dma_start3A_274 = tpu.memref_slice %arg16[%dma_start3A_272, %dma_start3A_273] : memref<10000x16xf32, #tpu.memory_space<vmem_shared>> -> memref<10000x16xf32, #tpu.memory_space<vmem_shared>>
    tpu.enqueue_indirect_dma source(%dma_start3A_274 : memref<10000x16xf32, #tpu.memory_space<vmem_shared>>) target(%arg10 : memref<1000x16xf32, #tpu.memory_space<vmem>>) offsets(%arg8 : memref<1000xi32, #tpu.memory_space<vmem>>) semaphore(%arg21 : memref<!tpu.dma_semaphore, #tpu.memory_space<semaphore_mem>>)
    %dma_wait3A_275 = arith.constant 0 : i32
    %dma_wait3A_276 = arith.constant 0 : i32
    %dma_wait3A_277 = tpu.memref_slice %arg16[%dma_wait3A_275, %dma_wait3A_276] : memref<10000x16xf32, #tpu.memory_space<vmem_shared>> -> memref<10000x16xf32, #tpu.memory_space<vmem_shared>>
    tpu.wait_indirect_dma semaphore(%arg21 : memref<!tpu.dma_semaphore, #tpu.memory_space<semaphore_mem>>) src(%dma_wait3A_277 : memref<10000x16xf32, #tpu.memory_space<vmem_shared>>) dst(%arg10 : memref<1000x16xf32, #tpu.memory_space<vmem>>)
    "tpu.region"() ({
      %run_scoped3A = tpu.sem_alloc : memref<!tpu.dma_semaphore, #tpu.memory_space<semaphore_mem>>
      %dma_start3A_358 = arith.constant 0 : i32
      %dma_start3A_359 = arith.constant 0 : i32
      %dma_start3A_360 = tpu.memref_slice %arg17[%dma_start3A_358, %dma_start3A_359] : memref<10240x16xf32, #tpu.memory_space<vmem_shared>> -> memref<10240x16xf32, #tpu.memory_space<vmem_shared>>
      tpu.enqueue_indirect_dma source(%arg10 : memref<1000x16xf32, #tpu.memory_space<vmem>>) target(%dma_start3A_360 : memref<10240x16xf32, #tpu.memory_space<vmem_shared>>) offsets(%arg9 : memref<1000xi32, #tpu.memory_space<vmem>>) semaphore(%run_scoped3A : memref<!tpu.dma_semaphore, #tpu.memory_space<semaphore_mem>>) {add = true}
      %dma_wait3A_361 = arith.constant 0 : i32
      %dma_wait3A_362 = arith.constant 0 : i32
      %dma_wait3A_363 = tpu.memref_slice %arg17[%dma_wait3A_361, %dma_wait3A_362] : memref<10240x16xf32, #tpu.memory_space<vmem_shared>> -> memref<10240x16xf32, #tpu.memory_space<vmem_shared>>
      tpu.wait_indirect_dma semaphore(%run_scoped3A : memref<!tpu.dma_semaphore, #tpu.memory_space<semaphore_mem>>) src(%arg10 : memref<1000x16xf32, #tpu.memory_space<vmem>>) dst(%dma_wait3A_363 : memref<10240x16xf32, #tpu.memory_space<vmem_shared>>)
      tpu.yield
    }) : () -> ()
    %add3A_278 = arith.constant 4000 : i32
    %add3A_279 = arith.addi %mul3A_247, %add3A_278 : i32
    "tpu.region"() ({
      %run_scoped3A = tpu.sem_alloc : memref<!tpu.dma_semaphore, #tpu.memory_space<semaphore_mem>>
      %dma_start3A_358 = tpu.memref_slice %arg3[%add3A_279] : memref<320000xi32, #tpu.memory_space<hbm>> -> memref<1000xi32, #tpu.memory_space<hbm>>
      %dma_start3A_359 = tpu.memref_slice %arg3[%add3A_279] : memref<320000xi32, #tpu.memory_space<hbm>> -> memref<1000xi32, #tpu.memory_space<hbm>>
      tpu.enqueue_dma source(%dma_start3A_359 : memref<1000xi32, #tpu.memory_space<hbm>>) target(%arg8 : memref<1000xi32, #tpu.memory_space<vmem>>) target_semaphore(%run_scoped3A : memref<!tpu.dma_semaphore, #tpu.memory_space<semaphore_mem>>)
      %dma_wait3A_360 = tpu.memref_slice %arg3[%add3A_279] : memref<320000xi32, #tpu.memory_space<hbm>> -> memref<1000xi32, #tpu.memory_space<hbm>>
      %dma_wait3A_361 = tpu.memref_slice %arg3[%add3A_279] : memref<320000xi32, #tpu.memory_space<hbm>> -> memref<1000xi32, #tpu.memory_space<hbm>>
      tpu.wait_dma2 semaphore(%run_scoped3A : memref<!tpu.dma_semaphore, #tpu.memory_space<semaphore_mem>>) src(%dma_wait3A_361 : memref<1000xi32, #tpu.memory_space<hbm>>) dst(%arg8 : memref<1000xi32, #tpu.memory_space<vmem>>)
      tpu.yield
    }) : () -> ()
    "tpu.region"() ({
      %run_scoped3A = tpu.sem_alloc : memref<!tpu.dma_semaphore, #tpu.memory_space<semaphore_mem>>
      %dma_start3A_358 = tpu.memref_slice %arg4[%add3A_279] : memref<320000xi32, #tpu.memory_space<hbm>> -> memref<1000xi32, #tpu.memory_space<hbm>>
      %dma_start3A_359 = tpu.memref_slice %arg4[%add3A_279] : memref<320000xi32, #tpu.memory_space<hbm>> -> memref<1000xi32, #tpu.memory_space<hbm>>
      tpu.enqueue_dma source(%dma_start3A_359 : memref<1000xi32, #tpu.memory_space<hbm>>) target(%arg9 : memref<1000xi32, #tpu.memory_space<vmem>>) target_semaphore(%run_scoped3A : memref<!tpu.dma_semaphore, #tpu.memory_space<semaphore_mem>>)
      %dma_wait3A_360 = tpu.memref_slice %arg4[%add3A_279] : memref<320000xi32, #tpu.memory_space<hbm>> -> memref<1000xi32, #tpu.memory_space<hbm>>
      %dma_wait3A_361 = tpu.memref_slice %arg4[%add3A_279] : memref<320000xi32, #tpu.memory_space<hbm>> -> memref<1000xi32, #tpu.memory_space<hbm>>
      tpu.wait_dma2 semaphore(%run_scoped3A : memref<!tpu.dma_semaphore, #tpu.memory_space<semaphore_mem>>) src(%dma_wait3A_361 : memref<1000xi32, #tpu.memory_space<hbm>>) dst(%arg9 : memref<1000xi32, #tpu.memory_space<vmem>>)
      tpu.yield
    }) : () -> ()
    %dma_start3A_280 = arith.constant 0 : i32
    %dma_start3A_281 = arith.constant 0 : i32
    %dma_start3A_282 = tpu.memref_slice %arg16[%dma_start3A_280, %dma_start3A_281] : memref<10000x16xf32, #tpu.memory_space<vmem_shared>> -> memref<10000x16xf32, #tpu.memory_space<vmem_shared>>
    tpu.enqueue_indirect_dma source(%dma_start3A_282 : memref<10000x16xf32, #tpu.memory_space<vmem_shared>>) target(%arg10 : memref<1000x16xf32, #tpu.memory_space<vmem>>) offsets(%arg8 : memref<1000xi32, #tpu.memory_space<vmem>>) semaphore(%arg21 : memref<!tpu.dma_semaphore, #tpu.memory_space<semaphore_mem>>)
    %dma_wait3A_283 = arith.constant 0 : i32
    %dma_wait3A_284 = arith.constant 0 : i32
    %dma_wait3A_285 = tpu.memref_slice %arg16[%dma_wait3A_283, %dma_wait3A_284] : memref<10000x16xf32, #tpu.memory_space<vmem_shared>> -> memref<10000x16xf32, #tpu.memory_space<vmem_shared>>
    tpu.wait_indirect_dma semaphore(%arg21 : memref<!tpu.dma_semaphore, #tpu.memory_space<semaphore_mem>>) src(%dma_wait3A_285 : memref<10000x16xf32, #tpu.memory_space<vmem_shared>>) dst(%arg10 : memref<1000x16xf32, #tpu.memory_space<vmem>>)
    "tpu.region"() ({
      %run_scoped3A = tpu.sem_alloc : memref<!tpu.dma_semaphore, #tpu.memory_space<semaphore_mem>>
      %dma_start3A_358 = arith.constant 0 : i32
      %dma_start3A_359 = arith.constant 0 : i32
      %dma_start3A_360 = tpu.memref_slice %arg17[%dma_start3A_358, %dma_start3A_359] : memref<10240x16xf32, #tpu.memory_space<vmem_shared>> -> memref<10240x16xf32, #tpu.memory_space<vmem_shared>>
      tpu.enqueue_indirect_dma source(%arg10 : memref<1000x16xf32, #tpu.memory_space<vmem>>) target(%dma_start3A_360 : memref<10240x16xf32, #tpu.memory_space<vmem_shared>>) offsets(%arg9 : memref<1000xi32, #tpu.memory_space<vmem>>) semaphore(%run_scoped3A : memref<!tpu.dma_semaphore, #tpu.memory_space<semaphore_mem>>) {add = true}
      %dma_wait3A_361 = arith.constant 0 : i32
      %dma_wait3A_362 = arith.constant 0 : i32
      %dma_wait3A_363 = tpu.memref_slice %arg17[%dma_wait3A_361, %dma_wait3A_362] : memref<10240x16xf32, #tpu.memory_space<vmem_shared>> -> memref<10240x16xf32, #tpu.memory_space<vmem_shared>>
      tpu.wait_indirect_dma semaphore(%run_scoped3A : memref<!tpu.dma_semaphore, #tpu.memory_space<semaphore_mem>>) src(%arg10 : memref<1000x16xf32, #tpu.memory_space<vmem>>) dst(%dma_wait3A_363 : memref<10240x16xf32, #tpu.memory_space<vmem_shared>>)
      tpu.yield
    }) : () -> ()
    %add3A_286 = arith.constant 5000 : i32
    %add3A_287 = arith.addi %mul3A_247, %add3A_286 : i32
    "tpu.region"() ({
      %run_scoped3A = tpu.sem_alloc : memref<!tpu.dma_semaphore, #tpu.memory_space<semaphore_mem>>
      %dma_start3A_358 = tpu.memref_slice %arg3[%add3A_287] : memref<320000xi32, #tpu.memory_space<hbm>> -> memref<1000xi32, #tpu.memory_space<hbm>>
      %dma_start3A_359 = tpu.memref_slice %arg3[%add3A_287] : memref<320000xi32, #tpu.memory_space<hbm>> -> memref<1000xi32, #tpu.memory_space<hbm>>
      tpu.enqueue_dma source(%dma_start3A_359 : memref<1000xi32, #tpu.memory_space<hbm>>) target(%arg8 : memref<1000xi32, #tpu.memory_space<vmem>>) target_semaphore(%run_scoped3A : memref<!tpu.dma_semaphore, #tpu.memory_space<semaphore_mem>>)
      %dma_wait3A_360 = tpu.memref_slice %arg3[%add3A_287] : memref<320000xi32, #tpu.memory_space<hbm>> -> memref<1000xi32, #tpu.memory_space<hbm>>
      %dma_wait3A_361 = tpu.memref_slice %arg3[%add3A_287] : memref<320000xi32, #tpu.memory_space<hbm>> -> memref<1000xi32, #tpu.memory_space<hbm>>
      tpu.wait_dma2 semaphore(%run_scoped3A : memref<!tpu.dma_semaphore, #tpu.memory_space<semaphore_mem>>) src(%dma_wait3A_361 : memref<1000xi32, #tpu.memory_space<hbm>>) dst(%arg8 : memref<1000xi32, #tpu.memory_space<vmem>>)
      tpu.yield
    }) : () -> ()
    "tpu.region"() ({
      %run_scoped3A = tpu.sem_alloc : memref<!tpu.dma_semaphore, #tpu.memory_space<semaphore_mem>>
      %dma_start3A_358 = tpu.memref_slice %arg4[%add3A_287] : memref<320000xi32, #tpu.memory_space<hbm>> -> memref<1000xi32, #tpu.memory_space<hbm>>
      %dma_start3A_359 = tpu.memref_slice %arg4[%add3A_287] : memref<320000xi32, #tpu.memory_space<hbm>> -> memref<1000xi32, #tpu.memory_space<hbm>>
      tpu.enqueue_dma source(%dma_start3A_359 : memref<1000xi32, #tpu.memory_space<hbm>>) target(%arg9 : memref<1000xi32, #tpu.memory_space<vmem>>) target_semaphore(%run_scoped3A : memref<!tpu.dma_semaphore, #tpu.memory_space<semaphore_mem>>)
      %dma_wait3A_360 = tpu.memref_slice %arg4[%add3A_287] : memref<320000xi32, #tpu.memory_space<hbm>> -> memref<1000xi32, #tpu.memory_space<hbm>>
      %dma_wait3A_361 = tpu.memref_slice %arg4[%add3A_287] : memref<320000xi32, #tpu.memory_space<hbm>> -> memref<1000xi32, #tpu.memory_space<hbm>>
      tpu.wait_dma2 semaphore(%run_scoped3A : memref<!tpu.dma_semaphore, #tpu.memory_space<semaphore_mem>>) src(%dma_wait3A_361 : memref<1000xi32, #tpu.memory_space<hbm>>) dst(%arg9 : memref<1000xi32, #tpu.memory_space<vmem>>)
      tpu.yield
    }) : () -> ()
    %dma_start3A_288 = arith.constant 0 : i32
    %dma_start3A_289 = arith.constant 0 : i32
    %dma_start3A_290 = tpu.memref_slice %arg16[%dma_start3A_288, %dma_start3A_289] : memref<10000x16xf32, #tpu.memory_space<vmem_shared>> -> memref<10000x16xf32, #tpu.memory_space<vmem_shared>>
    tpu.enqueue_indirect_dma source(%dma_start3A_290 : memref<10000x16xf32, #tpu.memory_space<vmem_shared>>) target(%arg10 : memref<1000x16xf32, #tpu.memory_space<vmem>>) offsets(%arg8 : memref<1000xi32, #tpu.memory_space<vmem>>) semaphore(%arg21 : memref<!tpu.dma_semaphore, #tpu.memory_space<semaphore_mem>>)
    %dma_wait3A_291 = arith.constant 0 : i32
    %dma_wait3A_292 = arith.constant 0 : i32
    %dma_wait3A_293 = tpu.memref_slice %arg16[%dma_wait3A_291, %dma_wait3A_292] : memref<10000x16xf32, #tpu.memory_space<vmem_shared>> -> memref<10000x16xf32, #tpu.memory_space<vmem_shared>>
    tpu.wait_indirect_dma semaphore(%arg21 : memref<!tpu.dma_semaphore, #tpu.memory_space<semaphore_mem>>) src(%dma_wait3A_293 : memref<10000x16xf32, #tpu.memory_space<vmem_shared>>) dst(%arg10 : memref<1000x16xf32, #tpu.memory_space<vmem>>)
    "tpu.region"() ({
      %run_scoped3A = tpu.sem_alloc : memref<!tpu.dma_semaphore, #tpu.memory_space<semaphore_mem>>
      %dma_start3A_358 = arith.constant 0 : i32
      %dma_start3A_359 = arith.constant 0 : i32
      %dma_start3A_360 = tpu.memref_slice %arg17[%dma_start3A_358, %dma_start3A_359] : memref<10240x16xf32, #tpu.memory_space<vmem_shared>> -> memref<10240x16xf32, #tpu.memory_space<vmem_shared>>
      tpu.enqueue_indirect_dma source(%arg10 : memref<1000x16xf32, #tpu.memory_space<vmem>>) target(%dma_start3A_360 : memref<10240x16xf32, #tpu.memory_space<vmem_shared>>) offsets(%arg9 : memref<1000xi32, #tpu.memory_space<vmem>>) semaphore(%run_scoped3A : memref<!tpu.dma_semaphore, #tpu.memory_space<semaphore_mem>>) {add = true}
      %dma_wait3A_361 = arith.constant 0 : i32
      %dma_wait3A_362 = arith.constant 0 : i32
      %dma_wait3A_363 = tpu.memref_slice %arg17[%dma_wait3A_361, %dma_wait3A_362] : memref<10240x16xf32, #tpu.memory_space<vmem_shared>> -> memref<10240x16xf32, #tpu.memory_space<vmem_shared>>
      tpu.wait_indirect_dma semaphore(%run_scoped3A : memref<!tpu.dma_semaphore, #tpu.memory_space<semaphore_mem>>) src(%arg10 : memref<1000x16xf32, #tpu.memory_space<vmem>>) dst(%dma_wait3A_363 : memref<10240x16xf32, #tpu.memory_space<vmem_shared>>)
      tpu.yield
    }) : () -> ()
    %add3A_294 = arith.constant 6000 : i32
    %add3A_295 = arith.addi %mul3A_247, %add3A_294 : i32
    "tpu.region"() ({
      %run_scoped3A = tpu.sem_alloc : memref<!tpu.dma_semaphore, #tpu.memory_space<semaphore_mem>>
      %dma_start3A_358 = tpu.memref_slice %arg3[%add3A_295] : memref<320000xi32, #tpu.memory_space<hbm>> -> memref<1000xi32, #tpu.memory_space<hbm>>
      %dma_start3A_359 = tpu.memref_slice %arg3[%add3A_295] : memref<320000xi32, #tpu.memory_space<hbm>> -> memref<1000xi32, #tpu.memory_space<hbm>>
      tpu.enqueue_dma source(%dma_start3A_359 : memref<1000xi32, #tpu.memory_space<hbm>>) target(%arg8 : memref<1000xi32, #tpu.memory_space<vmem>>) target_semaphore(%run_scoped3A : memref<!tpu.dma_semaphore, #tpu.memory_space<semaphore_mem>>)
      %dma_wait3A_360 = tpu.memref_slice %arg3[%add3A_295] : memref<320000xi32, #tpu.memory_space<hbm>> -> memref<1000xi32, #tpu.memory_space<hbm>>
      %dma_wait3A_361 = tpu.memref_slice %arg3[%add3A_295] : memref<320000xi32, #tpu.memory_space<hbm>> -> memref<1000xi32, #tpu.memory_space<hbm>>
      tpu.wait_dma2 semaphore(%run_scoped3A : memref<!tpu.dma_semaphore, #tpu.memory_space<semaphore_mem>>) src(%dma_wait3A_361 : memref<1000xi32, #tpu.memory_space<hbm>>) dst(%arg8 : memref<1000xi32, #tpu.memory_space<vmem>>)
      tpu.yield
    }) : () -> ()
    "tpu.region"() ({
      %run_scoped3A = tpu.sem_alloc : memref<!tpu.dma_semaphore, #tpu.memory_space<semaphore_mem>>
      %dma_start3A_358 = tpu.memref_slice %arg4[%add3A_295] : memref<320000xi32, #tpu.memory_space<hbm>> -> memref<1000xi32, #tpu.memory_space<hbm>>
      %dma_start3A_359 = tpu.memref_slice %arg4[%add3A_295] : memref<320000xi32, #tpu.memory_space<hbm>> -> memref<1000xi32, #tpu.memory_space<hbm>>
      tpu.enqueue_dma source(%dma_start3A_359 : memref<1000xi32, #tpu.memory_space<hbm>>) target(%arg9 : memref<1000xi32, #tpu.memory_space<vmem>>) target_semaphore(%run_scoped3A : memref<!tpu.dma_semaphore, #tpu.memory_space<semaphore_mem>>)
      %dma_wait3A_360 = tpu.memref_slice %arg4[%add3A_295] : memref<320000xi32, #tpu.memory_space<hbm>> -> memref<1000xi32, #tpu.memory_space<hbm>>
      %dma_wait3A_361 = tpu.memref_slice %arg4[%add3A_295] : memref<320000xi32, #tpu.memory_space<hbm>> -> memref<1000xi32, #tpu.memory_space<hbm>>
      tpu.wait_dma2 semaphore(%run_scoped3A : memref<!tpu.dma_semaphore, #tpu.memory_space<semaphore_mem>>) src(%dma_wait3A_361 : memref<1000xi32, #tpu.memory_space<hbm>>) dst(%arg9 : memref<1000xi32, #tpu.memory_space<vmem>>)
      tpu.yield
    }) : () -> ()
    %dma_start3A_296 = arith.constant 0 : i32
    %dma_start3A_297 = arith.constant 0 : i32
    %dma_start3A_298 = tpu.memref_slice %arg16[%dma_start3A_296, %dma_start3A_297] : memref<10000x16xf32, #tpu.memory_space<vmem_shared>> -> memref<10000x16xf32, #tpu.memory_space<vmem_shared>>
    tpu.enqueue_indirect_dma source(%dma_start3A_298 : memref<10000x16xf32, #tpu.memory_space<vmem_shared>>) target(%arg10 : memref<1000x16xf32, #tpu.memory_space<vmem>>) offsets(%arg8 : memref<1000xi32, #tpu.memory_space<vmem>>) semaphore(%arg21 : memref<!tpu.dma_semaphore, #tpu.memory_space<semaphore_mem>>)
    %dma_wait3A_299 = arith.constant 0 : i32
    %dma_wait3A_300 = arith.constant 0 : i32
    %dma_wait3A_301 = tpu.memref_slice %arg16[%dma_wait3A_299, %dma_wait3A_300] : memref<10000x16xf32, #tpu.memory_space<vmem_shared>> -> memref<10000x16xf32, #tpu.memory_space<vmem_shared>>
    tpu.wait_indirect_dma semaphore(%arg21 : memref<!tpu.dma_semaphore, #tpu.memory_space<semaphore_mem>>) src(%dma_wait3A_301 : memref<10000x16xf32, #tpu.memory_space<vmem_shared>>) dst(%arg10 : memref<1000x16xf32, #tpu.memory_space<vmem>>)
    "tpu.region"() ({
      %run_scoped3A = tpu.sem_alloc : memref<!tpu.dma_semaphore, #tpu.memory_space<semaphore_mem>>
      %dma_start3A_358 = arith.constant 0 : i32
      %dma_start3A_359 = arith.constant 0 : i32
      %dma_start3A_360 = tpu.memref_slice %arg17[%dma_start3A_358, %dma_start3A_359] : memref<10240x16xf32, #tpu.memory_space<vmem_shared>> -> memref<10240x16xf32, #tpu.memory_space<vmem_shared>>
      tpu.enqueue_indirect_dma source(%arg10 : memref<1000x16xf32, #tpu.memory_space<vmem>>) target(%dma_start3A_360 : memref<10240x16xf32, #tpu.memory_space<vmem_shared>>) offsets(%arg9 : memref<1000xi32, #tpu.memory_space<vmem>>) semaphore(%run_scoped3A : memref<!tpu.dma_semaphore, #tpu.memory_space<semaphore_mem>>) {add = true}
      %dma_wait3A_361 = arith.constant 0 : i32
      %dma_wait3A_362 = arith.constant 0 : i32
      %dma_wait3A_363 = tpu.memref_slice %arg17[%dma_wait3A_361, %dma_wait3A_362] : memref<10240x16xf32, #tpu.memory_space<vmem_shared>> -> memref<10240x16xf32, #tpu.memory_space<vmem_shared>>
      tpu.wait_indirect_dma semaphore(%run_scoped3A : memref<!tpu.dma_semaphore, #tpu.memory_space<semaphore_mem>>) src(%arg10 : memref<1000x16xf32, #tpu.memory_space<vmem>>) dst(%dma_wait3A_363 : memref<10240x16xf32, #tpu.memory_space<vmem_shared>>)
      tpu.yield
    }) : () -> ()
    %add3A_302 = arith.constant 7000 : i32
    %add3A_303 = arith.addi %mul3A_247, %add3A_302 : i32
    "tpu.region"() ({
      %run_scoped3A = tpu.sem_alloc : memref<!tpu.dma_semaphore, #tpu.memory_space<semaphore_mem>>
      %dma_start3A_358 = tpu.memref_slice %arg3[%add3A_303] : memref<320000xi32, #tpu.memory_space<hbm>> -> memref<1000xi32, #tpu.memory_space<hbm>>
      %dma_start3A_359 = tpu.memref_slice %arg3[%add3A_303] : memref<320000xi32, #tpu.memory_space<hbm>> -> memref<1000xi32, #tpu.memory_space<hbm>>
      tpu.enqueue_dma source(%dma_start3A_359 : memref<1000xi32, #tpu.memory_space<hbm>>) target(%arg8 : memref<1000xi32, #tpu.memory_space<vmem>>) target_semaphore(%run_scoped3A : memref<!tpu.dma_semaphore, #tpu.memory_space<semaphore_mem>>)
      %dma_wait3A_360 = tpu.memref_slice %arg3[%add3A_303] : memref<320000xi32, #tpu.memory_space<hbm>> -> memref<1000xi32, #tpu.memory_space<hbm>>
      %dma_wait3A_361 = tpu.memref_slice %arg3[%add3A_303] : memref<320000xi32, #tpu.memory_space<hbm>> -> memref<1000xi32, #tpu.memory_space<hbm>>
      tpu.wait_dma2 semaphore(%run_scoped3A : memref<!tpu.dma_semaphore, #tpu.memory_space<semaphore_mem>>) src(%dma_wait3A_361 : memref<1000xi32, #tpu.memory_space<hbm>>) dst(%arg8 : memref<1000xi32, #tpu.memory_space<vmem>>)
      tpu.yield
    }) : () -> ()
    "tpu.region"() ({
      %run_scoped3A = tpu.sem_alloc : memref<!tpu.dma_semaphore, #tpu.memory_space<semaphore_mem>>
      %dma_start3A_358 = tpu.memref_slice %arg4[%add3A_303] : memref<320000xi32, #tpu.memory_space<hbm>> -> memref<1000xi32, #tpu.memory_space<hbm>>
      %dma_start3A_359 = tpu.memref_slice %arg4[%add3A_303] : memref<320000xi32, #tpu.memory_space<hbm>> -> memref<1000xi32, #tpu.memory_space<hbm>>
      tpu.enqueue_dma source(%dma_start3A_359 : memref<1000xi32, #tpu.memory_space<hbm>>) target(%arg9 : memref<1000xi32, #tpu.memory_space<vmem>>) target_semaphore(%run_scoped3A : memref<!tpu.dma_semaphore, #tpu.memory_space<semaphore_mem>>)
      %dma_wait3A_360 = tpu.memref_slice %arg4[%add3A_303] : memref<320000xi32, #tpu.memory_space<hbm>> -> memref<1000xi32, #tpu.memory_space<hbm>>
      %dma_wait3A_361 = tpu.memref_slice %arg4[%add3A_303] : memref<320000xi32, #tpu.memory_space<hbm>> -> memref<1000xi32, #tpu.memory_space<hbm>>
      tpu.wait_dma2 semaphore(%run_scoped3A : memref<!tpu.dma_semaphore, #tpu.memory_space<semaphore_mem>>) src(%dma_wait3A_361 : memref<1000xi32, #tpu.memory_space<hbm>>) dst(%arg9 : memref<1000xi32, #tpu.memory_space<vmem>>)
      tpu.yield
    }) : () -> ()
    %dma_start3A_304 = arith.constant 0 : i32
    %dma_start3A_305 = arith.constant 0 : i32
    %dma_start3A_306 = tpu.memref_slice %arg16[%dma_start3A_304, %dma_start3A_305] : memref<10000x16xf32, #tpu.memory_space<vmem_shared>> -> memref<10000x16xf32, #tpu.memory_space<vmem_shared>>
    tpu.enqueue_indirect_dma source(%dma_start3A_306 : memref<10000x16xf32, #tpu.memory_space<vmem_shared>>) target(%arg10 : memref<1000x16xf32, #tpu.memory_space<vmem>>) offsets(%arg8 : memref<1000xi32, #tpu.memory_space<vmem>>) semaphore(%arg21 : memref<!tpu.dma_semaphore, #tpu.memory_space<semaphore_mem>>)
    %dma_wait3A_307 = arith.constant 0 : i32
    %dma_wait3A_308 = arith.constant 0 : i32
    %dma_wait3A_309 = tpu.memref_slice %arg16[%dma_wait3A_307, %dma_wait3A_308] : memref<10000x16xf32, #tpu.memory_space<vmem_shared>> -> memref<10000x16xf32, #tpu.memory_space<vmem_shared>>
    tpu.wait_indirect_dma semaphore(%arg21 : memref<!tpu.dma_semaphore, #tpu.memory_space<semaphore_mem>>) src(%dma_wait3A_309 : memref<10000x16xf32, #tpu.memory_space<vmem_shared>>) dst(%arg10 : memref<1000x16xf32, #tpu.memory_space<vmem>>)
    "tpu.region"() ({
      %run_scoped3A = tpu.sem_alloc : memref<!tpu.dma_semaphore, #tpu.memory_space<semaphore_mem>>
      %dma_start3A_358 = arith.constant 0 : i32
      %dma_start3A_359 = arith.constant 0 : i32
      %dma_start3A_360 = tpu.memref_slice %arg17[%dma_start3A_358, %dma_start3A_359] : memref<10240x16xf32, #tpu.memory_space<vmem_shared>> -> memref<10240x16xf32, #tpu.memory_space<vmem_shared>>
      tpu.enqueue_indirect_dma source(%arg10 : memref<1000x16xf32, #tpu.memory_space<vmem>>) target(%dma_start3A_360 : memref<10240x16xf32, #tpu.memory_space<vmem_shared>>) offsets(%arg9 : memref<1000xi32, #tpu.memory_space<vmem>>) semaphore(%run_scoped3A : memref<!tpu.dma_semaphore, #tpu.memory_space<semaphore_mem>>) {add = true}
      %dma_wait3A_361 = arith.constant 0 : i32
      %dma_wait3A_362 = arith.constant 0 : i32
      %dma_wait3A_363 = tpu.memref_slice %arg17[%dma_wait3A_361, %dma_wait3A_362] : memref<10240x16xf32, #tpu.memory_space<vmem_shared>> -> memref<10240x16xf32, #tpu.memory_space<vmem_shared>>
      tpu.wait_indirect_dma semaphore(%run_scoped3A : memref<!tpu.dma_semaphore, #tpu.memory_space<semaphore_mem>>) src(%arg10 : memref<1000x16xf32, #tpu.memory_space<vmem>>) dst(%dma_wait3A_363 : memref<10240x16xf32, #tpu.memory_space<vmem_shared>>)
      tpu.yield
    }) : () -> ()
    %add3A_310 = arith.constant 8000 : i32
    %add3A_311 = arith.addi %mul3A_247, %add3A_310 : i32
    "tpu.region"() ({
      %run_scoped3A = tpu.sem_alloc : memref<!tpu.dma_semaphore, #tpu.memory_space<semaphore_mem>>
      %dma_start3A_358 = tpu.memref_slice %arg3[%add3A_311] : memref<320000xi32, #tpu.memory_space<hbm>> -> memref<1000xi32, #tpu.memory_space<hbm>>
      %dma_start3A_359 = tpu.memref_slice %arg3[%add3A_311] : memref<320000xi32, #tpu.memory_space<hbm>> -> memref<1000xi32, #tpu.memory_space<hbm>>
      tpu.enqueue_dma source(%dma_start3A_359 : memref<1000xi32, #tpu.memory_space<hbm>>) target(%arg8 : memref<1000xi32, #tpu.memory_space<vmem>>) target_semaphore(%run_scoped3A : memref<!tpu.dma_semaphore, #tpu.memory_space<semaphore_mem>>)
      %dma_wait3A_360 = tpu.memref_slice %arg3[%add3A_311] : memref<320000xi32, #tpu.memory_space<hbm>> -> memref<1000xi32, #tpu.memory_space<hbm>>
      %dma_wait3A_361 = tpu.memref_slice %arg3[%add3A_311] : memref<320000xi32, #tpu.memory_space<hbm>> -> memref<1000xi32, #tpu.memory_space<hbm>>
      tpu.wait_dma2 semaphore(%run_scoped3A : memref<!tpu.dma_semaphore, #tpu.memory_space<semaphore_mem>>) src(%dma_wait3A_361 : memref<1000xi32, #tpu.memory_space<hbm>>) dst(%arg8 : memref<1000xi32, #tpu.memory_space<vmem>>)
      tpu.yield
    }) : () -> ()
    "tpu.region"() ({
      %run_scoped3A = tpu.sem_alloc : memref<!tpu.dma_semaphore, #tpu.memory_space<semaphore_mem>>
      %dma_start3A_358 = tpu.memref_slice %arg4[%add3A_311] : memref<320000xi32, #tpu.memory_space<hbm>> -> memref<1000xi32, #tpu.memory_space<hbm>>
      %dma_start3A_359 = tpu.memref_slice %arg4[%add3A_311] : memref<320000xi32, #tpu.memory_space<hbm>> -> memref<1000xi32, #tpu.memory_space<hbm>>
      tpu.enqueue_dma source(%dma_start3A_359 : memref<1000xi32, #tpu.memory_space<hbm>>) target(%arg9 : memref<1000xi32, #tpu.memory_space<vmem>>) target_semaphore(%run_scoped3A : memref<!tpu.dma_semaphore, #tpu.memory_space<semaphore_mem>>)
      %dma_wait3A_360 = tpu.memref_slice %arg4[%add3A_311] : memref<320000xi32, #tpu.memory_space<hbm>> -> memref<1000xi32, #tpu.memory_space<hbm>>
      %dma_wait3A_361 = tpu.memref_slice %arg4[%add3A_311] : memref<320000xi32, #tpu.memory_space<hbm>> -> memref<1000xi32, #tpu.memory_space<hbm>>
      tpu.wait_dma2 semaphore(%run_scoped3A : memref<!tpu.dma_semaphore, #tpu.memory_space<semaphore_mem>>) src(%dma_wait3A_361 : memref<1000xi32, #tpu.memory_space<hbm>>) dst(%arg9 : memref<1000xi32, #tpu.memory_space<vmem>>)
      tpu.yield
    }) : () -> ()
    %dma_start3A_312 = arith.constant 0 : i32
    %dma_start3A_313 = arith.constant 0 : i32
    %dma_start3A_314 = tpu.memref_slice %arg16[%dma_start3A_312, %dma_start3A_313] : memref<10000x16xf32, #tpu.memory_space<vmem_shared>> -> memref<10000x16xf32, #tpu.memory_space<vmem_shared>>
    tpu.enqueue_indirect_dma source(%dma_start3A_314 : memref<10000x16xf32, #tpu.memory_space<vmem_shared>>) target(%arg10 : memref<1000x16xf32, #tpu.memory_space<vmem>>) offsets(%arg8 : memref<1000xi32, #tpu.memory_space<vmem>>) semaphore(%arg21 : memref<!tpu.dma_semaphore, #tpu.memory_space<semaphore_mem>>)
    %dma_wait3A_315 = arith.constant 0 : i32
    %dma_wait3A_316 = arith.constant 0 : i32
    %dma_wait3A_317 = tpu.memref_slice %arg16[%dma_wait3A_315, %dma_wait3A_316] : memref<10000x16xf32, #tpu.memory_space<vmem_shared>> -> memref<10000x16xf32, #tpu.memory_space<vmem_shared>>
    tpu.wait_indirect_dma semaphore(%arg21 : memref<!tpu.dma_semaphore, #tpu.memory_space<semaphore_mem>>) src(%dma_wait3A_317 : memref<10000x16xf32, #tpu.memory_space<vmem_shared>>) dst(%arg10 : memref<1000x16xf32, #tpu.memory_space<vmem>>)
    "tpu.region"() ({
      %run_scoped3A = tpu.sem_alloc : memref<!tpu.dma_semaphore, #tpu.memory_space<semaphore_mem>>
      %dma_start3A_358 = arith.constant 0 : i32
      %dma_start3A_359 = arith.constant 0 : i32
      %dma_start3A_360 = tpu.memref_slice %arg17[%dma_start3A_358, %dma_start3A_359] : memref<10240x16xf32, #tpu.memory_space<vmem_shared>> -> memref<10240x16xf32, #tpu.memory_space<vmem_shared>>
      tpu.enqueue_indirect_dma source(%arg10 : memref<1000x16xf32, #tpu.memory_space<vmem>>) target(%dma_start3A_360 : memref<10240x16xf32, #tpu.memory_space<vmem_shared>>) offsets(%arg9 : memref<1000xi32, #tpu.memory_space<vmem>>) semaphore(%run_scoped3A : memref<!tpu.dma_semaphore, #tpu.memory_space<semaphore_mem>>) {add = true}
      %dma_wait3A_361 = arith.constant 0 : i32
      %dma_wait3A_362 = arith.constant 0 : i32
      %dma_wait3A_363 = tpu.memref_slice %arg17[%dma_wait3A_361, %dma_wait3A_362] : memref<10240x16xf32, #tpu.memory_space<vmem_shared>> -> memref<10240x16xf32, #tpu.memory_space<vmem_shared>>
      tpu.wait_indirect_dma semaphore(%run_scoped3A : memref<!tpu.dma_semaphore, #tpu.memory_space<semaphore_mem>>) src(%arg10 : memref<1000x16xf32, #tpu.memory_space<vmem>>) dst(%dma_wait3A_363 : memref<10240x16xf32, #tpu.memory_space<vmem_shared>>)
      tpu.yield
    }) : () -> ()
    %add3A_318 = arith.constant 9000 : i32
    %add3A_319 = arith.addi %mul3A_247, %add3A_318 : i32
    "tpu.region"() ({
      %run_scoped3A = tpu.sem_alloc : memref<!tpu.dma_semaphore, #tpu.memory_space<semaphore_mem>>
      %dma_start3A_358 = tpu.memref_slice %arg3[%add3A_319] : memref<320000xi32, #tpu.memory_space<hbm>> -> memref<1000xi32, #tpu.memory_space<hbm>>
      %dma_start3A_359 = tpu.memref_slice %arg3[%add3A_319] : memref<320000xi32, #tpu.memory_space<hbm>> -> memref<1000xi32, #tpu.memory_space<hbm>>
      tpu.enqueue_dma source(%dma_start3A_359 : memref<1000xi32, #tpu.memory_space<hbm>>) target(%arg8 : memref<1000xi32, #tpu.memory_space<vmem>>) target_semaphore(%run_scoped3A : memref<!tpu.dma_semaphore, #tpu.memory_space<semaphore_mem>>)
      %dma_wait3A_360 = tpu.memref_slice %arg3[%add3A_319] : memref<320000xi32, #tpu.memory_space<hbm>> -> memref<1000xi32, #tpu.memory_space<hbm>>
      %dma_wait3A_361 = tpu.memref_slice %arg3[%add3A_319] : memref<320000xi32, #tpu.memory_space<hbm>> -> memref<1000xi32, #tpu.memory_space<hbm>>
      tpu.wait_dma2 semaphore(%run_scoped3A : memref<!tpu.dma_semaphore, #tpu.memory_space<semaphore_mem>>) src(%dma_wait3A_361 : memref<1000xi32, #tpu.memory_space<hbm>>) dst(%arg8 : memref<1000xi32, #tpu.memory_space<vmem>>)
      tpu.yield
    }) : () -> ()
    "tpu.region"() ({
      %run_scoped3A = tpu.sem_alloc : memref<!tpu.dma_semaphore, #tpu.memory_space<semaphore_mem>>
      %dma_start3A_358 = tpu.memref_slice %arg4[%add3A_319] : memref<320000xi32, #tpu.memory_space<hbm>> -> memref<1000xi32, #tpu.memory_space<hbm>>
      %dma_start3A_359 = tpu.memref_slice %arg4[%add3A_319] : memref<320000xi32, #tpu.memory_space<hbm>> -> memref<1000xi32, #tpu.memory_space<hbm>>
      tpu.enqueue_dma source(%dma_start3A_359 : memref<1000xi32, #tpu.memory_space<hbm>>) target(%arg9 : memref<1000xi32, #tpu.memory_space<vmem>>) target_semaphore(%run_scoped3A : memref<!tpu.dma_semaphore, #tpu.memory_space<semaphore_mem>>)
      %dma_wait3A_360 = tpu.memref_slice %arg4[%add3A_319] : memref<320000xi32, #tpu.memory_space<hbm>> -> memref<1000xi32, #tpu.memory_space<hbm>>
      %dma_wait3A_361 = tpu.memref_slice %arg4[%add3A_319] : memref<320000xi32, #tpu.memory_space<hbm>> -> memref<1000xi32, #tpu.memory_space<hbm>>
      tpu.wait_dma2 semaphore(%run_scoped3A : memref<!tpu.dma_semaphore, #tpu.memory_space<semaphore_mem>>) src(%dma_wait3A_361 : memref<1000xi32, #tpu.memory_space<hbm>>) dst(%arg9 : memref<1000xi32, #tpu.memory_space<vmem>>)
      tpu.yield
    }) : () -> ()
    %dma_start3A_320 = arith.constant 0 : i32
    %dma_start3A_321 = arith.constant 0 : i32
    %dma_start3A_322 = tpu.memref_slice %arg16[%dma_start3A_320, %dma_start3A_321] : memref<10000x16xf32, #tpu.memory_space<vmem_shared>> -> memref<10000x16xf32, #tpu.memory_space<vmem_shared>>
    tpu.enqueue_indirect_dma source(%dma_start3A_322 : memref<10000x16xf32, #tpu.memory_space<vmem_shared>>) target(%arg10 : memref<1000x16xf32, #tpu.memory_space<vmem>>) offsets(%arg8 : memref<1000xi32, #tpu.memory_space<vmem>>) semaphore(%arg21 : memref<!tpu.dma_semaphore, #tpu.memory_space<semaphore_mem>>)
    %dma_wait3A_323 = arith.constant 0 : i32
    %dma_wait3A_324 = arith.constant 0 : i32
    %dma_wait3A_325 = tpu.memref_slice %arg16[%dma_wait3A_323, %dma_wait3A_324] : memref<10000x16xf32, #tpu.memory_space<vmem_shared>> -> memref<10000x16xf32, #tpu.memory_space<vmem_shared>>
    tpu.wait_indirect_dma semaphore(%arg21 : memref<!tpu.dma_semaphore, #tpu.memory_space<semaphore_mem>>) src(%dma_wait3A_325 : memref<10000x16xf32, #tpu.memory_space<vmem_shared>>) dst(%arg10 : memref<1000x16xf32, #tpu.memory_space<vmem>>)
    "tpu.region"() ({
      %run_scoped3A = tpu.sem_alloc : memref<!tpu.dma_semaphore, #tpu.memory_space<semaphore_mem>>
      %dma_start3A_358 = arith.constant 0 : i32
      %dma_start3A_359 = arith.constant 0 : i32
      %dma_start3A_360 = tpu.memref_slice %arg17[%dma_start3A_358, %dma_start3A_359] : memref<10240x16xf32, #tpu.memory_space<vmem_shared>> -> memref<10240x16xf32, #tpu.memory_space<vmem_shared>>
      tpu.enqueue_indirect_dma source(%arg10 : memref<1000x16xf32, #tpu.memory_space<vmem>>) target(%dma_start3A_360 : memref<10240x16xf32, #tpu.memory_space<vmem_shared>>) offsets(%arg9 : memref<1000xi32, #tpu.memory_space<vmem>>) semaphore(%run_scoped3A : memref<!tpu.dma_semaphore, #tpu.memory_space<semaphore_mem>>) {add = true}
      %dma_wait3A_361 = arith.constant 0 : i32
      %dma_wait3A_362 = arith.constant 0 : i32
      %dma_wait3A_363 = tpu.memref_slice %arg17[%dma_wait3A_361, %dma_wait3A_362] : memref<10240x16xf32, #tpu.memory_space<vmem_shared>> -> memref<10240x16xf32, #tpu.memory_space<vmem_shared>>
      tpu.wait_indirect_dma semaphore(%run_scoped3A : memref<!tpu.dma_semaphore, #tpu.memory_space<semaphore_mem>>) src(%arg10 : memref<1000x16xf32, #tpu.memory_space<vmem>>) dst(%dma_wait3A_363 : memref<10240x16xf32, #tpu.memory_space<vmem_shared>>)
      tpu.yield
    }) : () -> ()
    %mul3A_326 = arith.constant 640 : i32
    %mul3A_327 = arith.muli %arg1, %mul3A_326 : i32
    "tpu.region"() ({
      %run_scoped3A = tpu.sem_alloc : memref<!tpu.dma_semaphore, #tpu.memory_space<semaphore_mem>>
      %dma_start3A_358 = arith.constant 0 : i32
      %dma_start3A_359 = tpu.memref_slice %arg5[%mul3A_327, %dma_start3A_358] : memref<10240x16xf32, #tpu.memory_space<hbm>> -> memref<640x16xf32, #tpu.memory_space<hbm>>
      %dma_start3A_360 = arith.constant 0 : i32
      %dma_start3A_361 = tpu.memref_slice %arg5[%mul3A_327, %dma_start3A_360] : memref<10240x16xf32, #tpu.memory_space<hbm>> -> memref<640x16xf32, #tpu.memory_space<hbm>>
      tpu.enqueue_dma source(%dma_start3A_361 : memref<640x16xf32, #tpu.memory_space<hbm>>) target(%arg15 : memref<640x16xf32, #tpu.memory_space<vmem>>) target_semaphore(%run_scoped3A : memref<!tpu.dma_semaphore, #tpu.memory_space<semaphore_mem>>)
      %dma_wait3A_362 = arith.constant 0 : i32
      %dma_wait3A_363 = tpu.memref_slice %arg5[%mul3A_327, %dma_wait3A_362] : memref<10240x16xf32, #tpu.memory_space<hbm>> -> memref<640x16xf32, #tpu.memory_space<hbm>>
      %dma_wait3A_364 = arith.constant 0 : i32
      %dma_wait3A_365 = tpu.memref_slice %arg5[%mul3A_327, %dma_wait3A_364] : memref<10240x16xf32, #tpu.memory_space<hbm>> -> memref<640x16xf32, #tpu.memory_space<hbm>>
      tpu.wait_dma2 semaphore(%run_scoped3A : memref<!tpu.dma_semaphore, #tpu.memory_space<semaphore_mem>>) src(%dma_wait3A_365 : memref<640x16xf32, #tpu.memory_space<hbm>>) dst(%arg15 : memref<640x16xf32, #tpu.memory_space<vmem>>)
      tpu.yield
    }) : () -> ()
    %mul3A_328 = arith.constant 640 : i32
    %mul3A_329 = arith.muli %arg1, %mul3A_328 : i32
    "tpu.region"() ({
      %run_scoped3A = tpu.sem_alloc : memref<!tpu.dma_semaphore, #tpu.memory_space<semaphore_mem>>
      %dma_start3A_358 = arith.constant 0 : i32
      %dma_start3A_359 = tpu.memref_slice %arg20[%dma_start3A_358, %mul3A_329] : memref<16x10240xf32, #tpu.memory_space<vmem_shared>> -> memref<16x640xf32, #tpu.memory_space<vmem_shared>>
      %dma_start3A_360 = arith.constant 0 : i32
      %dma_start3A_361 = tpu.memref_slice %arg20[%dma_start3A_360, %mul3A_329] : memref<16x10240xf32, #tpu.memory_space<vmem_shared>> -> memref<16x640xf32, #tpu.memory_space<vmem_shared>>
      tpu.enqueue_dma source(%dma_start3A_361 : memref<16x640xf32, #tpu.memory_space<vmem_shared>>) target(%arg19 : memref<16x640xf32, #tpu.memory_space<vmem>>) target_semaphore(%run_scoped3A : memref<!tpu.dma_semaphore, #tpu.memory_space<semaphore_mem>>)
      %dma_wait3A_362 = arith.constant 0 : i32
      %dma_wait3A_363 = tpu.memref_slice %arg20[%dma_wait3A_362, %mul3A_329] : memref<16x10240xf32, #tpu.memory_space<vmem_shared>> -> memref<16x640xf32, #tpu.memory_space<vmem_shared>>
      %dma_wait3A_364 = arith.constant 0 : i32
      %dma_wait3A_365 = tpu.memref_slice %arg20[%dma_wait3A_364, %mul3A_329] : memref<16x10240xf32, #tpu.memory_space<vmem_shared>> -> memref<16x640xf32, #tpu.memory_space<vmem_shared>>
      tpu.wait_dma2 semaphore(%run_scoped3A : memref<!tpu.dma_semaphore, #tpu.memory_space<semaphore_mem>>) src(%dma_wait3A_365 : memref<16x640xf32, #tpu.memory_space<vmem_shared>>) dst(%arg19 : memref<16x640xf32, #tpu.memory_space<vmem>>)
      tpu.yield
    }) : () -> ()
    %scan3A_330 = arith.constant 0 : i32
    %scan3A_331 = arith.constant 0 : i32
    %scan3A_332 = arith.constant 40 : i32
    %scan3A_333 = arith.addi %scan3A_331, %scan3A_332 : i32
    %scan3A_334 = arith.constant 1 : i32
    %scan3A_335 = scf.for %scan3A_358 = %scan3A_331 to %scan3A_333 step %scan3A_334 iter_args(%scan3A_359 = %scan3A_330) -> (i32)  : i32 {
      %mul3A_360 = arith.constant 16 : i32
      %mul3A_361 = arith.muli %scan3A_358, %mul3A_360 : i32
      %get3A = arith.constant 0 : i32
      %get3A_362 = arith.index_cast %get3A : i32 to index
      %get3A_363 = arith.index_cast %mul3A_361 : i32 to index
      %get3A_364 = tpu.vector_load %arg19[%get3A_362, %get3A_363] {strides = array<i32>} : memref<16x640xf32, #tpu.memory_space<vmem>>, vector<16xf32>,
      %mul3A_365 = arith.constant 16 : i32
      %mul3A_366 = arith.muli %scan3A_358, %mul3A_365 : i32
      %get3A_367 = arith.constant 1 : i32
      %get3A_368 = arith.index_cast %get3A_367 : i32 to index
      %get3A_369 = arith.index_cast %mul3A_366 : i32 to index
      %get3A_370 = tpu.vector_load %arg19[%get3A_368, %get3A_369] {strides = array<i32>} : memref<16x640xf32, #tpu.memory_space<vmem>>, vector<16xf32>,
      %add3A_371 = arith.addf %get3A_364, %get3A_370 : vector<16xf32>
      %mul3A_372 = arith.constant 16 : i32
      %mul3A_373 = arith.muli %scan3A_358, %mul3A_372 : i32
      %get3A_374 = arith.constant 2 : i32
      %get3A_375 = arith.index_cast %get3A_374 : i32 to index
      %get3A_376 = arith.index_cast %mul3A_373 : i32 to index
      %get3A_377 = tpu.vector_load %arg19[%get3A_375, %get3A_376] {strides = array<i32>} : memref<16x640xf32, #tpu.memory_space<vmem>>, vector<16xf32>,
      %add3A_378 = arith.addf %add3A_371, %get3A_377 : vector<16xf32>
      %mul3A_379 = arith.constant 16 : i32
      %mul3A_380 = arith.muli %scan3A_358, %mul3A_379 : i32
      %get3A_381 = arith.constant 3 : i32
      %get3A_382 = arith.index_cast %get3A_381 : i32 to index
      %get3A_383 = arith.index_cast %mul3A_380 : i32 to index
      %get3A_384 = tpu.vector_load %arg19[%get3A_382, %get3A_383] {strides = array<i32>} : memref<16x640xf32, #tpu.memory_space<vmem>>, vector<16xf32>,
      %add3A_385 = arith.addf %add3A_378, %get3A_384 : vector<16xf32>
      %mul3A_386 = arith.constant 16 : i32
      %mul3A_387 = arith.muli %scan3A_358, %mul3A_386 : i32
      %get3A_388 = arith.constant 4 : i32
      %get3A_389 = arith.index_cast %get3A_388 : i32 to index
      %get3A_390 = arith.index_cast %mul3A_387 : i32 to index
      %get3A_391 = tpu.vector_load %arg19[%get3A_389, %get3A_390] {strides = array<i32>} : memref<16x640xf32, #tpu.memory_space<vmem>>, vector<16xf32>,
      %add3A_392 = arith.addf %add3A_385, %get3A_391 : vector<16xf32>
      %mul3A_393 = arith.constant 16 : i32
      %mul3A_394 = arith.muli %scan3A_358, %mul3A_393 : i32
      %get3A_395 = arith.constant 5 : i32
      %get3A_396 = arith.index_cast %get3A_395 : i32 to index
      %get3A_397 = arith.index_cast %mul3A_394 : i32 to index
      %get3A_398 = tpu.vector_load %arg19[%get3A_396, %get3A_397] {strides = array<i32>} : memref<16x640xf32, #tpu.memory_space<vmem>>, vector<16xf32>,
      %add3A_399 = arith.addf %add3A_392, %get3A_398 : vector<16xf32>
      %mul3A_400 = arith.constant 16 : i32
      %mul3A_401 = arith.muli %scan3A_358, %mul3A_400 : i32
      %get3A_402 = arith.constant 6 : i32
      %get3A_403 = arith.index_cast %get3A_402 : i32 to index
      %get3A_404 = arith.index_cast %mul3A_401 : i32 to index
      %get3A_405 = tpu.vector_load %arg19[%get3A_403, %get3A_404] {strides = array<i32>} : memref<16x640xf32, #tpu.memory_space<vmem>>, vector<16xf32>,
      %add3A_406 = arith.addf %add3A_399, %get3A_405 : vector<16xf32>
      %mul3A_407 = arith.constant 16 : i32
      %mul3A_408 = arith.muli %scan3A_358, %mul3A_407 : i32
      %get3A_409 = arith.constant 7 : i32
      %get3A_410 = arith.index_cast %get3A_409 : i32 to index
      %get3A_411 = arith.index_cast %mul3A_408 : i32 to index
      %get3A_412 = tpu.vector_load %arg19[%get3A_410, %get3A_411] {strides = array<i32>} : memref<16x640xf32, #tpu.memory_space<vmem>>, vector<16xf32>,
      %add3A_413 = arith.addf %add3A_406, %get3A_412 : vector<16xf32>
      %mul3A_414 = arith.constant 16 : i32
      %mul3A_415 = arith.muli %scan3A_358, %mul3A_414 : i32
      %get3A_416 = arith.constant 8 : i32
      %get3A_417 = arith.index_cast %get3A_416 : i32 to index
      %get3A_418 = arith.index_cast %mul3A_415 : i32 to index
      %get3A_419 = tpu.vector_load %arg19[%get3A_417, %get3A_418] {strides = array<i32>} : memref<16x640xf32, #tpu.memory_space<vmem>>, vector<16xf32>,
      %add3A_420 = arith.addf %add3A_413, %get3A_419 : vector<16xf32>
      %mul3A_421 = arith.constant 16 : i32
      %mul3A_422 = arith.muli %scan3A_358, %mul3A_421 : i32
      %get3A_423 = arith.constant 9 : i32
      %get3A_424 = arith.index_cast %get3A_423 : i32 to index
      %get3A_425 = arith.index_cast %mul3A_422 : i32 to index
      %get3A_426 = tpu.vector_load %arg19[%get3A_424, %get3A_425] {strides = array<i32>} : memref<16x640xf32, #tpu.memory_space<vmem>>, vector<16xf32>,
      %add3A_427 = arith.addf %add3A_420, %get3A_426 : vector<16xf32>
      %mul3A_428 = arith.constant 16 : i32
      %mul3A_429 = arith.muli %scan3A_358, %mul3A_428 : i32
      %get3A_430 = arith.constant 10 : i32
      %get3A_431 = arith.index_cast %get3A_430 : i32 to index
      %get3A_432 = arith.index_cast %mul3A_429 : i32 to index
      %get3A_433 = tpu.vector_load %arg19[%get3A_431, %get3A_432] {strides = array<i32>} : memref<16x640xf32, #tpu.memory_space<vmem>>, vector<16xf32>,
      %add3A_434 = arith.addf %add3A_427, %get3A_433 : vector<16xf32>
      %mul3A_435 = arith.constant 16 : i32
      %mul3A_436 = arith.muli %scan3A_358, %mul3A_435 : i32
      %get3A_437 = arith.constant 11 : i32
      %get3A_438 = arith.index_cast %get3A_437 : i32 to index
      %get3A_439 = arith.index_cast %mul3A_436 : i32 to index
      %get3A_440 = tpu.vector_load %arg19[%get3A_438, %get3A_439] {strides = array<i32>} : memref<16x640xf32, #tpu.memory_space<vmem>>, vector<16xf32>,
      %add3A_441 = arith.addf %add3A_434, %get3A_440 : vector<16xf32>
      %mul3A_442 = arith.constant 16 : i32
      %mul3A_443 = arith.muli %scan3A_358, %mul3A_442 : i32
      %get3A_444 = arith.constant 12 : i32
      %get3A_445 = arith.index_cast %get3A_444 : i32 to index
      %get3A_446 = arith.index_cast %mul3A_443 : i32 to index
      %get3A_447 = tpu.vector_load %arg19[%get3A_445, %get3A_446] {strides = array<i32>} : memref<16x640xf32, #tpu.memory_space<vmem>>, vector<16xf32>,
      %add3A_448 = arith.addf %add3A_441, %get3A_447 : vector<16xf32>
      %mul3A_449 = arith.constant 16 : i32
      %mul3A_450 = arith.muli %scan3A_358, %mul3A_449 : i32
      %get3A_451 = arith.constant 13 : i32
      %get3A_452 = arith.index_cast %get3A_451 : i32 to index
      %get3A_453 = arith.index_cast %mul3A_450 : i32 to index
      %get3A_454 = tpu.vector_load %arg19[%get3A_452, %get3A_453] {strides = array<i32>} : memref<16x640xf32, #tpu.memory_space<vmem>>, vector<16xf32>,
      %add3A_455 = arith.addf %add3A_448, %get3A_454 : vector<16xf32>
      %mul3A_456 = arith.constant 16 : i32
      %mul3A_457 = arith.muli %scan3A_358, %mul3A_456 : i32
      %get3A_458 = arith.constant 14 : i32
      %get3A_459 = arith.index_cast %get3A_458 : i32 to index
      %get3A_460 = arith.index_cast %mul3A_457 : i32 to index
      %get3A_461 = tpu.vector_load %arg19[%get3A_459, %get3A_460] {strides = array<i32>} : memref<16x640xf32, #tpu.memory_space<vmem>>, vector<16xf32>,
      %add3A_462 = arith.addf %add3A_455, %get3A_461 : vector<16xf32>
      %mul3A_463 = arith.constant 16 : i32
      %mul3A_464 = arith.muli %scan3A_358, %mul3A_463 : i32
      %get3A_465 = arith.constant 15 : i32
      %get3A_466 = arith.index_cast %get3A_465 : i32 to index
      %get3A_467 = arith.index_cast %mul3A_464 : i32 to index
      %get3A_468 = tpu.vector_load %arg19[%get3A_466, %get3A_467] {strides = array<i32>} : memref<16x640xf32, #tpu.memory_space<vmem>>, vector<16xf32>,
      %add3A_469 = arith.addf %add3A_462, %get3A_468 : vector<16xf32>
      %max3A = arith.constant 1.000000e+00 : f32
      %max3A_470 = vector.broadcast %max3A : f32 to vector<16xf32>
      %max3A_471 = arith.maximumf %add3A_469, %max3A_470 : vector<16xf32>
      %div3A = arith.constant 1.000000e+00 : f32
      %div3A_472 = vector.broadcast %div3A : f32 to vector<16xf32>
      %div3A_473 = arith.divf %div3A_472, %max3A_471 : vector<16xf32>
      %mul3A_474 = arith.constant 16 : i32
      %mul3A_475 = arith.muli %scan3A_358, %mul3A_474 : i32
      %swap3A = arith.index_cast %mul3A_475 : i32 to index
      %swap3A_476 = tpu.vector_load %arg14[%swap3A] {strides = array<i32>} : memref<640xf32, #tpu.memory_space<vmem>>, vector<16xf32>,
      tpu.vector_store %arg14[%swap3A], %div3A_473 {strides = array<i32>} : memref<640xf32, #tpu.memory_space<vmem>>, vector<16xf32>,
      %scan3A_477 = arith.constant 0 : i32
      scf.yield %scan3A_477 : i32
    }
    %scan3A_336 = arith.constant 40 : i32
    %barrier3A_337 = arith.constant 0 : index
    tpu.barrier barrier_id(%barrier3A_337)
    %mul3A_338 = arith.constant 640 : i32
    %mul3A_339 = arith.muli %arg1, %mul3A_338 : i32
    "tpu.region"() ({
      %run_scoped3A = tpu.sem_alloc : memref<!tpu.dma_semaphore, #tpu.memory_space<semaphore_mem>>
      %dma_start3A_358 = arith.constant 0 : i32
      %dma_start3A_359 = arith.constant 0 : i32
      %dma_start3A_360 = tpu.memref_slice %arg10[%dma_start3A_358, %dma_start3A_359] : memref<1000x16xf32, #tpu.memory_space<vmem>> -> memref<640x16xf32, #tpu.memory_space<vmem>>
      %dma_start3A_361 = arith.constant 0 : i32
      %dma_start3A_362 = tpu.memref_slice %arg17[%mul3A_339, %dma_start3A_361] : memref<10240x16xf32, #tpu.memory_space<vmem_shared>> -> memref<640x16xf32, #tpu.memory_space<vmem_shared>>
      %dma_start3A_363 = arith.constant 0 : i32
      %dma_start3A_364 = arith.constant 0 : i32
      %dma_start3A_365 = tpu.memref_slice %arg10[%dma_start3A_363, %dma_start3A_364] : memref<1000x16xf32, #tpu.memory_space<vmem>> -> memref<640x16xf32, #tpu.memory_space<vmem>>
      %dma_start3A_366 = arith.constant 0 : i32
      %dma_start3A_367 = tpu.memref_slice %arg17[%mul3A_339, %dma_start3A_366] : memref<10240x16xf32, #tpu.memory_space<vmem_shared>> -> memref<640x16xf32, #tpu.memory_space<vmem_shared>>
      tpu.enqueue_dma source(%dma_start3A_367 : memref<640x16xf32, #tpu.memory_space<vmem_shared>>) target(%dma_start3A_365 : memref<640x16xf32, #tpu.memory_space<vmem>>) target_semaphore(%run_scoped3A : memref<!tpu.dma_semaphore, #tpu.memory_space<semaphore_mem>>)
      %dma_wait3A_368 = arith.constant 0 : i32
      %dma_wait3A_369 = arith.constant 0 : i32
      %dma_wait3A_370 = tpu.memref_slice %arg10[%dma_wait3A_368, %dma_wait3A_369] : memref<1000x16xf32, #tpu.memory_space<vmem>> -> memref<640x16xf32, #tpu.memory_space<vmem>>
      %dma_wait3A_371 = arith.constant 0 : i32
      %dma_wait3A_372 = tpu.memref_slice %arg17[%mul3A_339, %dma_wait3A_371] : memref<10240x16xf32, #tpu.memory_space<vmem_shared>> -> memref<640x16xf32, #tpu.memory_space<vmem_shared>>
      %dma_wait3A_373 = arith.constant 0 : i32
      %dma_wait3A_374 = arith.constant 0 : i32
      %dma_wait3A_375 = tpu.memref_slice %arg10[%dma_wait3A_373, %dma_wait3A_374] : memref<1000x16xf32, #tpu.memory_space<vmem>> -> memref<640x16xf32, #tpu.memory_space<vmem>>
      %dma_wait3A_376 = arith.constant 0 : i32
      %dma_wait3A_377 = tpu.memref_slice %arg17[%mul3A_339, %dma_wait3A_376] : memref<10240x16xf32, #tpu.memory_space<vmem_shared>> -> memref<640x16xf32, #tpu.memory_space<vmem_shared>>
      tpu.wait_dma2 semaphore(%run_scoped3A : memref<!tpu.dma_semaphore, #tpu.memory_space<semaphore_mem>>) src(%dma_wait3A_377 : memref<640x16xf32, #tpu.memory_space<vmem_shared>>) dst(%dma_wait3A_375 : memref<640x16xf32, #tpu.memory_space<vmem>>)
      tpu.yield
    }) : () -> ()
    %eq3A = arith.constant 0 : i32
    %eq3A_340 = arith.cmpi eq, %arg0, %eq3A : i32
    %jit3A = arith.constant 1.000000e+00 : f32
    %jit3A_341 = arith.constant 0.000000e+00 : f32
    %select_n3A = arith.select %eq3A_340, %jit3A, %jit3A_341 : f32
    %broadcast_in_dim3A_342 = vector.broadcast %select_n3A : f32 to vector<16xf32>
    %scan3A_343 = arith.constant 0 : i32
    %scan3A_344 = arith.constant 0 : i32
    %scan3A_345 = arith.constant 40 : i32
    %scan3A_346 = arith.addi %scan3A_344, %scan3A_345 : i32
    %scan3A_347 = arith.constant 1 : i32
    %scan3A_348 = scf.for %scan3A_358 = %scan3A_344 to %scan3A_346 step %scan3A_347 iter_args(%scan3A_359 = %scan3A_343) -> (i32)  : i32 {
      %mul3A_360 = arith.constant 16 : i32
      %mul3A_361 = arith.muli %scan3A_358, %mul3A_360 : i32
      %get3A = arith.index_cast %mul3A_361 : i32 to index
      %get3A_362 = tpu.vector_load %arg14[%get3A] {strides = array<i32>} : memref<640xf32, #tpu.memory_space<vmem>>, vector<16xf32>,
      %mul3A_363 = arith.constant 16 : i32
      %mul3A_364 = arith.muli %scan3A_358, %mul3A_363 : i32
      %add3A_365 = arith.constant 0 : i32
      %add3A_366 = arith.addi %mul3A_364, %add3A_365 : i32
      %get3A_367 = arith.index_cast %add3A_366 : i32 to index
      %get3A_368 = arith.constant 0 : index
      %get3A_369 = tpu.vector_load %arg10[%get3A_367, %get3A_368] {strides = array<i32>} : memref<1000x16xf32, #tpu.memory_space<vmem>>, vector<16xf32>,
      %slice3A = vector.extract_strided_slice %get3A_362 {offsets = [0], sizes = [1], strides = [1]} : vector<16xf32> to vector<1xf32>
      %squeeze3A = vector.extract %slice3A[0] : f32 from vector<1xf32>
      %broadcast_in_dim3A_370 = vector.broadcast %squeeze3A : f32 to vector<16xf32>
      %mul3A_371 = arith.mulf %get3A_369, %broadcast_in_dim3A_370 : vector<16xf32>
      %get3A_372 = arith.index_cast %add3A_366 : i32 to index
      %get3A_373 = arith.constant 0 : index
      %get3A_374 = tpu.vector_load %arg15[%get3A_372, %get3A_373] {strides = array<i32>} : memref<640x16xf32, #tpu.memory_space<vmem>>, vector<16xf32>,
      %mul3A_375 = arith.mulf %get3A_374, %broadcast_in_dim3A_342 : vector<16xf32>
      %add3A_376 = arith.addf %mul3A_371, %mul3A_375 : vector<16xf32>
      %swap3A = arith.index_cast %add3A_366 : i32 to index
      %swap3A_377 = arith.constant 0 : index
      %swap3A_378 = tpu.vector_load %arg10[%swap3A, %swap3A_377] {strides = array<i32>} : memref<1000x16xf32, #tpu.memory_space<vmem>>, vector<16xf32>,
      tpu.vector_store %arg10[%swap3A, %swap3A_377], %add3A_376 {strides = array<i32>} : memref<1000x16xf32, #tpu.memory_space<vmem>>, vector<16xf32>,
      %mul3A_379 = arith.constant 16 : i32
      %mul3A_380 = arith.muli %scan3A_358, %mul3A_379 : i32
      %add3A_381 = arith.constant 1 : i32
      %add3A_382 = arith.addi %mul3A_380, %add3A_381 : i32
      %get3A_383 = arith.index_cast %add3A_382 : i32 to index
      %get3A_384 = arith.constant 0 : index
      %get3A_385 = tpu.vector_load %arg10[%get3A_383, %get3A_384] {strides = array<i32>} : memref<1000x16xf32, #tpu.memory_space<vmem>>, vector<16xf32>,
      %slice3A_386 = vector.extract_strided_slice %get3A_362 {offsets = [1], sizes = [1], strides = [1]} : vector<16xf32> to vector<1xf32>
      %squeeze3A_387 = vector.extract %slice3A_386[0] : f32 from vector<1xf32>
      %broadcast_in_dim3A_388 = vector.broadcast %squeeze3A_387 : f32 to vector<16xf32>
      %mul3A_389 = arith.mulf %get3A_385, %broadcast_in_dim3A_388 : vector<16xf32>
      %get3A_390 = arith.index_cast %add3A_382 : i32 to index
      %get3A_391 = arith.constant 0 : index
      %get3A_392 = tpu.vector_load %arg15[%get3A_390, %get3A_391] {strides = array<i32>} : memref<640x16xf32, #tpu.memory_space<vmem>>, vector<16xf32>,
      %mul3A_393 = arith.mulf %get3A_392, %broadcast_in_dim3A_342 : vector<16xf32>
      %add3A_394 = arith.addf %mul3A_389, %mul3A_393 : vector<16xf32>
      %swap3A_395 = arith.index_cast %add3A_382 : i32 to index
      %swap3A_396 = arith.constant 0 : index
      %swap3A_397 = tpu.vector_load %arg10[%swap3A_395, %swap3A_396] {strides = array<i32>} : memref<1000x16xf32, #tpu.memory_space<vmem>>, vector<16xf32>,
      tpu.vector_store %arg10[%swap3A_395, %swap3A_396], %add3A_394 {strides = array<i32>} : memref<1000x16xf32, #tpu.memory_space<vmem>>, vector<16xf32>,
      %mul3A_398 = arith.constant 16 : i32
      %mul3A_399 = arith.muli %scan3A_358, %mul3A_398 : i32
      %add3A_400 = arith.constant 2 : i32
      %add3A_401 = arith.addi %mul3A_399, %add3A_400 : i32
      %get3A_402 = arith.index_cast %add3A_401 : i32 to index
      %get3A_403 = arith.constant 0 : index
      %get3A_404 = tpu.vector_load %arg10[%get3A_402, %get3A_403] {strides = array<i32>} : memref<1000x16xf32, #tpu.memory_space<vmem>>, vector<16xf32>,
      %slice3A_405 = vector.extract_strided_slice %get3A_362 {offsets = [2], sizes = [1], strides = [1]} : vector<16xf32> to vector<1xf32>
      %squeeze3A_406 = vector.extract %slice3A_405[0] : f32 from vector<1xf32>
      %broadcast_in_dim3A_407 = vector.broadcast %squeeze3A_406 : f32 to vector<16xf32>
      %mul3A_408 = arith.mulf %get3A_404, %broadcast_in_dim3A_407 : vector<16xf32>
      %get3A_409 = arith.index_cast %add3A_401 : i32 to index
      %get3A_410 = arith.constant 0 : index
      %get3A_411 = tpu.vector_load %arg15[%get3A_409, %get3A_410] {strides = array<i32>} : memref<640x16xf32, #tpu.memory_space<vmem>>, vector<16xf32>,
      %mul3A_412 = arith.mulf %get3A_411, %broadcast_in_dim3A_342 : vector<16xf32>
      %add3A_413 = arith.addf %mul3A_408, %mul3A_412 : vector<16xf32>
      %swap3A_414 = arith.index_cast %add3A_401 : i32 to index
      %swap3A_415 = arith.constant 0 : index
      %swap3A_416 = tpu.vector_load %arg10[%swap3A_414, %swap3A_415] {strides = array<i32>} : memref<1000x16xf32, #tpu.memory_space<vmem>>, vector<16xf32>,
      tpu.vector_store %arg10[%swap3A_414, %swap3A_415], %add3A_413 {strides = array<i32>} : memref<1000x16xf32, #tpu.memory_space<vmem>>, vector<16xf32>,
      %mul3A_417 = arith.constant 16 : i32
      %mul3A_418 = arith.muli %scan3A_358, %mul3A_417 : i32
      %add3A_419 = arith.constant 3 : i32
      %add3A_420 = arith.addi %mul3A_418, %add3A_419 : i32
      %get3A_421 = arith.index_cast %add3A_420 : i32 to index
      %get3A_422 = arith.constant 0 : index
      %get3A_423 = tpu.vector_load %arg10[%get3A_421, %get3A_422] {strides = array<i32>} : memref<1000x16xf32, #tpu.memory_space<vmem>>, vector<16xf32>,
      %slice3A_424 = vector.extract_strided_slice %get3A_362 {offsets = [3], sizes = [1], strides = [1]} : vector<16xf32> to vector<1xf32>
      %squeeze3A_425 = vector.extract %slice3A_424[0] : f32 from vector<1xf32>
      %broadcast_in_dim3A_426 = vector.broadcast %squeeze3A_425 : f32 to vector<16xf32>
      %mul3A_427 = arith.mulf %get3A_423, %broadcast_in_dim3A_426 : vector<16xf32>
      %get3A_428 = arith.index_cast %add3A_420 : i32 to index
      %get3A_429 = arith.constant 0 : index
      %get3A_430 = tpu.vector_load %arg15[%get3A_428, %get3A_429] {strides = array<i32>} : memref<640x16xf32, #tpu.memory_space<vmem>>, vector<16xf32>,
      %mul3A_431 = arith.mulf %get3A_430, %broadcast_in_dim3A_342 : vector<16xf32>
      %add3A_432 = arith.addf %mul3A_427, %mul3A_431 : vector<16xf32>
      %swap3A_433 = arith.index_cast %add3A_420 : i32 to index
      %swap3A_434 = arith.constant 0 : index
      %swap3A_435 = tpu.vector_load %arg10[%swap3A_433, %swap3A_434] {strides = array<i32>} : memref<1000x16xf32, #tpu.memory_space<vmem>>, vector<16xf32>,
      tpu.vector_store %arg10[%swap3A_433, %swap3A_434], %add3A_432 {strides = array<i32>} : memref<1000x16xf32, #tpu.memory_space<vmem>>, vector<16xf32>,
      %mul3A_436 = arith.constant 16 : i32
      %mul3A_437 = arith.muli %scan3A_358, %mul3A_436 : i32
      %add3A_438 = arith.constant 4 : i32
      %add3A_439 = arith.addi %mul3A_437, %add3A_438 : i32
      %get3A_440 = arith.index_cast %add3A_439 : i32 to index
      %get3A_441 = arith.constant 0 : index
      %get3A_442 = tpu.vector_load %arg10[%get3A_440, %get3A_441] {strides = array<i32>} : memref<1000x16xf32, #tpu.memory_space<vmem>>, vector<16xf32>,
      %slice3A_443 = vector.extract_strided_slice %get3A_362 {offsets = [4], sizes = [1], strides = [1]} : vector<16xf32> to vector<1xf32>
      %squeeze3A_444 = vector.extract %slice3A_443[0] : f32 from vector<1xf32>
      %broadcast_in_dim3A_445 = vector.broadcast %squeeze3A_444 : f32 to vector<16xf32>
      %mul3A_446 = arith.mulf %get3A_442, %broadcast_in_dim3A_445 : vector<16xf32>
      %get3A_447 = arith.index_cast %add3A_439 : i32 to index
      %get3A_448 = arith.constant 0 : index
      %get3A_449 = tpu.vector_load %arg15[%get3A_447, %get3A_448] {strides = array<i32>} : memref<640x16xf32, #tpu.memory_space<vmem>>, vector<16xf32>,
      %mul3A_450 = arith.mulf %get3A_449, %broadcast_in_dim3A_342 : vector<16xf32>
      %add3A_451 = arith.addf %mul3A_446, %mul3A_450 : vector<16xf32>
      %swap3A_452 = arith.index_cast %add3A_439 : i32 to index
      %swap3A_453 = arith.constant 0 : index
      %swap3A_454 = tpu.vector_load %arg10[%swap3A_452, %swap3A_453] {strides = array<i32>} : memref<1000x16xf32, #tpu.memory_space<vmem>>, vector<16xf32>,
      tpu.vector_store %arg10[%swap3A_452, %swap3A_453], %add3A_451 {strides = array<i32>} : memref<1000x16xf32, #tpu.memory_space<vmem>>, vector<16xf32>,
      %mul3A_455 = arith.constant 16 : i32
      %mul3A_456 = arith.muli %scan3A_358, %mul3A_455 : i32
      %add3A_457 = arith.constant 5 : i32
      %add3A_458 = arith.addi %mul3A_456, %add3A_457 : i32
      %get3A_459 = arith.index_cast %add3A_458 : i32 to index
      %get3A_460 = arith.constant 0 : index
      %get3A_461 = tpu.vector_load %arg10[%get3A_459, %get3A_460] {strides = array<i32>} : memref<1000x16xf32, #tpu.memory_space<vmem>>, vector<16xf32>,
      %slice3A_462 = vector.extract_strided_slice %get3A_362 {offsets = [5], sizes = [1], strides = [1]} : vector<16xf32> to vector<1xf32>
      %squeeze3A_463 = vector.extract %slice3A_462[0] : f32 from vector<1xf32>
      %broadcast_in_dim3A_464 = vector.broadcast %squeeze3A_463 : f32 to vector<16xf32>
      %mul3A_465 = arith.mulf %get3A_461, %broadcast_in_dim3A_464 : vector<16xf32>
      %get3A_466 = arith.index_cast %add3A_458 : i32 to index
      %get3A_467 = arith.constant 0 : index
      %get3A_468 = tpu.vector_load %arg15[%get3A_466, %get3A_467] {strides = array<i32>} : memref<640x16xf32, #tpu.memory_space<vmem>>, vector<16xf32>,
      %mul3A_469 = arith.mulf %get3A_468, %broadcast_in_dim3A_342 : vector<16xf32>
      %add3A_470 = arith.addf %mul3A_465, %mul3A_469 : vector<16xf32>
      %swap3A_471 = arith.index_cast %add3A_458 : i32 to index
      %swap3A_472 = arith.constant 0 : index
      %swap3A_473 = tpu.vector_load %arg10[%swap3A_471, %swap3A_472] {strides = array<i32>} : memref<1000x16xf32, #tpu.memory_space<vmem>>, vector<16xf32>,
      tpu.vector_store %arg10[%swap3A_471, %swap3A_472], %add3A_470 {strides = array<i32>} : memref<1000x16xf32, #tpu.memory_space<vmem>>, vector<16xf32>,
      %mul3A_474 = arith.constant 16 : i32
      %mul3A_475 = arith.muli %scan3A_358, %mul3A_474 : i32
      %add3A_476 = arith.constant 6 : i32
      %add3A_477 = arith.addi %mul3A_475, %add3A_476 : i32
      %get3A_478 = arith.index_cast %add3A_477 : i32 to index
      %get3A_479 = arith.constant 0 : index
      %get3A_480 = tpu.vector_load %arg10[%get3A_478, %get3A_479] {strides = array<i32>} : memref<1000x16xf32, #tpu.memory_space<vmem>>, vector<16xf32>,
      %slice3A_481 = vector.extract_strided_slice %get3A_362 {offsets = [6], sizes = [1], strides = [1]} : vector<16xf32> to vector<1xf32>
      %squeeze3A_482 = vector.extract %slice3A_481[0] : f32 from vector<1xf32>
      %broadcast_in_dim3A_483 = vector.broadcast %squeeze3A_482 : f32 to vector<16xf32>
      %mul3A_484 = arith.mulf %get3A_480, %broadcast_in_dim3A_483 : vector<16xf32>
      %get3A_485 = arith.index_cast %add3A_477 : i32 to index
      %get3A_486 = arith.constant 0 : index
      %get3A_487 = tpu.vector_load %arg15[%get3A_485, %get3A_486] {strides = array<i32>} : memref<640x16xf32, #tpu.memory_space<vmem>>, vector<16xf32>,
      %mul3A_488 = arith.mulf %get3A_487, %broadcast_in_dim3A_342 : vector<16xf32>
      %add3A_489 = arith.addf %mul3A_484, %mul3A_488 : vector<16xf32>
      %swap3A_490 = arith.index_cast %add3A_477 : i32 to index
      %swap3A_491 = arith.constant 0 : index
      %swap3A_492 = tpu.vector_load %arg10[%swap3A_490, %swap3A_491] {strides = array<i32>} : memref<1000x16xf32, #tpu.memory_space<vmem>>, vector<16xf32>,
      tpu.vector_store %arg10[%swap3A_490, %swap3A_491], %add3A_489 {strides = array<i32>} : memref<1000x16xf32, #tpu.memory_space<vmem>>, vector<16xf32>,
      %mul3A_493 = arith.constant 16 : i32
      %mul3A_494 = arith.muli %scan3A_358, %mul3A_493 : i32
      %add3A_495 = arith.constant 7 : i32
      %add3A_496 = arith.addi %mul3A_494, %add3A_495 : i32
      %get3A_497 = arith.index_cast %add3A_496 : i32 to index
      %get3A_498 = arith.constant 0 : index
      %get3A_499 = tpu.vector_load %arg10[%get3A_497, %get3A_498] {strides = array<i32>} : memref<1000x16xf32, #tpu.memory_space<vmem>>, vector<16xf32>,
      %slice3A_500 = vector.extract_strided_slice %get3A_362 {offsets = [7], sizes = [1], strides = [1]} : vector<16xf32> to vector<1xf32>
      %squeeze3A_501 = vector.extract %slice3A_500[0] : f32 from vector<1xf32>
      %broadcast_in_dim3A_502 = vector.broadcast %squeeze3A_501 : f32 to vector<16xf32>
      %mul3A_503 = arith.mulf %get3A_499, %broadcast_in_dim3A_502 : vector<16xf32>
      %get3A_504 = arith.index_cast %add3A_496 : i32 to index
      %get3A_505 = arith.constant 0 : index
      %get3A_506 = tpu.vector_load %arg15[%get3A_504, %get3A_505] {strides = array<i32>} : memref<640x16xf32, #tpu.memory_space<vmem>>, vector<16xf32>,
      %mul3A_507 = arith.mulf %get3A_506, %broadcast_in_dim3A_342 : vector<16xf32>
      %add3A_508 = arith.addf %mul3A_503, %mul3A_507 : vector<16xf32>
      %swap3A_509 = arith.index_cast %add3A_496 : i32 to index
      %swap3A_510 = arith.constant 0 : index
      %swap3A_511 = tpu.vector_load %arg10[%swap3A_509, %swap3A_510] {strides = array<i32>} : memref<1000x16xf32, #tpu.memory_space<vmem>>, vector<16xf32>,
      tpu.vector_store %arg10[%swap3A_509, %swap3A_510], %add3A_508 {strides = array<i32>} : memref<1000x16xf32, #tpu.memory_space<vmem>>, vector<16xf32>,
      %mul3A_512 = arith.constant 16 : i32
      %mul3A_513 = arith.muli %scan3A_358, %mul3A_512 : i32
      %add3A_514 = arith.constant 8 : i32
      %add3A_515 = arith.addi %mul3A_513, %add3A_514 : i32
      %get3A_516 = arith.index_cast %add3A_515 : i32 to index
      %get3A_517 = arith.constant 0 : index
      %get3A_518 = tpu.vector_load %arg10[%get3A_516, %get3A_517] {strides = array<i32>} : memref<1000x16xf32, #tpu.memory_space<vmem>>, vector<16xf32>,
      %slice3A_519 = vector.extract_strided_slice %get3A_362 {offsets = [8], sizes = [1], strides = [1]} : vector<16xf32> to vector<1xf32>
      %squeeze3A_520 = vector.extract %slice3A_519[0] : f32 from vector<1xf32>
      %broadcast_in_dim3A_521 = vector.broadcast %squeeze3A_520 : f32 to vector<16xf32>
      %mul3A_522 = arith.mulf %get3A_518, %broadcast_in_dim3A_521 : vector<16xf32>
      %get3A_523 = arith.index_cast %add3A_515 : i32 to index
      %get3A_524 = arith.constant 0 : index
      %get3A_525 = tpu.vector_load %arg15[%get3A_523, %get3A_524] {strides = array<i32>} : memref<640x16xf32, #tpu.memory_space<vmem>>, vector<16xf32>,
      %mul3A_526 = arith.mulf %get3A_525, %broadcast_in_dim3A_342 : vector<16xf32>
      %add3A_527 = arith.addf %mul3A_522, %mul3A_526 : vector<16xf32>
      %swap3A_528 = arith.index_cast %add3A_515 : i32 to index
      %swap3A_529 = arith.constant 0 : index
      %swap3A_530 = tpu.vector_load %arg10[%swap3A_528, %swap3A_529] {strides = array<i32>} : memref<1000x16xf32, #tpu.memory_space<vmem>>, vector<16xf32>,
      tpu.vector_store %arg10[%swap3A_528, %swap3A_529], %add3A_527 {strides = array<i32>} : memref<1000x16xf32, #tpu.memory_space<vmem>>, vector<16xf32>,
      %mul3A_531 = arith.constant 16 : i32
      %mul3A_532 = arith.muli %scan3A_358, %mul3A_531 : i32
      %add3A_533 = arith.constant 9 : i32
      %add3A_534 = arith.addi %mul3A_532, %add3A_533 : i32
      %get3A_535 = arith.index_cast %add3A_534 : i32 to index
      %get3A_536 = arith.constant 0 : index
      %get3A_537 = tpu.vector_load %arg10[%get3A_535, %get3A_536] {strides = array<i32>} : memref<1000x16xf32, #tpu.memory_space<vmem>>, vector<16xf32>,
      %slice3A_538 = vector.extract_strided_slice %get3A_362 {offsets = [9], sizes = [1], strides = [1]} : vector<16xf32> to vector<1xf32>
      %squeeze3A_539 = vector.extract %slice3A_538[0] : f32 from vector<1xf32>
      %broadcast_in_dim3A_540 = vector.broadcast %squeeze3A_539 : f32 to vector<16xf32>
      %mul3A_541 = arith.mulf %get3A_537, %broadcast_in_dim3A_540 : vector<16xf32>
      %get3A_542 = arith.index_cast %add3A_534 : i32 to index
      %get3A_543 = arith.constant 0 : index
      %get3A_544 = tpu.vector_load %arg15[%get3A_542, %get3A_543] {strides = array<i32>} : memref<640x16xf32, #tpu.memory_space<vmem>>, vector<16xf32>,
      %mul3A_545 = arith.mulf %get3A_544, %broadcast_in_dim3A_342 : vector<16xf32>
      %add3A_546 = arith.addf %mul3A_541, %mul3A_545 : vector<16xf32>
      %swap3A_547 = arith.index_cast %add3A_534 : i32 to index
      %swap3A_548 = arith.constant 0 : index
      %swap3A_549 = tpu.vector_load %arg10[%swap3A_547, %swap3A_548] {strides = array<i32>} : memref<1000x16xf32, #tpu.memory_space<vmem>>, vector<16xf32>,
      tpu.vector_store %arg10[%swap3A_547, %swap3A_548], %add3A_546 {strides = array<i32>} : memref<1000x16xf32, #tpu.memory_space<vmem>>, vector<16xf32>,
      %mul3A_550 = arith.constant 16 : i32
      %mul3A_551 = arith.muli %scan3A_358, %mul3A_550 : i32
      %add3A_552 = arith.constant 10 : i32
      %add3A_553 = arith.addi %mul3A_551, %add3A_552 : i32
      %get3A_554 = arith.index_cast %add3A_553 : i32 to index
      %get3A_555 = arith.constant 0 : index
      %get3A_556 = tpu.vector_load %arg10[%get3A_554, %get3A_555] {strides = array<i32>} : memref<1000x16xf32, #tpu.memory_space<vmem>>, vector<16xf32>,
      %slice3A_557 = vector.extract_strided_slice %get3A_362 {offsets = [10], sizes = [1], strides = [1]} : vector<16xf32> to vector<1xf32>
      %squeeze3A_558 = vector.extract %slice3A_557[0] : f32 from vector<1xf32>
      %broadcast_in_dim3A_559 = vector.broadcast %squeeze3A_558 : f32 to vector<16xf32>
      %mul3A_560 = arith.mulf %get3A_556, %broadcast_in_dim3A_559 : vector<16xf32>
      %get3A_561 = arith.index_cast %add3A_553 : i32 to index
      %get3A_562 = arith.constant 0 : index
      %get3A_563 = tpu.vector_load %arg15[%get3A_561, %get3A_562] {strides = array<i32>} : memref<640x16xf32, #tpu.memory_space<vmem>>, vector<16xf32>,
      %mul3A_564 = arith.mulf %get3A_563, %broadcast_in_dim3A_342 : vector<16xf32>
      %add3A_565 = arith.addf %mul3A_560, %mul3A_564 : vector<16xf32>
      %swap3A_566 = arith.index_cast %add3A_553 : i32 to index
      %swap3A_567 = arith.constant 0 : index
      %swap3A_568 = tpu.vector_load %arg10[%swap3A_566, %swap3A_567] {strides = array<i32>} : memref<1000x16xf32, #tpu.memory_space<vmem>>, vector<16xf32>,
      tpu.vector_store %arg10[%swap3A_566, %swap3A_567], %add3A_565 {strides = array<i32>} : memref<1000x16xf32, #tpu.memory_space<vmem>>, vector<16xf32>,
      %mul3A_569 = arith.constant 16 : i32
      %mul3A_570 = arith.muli %scan3A_358, %mul3A_569 : i32
      %add3A_571 = arith.constant 11 : i32
      %add3A_572 = arith.addi %mul3A_570, %add3A_571 : i32
      %get3A_573 = arith.index_cast %add3A_572 : i32 to index
      %get3A_574 = arith.constant 0 : index
      %get3A_575 = tpu.vector_load %arg10[%get3A_573, %get3A_574] {strides = array<i32>} : memref<1000x16xf32, #tpu.memory_space<vmem>>, vector<16xf32>,
      %slice3A_576 = vector.extract_strided_slice %get3A_362 {offsets = [11], sizes = [1], strides = [1]} : vector<16xf32> to vector<1xf32>
      %squeeze3A_577 = vector.extract %slice3A_576[0] : f32 from vector<1xf32>
      %broadcast_in_dim3A_578 = vector.broadcast %squeeze3A_577 : f32 to vector<16xf32>
      %mul3A_579 = arith.mulf %get3A_575, %broadcast_in_dim3A_578 : vector<16xf32>
      %get3A_580 = arith.index_cast %add3A_572 : i32 to index
      %get3A_581 = arith.constant 0 : index
      %get3A_582 = tpu.vector_load %arg15[%get3A_580, %get3A_581] {strides = array<i32>} : memref<640x16xf32, #tpu.memory_space<vmem>>, vector<16xf32>,
      %mul3A_583 = arith.mulf %get3A_582, %broadcast_in_dim3A_342 : vector<16xf32>
      %add3A_584 = arith.addf %mul3A_579, %mul3A_583 : vector<16xf32>
      %swap3A_585 = arith.index_cast %add3A_572 : i32 to index
      %swap3A_586 = arith.constant 0 : index
      %swap3A_587 = tpu.vector_load %arg10[%swap3A_585, %swap3A_586] {strides = array<i32>} : memref<1000x16xf32, #tpu.memory_space<vmem>>, vector<16xf32>,
      tpu.vector_store %arg10[%swap3A_585, %swap3A_586], %add3A_584 {strides = array<i32>} : memref<1000x16xf32, #tpu.memory_space<vmem>>, vector<16xf32>,
      %mul3A_588 = arith.constant 16 : i32
      %mul3A_589 = arith.muli %scan3A_358, %mul3A_588 : i32
      %add3A_590 = arith.constant 12 : i32
      %add3A_591 = arith.addi %mul3A_589, %add3A_590 : i32
      %get3A_592 = arith.index_cast %add3A_591 : i32 to index
      %get3A_593 = arith.constant 0 : index
      %get3A_594 = tpu.vector_load %arg10[%get3A_592, %get3A_593] {strides = array<i32>} : memref<1000x16xf32, #tpu.memory_space<vmem>>, vector<16xf32>,
      %slice3A_595 = vector.extract_strided_slice %get3A_362 {offsets = [12], sizes = [1], strides = [1]} : vector<16xf32> to vector<1xf32>
      %squeeze3A_596 = vector.extract %slice3A_595[0] : f32 from vector<1xf32>
      %broadcast_in_dim3A_597 = vector.broadcast %squeeze3A_596 : f32 to vector<16xf32>
      %mul3A_598 = arith.mulf %get3A_594, %broadcast_in_dim3A_597 : vector<16xf32>
      %get3A_599 = arith.index_cast %add3A_591 : i32 to index
      %get3A_600 = arith.constant 0 : index
      %get3A_601 = tpu.vector_load %arg15[%get3A_599, %get3A_600] {strides = array<i32>} : memref<640x16xf32, #tpu.memory_space<vmem>>, vector<16xf32>,
      %mul3A_602 = arith.mulf %get3A_601, %broadcast_in_dim3A_342 : vector<16xf32>
      %add3A_603 = arith.addf %mul3A_598, %mul3A_602 : vector<16xf32>
      %swap3A_604 = arith.index_cast %add3A_591 : i32 to index
      %swap3A_605 = arith.constant 0 : index
      %swap3A_606 = tpu.vector_load %arg10[%swap3A_604, %swap3A_605] {strides = array<i32>} : memref<1000x16xf32, #tpu.memory_space<vmem>>, vector<16xf32>,
      tpu.vector_store %arg10[%swap3A_604, %swap3A_605], %add3A_603 {strides = array<i32>} : memref<1000x16xf32, #tpu.memory_space<vmem>>, vector<16xf32>,
      %mul3A_607 = arith.constant 16 : i32
      %mul3A_608 = arith.muli %scan3A_358, %mul3A_607 : i32
      %add3A_609 = arith.constant 13 : i32
      %add3A_610 = arith.addi %mul3A_608, %add3A_609 : i32
      %get3A_611 = arith.index_cast %add3A_610 : i32 to index
      %get3A_612 = arith.constant 0 : index
      %get3A_613 = tpu.vector_load %arg10[%get3A_611, %get3A_612] {strides = array<i32>} : memref<1000x16xf32, #tpu.memory_space<vmem>>, vector<16xf32>,
      %slice3A_614 = vector.extract_strided_slice %get3A_362 {offsets = [13], sizes = [1], strides = [1]} : vector<16xf32> to vector<1xf32>
      %squeeze3A_615 = vector.extract %slice3A_614[0] : f32 from vector<1xf32>
      %broadcast_in_dim3A_616 = vector.broadcast %squeeze3A_615 : f32 to vector<16xf32>
      %mul3A_617 = arith.mulf %get3A_613, %broadcast_in_dim3A_616 : vector<16xf32>
      %get3A_618 = arith.index_cast %add3A_610 : i32 to index
      %get3A_619 = arith.constant 0 : index
      %get3A_620 = tpu.vector_load %arg15[%get3A_618, %get3A_619] {strides = array<i32>} : memref<640x16xf32, #tpu.memory_space<vmem>>, vector<16xf32>,
      %mul3A_621 = arith.mulf %get3A_620, %broadcast_in_dim3A_342 : vector<16xf32>
      %add3A_622 = arith.addf %mul3A_617, %mul3A_621 : vector<16xf32>
      %swap3A_623 = arith.index_cast %add3A_610 : i32 to index
      %swap3A_624 = arith.constant 0 : index
      %swap3A_625 = tpu.vector_load %arg10[%swap3A_623, %swap3A_624] {strides = array<i32>} : memref<1000x16xf32, #tpu.memory_space<vmem>>, vector<16xf32>,
      tpu.vector_store %arg10[%swap3A_623, %swap3A_624], %add3A_622 {strides = array<i32>} : memref<1000x16xf32, #tpu.memory_space<vmem>>, vector<16xf32>,
      %mul3A_626 = arith.constant 16 : i32
      %mul3A_627 = arith.muli %scan3A_358, %mul3A_626 : i32
      %add3A_628 = arith.constant 14 : i32
      %add3A_629 = arith.addi %mul3A_627, %add3A_628 : i32
      %get3A_630 = arith.index_cast %add3A_629 : i32 to index
      %get3A_631 = arith.constant 0 : index
      %get3A_632 = tpu.vector_load %arg10[%get3A_630, %get3A_631] {strides = array<i32>} : memref<1000x16xf32, #tpu.memory_space<vmem>>, vector<16xf32>,
      %slice3A_633 = vector.extract_strided_slice %get3A_362 {offsets = [14], sizes = [1], strides = [1]} : vector<16xf32> to vector<1xf32>
      %squeeze3A_634 = vector.extract %slice3A_633[0] : f32 from vector<1xf32>
      %broadcast_in_dim3A_635 = vector.broadcast %squeeze3A_634 : f32 to vector<16xf32>
      %mul3A_636 = arith.mulf %get3A_632, %broadcast_in_dim3A_635 : vector<16xf32>
      %get3A_637 = arith.index_cast %add3A_629 : i32 to index
      %get3A_638 = arith.constant 0 : index
      %get3A_639 = tpu.vector_load %arg15[%get3A_637, %get3A_638] {strides = array<i32>} : memref<640x16xf32, #tpu.memory_space<vmem>>, vector<16xf32>,
      %mul3A_640 = arith.mulf %get3A_639, %broadcast_in_dim3A_342 : vector<16xf32>
      %add3A_641 = arith.addf %mul3A_636, %mul3A_640 : vector<16xf32>
      %swap3A_642 = arith.index_cast %add3A_629 : i32 to index
      %swap3A_643 = arith.constant 0 : index
      %swap3A_644 = tpu.vector_load %arg10[%swap3A_642, %swap3A_643] {strides = array<i32>} : memref<1000x16xf32, #tpu.memory_space<vmem>>, vector<16xf32>,
      tpu.vector_store %arg10[%swap3A_642, %swap3A_643], %add3A_641 {strides = array<i32>} : memref<1000x16xf32, #tpu.memory_space<vmem>>, vector<16xf32>,
      %mul3A_645 = arith.constant 16 : i32
      %mul3A_646 = arith.muli %scan3A_358, %mul3A_645 : i32
      %add3A_647 = arith.constant 15 : i32
      %add3A_648 = arith.addi %mul3A_646, %add3A_647 : i32
      %get3A_649 = arith.index_cast %add3A_648 : i32 to index
      %get3A_650 = arith.constant 0 : index
      %get3A_651 = tpu.vector_load %arg10[%get3A_649, %get3A_650] {strides = array<i32>} : memref<1000x16xf32, #tpu.memory_space<vmem>>, vector<16xf32>,
      %slice3A_652 = vector.extract_strided_slice %get3A_362 {offsets = [15], sizes = [1], strides = [1]} : vector<16xf32> to vector<1xf32>
      %squeeze3A_653 = vector.extract %slice3A_652[0] : f32 from vector<1xf32>
      %broadcast_in_dim3A_654 = vector.broadcast %squeeze3A_653 : f32 to vector<16xf32>
      %mul3A_655 = arith.mulf %get3A_651, %broadcast_in_dim3A_654 : vector<16xf32>
      %get3A_656 = arith.index_cast %add3A_648 : i32 to index
      %get3A_657 = arith.constant 0 : index
      %get3A_658 = tpu.vector_load %arg15[%get3A_656, %get3A_657] {strides = array<i32>} : memref<640x16xf32, #tpu.memory_space<vmem>>, vector<16xf32>,
      %mul3A_659 = arith.mulf %get3A_658, %broadcast_in_dim3A_342 : vector<16xf32>
      %add3A_660 = arith.addf %mul3A_655, %mul3A_659 : vector<16xf32>
      %swap3A_661 = arith.index_cast %add3A_648 : i32 to index
      %swap3A_662 = arith.constant 0 : index
      %swap3A_663 = tpu.vector_load %arg10[%swap3A_661, %swap3A_662] {strides = array<i32>} : memref<1000x16xf32, #tpu.memory_space<vmem>>, vector<16xf32>,
      tpu.vector_store %arg10[%swap3A_661, %swap3A_662], %add3A_660 {strides = array<i32>} : memref<1000x16xf32, #tpu.memory_space<vmem>>, vector<16xf32>,
      %scan3A_664 = arith.constant 0 : i32
      scf.yield %scan3A_664 : i32
    }
    %scan3A_349 = arith.constant 40 : i32
    %mul3A_350 = arith.constant 10240 : i32
    %mul3A_351 = arith.muli %arg0, %mul3A_350 : i32
    %add3A_352 = arith.addi %mul3A_351, %mul3A_339 : i32
    "tpu.region"() ({
      %run_scoped3A = tpu.sem_alloc : memref<!tpu.dma_semaphore, #tpu.memory_space<semaphore_mem>>
      %dma_start3A_358 = arith.constant 0 : i32
      %dma_start3A_359 = arith.constant 0 : i32
      %dma_start3A_360 = tpu.memref_slice %arg10[%dma_start3A_358, %dma_start3A_359] : memref<1000x16xf32, #tpu.memory_space<vmem>> -> memref<640x16xf32, #tpu.memory_space<vmem>>
      %dma_start3A_361 = arith.constant 0 : i32
      %dma_start3A_362 = tpu.memref_slice %arg6[%add3A_352, %dma_start3A_361] : memref<20480x16xf32, #tpu.memory_space<hbm>> -> memref<640x16xf32, #tpu.memory_space<hbm>>
      %dma_start3A_363 = arith.constant 0 : i32
      %dma_start3A_364 = tpu.memref_slice %arg6[%add3A_352, %dma_start3A_363] : memref<20480x16xf32, #tpu.memory_space<hbm>> -> memref<640x16xf32, #tpu.memory_space<hbm>>
      %dma_start3A_365 = arith.constant 0 : i32
      %dma_start3A_366 = arith.constant 0 : i32
      %dma_start3A_367 = tpu.memref_slice %arg10[%dma_start3A_365, %dma_start3A_366] : memref<1000x16xf32, #tpu.memory_space<vmem>> -> memref<640x16xf32, #tpu.memory_space<vmem>>
      tpu.enqueue_dma source(%dma_start3A_367 : memref<640x16xf32, #tpu.memory_space<vmem>>) target(%dma_start3A_364 : memref<640x16xf32, #tpu.memory_space<hbm>>) target_semaphore(%run_scoped3A : memref<!tpu.dma_semaphore, #tpu.memory_space<semaphore_mem>>)
      %dma_wait3A_368 = arith.constant 0 : i32
      %dma_wait3A_369 = arith.constant 0 : i32
      %dma_wait3A_370 = tpu.memref_slice %arg10[%dma_wait3A_368, %dma_wait3A_369] : memref<1000x16xf32, #tpu.memory_space<vmem>> -> memref<640x16xf32, #tpu.memory_space<vmem>>
      %dma_wait3A_371 = arith.constant 0 : i32
      %dma_wait3A_372 = tpu.memref_slice %arg6[%add3A_352, %dma_wait3A_371] : memref<20480x16xf32, #tpu.memory_space<hbm>> -> memref<640x16xf32, #tpu.memory_space<hbm>>
      %dma_wait3A_373 = arith.constant 0 : i32
      %dma_wait3A_374 = tpu.memref_slice %arg6[%add3A_352, %dma_wait3A_373] : memref<20480x16xf32, #tpu.memory_space<hbm>> -> memref<640x16xf32, #tpu.memory_space<hbm>>
      %dma_wait3A_375 = arith.constant 0 : i32
      %dma_wait3A_376 = arith.constant 0 : i32
      %dma_wait3A_377 = tpu.memref_slice %arg10[%dma_wait3A_375, %dma_wait3A_376] : memref<1000x16xf32, #tpu.memory_space<vmem>> -> memref<640x16xf32, #tpu.memory_space<vmem>>
      tpu.wait_dma2 semaphore(%run_scoped3A : memref<!tpu.dma_semaphore, #tpu.memory_space<semaphore_mem>>) src(%dma_wait3A_377 : memref<640x16xf32, #tpu.memory_space<vmem>>) dst(%dma_wait3A_374 : memref<640x16xf32, #tpu.memory_space<hbm>>)
      tpu.yield
    }) : () -> ()
    %eq3A_353 = arith.constant 0 : i32
    %eq3A_354 = arith.cmpi eq, %arg0, %eq3A_353 : i32
    %convert_element_type3A_355 = arith.extui %eq3A_354 : i1 to i32
    %cond3A_356 = arith.constant 0 : i32
    %cond3A_357 = arith.cmpi ne, %convert_element_type3A_355, %cond3A_356 : i32
    scf.if %cond3A_357 {
      "tpu.region"() ({
        %run_scoped3A = tpu.sem_alloc : memref<!tpu.dma_semaphore, #tpu.memory_space<semaphore_mem>>
        %dma_start3A_358 = tpu.memref_slice %arg7[%mul3A_339] : memref<10240xf32, #tpu.memory_space<hbm>> -> memref<640xf32, #tpu.memory_space<hbm>>
        %dma_start3A_359 = tpu.memref_slice %arg7[%mul3A_339] : memref<10240xf32, #tpu.memory_space<hbm>> -> memref<640xf32, #tpu.memory_space<hbm>>
        tpu.enqueue_dma source(%arg14 : memref<640xf32, #tpu.memory_space<vmem>>) target(%dma_start3A_359 : memref<640xf32, #tpu.memory_space<hbm>>) target_semaphore(%run_scoped3A : memref<!tpu.dma_semaphore, #tpu.memory_space<semaphore_mem>>)
        %dma_wait3A_360 = tpu.memref_slice %arg7[%mul3A_339] : memref<10240xf32, #tpu.memory_space<hbm>> -> memref<640xf32, #tpu.memory_space<hbm>>
        %dma_wait3A_361 = tpu.memref_slice %arg7[%mul3A_339] : memref<10240xf32, #tpu.memory_space<hbm>> -> memref<640xf32, #tpu.memory_space<hbm>>
        tpu.wait_dma2 semaphore(%run_scoped3A : memref<!tpu.dma_semaphore, #tpu.memory_space<semaphore_mem>>) src(%arg14 : memref<640xf32, #tpu.memory_space<vmem>>) dst(%dma_wait3A_361 : memref<640xf32, #tpu.memory_space<hbm>>)
        tpu.yield
      }) : () -> ()
    } else {
    }
    return
  }
}

#map = affine_map<(d0, d1) -> (0, 0)>
#map1 = affine_map<(d0, d1) -> (0)>
module attributes {stable_mosaic.version = 14 : i64} {
  func.func @body(%arg0: i32, %arg1: i32, %arg2: memref<10240x16xf32, #tpu.memory_space<hbm>>, %arg3: memref<320000xi32, #tpu.memory_space<hbm>>, %arg4: memref<320000xi32, #tpu.memory_space<hbm>>, %arg5: memref<10240xf32, #tpu.memory_space<hbm>>, %arg6: memref<10240x16xf32, #tpu.memory_space<hbm>>, %arg7: memref<20480x16xf32, #tpu.memory_space<hbm>>, %arg8: memref<1000xi32, #tpu.memory_space<vmem>>, %arg9: memref<1000xi32, #tpu.memory_space<vmem>>, %arg10: memref<1000x16xf32, #tpu.memory_space<vmem>>, %arg11: memref<1000xi32, #tpu.memory_space<vmem>>, %arg12: memref<1000xi32, #tpu.memory_space<vmem>>, %arg13: memref<1000x16xf32, #tpu.memory_space<vmem>>, %arg14: memref<640xf32, #tpu.memory_space<vmem>>, %arg15: memref<640x16xf32, #tpu.memory_space<vmem>>, %arg16: memref<10000x16xf32, #tpu.memory_space<vmem_shared>>, %arg17: memref<10240x16xf32, #tpu.memory_space<vmem_shared>>, %arg18: memref<!tpu.dma_semaphore, #tpu.memory_space<semaphore_mem>>, %arg19: memref<!tpu.dma_semaphore, #tpu.memory_space<semaphore_mem>>, %arg20: memref<!tpu.dma_semaphore, #tpu.memory_space<semaphore_mem>>, %arg21: memref<!tpu.dma_semaphore, #tpu.memory_space<semaphore_mem>>, %arg22: memref<!tpu.dma_semaphore, #tpu.memory_space<semaphore_mem>>, %arg23: memref<!tpu.dma_semaphore, #tpu.memory_space<semaphore_mem>>) attributes {dimension_semantics = [#tpu.dimension_semantics<core_parallel>, #tpu.dimension_semantics<subcore_parallel>], iteration_bounds = array<i64: 2, 16>, scalar_prefetch = 0 : i64, scratch_operands = 16 : i64, tpu.core_type = #tpu.core_type<sc_vector_subcore>, window_params = [{transform_indices = #map}, {transform_indices = #map1}, {transform_indices = #map1}, {transform_indices = #map1}, {transform_indices = #map}, {transform_indices = #map}]} {
    %mul3A = arith.constant 16 : i32
    %mul3A_0 = arith.muli %arg0, %mul3A : i32
    %add3A = arith.addi %mul3A_0, %arg1 : i32
    %broadcast_in_dim3A = arith.constant 0.000000e+00 : f32
    %broadcast_in_dim3A_1 = vector.broadcast %broadcast_in_dim3A : f32 to vector<16xf32>
    %lt3A = arith.constant 10 : i32
    %lt3A_2 = arith.cmpi slt, %arg1, %lt3A : i32
    %convert_element_type3A = arith.extui %lt3A_2 : i1 to i32
    %cond3A = arith.constant 0 : i32
    %cond3A_3 = arith.cmpi ne, %convert_element_type3A, %cond3A : i32
    scf.if %cond3A_3 {
      %mul3A_117 = arith.constant 1000 : i32
      %mul3A_118 = arith.muli %arg1, %mul3A_117 : i32
      %mul3A_119 = arith.constant 1000 : i32
      %mul3A_120 = arith.muli %arg1, %mul3A_119 : i32
      %dma_start3A_121 = arith.constant 0 : i32
      %dma_start3A_122 = tpu.memref_slice %arg16[%mul3A_120, %dma_start3A_121] : memref<10000x16xf32, #tpu.memory_space<vmem_shared>> -> memref<1000x16xf32, #tpu.memory_space<vmem_shared>>
      %dma_start3A_123 = arith.constant 0 : i32
      %dma_start3A_124 = tpu.memref_slice %arg2[%mul3A_118, %dma_start3A_123] : memref<10240x16xf32, #tpu.memory_space<hbm>> -> memref<1000x16xf32, #tpu.memory_space<hbm>>
      tpu.enqueue_dma source(%dma_start3A_124 : memref<1000x16xf32, #tpu.memory_space<hbm>>) target(%dma_start3A_122 : memref<1000x16xf32, #tpu.memory_space<vmem_shared>>) target_semaphore(%arg22 : memref<!tpu.dma_semaphore, #tpu.memory_space<semaphore_mem>>)
    } else {
    }
    %scan3A = arith.constant 0 : i32
    %scan3A_4 = arith.constant 0 : i32
    %scan3A_5 = arith.constant 640 : i32
    %scan3A_6 = arith.addi %scan3A_4, %scan3A_5 : i32
    %scan3A_7 = arith.constant 1 : i32
    %scan3A_8 = scf.for %scan3A_117 = %scan3A_4 to %scan3A_6 step %scan3A_7 iter_args(%scan3A_118 = %scan3A) -> (i32)  : i32 {
      %swap3A = arith.index_cast %scan3A_117 : i32 to index
      %swap3A_119 = arith.constant 0 : index
      %swap3A_120 = tpu.vector_load %arg10[%swap3A, %swap3A_119] {strides = array<i32>} : memref<1000x16xf32, #tpu.memory_space<vmem>>, vector<16xf32>,
      tpu.vector_store %arg10[%swap3A, %swap3A_119], %broadcast_in_dim3A_1 {strides = array<i32>} : memref<1000x16xf32, #tpu.memory_space<vmem>>, vector<16xf32>,
      %scan3A_121 = arith.constant 0 : i32
      scf.yield %scan3A_121 : i32
    }
    %scan3A_9 = arith.constant 640 : i32
    %mul3A_10 = arith.constant 640 : i32
    %mul3A_11 = arith.muli %arg1, %mul3A_10 : i32
    "tpu.region"() ({
      %run_scoped3A = tpu.sem_alloc : memref<!tpu.dma_semaphore, #tpu.memory_space<semaphore_mem>>
      %dma_start3A_117 = arith.constant 0 : i32
      %dma_start3A_118 = arith.constant 0 : i32
      %dma_start3A_119 = tpu.memref_slice %arg10[%dma_start3A_117, %dma_start3A_118] : memref<1000x16xf32, #tpu.memory_space<vmem>> -> memref<640x16xf32, #tpu.memory_space<vmem>>
      %dma_start3A_120 = arith.constant 0 : i32
      %dma_start3A_121 = tpu.memref_slice %arg17[%mul3A_11, %dma_start3A_120] : memref<10240x16xf32, #tpu.memory_space<vmem_shared>> -> memref<640x16xf32, #tpu.memory_space<vmem_shared>>
      %dma_start3A_122 = arith.constant 0 : i32
      %dma_start3A_123 = tpu.memref_slice %arg17[%mul3A_11, %dma_start3A_122] : memref<10240x16xf32, #tpu.memory_space<vmem_shared>> -> memref<640x16xf32, #tpu.memory_space<vmem_shared>>
      %dma_start3A_124 = arith.constant 0 : i32
      %dma_start3A_125 = arith.constant 0 : i32
      %dma_start3A_126 = tpu.memref_slice %arg10[%dma_start3A_124, %dma_start3A_125] : memref<1000x16xf32, #tpu.memory_space<vmem>> -> memref<640x16xf32, #tpu.memory_space<vmem>>
      tpu.enqueue_dma source(%dma_start3A_126 : memref<640x16xf32, #tpu.memory_space<vmem>>) target(%dma_start3A_123 : memref<640x16xf32, #tpu.memory_space<vmem_shared>>) target_semaphore(%run_scoped3A : memref<!tpu.dma_semaphore, #tpu.memory_space<semaphore_mem>>)
      %dma_wait3A_127 = arith.constant 0 : i32
      %dma_wait3A_128 = arith.constant 0 : i32
      %dma_wait3A_129 = tpu.memref_slice %arg10[%dma_wait3A_127, %dma_wait3A_128] : memref<1000x16xf32, #tpu.memory_space<vmem>> -> memref<640x16xf32, #tpu.memory_space<vmem>>
      %dma_wait3A_130 = arith.constant 0 : i32
      %dma_wait3A_131 = tpu.memref_slice %arg17[%mul3A_11, %dma_wait3A_130] : memref<10240x16xf32, #tpu.memory_space<vmem_shared>> -> memref<640x16xf32, #tpu.memory_space<vmem_shared>>
      %dma_wait3A_132 = arith.constant 0 : i32
      %dma_wait3A_133 = tpu.memref_slice %arg17[%mul3A_11, %dma_wait3A_132] : memref<10240x16xf32, #tpu.memory_space<vmem_shared>> -> memref<640x16xf32, #tpu.memory_space<vmem_shared>>
      %dma_wait3A_134 = arith.constant 0 : i32
      %dma_wait3A_135 = arith.constant 0 : i32
      %dma_wait3A_136 = tpu.memref_slice %arg10[%dma_wait3A_134, %dma_wait3A_135] : memref<1000x16xf32, #tpu.memory_space<vmem>> -> memref<640x16xf32, #tpu.memory_space<vmem>>
      tpu.wait_dma2 semaphore(%run_scoped3A : memref<!tpu.dma_semaphore, #tpu.memory_space<semaphore_mem>>) src(%dma_wait3A_136 : memref<640x16xf32, #tpu.memory_space<vmem>>) dst(%dma_wait3A_133 : memref<640x16xf32, #tpu.memory_space<vmem_shared>>)
      tpu.yield
    }) : () -> ()
    %mul3A_12 = arith.constant 640 : i32
    %mul3A_13 = arith.muli %arg1, %mul3A_12 : i32
    "tpu.region"() ({
      %run_scoped3A = tpu.sem_alloc : memref<!tpu.dma_semaphore, #tpu.memory_space<semaphore_mem>>
      %dma_start3A_117 = tpu.memref_slice %arg5[%mul3A_13] : memref<10240xf32, #tpu.memory_space<hbm>> -> memref<640xf32, #tpu.memory_space<hbm>>
      %dma_start3A_118 = tpu.memref_slice %arg5[%mul3A_13] : memref<10240xf32, #tpu.memory_space<hbm>> -> memref<640xf32, #tpu.memory_space<hbm>>
      tpu.enqueue_dma source(%dma_start3A_118 : memref<640xf32, #tpu.memory_space<hbm>>) target(%arg14 : memref<640xf32, #tpu.memory_space<vmem>>) target_semaphore(%run_scoped3A : memref<!tpu.dma_semaphore, #tpu.memory_space<semaphore_mem>>)
      %dma_wait3A_119 = tpu.memref_slice %arg5[%mul3A_13] : memref<10240xf32, #tpu.memory_space<hbm>> -> memref<640xf32, #tpu.memory_space<hbm>>
      %dma_wait3A_120 = tpu.memref_slice %arg5[%mul3A_13] : memref<10240xf32, #tpu.memory_space<hbm>> -> memref<640xf32, #tpu.memory_space<hbm>>
      tpu.wait_dma2 semaphore(%run_scoped3A : memref<!tpu.dma_semaphore, #tpu.memory_space<semaphore_mem>>) src(%dma_wait3A_120 : memref<640xf32, #tpu.memory_space<hbm>>) dst(%arg14 : memref<640xf32, #tpu.memory_space<vmem>>)
      tpu.yield
    }) : () -> ()
    %lt3A_14 = arith.constant 10 : i32
    %lt3A_15 = arith.cmpi slt, %arg1, %lt3A_14 : i32
    %convert_element_type3A_16 = arith.extui %lt3A_15 : i1 to i32
    %cond3A_17 = arith.constant 0 : i32
    %cond3A_18 = arith.cmpi ne, %convert_element_type3A_16, %cond3A_17 : i32
    scf.if %cond3A_18 {
      %mul3A_117 = arith.constant 1000 : i32
      %mul3A_118 = arith.muli %arg1, %mul3A_117 : i32
      %mul3A_119 = arith.constant 1000 : i32
      %mul3A_120 = arith.muli %arg1, %mul3A_119 : i32
      %dma_wait3A_121 = arith.constant 0 : i32
      %dma_wait3A_122 = tpu.memref_slice %arg16[%mul3A_120, %dma_wait3A_121] : memref<10000x16xf32, #tpu.memory_space<vmem_shared>> -> memref<1000x16xf32, #tpu.memory_space<vmem_shared>>
      %dma_wait3A_123 = arith.constant 0 : i32
      %dma_wait3A_124 = tpu.memref_slice %arg2[%mul3A_118, %dma_wait3A_123] : memref<10240x16xf32, #tpu.memory_space<hbm>> -> memref<1000x16xf32, #tpu.memory_space<hbm>>
      tpu.wait_dma2 semaphore(%arg22 : memref<!tpu.dma_semaphore, #tpu.memory_space<semaphore_mem>>) src(%dma_wait3A_124 : memref<1000x16xf32, #tpu.memory_space<hbm>>) dst(%dma_wait3A_122 : memref<1000x16xf32, #tpu.memory_space<vmem_shared>>)
    } else {
    }
    %barrier3A = arith.constant 0 : index
    tpu.barrier barrier_id(%barrier3A)
    %mul3A_19 = arith.constant 10000 : i32
    %mul3A_20 = arith.muli %add3A, %mul3A_19 : i32
    %add3A_21 = arith.constant 0 : i32
    %add3A_22 = arith.addi %mul3A_20, %add3A_21 : i32
    "tpu.region"() ({
      %run_scoped3A = tpu.sem_alloc : memref<!tpu.dma_semaphore, #tpu.memory_space<semaphore_mem>>
      %dma_start3A_117 = tpu.memref_slice %arg3[%add3A_22] : memref<320000xi32, #tpu.memory_space<hbm>> -> memref<1000xi32, #tpu.memory_space<hbm>>
      %dma_start3A_118 = tpu.memref_slice %arg3[%add3A_22] : memref<320000xi32, #tpu.memory_space<hbm>> -> memref<1000xi32, #tpu.memory_space<hbm>>
      tpu.enqueue_dma source(%dma_start3A_118 : memref<1000xi32, #tpu.memory_space<hbm>>) target(%arg8 : memref<1000xi32, #tpu.memory_space<vmem>>) target_semaphore(%run_scoped3A : memref<!tpu.dma_semaphore, #tpu.memory_space<semaphore_mem>>)
      %dma_wait3A_119 = tpu.memref_slice %arg3[%add3A_22] : memref<320000xi32, #tpu.memory_space<hbm>> -> memref<1000xi32, #tpu.memory_space<hbm>>
      %dma_wait3A_120 = tpu.memref_slice %arg3[%add3A_22] : memref<320000xi32, #tpu.memory_space<hbm>> -> memref<1000xi32, #tpu.memory_space<hbm>>
      tpu.wait_dma2 semaphore(%run_scoped3A : memref<!tpu.dma_semaphore, #tpu.memory_space<semaphore_mem>>) src(%dma_wait3A_120 : memref<1000xi32, #tpu.memory_space<hbm>>) dst(%arg8 : memref<1000xi32, #tpu.memory_space<vmem>>)
      tpu.yield
    }) : () -> ()
    "tpu.region"() ({
      %run_scoped3A = tpu.sem_alloc : memref<!tpu.dma_semaphore, #tpu.memory_space<semaphore_mem>>
      %dma_start3A_117 = tpu.memref_slice %arg4[%add3A_22] : memref<320000xi32, #tpu.memory_space<hbm>> -> memref<1000xi32, #tpu.memory_space<hbm>>
      %dma_start3A_118 = tpu.memref_slice %arg4[%add3A_22] : memref<320000xi32, #tpu.memory_space<hbm>> -> memref<1000xi32, #tpu.memory_space<hbm>>
      tpu.enqueue_dma source(%dma_start3A_118 : memref<1000xi32, #tpu.memory_space<hbm>>) target(%arg9 : memref<1000xi32, #tpu.memory_space<vmem>>) target_semaphore(%run_scoped3A : memref<!tpu.dma_semaphore, #tpu.memory_space<semaphore_mem>>)
      %dma_wait3A_119 = tpu.memref_slice %arg4[%add3A_22] : memref<320000xi32, #tpu.memory_space<hbm>> -> memref<1000xi32, #tpu.memory_space<hbm>>
      %dma_wait3A_120 = tpu.memref_slice %arg4[%add3A_22] : memref<320000xi32, #tpu.memory_space<hbm>> -> memref<1000xi32, #tpu.memory_space<hbm>>
      tpu.wait_dma2 semaphore(%run_scoped3A : memref<!tpu.dma_semaphore, #tpu.memory_space<semaphore_mem>>) src(%dma_wait3A_120 : memref<1000xi32, #tpu.memory_space<hbm>>) dst(%arg9 : memref<1000xi32, #tpu.memory_space<vmem>>)
      tpu.yield
    }) : () -> ()
    %dma_start3A = arith.constant 0 : i32
    %dma_start3A_23 = arith.constant 0 : i32
    %dma_start3A_24 = tpu.memref_slice %arg16[%dma_start3A, %dma_start3A_23] : memref<10000x16xf32, #tpu.memory_space<vmem_shared>> -> memref<10000x16xf32, #tpu.memory_space<vmem_shared>>
    tpu.enqueue_indirect_dma source(%dma_start3A_24 : memref<10000x16xf32, #tpu.memory_space<vmem_shared>>) target(%arg10 : memref<1000x16xf32, #tpu.memory_space<vmem>>) offsets(%arg8 : memref<1000xi32, #tpu.memory_space<vmem>>) semaphore(%arg18 : memref<!tpu.dma_semaphore, #tpu.memory_space<semaphore_mem>>)
    %dma_wait3A = arith.constant 0 : i32
    %dma_wait3A_25 = arith.constant 0 : i32
    %dma_wait3A_26 = tpu.memref_slice %arg16[%dma_wait3A, %dma_wait3A_25] : memref<10000x16xf32, #tpu.memory_space<vmem_shared>> -> memref<10000x16xf32, #tpu.memory_space<vmem_shared>>
    tpu.wait_indirect_dma semaphore(%arg18 : memref<!tpu.dma_semaphore, #tpu.memory_space<semaphore_mem>>) src(%dma_wait3A_26 : memref<10000x16xf32, #tpu.memory_space<vmem_shared>>) dst(%arg10 : memref<1000x16xf32, #tpu.memory_space<vmem>>)
    "tpu.region"() ({
      %run_scoped3A = tpu.sem_alloc : memref<!tpu.dma_semaphore, #tpu.memory_space<semaphore_mem>>
      %dma_start3A_117 = arith.constant 0 : i32
      %dma_start3A_118 = arith.constant 0 : i32
      %dma_start3A_119 = tpu.memref_slice %arg17[%dma_start3A_117, %dma_start3A_118] : memref<10240x16xf32, #tpu.memory_space<vmem_shared>> -> memref<10240x16xf32, #tpu.memory_space<vmem_shared>>
      tpu.enqueue_indirect_dma source(%arg10 : memref<1000x16xf32, #tpu.memory_space<vmem>>) target(%dma_start3A_119 : memref<10240x16xf32, #tpu.memory_space<vmem_shared>>) offsets(%arg9 : memref<1000xi32, #tpu.memory_space<vmem>>) semaphore(%run_scoped3A : memref<!tpu.dma_semaphore, #tpu.memory_space<semaphore_mem>>) {add = true}
      %dma_wait3A_120 = arith.constant 0 : i32
      %dma_wait3A_121 = arith.constant 0 : i32
      %dma_wait3A_122 = tpu.memref_slice %arg17[%dma_wait3A_120, %dma_wait3A_121] : memref<10240x16xf32, #tpu.memory_space<vmem_shared>> -> memref<10240x16xf32, #tpu.memory_space<vmem_shared>>
      tpu.wait_indirect_dma semaphore(%run_scoped3A : memref<!tpu.dma_semaphore, #tpu.memory_space<semaphore_mem>>) src(%arg10 : memref<1000x16xf32, #tpu.memory_space<vmem>>) dst(%dma_wait3A_122 : memref<10240x16xf32, #tpu.memory_space<vmem_shared>>)
      tpu.yield
    }) : () -> ()
    %add3A_27 = arith.constant 1000 : i32
    %add3A_28 = arith.addi %mul3A_20, %add3A_27 : i32
    "tpu.region"() ({
      %run_scoped3A = tpu.sem_alloc : memref<!tpu.dma_semaphore, #tpu.memory_space<semaphore_mem>>
      %dma_start3A_117 = tpu.memref_slice %arg3[%add3A_28] : memref<320000xi32, #tpu.memory_space<hbm>> -> memref<1000xi32, #tpu.memory_space<hbm>>
      %dma_start3A_118 = tpu.memref_slice %arg3[%add3A_28] : memref<320000xi32, #tpu.memory_space<hbm>> -> memref<1000xi32, #tpu.memory_space<hbm>>
      tpu.enqueue_dma source(%dma_start3A_118 : memref<1000xi32, #tpu.memory_space<hbm>>) target(%arg8 : memref<1000xi32, #tpu.memory_space<vmem>>) target_semaphore(%run_scoped3A : memref<!tpu.dma_semaphore, #tpu.memory_space<semaphore_mem>>)
      %dma_wait3A_119 = tpu.memref_slice %arg3[%add3A_28] : memref<320000xi32, #tpu.memory_space<hbm>> -> memref<1000xi32, #tpu.memory_space<hbm>>
      %dma_wait3A_120 = tpu.memref_slice %arg3[%add3A_28] : memref<320000xi32, #tpu.memory_space<hbm>> -> memref<1000xi32, #tpu.memory_space<hbm>>
      tpu.wait_dma2 semaphore(%run_scoped3A : memref<!tpu.dma_semaphore, #tpu.memory_space<semaphore_mem>>) src(%dma_wait3A_120 : memref<1000xi32, #tpu.memory_space<hbm>>) dst(%arg8 : memref<1000xi32, #tpu.memory_space<vmem>>)
      tpu.yield
    }) : () -> ()
    "tpu.region"() ({
      %run_scoped3A = tpu.sem_alloc : memref<!tpu.dma_semaphore, #tpu.memory_space<semaphore_mem>>
      %dma_start3A_117 = tpu.memref_slice %arg4[%add3A_28] : memref<320000xi32, #tpu.memory_space<hbm>> -> memref<1000xi32, #tpu.memory_space<hbm>>
      %dma_start3A_118 = tpu.memref_slice %arg4[%add3A_28] : memref<320000xi32, #tpu.memory_space<hbm>> -> memref<1000xi32, #tpu.memory_space<hbm>>
      tpu.enqueue_dma source(%dma_start3A_118 : memref<1000xi32, #tpu.memory_space<hbm>>) target(%arg9 : memref<1000xi32, #tpu.memory_space<vmem>>) target_semaphore(%run_scoped3A : memref<!tpu.dma_semaphore, #tpu.memory_space<semaphore_mem>>)
      %dma_wait3A_119 = tpu.memref_slice %arg4[%add3A_28] : memref<320000xi32, #tpu.memory_space<hbm>> -> memref<1000xi32, #tpu.memory_space<hbm>>
      %dma_wait3A_120 = tpu.memref_slice %arg4[%add3A_28] : memref<320000xi32, #tpu.memory_space<hbm>> -> memref<1000xi32, #tpu.memory_space<hbm>>
      tpu.wait_dma2 semaphore(%run_scoped3A : memref<!tpu.dma_semaphore, #tpu.memory_space<semaphore_mem>>) src(%dma_wait3A_120 : memref<1000xi32, #tpu.memory_space<hbm>>) dst(%arg9 : memref<1000xi32, #tpu.memory_space<vmem>>)
      tpu.yield
    }) : () -> ()
    %dma_start3A_29 = arith.constant 0 : i32
    %dma_start3A_30 = arith.constant 0 : i32
    %dma_start3A_31 = tpu.memref_slice %arg16[%dma_start3A_29, %dma_start3A_30] : memref<10000x16xf32, #tpu.memory_space<vmem_shared>> -> memref<10000x16xf32, #tpu.memory_space<vmem_shared>>
    tpu.enqueue_indirect_dma source(%dma_start3A_31 : memref<10000x16xf32, #tpu.memory_space<vmem_shared>>) target(%arg10 : memref<1000x16xf32, #tpu.memory_space<vmem>>) offsets(%arg8 : memref<1000xi32, #tpu.memory_space<vmem>>) semaphore(%arg18 : memref<!tpu.dma_semaphore, #tpu.memory_space<semaphore_mem>>)
    %dma_wait3A_32 = arith.constant 0 : i32
    %dma_wait3A_33 = arith.constant 0 : i32
    %dma_wait3A_34 = tpu.memref_slice %arg16[%dma_wait3A_32, %dma_wait3A_33] : memref<10000x16xf32, #tpu.memory_space<vmem_shared>> -> memref<10000x16xf32, #tpu.memory_space<vmem_shared>>
    tpu.wait_indirect_dma semaphore(%arg18 : memref<!tpu.dma_semaphore, #tpu.memory_space<semaphore_mem>>) src(%dma_wait3A_34 : memref<10000x16xf32, #tpu.memory_space<vmem_shared>>) dst(%arg10 : memref<1000x16xf32, #tpu.memory_space<vmem>>)
    "tpu.region"() ({
      %run_scoped3A = tpu.sem_alloc : memref<!tpu.dma_semaphore, #tpu.memory_space<semaphore_mem>>
      %dma_start3A_117 = arith.constant 0 : i32
      %dma_start3A_118 = arith.constant 0 : i32
      %dma_start3A_119 = tpu.memref_slice %arg17[%dma_start3A_117, %dma_start3A_118] : memref<10240x16xf32, #tpu.memory_space<vmem_shared>> -> memref<10240x16xf32, #tpu.memory_space<vmem_shared>>
      tpu.enqueue_indirect_dma source(%arg10 : memref<1000x16xf32, #tpu.memory_space<vmem>>) target(%dma_start3A_119 : memref<10240x16xf32, #tpu.memory_space<vmem_shared>>) offsets(%arg9 : memref<1000xi32, #tpu.memory_space<vmem>>) semaphore(%run_scoped3A : memref<!tpu.dma_semaphore, #tpu.memory_space<semaphore_mem>>) {add = true}
      %dma_wait3A_120 = arith.constant 0 : i32
      %dma_wait3A_121 = arith.constant 0 : i32
      %dma_wait3A_122 = tpu.memref_slice %arg17[%dma_wait3A_120, %dma_wait3A_121] : memref<10240x16xf32, #tpu.memory_space<vmem_shared>> -> memref<10240x16xf32, #tpu.memory_space<vmem_shared>>
      tpu.wait_indirect_dma semaphore(%run_scoped3A : memref<!tpu.dma_semaphore, #tpu.memory_space<semaphore_mem>>) src(%arg10 : memref<1000x16xf32, #tpu.memory_space<vmem>>) dst(%dma_wait3A_122 : memref<10240x16xf32, #tpu.memory_space<vmem_shared>>)
      tpu.yield
    }) : () -> ()
    %add3A_35 = arith.constant 2000 : i32
    %add3A_36 = arith.addi %mul3A_20, %add3A_35 : i32
    "tpu.region"() ({
      %run_scoped3A = tpu.sem_alloc : memref<!tpu.dma_semaphore, #tpu.memory_space<semaphore_mem>>
      %dma_start3A_117 = tpu.memref_slice %arg3[%add3A_36] : memref<320000xi32, #tpu.memory_space<hbm>> -> memref<1000xi32, #tpu.memory_space<hbm>>
      %dma_start3A_118 = tpu.memref_slice %arg3[%add3A_36] : memref<320000xi32, #tpu.memory_space<hbm>> -> memref<1000xi32, #tpu.memory_space<hbm>>
      tpu.enqueue_dma source(%dma_start3A_118 : memref<1000xi32, #tpu.memory_space<hbm>>) target(%arg8 : memref<1000xi32, #tpu.memory_space<vmem>>) target_semaphore(%run_scoped3A : memref<!tpu.dma_semaphore, #tpu.memory_space<semaphore_mem>>)
      %dma_wait3A_119 = tpu.memref_slice %arg3[%add3A_36] : memref<320000xi32, #tpu.memory_space<hbm>> -> memref<1000xi32, #tpu.memory_space<hbm>>
      %dma_wait3A_120 = tpu.memref_slice %arg3[%add3A_36] : memref<320000xi32, #tpu.memory_space<hbm>> -> memref<1000xi32, #tpu.memory_space<hbm>>
      tpu.wait_dma2 semaphore(%run_scoped3A : memref<!tpu.dma_semaphore, #tpu.memory_space<semaphore_mem>>) src(%dma_wait3A_120 : memref<1000xi32, #tpu.memory_space<hbm>>) dst(%arg8 : memref<1000xi32, #tpu.memory_space<vmem>>)
      tpu.yield
    }) : () -> ()
    "tpu.region"() ({
      %run_scoped3A = tpu.sem_alloc : memref<!tpu.dma_semaphore, #tpu.memory_space<semaphore_mem>>
      %dma_start3A_117 = tpu.memref_slice %arg4[%add3A_36] : memref<320000xi32, #tpu.memory_space<hbm>> -> memref<1000xi32, #tpu.memory_space<hbm>>
      %dma_start3A_118 = tpu.memref_slice %arg4[%add3A_36] : memref<320000xi32, #tpu.memory_space<hbm>> -> memref<1000xi32, #tpu.memory_space<hbm>>
      tpu.enqueue_dma source(%dma_start3A_118 : memref<1000xi32, #tpu.memory_space<hbm>>) target(%arg9 : memref<1000xi32, #tpu.memory_space<vmem>>) target_semaphore(%run_scoped3A : memref<!tpu.dma_semaphore, #tpu.memory_space<semaphore_mem>>)
      %dma_wait3A_119 = tpu.memref_slice %arg4[%add3A_36] : memref<320000xi32, #tpu.memory_space<hbm>> -> memref<1000xi32, #tpu.memory_space<hbm>>
      %dma_wait3A_120 = tpu.memref_slice %arg4[%add3A_36] : memref<320000xi32, #tpu.memory_space<hbm>> -> memref<1000xi32, #tpu.memory_space<hbm>>
      tpu.wait_dma2 semaphore(%run_scoped3A : memref<!tpu.dma_semaphore, #tpu.memory_space<semaphore_mem>>) src(%dma_wait3A_120 : memref<1000xi32, #tpu.memory_space<hbm>>) dst(%arg9 : memref<1000xi32, #tpu.memory_space<vmem>>)
      tpu.yield
    }) : () -> ()
    %dma_start3A_37 = arith.constant 0 : i32
    %dma_start3A_38 = arith.constant 0 : i32
    %dma_start3A_39 = tpu.memref_slice %arg16[%dma_start3A_37, %dma_start3A_38] : memref<10000x16xf32, #tpu.memory_space<vmem_shared>> -> memref<10000x16xf32, #tpu.memory_space<vmem_shared>>
    tpu.enqueue_indirect_dma source(%dma_start3A_39 : memref<10000x16xf32, #tpu.memory_space<vmem_shared>>) target(%arg10 : memref<1000x16xf32, #tpu.memory_space<vmem>>) offsets(%arg8 : memref<1000xi32, #tpu.memory_space<vmem>>) semaphore(%arg18 : memref<!tpu.dma_semaphore, #tpu.memory_space<semaphore_mem>>)
    %dma_wait3A_40 = arith.constant 0 : i32
    %dma_wait3A_41 = arith.constant 0 : i32
    %dma_wait3A_42 = tpu.memref_slice %arg16[%dma_wait3A_40, %dma_wait3A_41] : memref<10000x16xf32, #tpu.memory_space<vmem_shared>> -> memref<10000x16xf32, #tpu.memory_space<vmem_shared>>
    tpu.wait_indirect_dma semaphore(%arg18 : memref<!tpu.dma_semaphore, #tpu.memory_space<semaphore_mem>>) src(%dma_wait3A_42 : memref<10000x16xf32, #tpu.memory_space<vmem_shared>>) dst(%arg10 : memref<1000x16xf32, #tpu.memory_space<vmem>>)
    "tpu.region"() ({
      %run_scoped3A = tpu.sem_alloc : memref<!tpu.dma_semaphore, #tpu.memory_space<semaphore_mem>>
      %dma_start3A_117 = arith.constant 0 : i32
      %dma_start3A_118 = arith.constant 0 : i32
      %dma_start3A_119 = tpu.memref_slice %arg17[%dma_start3A_117, %dma_start3A_118] : memref<10240x16xf32, #tpu.memory_space<vmem_shared>> -> memref<10240x16xf32, #tpu.memory_space<vmem_shared>>
      tpu.enqueue_indirect_dma source(%arg10 : memref<1000x16xf32, #tpu.memory_space<vmem>>) target(%dma_start3A_119 : memref<10240x16xf32, #tpu.memory_space<vmem_shared>>) offsets(%arg9 : memref<1000xi32, #tpu.memory_space<vmem>>) semaphore(%run_scoped3A : memref<!tpu.dma_semaphore, #tpu.memory_space<semaphore_mem>>) {add = true}
      %dma_wait3A_120 = arith.constant 0 : i32
      %dma_wait3A_121 = arith.constant 0 : i32
      %dma_wait3A_122 = tpu.memref_slice %arg17[%dma_wait3A_120, %dma_wait3A_121] : memref<10240x16xf32, #tpu.memory_space<vmem_shared>> -> memref<10240x16xf32, #tpu.memory_space<vmem_shared>>
      tpu.wait_indirect_dma semaphore(%run_scoped3A : memref<!tpu.dma_semaphore, #tpu.memory_space<semaphore_mem>>) src(%arg10 : memref<1000x16xf32, #tpu.memory_space<vmem>>) dst(%dma_wait3A_122 : memref<10240x16xf32, #tpu.memory_space<vmem_shared>>)
      tpu.yield
    }) : () -> ()
    %add3A_43 = arith.constant 3000 : i32
    %add3A_44 = arith.addi %mul3A_20, %add3A_43 : i32
    "tpu.region"() ({
      %run_scoped3A = tpu.sem_alloc : memref<!tpu.dma_semaphore, #tpu.memory_space<semaphore_mem>>
      %dma_start3A_117 = tpu.memref_slice %arg3[%add3A_44] : memref<320000xi32, #tpu.memory_space<hbm>> -> memref<1000xi32, #tpu.memory_space<hbm>>
      %dma_start3A_118 = tpu.memref_slice %arg3[%add3A_44] : memref<320000xi32, #tpu.memory_space<hbm>> -> memref<1000xi32, #tpu.memory_space<hbm>>
      tpu.enqueue_dma source(%dma_start3A_118 : memref<1000xi32, #tpu.memory_space<hbm>>) target(%arg8 : memref<1000xi32, #tpu.memory_space<vmem>>) target_semaphore(%run_scoped3A : memref<!tpu.dma_semaphore, #tpu.memory_space<semaphore_mem>>)
      %dma_wait3A_119 = tpu.memref_slice %arg3[%add3A_44] : memref<320000xi32, #tpu.memory_space<hbm>> -> memref<1000xi32, #tpu.memory_space<hbm>>
      %dma_wait3A_120 = tpu.memref_slice %arg3[%add3A_44] : memref<320000xi32, #tpu.memory_space<hbm>> -> memref<1000xi32, #tpu.memory_space<hbm>>
      tpu.wait_dma2 semaphore(%run_scoped3A : memref<!tpu.dma_semaphore, #tpu.memory_space<semaphore_mem>>) src(%dma_wait3A_120 : memref<1000xi32, #tpu.memory_space<hbm>>) dst(%arg8 : memref<1000xi32, #tpu.memory_space<vmem>>)
      tpu.yield
    }) : () -> ()
    "tpu.region"() ({
      %run_scoped3A = tpu.sem_alloc : memref<!tpu.dma_semaphore, #tpu.memory_space<semaphore_mem>>
      %dma_start3A_117 = tpu.memref_slice %arg4[%add3A_44] : memref<320000xi32, #tpu.memory_space<hbm>> -> memref<1000xi32, #tpu.memory_space<hbm>>
      %dma_start3A_118 = tpu.memref_slice %arg4[%add3A_44] : memref<320000xi32, #tpu.memory_space<hbm>> -> memref<1000xi32, #tpu.memory_space<hbm>>
      tpu.enqueue_dma source(%dma_start3A_118 : memref<1000xi32, #tpu.memory_space<hbm>>) target(%arg9 : memref<1000xi32, #tpu.memory_space<vmem>>) target_semaphore(%run_scoped3A : memref<!tpu.dma_semaphore, #tpu.memory_space<semaphore_mem>>)
      %dma_wait3A_119 = tpu.memref_slice %arg4[%add3A_44] : memref<320000xi32, #tpu.memory_space<hbm>> -> memref<1000xi32, #tpu.memory_space<hbm>>
      %dma_wait3A_120 = tpu.memref_slice %arg4[%add3A_44] : memref<320000xi32, #tpu.memory_space<hbm>> -> memref<1000xi32, #tpu.memory_space<hbm>>
      tpu.wait_dma2 semaphore(%run_scoped3A : memref<!tpu.dma_semaphore, #tpu.memory_space<semaphore_mem>>) src(%dma_wait3A_120 : memref<1000xi32, #tpu.memory_space<hbm>>) dst(%arg9 : memref<1000xi32, #tpu.memory_space<vmem>>)
      tpu.yield
    }) : () -> ()
    %dma_start3A_45 = arith.constant 0 : i32
    %dma_start3A_46 = arith.constant 0 : i32
    %dma_start3A_47 = tpu.memref_slice %arg16[%dma_start3A_45, %dma_start3A_46] : memref<10000x16xf32, #tpu.memory_space<vmem_shared>> -> memref<10000x16xf32, #tpu.memory_space<vmem_shared>>
    tpu.enqueue_indirect_dma source(%dma_start3A_47 : memref<10000x16xf32, #tpu.memory_space<vmem_shared>>) target(%arg10 : memref<1000x16xf32, #tpu.memory_space<vmem>>) offsets(%arg8 : memref<1000xi32, #tpu.memory_space<vmem>>) semaphore(%arg18 : memref<!tpu.dma_semaphore, #tpu.memory_space<semaphore_mem>>)
    %dma_wait3A_48 = arith.constant 0 : i32
    %dma_wait3A_49 = arith.constant 0 : i32
    %dma_wait3A_50 = tpu.memref_slice %arg16[%dma_wait3A_48, %dma_wait3A_49] : memref<10000x16xf32, #tpu.memory_space<vmem_shared>> -> memref<10000x16xf32, #tpu.memory_space<vmem_shared>>
    tpu.wait_indirect_dma semaphore(%arg18 : memref<!tpu.dma_semaphore, #tpu.memory_space<semaphore_mem>>) src(%dma_wait3A_50 : memref<10000x16xf32, #tpu.memory_space<vmem_shared>>) dst(%arg10 : memref<1000x16xf32, #tpu.memory_space<vmem>>)
    "tpu.region"() ({
      %run_scoped3A = tpu.sem_alloc : memref<!tpu.dma_semaphore, #tpu.memory_space<semaphore_mem>>
      %dma_start3A_117 = arith.constant 0 : i32
      %dma_start3A_118 = arith.constant 0 : i32
      %dma_start3A_119 = tpu.memref_slice %arg17[%dma_start3A_117, %dma_start3A_118] : memref<10240x16xf32, #tpu.memory_space<vmem_shared>> -> memref<10240x16xf32, #tpu.memory_space<vmem_shared>>
      tpu.enqueue_indirect_dma source(%arg10 : memref<1000x16xf32, #tpu.memory_space<vmem>>) target(%dma_start3A_119 : memref<10240x16xf32, #tpu.memory_space<vmem_shared>>) offsets(%arg9 : memref<1000xi32, #tpu.memory_space<vmem>>) semaphore(%run_scoped3A : memref<!tpu.dma_semaphore, #tpu.memory_space<semaphore_mem>>) {add = true}
      %dma_wait3A_120 = arith.constant 0 : i32
      %dma_wait3A_121 = arith.constant 0 : i32
      %dma_wait3A_122 = tpu.memref_slice %arg17[%dma_wait3A_120, %dma_wait3A_121] : memref<10240x16xf32, #tpu.memory_space<vmem_shared>> -> memref<10240x16xf32, #tpu.memory_space<vmem_shared>>
      tpu.wait_indirect_dma semaphore(%run_scoped3A : memref<!tpu.dma_semaphore, #tpu.memory_space<semaphore_mem>>) src(%arg10 : memref<1000x16xf32, #tpu.memory_space<vmem>>) dst(%dma_wait3A_122 : memref<10240x16xf32, #tpu.memory_space<vmem_shared>>)
      tpu.yield
    }) : () -> ()
    %add3A_51 = arith.constant 4000 : i32
    %add3A_52 = arith.addi %mul3A_20, %add3A_51 : i32
    "tpu.region"() ({
      %run_scoped3A = tpu.sem_alloc : memref<!tpu.dma_semaphore, #tpu.memory_space<semaphore_mem>>
      %dma_start3A_117 = tpu.memref_slice %arg3[%add3A_52] : memref<320000xi32, #tpu.memory_space<hbm>> -> memref<1000xi32, #tpu.memory_space<hbm>>
      %dma_start3A_118 = tpu.memref_slice %arg3[%add3A_52] : memref<320000xi32, #tpu.memory_space<hbm>> -> memref<1000xi32, #tpu.memory_space<hbm>>
      tpu.enqueue_dma source(%dma_start3A_118 : memref<1000xi32, #tpu.memory_space<hbm>>) target(%arg8 : memref<1000xi32, #tpu.memory_space<vmem>>) target_semaphore(%run_scoped3A : memref<!tpu.dma_semaphore, #tpu.memory_space<semaphore_mem>>)
      %dma_wait3A_119 = tpu.memref_slice %arg3[%add3A_52] : memref<320000xi32, #tpu.memory_space<hbm>> -> memref<1000xi32, #tpu.memory_space<hbm>>
      %dma_wait3A_120 = tpu.memref_slice %arg3[%add3A_52] : memref<320000xi32, #tpu.memory_space<hbm>> -> memref<1000xi32, #tpu.memory_space<hbm>>
      tpu.wait_dma2 semaphore(%run_scoped3A : memref<!tpu.dma_semaphore, #tpu.memory_space<semaphore_mem>>) src(%dma_wait3A_120 : memref<1000xi32, #tpu.memory_space<hbm>>) dst(%arg8 : memref<1000xi32, #tpu.memory_space<vmem>>)
      tpu.yield
    }) : () -> ()
    "tpu.region"() ({
      %run_scoped3A = tpu.sem_alloc : memref<!tpu.dma_semaphore, #tpu.memory_space<semaphore_mem>>
      %dma_start3A_117 = tpu.memref_slice %arg4[%add3A_52] : memref<320000xi32, #tpu.memory_space<hbm>> -> memref<1000xi32, #tpu.memory_space<hbm>>
      %dma_start3A_118 = tpu.memref_slice %arg4[%add3A_52] : memref<320000xi32, #tpu.memory_space<hbm>> -> memref<1000xi32, #tpu.memory_space<hbm>>
      tpu.enqueue_dma source(%dma_start3A_118 : memref<1000xi32, #tpu.memory_space<hbm>>) target(%arg9 : memref<1000xi32, #tpu.memory_space<vmem>>) target_semaphore(%run_scoped3A : memref<!tpu.dma_semaphore, #tpu.memory_space<semaphore_mem>>)
      %dma_wait3A_119 = tpu.memref_slice %arg4[%add3A_52] : memref<320000xi32, #tpu.memory_space<hbm>> -> memref<1000xi32, #tpu.memory_space<hbm>>
      %dma_wait3A_120 = tpu.memref_slice %arg4[%add3A_52] : memref<320000xi32, #tpu.memory_space<hbm>> -> memref<1000xi32, #tpu.memory_space<hbm>>
      tpu.wait_dma2 semaphore(%run_scoped3A : memref<!tpu.dma_semaphore, #tpu.memory_space<semaphore_mem>>) src(%dma_wait3A_120 : memref<1000xi32, #tpu.memory_space<hbm>>) dst(%arg9 : memref<1000xi32, #tpu.memory_space<vmem>>)
      tpu.yield
    }) : () -> ()
    %dma_start3A_53 = arith.constant 0 : i32
    %dma_start3A_54 = arith.constant 0 : i32
    %dma_start3A_55 = tpu.memref_slice %arg16[%dma_start3A_53, %dma_start3A_54] : memref<10000x16xf32, #tpu.memory_space<vmem_shared>> -> memref<10000x16xf32, #tpu.memory_space<vmem_shared>>
    tpu.enqueue_indirect_dma source(%dma_start3A_55 : memref<10000x16xf32, #tpu.memory_space<vmem_shared>>) target(%arg10 : memref<1000x16xf32, #tpu.memory_space<vmem>>) offsets(%arg8 : memref<1000xi32, #tpu.memory_space<vmem>>) semaphore(%arg18 : memref<!tpu.dma_semaphore, #tpu.memory_space<semaphore_mem>>)
    %dma_wait3A_56 = arith.constant 0 : i32
    %dma_wait3A_57 = arith.constant 0 : i32
    %dma_wait3A_58 = tpu.memref_slice %arg16[%dma_wait3A_56, %dma_wait3A_57] : memref<10000x16xf32, #tpu.memory_space<vmem_shared>> -> memref<10000x16xf32, #tpu.memory_space<vmem_shared>>
    tpu.wait_indirect_dma semaphore(%arg18 : memref<!tpu.dma_semaphore, #tpu.memory_space<semaphore_mem>>) src(%dma_wait3A_58 : memref<10000x16xf32, #tpu.memory_space<vmem_shared>>) dst(%arg10 : memref<1000x16xf32, #tpu.memory_space<vmem>>)
    "tpu.region"() ({
      %run_scoped3A = tpu.sem_alloc : memref<!tpu.dma_semaphore, #tpu.memory_space<semaphore_mem>>
      %dma_start3A_117 = arith.constant 0 : i32
      %dma_start3A_118 = arith.constant 0 : i32
      %dma_start3A_119 = tpu.memref_slice %arg17[%dma_start3A_117, %dma_start3A_118] : memref<10240x16xf32, #tpu.memory_space<vmem_shared>> -> memref<10240x16xf32, #tpu.memory_space<vmem_shared>>
      tpu.enqueue_indirect_dma source(%arg10 : memref<1000x16xf32, #tpu.memory_space<vmem>>) target(%dma_start3A_119 : memref<10240x16xf32, #tpu.memory_space<vmem_shared>>) offsets(%arg9 : memref<1000xi32, #tpu.memory_space<vmem>>) semaphore(%run_scoped3A : memref<!tpu.dma_semaphore, #tpu.memory_space<semaphore_mem>>) {add = true}
      %dma_wait3A_120 = arith.constant 0 : i32
      %dma_wait3A_121 = arith.constant 0 : i32
      %dma_wait3A_122 = tpu.memref_slice %arg17[%dma_wait3A_120, %dma_wait3A_121] : memref<10240x16xf32, #tpu.memory_space<vmem_shared>> -> memref<10240x16xf32, #tpu.memory_space<vmem_shared>>
      tpu.wait_indirect_dma semaphore(%run_scoped3A : memref<!tpu.dma_semaphore, #tpu.memory_space<semaphore_mem>>) src(%arg10 : memref<1000x16xf32, #tpu.memory_space<vmem>>) dst(%dma_wait3A_122 : memref<10240x16xf32, #tpu.memory_space<vmem_shared>>)
      tpu.yield
    }) : () -> ()
    %add3A_59 = arith.constant 5000 : i32
    %add3A_60 = arith.addi %mul3A_20, %add3A_59 : i32
    "tpu.region"() ({
      %run_scoped3A = tpu.sem_alloc : memref<!tpu.dma_semaphore, #tpu.memory_space<semaphore_mem>>
      %dma_start3A_117 = tpu.memref_slice %arg3[%add3A_60] : memref<320000xi32, #tpu.memory_space<hbm>> -> memref<1000xi32, #tpu.memory_space<hbm>>
      %dma_start3A_118 = tpu.memref_slice %arg3[%add3A_60] : memref<320000xi32, #tpu.memory_space<hbm>> -> memref<1000xi32, #tpu.memory_space<hbm>>
      tpu.enqueue_dma source(%dma_start3A_118 : memref<1000xi32, #tpu.memory_space<hbm>>) target(%arg8 : memref<1000xi32, #tpu.memory_space<vmem>>) target_semaphore(%run_scoped3A : memref<!tpu.dma_semaphore, #tpu.memory_space<semaphore_mem>>)
      %dma_wait3A_119 = tpu.memref_slice %arg3[%add3A_60] : memref<320000xi32, #tpu.memory_space<hbm>> -> memref<1000xi32, #tpu.memory_space<hbm>>
      %dma_wait3A_120 = tpu.memref_slice %arg3[%add3A_60] : memref<320000xi32, #tpu.memory_space<hbm>> -> memref<1000xi32, #tpu.memory_space<hbm>>
      tpu.wait_dma2 semaphore(%run_scoped3A : memref<!tpu.dma_semaphore, #tpu.memory_space<semaphore_mem>>) src(%dma_wait3A_120 : memref<1000xi32, #tpu.memory_space<hbm>>) dst(%arg8 : memref<1000xi32, #tpu.memory_space<vmem>>)
      tpu.yield
    }) : () -> ()
    "tpu.region"() ({
      %run_scoped3A = tpu.sem_alloc : memref<!tpu.dma_semaphore, #tpu.memory_space<semaphore_mem>>
      %dma_start3A_117 = tpu.memref_slice %arg4[%add3A_60] : memref<320000xi32, #tpu.memory_space<hbm>> -> memref<1000xi32, #tpu.memory_space<hbm>>
      %dma_start3A_118 = tpu.memref_slice %arg4[%add3A_60] : memref<320000xi32, #tpu.memory_space<hbm>> -> memref<1000xi32, #tpu.memory_space<hbm>>
      tpu.enqueue_dma source(%dma_start3A_118 : memref<1000xi32, #tpu.memory_space<hbm>>) target(%arg9 : memref<1000xi32, #tpu.memory_space<vmem>>) target_semaphore(%run_scoped3A : memref<!tpu.dma_semaphore, #tpu.memory_space<semaphore_mem>>)
      %dma_wait3A_119 = tpu.memref_slice %arg4[%add3A_60] : memref<320000xi32, #tpu.memory_space<hbm>> -> memref<1000xi32, #tpu.memory_space<hbm>>
      %dma_wait3A_120 = tpu.memref_slice %arg4[%add3A_60] : memref<320000xi32, #tpu.memory_space<hbm>> -> memref<1000xi32, #tpu.memory_space<hbm>>
      tpu.wait_dma2 semaphore(%run_scoped3A : memref<!tpu.dma_semaphore, #tpu.memory_space<semaphore_mem>>) src(%dma_wait3A_120 : memref<1000xi32, #tpu.memory_space<hbm>>) dst(%arg9 : memref<1000xi32, #tpu.memory_space<vmem>>)
      tpu.yield
    }) : () -> ()
    %dma_start3A_61 = arith.constant 0 : i32
    %dma_start3A_62 = arith.constant 0 : i32
    %dma_start3A_63 = tpu.memref_slice %arg16[%dma_start3A_61, %dma_start3A_62] : memref<10000x16xf32, #tpu.memory_space<vmem_shared>> -> memref<10000x16xf32, #tpu.memory_space<vmem_shared>>
    tpu.enqueue_indirect_dma source(%dma_start3A_63 : memref<10000x16xf32, #tpu.memory_space<vmem_shared>>) target(%arg10 : memref<1000x16xf32, #tpu.memory_space<vmem>>) offsets(%arg8 : memref<1000xi32, #tpu.memory_space<vmem>>) semaphore(%arg18 : memref<!tpu.dma_semaphore, #tpu.memory_space<semaphore_mem>>)
    %dma_wait3A_64 = arith.constant 0 : i32
    %dma_wait3A_65 = arith.constant 0 : i32
    %dma_wait3A_66 = tpu.memref_slice %arg16[%dma_wait3A_64, %dma_wait3A_65] : memref<10000x16xf32, #tpu.memory_space<vmem_shared>> -> memref<10000x16xf32, #tpu.memory_space<vmem_shared>>
    tpu.wait_indirect_dma semaphore(%arg18 : memref<!tpu.dma_semaphore, #tpu.memory_space<semaphore_mem>>) src(%dma_wait3A_66 : memref<10000x16xf32, #tpu.memory_space<vmem_shared>>) dst(%arg10 : memref<1000x16xf32, #tpu.memory_space<vmem>>)
    "tpu.region"() ({
      %run_scoped3A = tpu.sem_alloc : memref<!tpu.dma_semaphore, #tpu.memory_space<semaphore_mem>>
      %dma_start3A_117 = arith.constant 0 : i32
      %dma_start3A_118 = arith.constant 0 : i32
      %dma_start3A_119 = tpu.memref_slice %arg17[%dma_start3A_117, %dma_start3A_118] : memref<10240x16xf32, #tpu.memory_space<vmem_shared>> -> memref<10240x16xf32, #tpu.memory_space<vmem_shared>>
      tpu.enqueue_indirect_dma source(%arg10 : memref<1000x16xf32, #tpu.memory_space<vmem>>) target(%dma_start3A_119 : memref<10240x16xf32, #tpu.memory_space<vmem_shared>>) offsets(%arg9 : memref<1000xi32, #tpu.memory_space<vmem>>) semaphore(%run_scoped3A : memref<!tpu.dma_semaphore, #tpu.memory_space<semaphore_mem>>) {add = true}
      %dma_wait3A_120 = arith.constant 0 : i32
      %dma_wait3A_121 = arith.constant 0 : i32
      %dma_wait3A_122 = tpu.memref_slice %arg17[%dma_wait3A_120, %dma_wait3A_121] : memref<10240x16xf32, #tpu.memory_space<vmem_shared>> -> memref<10240x16xf32, #tpu.memory_space<vmem_shared>>
      tpu.wait_indirect_dma semaphore(%run_scoped3A : memref<!tpu.dma_semaphore, #tpu.memory_space<semaphore_mem>>) src(%arg10 : memref<1000x16xf32, #tpu.memory_space<vmem>>) dst(%dma_wait3A_122 : memref<10240x16xf32, #tpu.memory_space<vmem_shared>>)
      tpu.yield
    }) : () -> ()
    %add3A_67 = arith.constant 6000 : i32
    %add3A_68 = arith.addi %mul3A_20, %add3A_67 : i32
    "tpu.region"() ({
      %run_scoped3A = tpu.sem_alloc : memref<!tpu.dma_semaphore, #tpu.memory_space<semaphore_mem>>
      %dma_start3A_117 = tpu.memref_slice %arg3[%add3A_68] : memref<320000xi32, #tpu.memory_space<hbm>> -> memref<1000xi32, #tpu.memory_space<hbm>>
      %dma_start3A_118 = tpu.memref_slice %arg3[%add3A_68] : memref<320000xi32, #tpu.memory_space<hbm>> -> memref<1000xi32, #tpu.memory_space<hbm>>
      tpu.enqueue_dma source(%dma_start3A_118 : memref<1000xi32, #tpu.memory_space<hbm>>) target(%arg8 : memref<1000xi32, #tpu.memory_space<vmem>>) target_semaphore(%run_scoped3A : memref<!tpu.dma_semaphore, #tpu.memory_space<semaphore_mem>>)
      %dma_wait3A_119 = tpu.memref_slice %arg3[%add3A_68] : memref<320000xi32, #tpu.memory_space<hbm>> -> memref<1000xi32, #tpu.memory_space<hbm>>
      %dma_wait3A_120 = tpu.memref_slice %arg3[%add3A_68] : memref<320000xi32, #tpu.memory_space<hbm>> -> memref<1000xi32, #tpu.memory_space<hbm>>
      tpu.wait_dma2 semaphore(%run_scoped3A : memref<!tpu.dma_semaphore, #tpu.memory_space<semaphore_mem>>) src(%dma_wait3A_120 : memref<1000xi32, #tpu.memory_space<hbm>>) dst(%arg8 : memref<1000xi32, #tpu.memory_space<vmem>>)
      tpu.yield
    }) : () -> ()
    "tpu.region"() ({
      %run_scoped3A = tpu.sem_alloc : memref<!tpu.dma_semaphore, #tpu.memory_space<semaphore_mem>>
      %dma_start3A_117 = tpu.memref_slice %arg4[%add3A_68] : memref<320000xi32, #tpu.memory_space<hbm>> -> memref<1000xi32, #tpu.memory_space<hbm>>
      %dma_start3A_118 = tpu.memref_slice %arg4[%add3A_68] : memref<320000xi32, #tpu.memory_space<hbm>> -> memref<1000xi32, #tpu.memory_space<hbm>>
      tpu.enqueue_dma source(%dma_start3A_118 : memref<1000xi32, #tpu.memory_space<hbm>>) target(%arg9 : memref<1000xi32, #tpu.memory_space<vmem>>) target_semaphore(%run_scoped3A : memref<!tpu.dma_semaphore, #tpu.memory_space<semaphore_mem>>)
      %dma_wait3A_119 = tpu.memref_slice %arg4[%add3A_68] : memref<320000xi32, #tpu.memory_space<hbm>> -> memref<1000xi32, #tpu.memory_space<hbm>>
      %dma_wait3A_120 = tpu.memref_slice %arg4[%add3A_68] : memref<320000xi32, #tpu.memory_space<hbm>> -> memref<1000xi32, #tpu.memory_space<hbm>>
      tpu.wait_dma2 semaphore(%run_scoped3A : memref<!tpu.dma_semaphore, #tpu.memory_space<semaphore_mem>>) src(%dma_wait3A_120 : memref<1000xi32, #tpu.memory_space<hbm>>) dst(%arg9 : memref<1000xi32, #tpu.memory_space<vmem>>)
      tpu.yield
    }) : () -> ()
    %dma_start3A_69 = arith.constant 0 : i32
    %dma_start3A_70 = arith.constant 0 : i32
    %dma_start3A_71 = tpu.memref_slice %arg16[%dma_start3A_69, %dma_start3A_70] : memref<10000x16xf32, #tpu.memory_space<vmem_shared>> -> memref<10000x16xf32, #tpu.memory_space<vmem_shared>>
    tpu.enqueue_indirect_dma source(%dma_start3A_71 : memref<10000x16xf32, #tpu.memory_space<vmem_shared>>) target(%arg10 : memref<1000x16xf32, #tpu.memory_space<vmem>>) offsets(%arg8 : memref<1000xi32, #tpu.memory_space<vmem>>) semaphore(%arg18 : memref<!tpu.dma_semaphore, #tpu.memory_space<semaphore_mem>>)
    %dma_wait3A_72 = arith.constant 0 : i32
    %dma_wait3A_73 = arith.constant 0 : i32
    %dma_wait3A_74 = tpu.memref_slice %arg16[%dma_wait3A_72, %dma_wait3A_73] : memref<10000x16xf32, #tpu.memory_space<vmem_shared>> -> memref<10000x16xf32, #tpu.memory_space<vmem_shared>>
    tpu.wait_indirect_dma semaphore(%arg18 : memref<!tpu.dma_semaphore, #tpu.memory_space<semaphore_mem>>) src(%dma_wait3A_74 : memref<10000x16xf32, #tpu.memory_space<vmem_shared>>) dst(%arg10 : memref<1000x16xf32, #tpu.memory_space<vmem>>)
    "tpu.region"() ({
      %run_scoped3A = tpu.sem_alloc : memref<!tpu.dma_semaphore, #tpu.memory_space<semaphore_mem>>
      %dma_start3A_117 = arith.constant 0 : i32
      %dma_start3A_118 = arith.constant 0 : i32
      %dma_start3A_119 = tpu.memref_slice %arg17[%dma_start3A_117, %dma_start3A_118] : memref<10240x16xf32, #tpu.memory_space<vmem_shared>> -> memref<10240x16xf32, #tpu.memory_space<vmem_shared>>
      tpu.enqueue_indirect_dma source(%arg10 : memref<1000x16xf32, #tpu.memory_space<vmem>>) target(%dma_start3A_119 : memref<10240x16xf32, #tpu.memory_space<vmem_shared>>) offsets(%arg9 : memref<1000xi32, #tpu.memory_space<vmem>>) semaphore(%run_scoped3A : memref<!tpu.dma_semaphore, #tpu.memory_space<semaphore_mem>>) {add = true}
      %dma_wait3A_120 = arith.constant 0 : i32
      %dma_wait3A_121 = arith.constant 0 : i32
      %dma_wait3A_122 = tpu.memref_slice %arg17[%dma_wait3A_120, %dma_wait3A_121] : memref<10240x16xf32, #tpu.memory_space<vmem_shared>> -> memref<10240x16xf32, #tpu.memory_space<vmem_shared>>
      tpu.wait_indirect_dma semaphore(%run_scoped3A : memref<!tpu.dma_semaphore, #tpu.memory_space<semaphore_mem>>) src(%arg10 : memref<1000x16xf32, #tpu.memory_space<vmem>>) dst(%dma_wait3A_122 : memref<10240x16xf32, #tpu.memory_space<vmem_shared>>)
      tpu.yield
    }) : () -> ()
    %add3A_75 = arith.constant 7000 : i32
    %add3A_76 = arith.addi %mul3A_20, %add3A_75 : i32
    "tpu.region"() ({
      %run_scoped3A = tpu.sem_alloc : memref<!tpu.dma_semaphore, #tpu.memory_space<semaphore_mem>>
      %dma_start3A_117 = tpu.memref_slice %arg3[%add3A_76] : memref<320000xi32, #tpu.memory_space<hbm>> -> memref<1000xi32, #tpu.memory_space<hbm>>
      %dma_start3A_118 = tpu.memref_slice %arg3[%add3A_76] : memref<320000xi32, #tpu.memory_space<hbm>> -> memref<1000xi32, #tpu.memory_space<hbm>>
      tpu.enqueue_dma source(%dma_start3A_118 : memref<1000xi32, #tpu.memory_space<hbm>>) target(%arg8 : memref<1000xi32, #tpu.memory_space<vmem>>) target_semaphore(%run_scoped3A : memref<!tpu.dma_semaphore, #tpu.memory_space<semaphore_mem>>)
      %dma_wait3A_119 = tpu.memref_slice %arg3[%add3A_76] : memref<320000xi32, #tpu.memory_space<hbm>> -> memref<1000xi32, #tpu.memory_space<hbm>>
      %dma_wait3A_120 = tpu.memref_slice %arg3[%add3A_76] : memref<320000xi32, #tpu.memory_space<hbm>> -> memref<1000xi32, #tpu.memory_space<hbm>>
      tpu.wait_dma2 semaphore(%run_scoped3A : memref<!tpu.dma_semaphore, #tpu.memory_space<semaphore_mem>>) src(%dma_wait3A_120 : memref<1000xi32, #tpu.memory_space<hbm>>) dst(%arg8 : memref<1000xi32, #tpu.memory_space<vmem>>)
      tpu.yield
    }) : () -> ()
    "tpu.region"() ({
      %run_scoped3A = tpu.sem_alloc : memref<!tpu.dma_semaphore, #tpu.memory_space<semaphore_mem>>
      %dma_start3A_117 = tpu.memref_slice %arg4[%add3A_76] : memref<320000xi32, #tpu.memory_space<hbm>> -> memref<1000xi32, #tpu.memory_space<hbm>>
      %dma_start3A_118 = tpu.memref_slice %arg4[%add3A_76] : memref<320000xi32, #tpu.memory_space<hbm>> -> memref<1000xi32, #tpu.memory_space<hbm>>
      tpu.enqueue_dma source(%dma_start3A_118 : memref<1000xi32, #tpu.memory_space<hbm>>) target(%arg9 : memref<1000xi32, #tpu.memory_space<vmem>>) target_semaphore(%run_scoped3A : memref<!tpu.dma_semaphore, #tpu.memory_space<semaphore_mem>>)
      %dma_wait3A_119 = tpu.memref_slice %arg4[%add3A_76] : memref<320000xi32, #tpu.memory_space<hbm>> -> memref<1000xi32, #tpu.memory_space<hbm>>
      %dma_wait3A_120 = tpu.memref_slice %arg4[%add3A_76] : memref<320000xi32, #tpu.memory_space<hbm>> -> memref<1000xi32, #tpu.memory_space<hbm>>
      tpu.wait_dma2 semaphore(%run_scoped3A : memref<!tpu.dma_semaphore, #tpu.memory_space<semaphore_mem>>) src(%dma_wait3A_120 : memref<1000xi32, #tpu.memory_space<hbm>>) dst(%arg9 : memref<1000xi32, #tpu.memory_space<vmem>>)
      tpu.yield
    }) : () -> ()
    %dma_start3A_77 = arith.constant 0 : i32
    %dma_start3A_78 = arith.constant 0 : i32
    %dma_start3A_79 = tpu.memref_slice %arg16[%dma_start3A_77, %dma_start3A_78] : memref<10000x16xf32, #tpu.memory_space<vmem_shared>> -> memref<10000x16xf32, #tpu.memory_space<vmem_shared>>
    tpu.enqueue_indirect_dma source(%dma_start3A_79 : memref<10000x16xf32, #tpu.memory_space<vmem_shared>>) target(%arg10 : memref<1000x16xf32, #tpu.memory_space<vmem>>) offsets(%arg8 : memref<1000xi32, #tpu.memory_space<vmem>>) semaphore(%arg18 : memref<!tpu.dma_semaphore, #tpu.memory_space<semaphore_mem>>)
    %dma_wait3A_80 = arith.constant 0 : i32
    %dma_wait3A_81 = arith.constant 0 : i32
    %dma_wait3A_82 = tpu.memref_slice %arg16[%dma_wait3A_80, %dma_wait3A_81] : memref<10000x16xf32, #tpu.memory_space<vmem_shared>> -> memref<10000x16xf32, #tpu.memory_space<vmem_shared>>
    tpu.wait_indirect_dma semaphore(%arg18 : memref<!tpu.dma_semaphore, #tpu.memory_space<semaphore_mem>>) src(%dma_wait3A_82 : memref<10000x16xf32, #tpu.memory_space<vmem_shared>>) dst(%arg10 : memref<1000x16xf32, #tpu.memory_space<vmem>>)
    "tpu.region"() ({
      %run_scoped3A = tpu.sem_alloc : memref<!tpu.dma_semaphore, #tpu.memory_space<semaphore_mem>>
      %dma_start3A_117 = arith.constant 0 : i32
      %dma_start3A_118 = arith.constant 0 : i32
      %dma_start3A_119 = tpu.memref_slice %arg17[%dma_start3A_117, %dma_start3A_118] : memref<10240x16xf32, #tpu.memory_space<vmem_shared>> -> memref<10240x16xf32, #tpu.memory_space<vmem_shared>>
      tpu.enqueue_indirect_dma source(%arg10 : memref<1000x16xf32, #tpu.memory_space<vmem>>) target(%dma_start3A_119 : memref<10240x16xf32, #tpu.memory_space<vmem_shared>>) offsets(%arg9 : memref<1000xi32, #tpu.memory_space<vmem>>) semaphore(%run_scoped3A : memref<!tpu.dma_semaphore, #tpu.memory_space<semaphore_mem>>) {add = true}
      %dma_wait3A_120 = arith.constant 0 : i32
      %dma_wait3A_121 = arith.constant 0 : i32
      %dma_wait3A_122 = tpu.memref_slice %arg17[%dma_wait3A_120, %dma_wait3A_121] : memref<10240x16xf32, #tpu.memory_space<vmem_shared>> -> memref<10240x16xf32, #tpu.memory_space<vmem_shared>>
      tpu.wait_indirect_dma semaphore(%run_scoped3A : memref<!tpu.dma_semaphore, #tpu.memory_space<semaphore_mem>>) src(%arg10 : memref<1000x16xf32, #tpu.memory_space<vmem>>) dst(%dma_wait3A_122 : memref<10240x16xf32, #tpu.memory_space<vmem_shared>>)
      tpu.yield
    }) : () -> ()
    %add3A_83 = arith.constant 8000 : i32
    %add3A_84 = arith.addi %mul3A_20, %add3A_83 : i32
    "tpu.region"() ({
      %run_scoped3A = tpu.sem_alloc : memref<!tpu.dma_semaphore, #tpu.memory_space<semaphore_mem>>
      %dma_start3A_117 = tpu.memref_slice %arg3[%add3A_84] : memref<320000xi32, #tpu.memory_space<hbm>> -> memref<1000xi32, #tpu.memory_space<hbm>>
      %dma_start3A_118 = tpu.memref_slice %arg3[%add3A_84] : memref<320000xi32, #tpu.memory_space<hbm>> -> memref<1000xi32, #tpu.memory_space<hbm>>
      tpu.enqueue_dma source(%dma_start3A_118 : memref<1000xi32, #tpu.memory_space<hbm>>) target(%arg8 : memref<1000xi32, #tpu.memory_space<vmem>>) target_semaphore(%run_scoped3A : memref<!tpu.dma_semaphore, #tpu.memory_space<semaphore_mem>>)
      %dma_wait3A_119 = tpu.memref_slice %arg3[%add3A_84] : memref<320000xi32, #tpu.memory_space<hbm>> -> memref<1000xi32, #tpu.memory_space<hbm>>
      %dma_wait3A_120 = tpu.memref_slice %arg3[%add3A_84] : memref<320000xi32, #tpu.memory_space<hbm>> -> memref<1000xi32, #tpu.memory_space<hbm>>
      tpu.wait_dma2 semaphore(%run_scoped3A : memref<!tpu.dma_semaphore, #tpu.memory_space<semaphore_mem>>) src(%dma_wait3A_120 : memref<1000xi32, #tpu.memory_space<hbm>>) dst(%arg8 : memref<1000xi32, #tpu.memory_space<vmem>>)
      tpu.yield
    }) : () -> ()
    "tpu.region"() ({
      %run_scoped3A = tpu.sem_alloc : memref<!tpu.dma_semaphore, #tpu.memory_space<semaphore_mem>>
      %dma_start3A_117 = tpu.memref_slice %arg4[%add3A_84] : memref<320000xi32, #tpu.memory_space<hbm>> -> memref<1000xi32, #tpu.memory_space<hbm>>
      %dma_start3A_118 = tpu.memref_slice %arg4[%add3A_84] : memref<320000xi32, #tpu.memory_space<hbm>> -> memref<1000xi32, #tpu.memory_space<hbm>>
      tpu.enqueue_dma source(%dma_start3A_118 : memref<1000xi32, #tpu.memory_space<hbm>>) target(%arg9 : memref<1000xi32, #tpu.memory_space<vmem>>) target_semaphore(%run_scoped3A : memref<!tpu.dma_semaphore, #tpu.memory_space<semaphore_mem>>)
      %dma_wait3A_119 = tpu.memref_slice %arg4[%add3A_84] : memref<320000xi32, #tpu.memory_space<hbm>> -> memref<1000xi32, #tpu.memory_space<hbm>>
      %dma_wait3A_120 = tpu.memref_slice %arg4[%add3A_84] : memref<320000xi32, #tpu.memory_space<hbm>> -> memref<1000xi32, #tpu.memory_space<hbm>>
      tpu.wait_dma2 semaphore(%run_scoped3A : memref<!tpu.dma_semaphore, #tpu.memory_space<semaphore_mem>>) src(%dma_wait3A_120 : memref<1000xi32, #tpu.memory_space<hbm>>) dst(%arg9 : memref<1000xi32, #tpu.memory_space<vmem>>)
      tpu.yield
    }) : () -> ()
    %dma_start3A_85 = arith.constant 0 : i32
    %dma_start3A_86 = arith.constant 0 : i32
    %dma_start3A_87 = tpu.memref_slice %arg16[%dma_start3A_85, %dma_start3A_86] : memref<10000x16xf32, #tpu.memory_space<vmem_shared>> -> memref<10000x16xf32, #tpu.memory_space<vmem_shared>>
    tpu.enqueue_indirect_dma source(%dma_start3A_87 : memref<10000x16xf32, #tpu.memory_space<vmem_shared>>) target(%arg10 : memref<1000x16xf32, #tpu.memory_space<vmem>>) offsets(%arg8 : memref<1000xi32, #tpu.memory_space<vmem>>) semaphore(%arg18 : memref<!tpu.dma_semaphore, #tpu.memory_space<semaphore_mem>>)
    %dma_wait3A_88 = arith.constant 0 : i32
    %dma_wait3A_89 = arith.constant 0 : i32
    %dma_wait3A_90 = tpu.memref_slice %arg16[%dma_wait3A_88, %dma_wait3A_89] : memref<10000x16xf32, #tpu.memory_space<vmem_shared>> -> memref<10000x16xf32, #tpu.memory_space<vmem_shared>>
    tpu.wait_indirect_dma semaphore(%arg18 : memref<!tpu.dma_semaphore, #tpu.memory_space<semaphore_mem>>) src(%dma_wait3A_90 : memref<10000x16xf32, #tpu.memory_space<vmem_shared>>) dst(%arg10 : memref<1000x16xf32, #tpu.memory_space<vmem>>)
    "tpu.region"() ({
      %run_scoped3A = tpu.sem_alloc : memref<!tpu.dma_semaphore, #tpu.memory_space<semaphore_mem>>
      %dma_start3A_117 = arith.constant 0 : i32
      %dma_start3A_118 = arith.constant 0 : i32
      %dma_start3A_119 = tpu.memref_slice %arg17[%dma_start3A_117, %dma_start3A_118] : memref<10240x16xf32, #tpu.memory_space<vmem_shared>> -> memref<10240x16xf32, #tpu.memory_space<vmem_shared>>
      tpu.enqueue_indirect_dma source(%arg10 : memref<1000x16xf32, #tpu.memory_space<vmem>>) target(%dma_start3A_119 : memref<10240x16xf32, #tpu.memory_space<vmem_shared>>) offsets(%arg9 : memref<1000xi32, #tpu.memory_space<vmem>>) semaphore(%run_scoped3A : memref<!tpu.dma_semaphore, #tpu.memory_space<semaphore_mem>>) {add = true}
      %dma_wait3A_120 = arith.constant 0 : i32
      %dma_wait3A_121 = arith.constant 0 : i32
      %dma_wait3A_122 = tpu.memref_slice %arg17[%dma_wait3A_120, %dma_wait3A_121] : memref<10240x16xf32, #tpu.memory_space<vmem_shared>> -> memref<10240x16xf32, #tpu.memory_space<vmem_shared>>
      tpu.wait_indirect_dma semaphore(%run_scoped3A : memref<!tpu.dma_semaphore, #tpu.memory_space<semaphore_mem>>) src(%arg10 : memref<1000x16xf32, #tpu.memory_space<vmem>>) dst(%dma_wait3A_122 : memref<10240x16xf32, #tpu.memory_space<vmem_shared>>)
      tpu.yield
    }) : () -> ()
    %add3A_91 = arith.constant 9000 : i32
    %add3A_92 = arith.addi %mul3A_20, %add3A_91 : i32
    "tpu.region"() ({
      %run_scoped3A = tpu.sem_alloc : memref<!tpu.dma_semaphore, #tpu.memory_space<semaphore_mem>>
      %dma_start3A_117 = tpu.memref_slice %arg3[%add3A_92] : memref<320000xi32, #tpu.memory_space<hbm>> -> memref<1000xi32, #tpu.memory_space<hbm>>
      %dma_start3A_118 = tpu.memref_slice %arg3[%add3A_92] : memref<320000xi32, #tpu.memory_space<hbm>> -> memref<1000xi32, #tpu.memory_space<hbm>>
      tpu.enqueue_dma source(%dma_start3A_118 : memref<1000xi32, #tpu.memory_space<hbm>>) target(%arg8 : memref<1000xi32, #tpu.memory_space<vmem>>) target_semaphore(%run_scoped3A : memref<!tpu.dma_semaphore, #tpu.memory_space<semaphore_mem>>)
      %dma_wait3A_119 = tpu.memref_slice %arg3[%add3A_92] : memref<320000xi32, #tpu.memory_space<hbm>> -> memref<1000xi32, #tpu.memory_space<hbm>>
      %dma_wait3A_120 = tpu.memref_slice %arg3[%add3A_92] : memref<320000xi32, #tpu.memory_space<hbm>> -> memref<1000xi32, #tpu.memory_space<hbm>>
      tpu.wait_dma2 semaphore(%run_scoped3A : memref<!tpu.dma_semaphore, #tpu.memory_space<semaphore_mem>>) src(%dma_wait3A_120 : memref<1000xi32, #tpu.memory_space<hbm>>) dst(%arg8 : memref<1000xi32, #tpu.memory_space<vmem>>)
      tpu.yield
    }) : () -> ()
    "tpu.region"() ({
      %run_scoped3A = tpu.sem_alloc : memref<!tpu.dma_semaphore, #tpu.memory_space<semaphore_mem>>
      %dma_start3A_117 = tpu.memref_slice %arg4[%add3A_92] : memref<320000xi32, #tpu.memory_space<hbm>> -> memref<1000xi32, #tpu.memory_space<hbm>>
      %dma_start3A_118 = tpu.memref_slice %arg4[%add3A_92] : memref<320000xi32, #tpu.memory_space<hbm>> -> memref<1000xi32, #tpu.memory_space<hbm>>
      tpu.enqueue_dma source(%dma_start3A_118 : memref<1000xi32, #tpu.memory_space<hbm>>) target(%arg9 : memref<1000xi32, #tpu.memory_space<vmem>>) target_semaphore(%run_scoped3A : memref<!tpu.dma_semaphore, #tpu.memory_space<semaphore_mem>>)
      %dma_wait3A_119 = tpu.memref_slice %arg4[%add3A_92] : memref<320000xi32, #tpu.memory_space<hbm>> -> memref<1000xi32, #tpu.memory_space<hbm>>
      %dma_wait3A_120 = tpu.memref_slice %arg4[%add3A_92] : memref<320000xi32, #tpu.memory_space<hbm>> -> memref<1000xi32, #tpu.memory_space<hbm>>
      tpu.wait_dma2 semaphore(%run_scoped3A : memref<!tpu.dma_semaphore, #tpu.memory_space<semaphore_mem>>) src(%dma_wait3A_120 : memref<1000xi32, #tpu.memory_space<hbm>>) dst(%arg9 : memref<1000xi32, #tpu.memory_space<vmem>>)
      tpu.yield
    }) : () -> ()
    %dma_start3A_93 = arith.constant 0 : i32
    %dma_start3A_94 = arith.constant 0 : i32
    %dma_start3A_95 = tpu.memref_slice %arg16[%dma_start3A_93, %dma_start3A_94] : memref<10000x16xf32, #tpu.memory_space<vmem_shared>> -> memref<10000x16xf32, #tpu.memory_space<vmem_shared>>
    tpu.enqueue_indirect_dma source(%dma_start3A_95 : memref<10000x16xf32, #tpu.memory_space<vmem_shared>>) target(%arg10 : memref<1000x16xf32, #tpu.memory_space<vmem>>) offsets(%arg8 : memref<1000xi32, #tpu.memory_space<vmem>>) semaphore(%arg18 : memref<!tpu.dma_semaphore, #tpu.memory_space<semaphore_mem>>)
    %dma_wait3A_96 = arith.constant 0 : i32
    %dma_wait3A_97 = arith.constant 0 : i32
    %dma_wait3A_98 = tpu.memref_slice %arg16[%dma_wait3A_96, %dma_wait3A_97] : memref<10000x16xf32, #tpu.memory_space<vmem_shared>> -> memref<10000x16xf32, #tpu.memory_space<vmem_shared>>
    tpu.wait_indirect_dma semaphore(%arg18 : memref<!tpu.dma_semaphore, #tpu.memory_space<semaphore_mem>>) src(%dma_wait3A_98 : memref<10000x16xf32, #tpu.memory_space<vmem_shared>>) dst(%arg10 : memref<1000x16xf32, #tpu.memory_space<vmem>>)
    "tpu.region"() ({
      %run_scoped3A = tpu.sem_alloc : memref<!tpu.dma_semaphore, #tpu.memory_space<semaphore_mem>>
      %dma_start3A_117 = arith.constant 0 : i32
      %dma_start3A_118 = arith.constant 0 : i32
      %dma_start3A_119 = tpu.memref_slice %arg17[%dma_start3A_117, %dma_start3A_118] : memref<10240x16xf32, #tpu.memory_space<vmem_shared>> -> memref<10240x16xf32, #tpu.memory_space<vmem_shared>>
      tpu.enqueue_indirect_dma source(%arg10 : memref<1000x16xf32, #tpu.memory_space<vmem>>) target(%dma_start3A_119 : memref<10240x16xf32, #tpu.memory_space<vmem_shared>>) offsets(%arg9 : memref<1000xi32, #tpu.memory_space<vmem>>) semaphore(%run_scoped3A : memref<!tpu.dma_semaphore, #tpu.memory_space<semaphore_mem>>) {add = true}
      %dma_wait3A_120 = arith.constant 0 : i32
      %dma_wait3A_121 = arith.constant 0 : i32
      %dma_wait3A_122 = tpu.memref_slice %arg17[%dma_wait3A_120, %dma_wait3A_121] : memref<10240x16xf32, #tpu.memory_space<vmem_shared>> -> memref<10240x16xf32, #tpu.memory_space<vmem_shared>>
      tpu.wait_indirect_dma semaphore(%run_scoped3A : memref<!tpu.dma_semaphore, #tpu.memory_space<semaphore_mem>>) src(%arg10 : memref<1000x16xf32, #tpu.memory_space<vmem>>) dst(%dma_wait3A_122 : memref<10240x16xf32, #tpu.memory_space<vmem_shared>>)
      tpu.yield
    }) : () -> ()
    %mul3A_99 = arith.constant 640 : i32
    %mul3A_100 = arith.muli %arg1, %mul3A_99 : i32
    "tpu.region"() ({
      %run_scoped3A = tpu.sem_alloc : memref<!tpu.dma_semaphore, #tpu.memory_space<semaphore_mem>>
      %dma_start3A_117 = arith.constant 0 : i32
      %dma_start3A_118 = tpu.memref_slice %arg6[%mul3A_100, %dma_start3A_117] : memref<10240x16xf32, #tpu.memory_space<hbm>> -> memref<640x16xf32, #tpu.memory_space<hbm>>
      %dma_start3A_119 = arith.constant 0 : i32
      %dma_start3A_120 = tpu.memref_slice %arg6[%mul3A_100, %dma_start3A_119] : memref<10240x16xf32, #tpu.memory_space<hbm>> -> memref<640x16xf32, #tpu.memory_space<hbm>>
      tpu.enqueue_dma source(%dma_start3A_120 : memref<640x16xf32, #tpu.memory_space<hbm>>) target(%arg15 : memref<640x16xf32, #tpu.memory_space<vmem>>) target_semaphore(%run_scoped3A : memref<!tpu.dma_semaphore, #tpu.memory_space<semaphore_mem>>)
      %dma_wait3A_121 = arith.constant 0 : i32
      %dma_wait3A_122 = tpu.memref_slice %arg6[%mul3A_100, %dma_wait3A_121] : memref<10240x16xf32, #tpu.memory_space<hbm>> -> memref<640x16xf32, #tpu.memory_space<hbm>>
      %dma_wait3A_123 = arith.constant 0 : i32
      %dma_wait3A_124 = tpu.memref_slice %arg6[%mul3A_100, %dma_wait3A_123] : memref<10240x16xf32, #tpu.memory_space<hbm>> -> memref<640x16xf32, #tpu.memory_space<hbm>>
      tpu.wait_dma2 semaphore(%run_scoped3A : memref<!tpu.dma_semaphore, #tpu.memory_space<semaphore_mem>>) src(%dma_wait3A_124 : memref<640x16xf32, #tpu.memory_space<hbm>>) dst(%arg15 : memref<640x16xf32, #tpu.memory_space<vmem>>)
      tpu.yield
    }) : () -> ()
    %barrier3A_101 = arith.constant 0 : index
    tpu.barrier barrier_id(%barrier3A_101)
    %mul3A_102 = arith.constant 640 : i32
    %mul3A_103 = arith.muli %arg1, %mul3A_102 : i32
    "tpu.region"() ({
      %run_scoped3A = tpu.sem_alloc : memref<!tpu.dma_semaphore, #tpu.memory_space<semaphore_mem>>
      %dma_start3A_117 = arith.constant 0 : i32
      %dma_start3A_118 = arith.constant 0 : i32
      %dma_start3A_119 = tpu.memref_slice %arg10[%dma_start3A_117, %dma_start3A_118] : memref<1000x16xf32, #tpu.memory_space<vmem>> -> memref<640x16xf32, #tpu.memory_space<vmem>>
      %dma_start3A_120 = arith.constant 0 : i32
      %dma_start3A_121 = tpu.memref_slice %arg17[%mul3A_103, %dma_start3A_120] : memref<10240x16xf32, #tpu.memory_space<vmem_shared>> -> memref<640x16xf32, #tpu.memory_space<vmem_shared>>
      %dma_start3A_122 = arith.constant 0 : i32
      %dma_start3A_123 = arith.constant 0 : i32
      %dma_start3A_124 = tpu.memref_slice %arg10[%dma_start3A_122, %dma_start3A_123] : memref<1000x16xf32, #tpu.memory_space<vmem>> -> memref<640x16xf32, #tpu.memory_space<vmem>>
      %dma_start3A_125 = arith.constant 0 : i32
      %dma_start3A_126 = tpu.memref_slice %arg17[%mul3A_103, %dma_start3A_125] : memref<10240x16xf32, #tpu.memory_space<vmem_shared>> -> memref<640x16xf32, #tpu.memory_space<vmem_shared>>
      tpu.enqueue_dma source(%dma_start3A_126 : memref<640x16xf32, #tpu.memory_space<vmem_shared>>) target(%dma_start3A_124 : memref<640x16xf32, #tpu.memory_space<vmem>>) target_semaphore(%run_scoped3A : memref<!tpu.dma_semaphore, #tpu.memory_space<semaphore_mem>>)
      %dma_wait3A_127 = arith.constant 0 : i32
      %dma_wait3A_128 = arith.constant 0 : i32
      %dma_wait3A_129 = tpu.memref_slice %arg10[%dma_wait3A_127, %dma_wait3A_128] : memref<1000x16xf32, #tpu.memory_space<vmem>> -> memref<640x16xf32, #tpu.memory_space<vmem>>
      %dma_wait3A_130 = arith.constant 0 : i32
      %dma_wait3A_131 = tpu.memref_slice %arg17[%mul3A_103, %dma_wait3A_130] : memref<10240x16xf32, #tpu.memory_space<vmem_shared>> -> memref<640x16xf32, #tpu.memory_space<vmem_shared>>
      %dma_wait3A_132 = arith.constant 0 : i32
      %dma_wait3A_133 = arith.constant 0 : i32
      %dma_wait3A_134 = tpu.memref_slice %arg10[%dma_wait3A_132, %dma_wait3A_133] : memref<1000x16xf32, #tpu.memory_space<vmem>> -> memref<640x16xf32, #tpu.memory_space<vmem>>
      %dma_wait3A_135 = arith.constant 0 : i32
      %dma_wait3A_136 = tpu.memref_slice %arg17[%mul3A_103, %dma_wait3A_135] : memref<10240x16xf32, #tpu.memory_space<vmem_shared>> -> memref<640x16xf32, #tpu.memory_space<vmem_shared>>
      tpu.wait_dma2 semaphore(%run_scoped3A : memref<!tpu.dma_semaphore, #tpu.memory_space<semaphore_mem>>) src(%dma_wait3A_136 : memref<640x16xf32, #tpu.memory_space<vmem_shared>>) dst(%dma_wait3A_134 : memref<640x16xf32, #tpu.memory_space<vmem>>)
      tpu.yield
    }) : () -> ()
    %eq3A = arith.constant 0 : i32
    %eq3A_104 = arith.cmpi eq, %arg0, %eq3A : i32
    %jit3A = arith.constant 1.000000e+00 : f32
    %jit3A_105 = arith.constant 0.000000e+00 : f32
    %select_n3A = arith.select %eq3A_104, %jit3A, %jit3A_105 : f32
    %broadcast_in_dim3A_106 = vector.broadcast %select_n3A : f32 to vector<16xf32>
    %scan3A_107 = arith.constant 0 : i32
    %scan3A_108 = arith.constant 0 : i32
    %scan3A_109 = arith.constant 40 : i32
    %scan3A_110 = arith.addi %scan3A_108, %scan3A_109 : i32
    %scan3A_111 = arith.constant 1 : i32
    %scan3A_112 = scf.for %scan3A_117 = %scan3A_108 to %scan3A_110 step %scan3A_111 iter_args(%scan3A_118 = %scan3A_107) -> (i32)  : i32 {
      %mul3A_119 = arith.constant 16 : i32
      %mul3A_120 = arith.muli %scan3A_117, %mul3A_119 : i32
      %get3A = arith.index_cast %mul3A_120 : i32 to index
      %get3A_121 = tpu.vector_load %arg14[%get3A] {strides = array<i32>} : memref<640xf32, #tpu.memory_space<vmem>>, vector<16xf32>,
      %mul3A_122 = arith.constant 16 : i32
      %mul3A_123 = arith.muli %scan3A_117, %mul3A_122 : i32
      %add3A_124 = arith.constant 0 : i32
      %add3A_125 = arith.addi %mul3A_123, %add3A_124 : i32
      %get3A_126 = arith.index_cast %add3A_125 : i32 to index
      %get3A_127 = arith.constant 0 : index
      %get3A_128 = tpu.vector_load %arg10[%get3A_126, %get3A_127] {strides = array<i32>} : memref<1000x16xf32, #tpu.memory_space<vmem>>, vector<16xf32>,
      %slice3A = vector.extract_strided_slice %get3A_121 {offsets = [0], sizes = [1], strides = [1]} : vector<16xf32> to vector<1xf32>
      %squeeze3A = vector.extract %slice3A[0] : f32 from vector<1xf32>
      %broadcast_in_dim3A_129 = vector.broadcast %squeeze3A : f32 to vector<16xf32>
      %mul3A_130 = arith.mulf %get3A_128, %broadcast_in_dim3A_129 : vector<16xf32>
      %get3A_131 = arith.index_cast %add3A_125 : i32 to index
      %get3A_132 = arith.constant 0 : index
      %get3A_133 = tpu.vector_load %arg15[%get3A_131, %get3A_132] {strides = array<i32>} : memref<640x16xf32, #tpu.memory_space<vmem>>, vector<16xf32>,
      %mul3A_134 = arith.mulf %get3A_133, %broadcast_in_dim3A_106 : vector<16xf32>
      %add3A_135 = arith.addf %mul3A_130, %mul3A_134 : vector<16xf32>
      %swap3A = arith.index_cast %add3A_125 : i32 to index
      %swap3A_136 = arith.constant 0 : index
      %swap3A_137 = tpu.vector_load %arg10[%swap3A, %swap3A_136] {strides = array<i32>} : memref<1000x16xf32, #tpu.memory_space<vmem>>, vector<16xf32>,
      tpu.vector_store %arg10[%swap3A, %swap3A_136], %add3A_135 {strides = array<i32>} : memref<1000x16xf32, #tpu.memory_space<vmem>>, vector<16xf32>,
      %mul3A_138 = arith.constant 16 : i32
      %mul3A_139 = arith.muli %scan3A_117, %mul3A_138 : i32
      %add3A_140 = arith.constant 1 : i32
      %add3A_141 = arith.addi %mul3A_139, %add3A_140 : i32
      %get3A_142 = arith.index_cast %add3A_141 : i32 to index
      %get3A_143 = arith.constant 0 : index
      %get3A_144 = tpu.vector_load %arg10[%get3A_142, %get3A_143] {strides = array<i32>} : memref<1000x16xf32, #tpu.memory_space<vmem>>, vector<16xf32>,
      %slice3A_145 = vector.extract_strided_slice %get3A_121 {offsets = [1], sizes = [1], strides = [1]} : vector<16xf32> to vector<1xf32>
      %squeeze3A_146 = vector.extract %slice3A_145[0] : f32 from vector<1xf32>
      %broadcast_in_dim3A_147 = vector.broadcast %squeeze3A_146 : f32 to vector<16xf32>
      %mul3A_148 = arith.mulf %get3A_144, %broadcast_in_dim3A_147 : vector<16xf32>
      %get3A_149 = arith.index_cast %add3A_141 : i32 to index
      %get3A_150 = arith.constant 0 : index
      %get3A_151 = tpu.vector_load %arg15[%get3A_149, %get3A_150] {strides = array<i32>} : memref<640x16xf32, #tpu.memory_space<vmem>>, vector<16xf32>,
      %mul3A_152 = arith.mulf %get3A_151, %broadcast_in_dim3A_106 : vector<16xf32>
      %add3A_153 = arith.addf %mul3A_148, %mul3A_152 : vector<16xf32>
      %swap3A_154 = arith.index_cast %add3A_141 : i32 to index
      %swap3A_155 = arith.constant 0 : index
      %swap3A_156 = tpu.vector_load %arg10[%swap3A_154, %swap3A_155] {strides = array<i32>} : memref<1000x16xf32, #tpu.memory_space<vmem>>, vector<16xf32>,
      tpu.vector_store %arg10[%swap3A_154, %swap3A_155], %add3A_153 {strides = array<i32>} : memref<1000x16xf32, #tpu.memory_space<vmem>>, vector<16xf32>,
      %mul3A_157 = arith.constant 16 : i32
      %mul3A_158 = arith.muli %scan3A_117, %mul3A_157 : i32
      %add3A_159 = arith.constant 2 : i32
      %add3A_160 = arith.addi %mul3A_158, %add3A_159 : i32
      %get3A_161 = arith.index_cast %add3A_160 : i32 to index
      %get3A_162 = arith.constant 0 : index
      %get3A_163 = tpu.vector_load %arg10[%get3A_161, %get3A_162] {strides = array<i32>} : memref<1000x16xf32, #tpu.memory_space<vmem>>, vector<16xf32>,
      %slice3A_164 = vector.extract_strided_slice %get3A_121 {offsets = [2], sizes = [1], strides = [1]} : vector<16xf32> to vector<1xf32>
      %squeeze3A_165 = vector.extract %slice3A_164[0] : f32 from vector<1xf32>
      %broadcast_in_dim3A_166 = vector.broadcast %squeeze3A_165 : f32 to vector<16xf32>
      %mul3A_167 = arith.mulf %get3A_163, %broadcast_in_dim3A_166 : vector<16xf32>
      %get3A_168 = arith.index_cast %add3A_160 : i32 to index
      %get3A_169 = arith.constant 0 : index
      %get3A_170 = tpu.vector_load %arg15[%get3A_168, %get3A_169] {strides = array<i32>} : memref<640x16xf32, #tpu.memory_space<vmem>>, vector<16xf32>,
      %mul3A_171 = arith.mulf %get3A_170, %broadcast_in_dim3A_106 : vector<16xf32>
      %add3A_172 = arith.addf %mul3A_167, %mul3A_171 : vector<16xf32>
      %swap3A_173 = arith.index_cast %add3A_160 : i32 to index
      %swap3A_174 = arith.constant 0 : index
      %swap3A_175 = tpu.vector_load %arg10[%swap3A_173, %swap3A_174] {strides = array<i32>} : memref<1000x16xf32, #tpu.memory_space<vmem>>, vector<16xf32>,
      tpu.vector_store %arg10[%swap3A_173, %swap3A_174], %add3A_172 {strides = array<i32>} : memref<1000x16xf32, #tpu.memory_space<vmem>>, vector<16xf32>,
      %mul3A_176 = arith.constant 16 : i32
      %mul3A_177 = arith.muli %scan3A_117, %mul3A_176 : i32
      %add3A_178 = arith.constant 3 : i32
      %add3A_179 = arith.addi %mul3A_177, %add3A_178 : i32
      %get3A_180 = arith.index_cast %add3A_179 : i32 to index
      %get3A_181 = arith.constant 0 : index
      %get3A_182 = tpu.vector_load %arg10[%get3A_180, %get3A_181] {strides = array<i32>} : memref<1000x16xf32, #tpu.memory_space<vmem>>, vector<16xf32>,
      %slice3A_183 = vector.extract_strided_slice %get3A_121 {offsets = [3], sizes = [1], strides = [1]} : vector<16xf32> to vector<1xf32>
      %squeeze3A_184 = vector.extract %slice3A_183[0] : f32 from vector<1xf32>
      %broadcast_in_dim3A_185 = vector.broadcast %squeeze3A_184 : f32 to vector<16xf32>
      %mul3A_186 = arith.mulf %get3A_182, %broadcast_in_dim3A_185 : vector<16xf32>
      %get3A_187 = arith.index_cast %add3A_179 : i32 to index
      %get3A_188 = arith.constant 0 : index
      %get3A_189 = tpu.vector_load %arg15[%get3A_187, %get3A_188] {strides = array<i32>} : memref<640x16xf32, #tpu.memory_space<vmem>>, vector<16xf32>,
      %mul3A_190 = arith.mulf %get3A_189, %broadcast_in_dim3A_106 : vector<16xf32>
      %add3A_191 = arith.addf %mul3A_186, %mul3A_190 : vector<16xf32>
      %swap3A_192 = arith.index_cast %add3A_179 : i32 to index
      %swap3A_193 = arith.constant 0 : index
      %swap3A_194 = tpu.vector_load %arg10[%swap3A_192, %swap3A_193] {strides = array<i32>} : memref<1000x16xf32, #tpu.memory_space<vmem>>, vector<16xf32>,
      tpu.vector_store %arg10[%swap3A_192, %swap3A_193], %add3A_191 {strides = array<i32>} : memref<1000x16xf32, #tpu.memory_space<vmem>>, vector<16xf32>,
      %mul3A_195 = arith.constant 16 : i32
      %mul3A_196 = arith.muli %scan3A_117, %mul3A_195 : i32
      %add3A_197 = arith.constant 4 : i32
      %add3A_198 = arith.addi %mul3A_196, %add3A_197 : i32
      %get3A_199 = arith.index_cast %add3A_198 : i32 to index
      %get3A_200 = arith.constant 0 : index
      %get3A_201 = tpu.vector_load %arg10[%get3A_199, %get3A_200] {strides = array<i32>} : memref<1000x16xf32, #tpu.memory_space<vmem>>, vector<16xf32>,
      %slice3A_202 = vector.extract_strided_slice %get3A_121 {offsets = [4], sizes = [1], strides = [1]} : vector<16xf32> to vector<1xf32>
      %squeeze3A_203 = vector.extract %slice3A_202[0] : f32 from vector<1xf32>
      %broadcast_in_dim3A_204 = vector.broadcast %squeeze3A_203 : f32 to vector<16xf32>
      %mul3A_205 = arith.mulf %get3A_201, %broadcast_in_dim3A_204 : vector<16xf32>
      %get3A_206 = arith.index_cast %add3A_198 : i32 to index
      %get3A_207 = arith.constant 0 : index
      %get3A_208 = tpu.vector_load %arg15[%get3A_206, %get3A_207] {strides = array<i32>} : memref<640x16xf32, #tpu.memory_space<vmem>>, vector<16xf32>,
      %mul3A_209 = arith.mulf %get3A_208, %broadcast_in_dim3A_106 : vector<16xf32>
      %add3A_210 = arith.addf %mul3A_205, %mul3A_209 : vector<16xf32>
      %swap3A_211 = arith.index_cast %add3A_198 : i32 to index
      %swap3A_212 = arith.constant 0 : index
      %swap3A_213 = tpu.vector_load %arg10[%swap3A_211, %swap3A_212] {strides = array<i32>} : memref<1000x16xf32, #tpu.memory_space<vmem>>, vector<16xf32>,
      tpu.vector_store %arg10[%swap3A_211, %swap3A_212], %add3A_210 {strides = array<i32>} : memref<1000x16xf32, #tpu.memory_space<vmem>>, vector<16xf32>,
      %mul3A_214 = arith.constant 16 : i32
      %mul3A_215 = arith.muli %scan3A_117, %mul3A_214 : i32
      %add3A_216 = arith.constant 5 : i32
      %add3A_217 = arith.addi %mul3A_215, %add3A_216 : i32
      %get3A_218 = arith.index_cast %add3A_217 : i32 to index
      %get3A_219 = arith.constant 0 : index
      %get3A_220 = tpu.vector_load %arg10[%get3A_218, %get3A_219] {strides = array<i32>} : memref<1000x16xf32, #tpu.memory_space<vmem>>, vector<16xf32>,
      %slice3A_221 = vector.extract_strided_slice %get3A_121 {offsets = [5], sizes = [1], strides = [1]} : vector<16xf32> to vector<1xf32>
      %squeeze3A_222 = vector.extract %slice3A_221[0] : f32 from vector<1xf32>
      %broadcast_in_dim3A_223 = vector.broadcast %squeeze3A_222 : f32 to vector<16xf32>
      %mul3A_224 = arith.mulf %get3A_220, %broadcast_in_dim3A_223 : vector<16xf32>
      %get3A_225 = arith.index_cast %add3A_217 : i32 to index
      %get3A_226 = arith.constant 0 : index
      %get3A_227 = tpu.vector_load %arg15[%get3A_225, %get3A_226] {strides = array<i32>} : memref<640x16xf32, #tpu.memory_space<vmem>>, vector<16xf32>,
      %mul3A_228 = arith.mulf %get3A_227, %broadcast_in_dim3A_106 : vector<16xf32>
      %add3A_229 = arith.addf %mul3A_224, %mul3A_228 : vector<16xf32>
      %swap3A_230 = arith.index_cast %add3A_217 : i32 to index
      %swap3A_231 = arith.constant 0 : index
      %swap3A_232 = tpu.vector_load %arg10[%swap3A_230, %swap3A_231] {strides = array<i32>} : memref<1000x16xf32, #tpu.memory_space<vmem>>, vector<16xf32>,
      tpu.vector_store %arg10[%swap3A_230, %swap3A_231], %add3A_229 {strides = array<i32>} : memref<1000x16xf32, #tpu.memory_space<vmem>>, vector<16xf32>,
      %mul3A_233 = arith.constant 16 : i32
      %mul3A_234 = arith.muli %scan3A_117, %mul3A_233 : i32
      %add3A_235 = arith.constant 6 : i32
      %add3A_236 = arith.addi %mul3A_234, %add3A_235 : i32
      %get3A_237 = arith.index_cast %add3A_236 : i32 to index
      %get3A_238 = arith.constant 0 : index
      %get3A_239 = tpu.vector_load %arg10[%get3A_237, %get3A_238] {strides = array<i32>} : memref<1000x16xf32, #tpu.memory_space<vmem>>, vector<16xf32>,
      %slice3A_240 = vector.extract_strided_slice %get3A_121 {offsets = [6], sizes = [1], strides = [1]} : vector<16xf32> to vector<1xf32>
      %squeeze3A_241 = vector.extract %slice3A_240[0] : f32 from vector<1xf32>
      %broadcast_in_dim3A_242 = vector.broadcast %squeeze3A_241 : f32 to vector<16xf32>
      %mul3A_243 = arith.mulf %get3A_239, %broadcast_in_dim3A_242 : vector<16xf32>
      %get3A_244 = arith.index_cast %add3A_236 : i32 to index
      %get3A_245 = arith.constant 0 : index
      %get3A_246 = tpu.vector_load %arg15[%get3A_244, %get3A_245] {strides = array<i32>} : memref<640x16xf32, #tpu.memory_space<vmem>>, vector<16xf32>,
      %mul3A_247 = arith.mulf %get3A_246, %broadcast_in_dim3A_106 : vector<16xf32>
      %add3A_248 = arith.addf %mul3A_243, %mul3A_247 : vector<16xf32>
      %swap3A_249 = arith.index_cast %add3A_236 : i32 to index
      %swap3A_250 = arith.constant 0 : index
      %swap3A_251 = tpu.vector_load %arg10[%swap3A_249, %swap3A_250] {strides = array<i32>} : memref<1000x16xf32, #tpu.memory_space<vmem>>, vector<16xf32>,
      tpu.vector_store %arg10[%swap3A_249, %swap3A_250], %add3A_248 {strides = array<i32>} : memref<1000x16xf32, #tpu.memory_space<vmem>>, vector<16xf32>,
      %mul3A_252 = arith.constant 16 : i32
      %mul3A_253 = arith.muli %scan3A_117, %mul3A_252 : i32
      %add3A_254 = arith.constant 7 : i32
      %add3A_255 = arith.addi %mul3A_253, %add3A_254 : i32
      %get3A_256 = arith.index_cast %add3A_255 : i32 to index
      %get3A_257 = arith.constant 0 : index
      %get3A_258 = tpu.vector_load %arg10[%get3A_256, %get3A_257] {strides = array<i32>} : memref<1000x16xf32, #tpu.memory_space<vmem>>, vector<16xf32>,
      %slice3A_259 = vector.extract_strided_slice %get3A_121 {offsets = [7], sizes = [1], strides = [1]} : vector<16xf32> to vector<1xf32>
      %squeeze3A_260 = vector.extract %slice3A_259[0] : f32 from vector<1xf32>
      %broadcast_in_dim3A_261 = vector.broadcast %squeeze3A_260 : f32 to vector<16xf32>
      %mul3A_262 = arith.mulf %get3A_258, %broadcast_in_dim3A_261 : vector<16xf32>
      %get3A_263 = arith.index_cast %add3A_255 : i32 to index
      %get3A_264 = arith.constant 0 : index
      %get3A_265 = tpu.vector_load %arg15[%get3A_263, %get3A_264] {strides = array<i32>} : memref<640x16xf32, #tpu.memory_space<vmem>>, vector<16xf32>,
      %mul3A_266 = arith.mulf %get3A_265, %broadcast_in_dim3A_106 : vector<16xf32>
      %add3A_267 = arith.addf %mul3A_262, %mul3A_266 : vector<16xf32>
      %swap3A_268 = arith.index_cast %add3A_255 : i32 to index
      %swap3A_269 = arith.constant 0 : index
      %swap3A_270 = tpu.vector_load %arg10[%swap3A_268, %swap3A_269] {strides = array<i32>} : memref<1000x16xf32, #tpu.memory_space<vmem>>, vector<16xf32>,
      tpu.vector_store %arg10[%swap3A_268, %swap3A_269], %add3A_267 {strides = array<i32>} : memref<1000x16xf32, #tpu.memory_space<vmem>>, vector<16xf32>,
      %mul3A_271 = arith.constant 16 : i32
      %mul3A_272 = arith.muli %scan3A_117, %mul3A_271 : i32
      %add3A_273 = arith.constant 8 : i32
      %add3A_274 = arith.addi %mul3A_272, %add3A_273 : i32
      %get3A_275 = arith.index_cast %add3A_274 : i32 to index
      %get3A_276 = arith.constant 0 : index
      %get3A_277 = tpu.vector_load %arg10[%get3A_275, %get3A_276] {strides = array<i32>} : memref<1000x16xf32, #tpu.memory_space<vmem>>, vector<16xf32>,
      %slice3A_278 = vector.extract_strided_slice %get3A_121 {offsets = [8], sizes = [1], strides = [1]} : vector<16xf32> to vector<1xf32>
      %squeeze3A_279 = vector.extract %slice3A_278[0] : f32 from vector<1xf32>
      %broadcast_in_dim3A_280 = vector.broadcast %squeeze3A_279 : f32 to vector<16xf32>
      %mul3A_281 = arith.mulf %get3A_277, %broadcast_in_dim3A_280 : vector<16xf32>
      %get3A_282 = arith.index_cast %add3A_274 : i32 to index
      %get3A_283 = arith.constant 0 : index
      %get3A_284 = tpu.vector_load %arg15[%get3A_282, %get3A_283] {strides = array<i32>} : memref<640x16xf32, #tpu.memory_space<vmem>>, vector<16xf32>,
      %mul3A_285 = arith.mulf %get3A_284, %broadcast_in_dim3A_106 : vector<16xf32>
      %add3A_286 = arith.addf %mul3A_281, %mul3A_285 : vector<16xf32>
      %swap3A_287 = arith.index_cast %add3A_274 : i32 to index
      %swap3A_288 = arith.constant 0 : index
      %swap3A_289 = tpu.vector_load %arg10[%swap3A_287, %swap3A_288] {strides = array<i32>} : memref<1000x16xf32, #tpu.memory_space<vmem>>, vector<16xf32>,
      tpu.vector_store %arg10[%swap3A_287, %swap3A_288], %add3A_286 {strides = array<i32>} : memref<1000x16xf32, #tpu.memory_space<vmem>>, vector<16xf32>,
      %mul3A_290 = arith.constant 16 : i32
      %mul3A_291 = arith.muli %scan3A_117, %mul3A_290 : i32
      %add3A_292 = arith.constant 9 : i32
      %add3A_293 = arith.addi %mul3A_291, %add3A_292 : i32
      %get3A_294 = arith.index_cast %add3A_293 : i32 to index
      %get3A_295 = arith.constant 0 : index
      %get3A_296 = tpu.vector_load %arg10[%get3A_294, %get3A_295] {strides = array<i32>} : memref<1000x16xf32, #tpu.memory_space<vmem>>, vector<16xf32>,
      %slice3A_297 = vector.extract_strided_slice %get3A_121 {offsets = [9], sizes = [1], strides = [1]} : vector<16xf32> to vector<1xf32>
      %squeeze3A_298 = vector.extract %slice3A_297[0] : f32 from vector<1xf32>
      %broadcast_in_dim3A_299 = vector.broadcast %squeeze3A_298 : f32 to vector<16xf32>
      %mul3A_300 = arith.mulf %get3A_296, %broadcast_in_dim3A_299 : vector<16xf32>
      %get3A_301 = arith.index_cast %add3A_293 : i32 to index
      %get3A_302 = arith.constant 0 : index
      %get3A_303 = tpu.vector_load %arg15[%get3A_301, %get3A_302] {strides = array<i32>} : memref<640x16xf32, #tpu.memory_space<vmem>>, vector<16xf32>,
      %mul3A_304 = arith.mulf %get3A_303, %broadcast_in_dim3A_106 : vector<16xf32>
      %add3A_305 = arith.addf %mul3A_300, %mul3A_304 : vector<16xf32>
      %swap3A_306 = arith.index_cast %add3A_293 : i32 to index
      %swap3A_307 = arith.constant 0 : index
      %swap3A_308 = tpu.vector_load %arg10[%swap3A_306, %swap3A_307] {strides = array<i32>} : memref<1000x16xf32, #tpu.memory_space<vmem>>, vector<16xf32>,
      tpu.vector_store %arg10[%swap3A_306, %swap3A_307], %add3A_305 {strides = array<i32>} : memref<1000x16xf32, #tpu.memory_space<vmem>>, vector<16xf32>,
      %mul3A_309 = arith.constant 16 : i32
      %mul3A_310 = arith.muli %scan3A_117, %mul3A_309 : i32
      %add3A_311 = arith.constant 10 : i32
      %add3A_312 = arith.addi %mul3A_310, %add3A_311 : i32
      %get3A_313 = arith.index_cast %add3A_312 : i32 to index
      %get3A_314 = arith.constant 0 : index
      %get3A_315 = tpu.vector_load %arg10[%get3A_313, %get3A_314] {strides = array<i32>} : memref<1000x16xf32, #tpu.memory_space<vmem>>, vector<16xf32>,
      %slice3A_316 = vector.extract_strided_slice %get3A_121 {offsets = [10], sizes = [1], strides = [1]} : vector<16xf32> to vector<1xf32>
      %squeeze3A_317 = vector.extract %slice3A_316[0] : f32 from vector<1xf32>
      %broadcast_in_dim3A_318 = vector.broadcast %squeeze3A_317 : f32 to vector<16xf32>
      %mul3A_319 = arith.mulf %get3A_315, %broadcast_in_dim3A_318 : vector<16xf32>
      %get3A_320 = arith.index_cast %add3A_312 : i32 to index
      %get3A_321 = arith.constant 0 : index
      %get3A_322 = tpu.vector_load %arg15[%get3A_320, %get3A_321] {strides = array<i32>} : memref<640x16xf32, #tpu.memory_space<vmem>>, vector<16xf32>,
      %mul3A_323 = arith.mulf %get3A_322, %broadcast_in_dim3A_106 : vector<16xf32>
      %add3A_324 = arith.addf %mul3A_319, %mul3A_323 : vector<16xf32>
      %swap3A_325 = arith.index_cast %add3A_312 : i32 to index
      %swap3A_326 = arith.constant 0 : index
      %swap3A_327 = tpu.vector_load %arg10[%swap3A_325, %swap3A_326] {strides = array<i32>} : memref<1000x16xf32, #tpu.memory_space<vmem>>, vector<16xf32>,
      tpu.vector_store %arg10[%swap3A_325, %swap3A_326], %add3A_324 {strides = array<i32>} : memref<1000x16xf32, #tpu.memory_space<vmem>>, vector<16xf32>,
      %mul3A_328 = arith.constant 16 : i32
      %mul3A_329 = arith.muli %scan3A_117, %mul3A_328 : i32
      %add3A_330 = arith.constant 11 : i32
      %add3A_331 = arith.addi %mul3A_329, %add3A_330 : i32
      %get3A_332 = arith.index_cast %add3A_331 : i32 to index
      %get3A_333 = arith.constant 0 : index
      %get3A_334 = tpu.vector_load %arg10[%get3A_332, %get3A_333] {strides = array<i32>} : memref<1000x16xf32, #tpu.memory_space<vmem>>, vector<16xf32>,
      %slice3A_335 = vector.extract_strided_slice %get3A_121 {offsets = [11], sizes = [1], strides = [1]} : vector<16xf32> to vector<1xf32>
      %squeeze3A_336 = vector.extract %slice3A_335[0] : f32 from vector<1xf32>
      %broadcast_in_dim3A_337 = vector.broadcast %squeeze3A_336 : f32 to vector<16xf32>
      %mul3A_338 = arith.mulf %get3A_334, %broadcast_in_dim3A_337 : vector<16xf32>
      %get3A_339 = arith.index_cast %add3A_331 : i32 to index
      %get3A_340 = arith.constant 0 : index
      %get3A_341 = tpu.vector_load %arg15[%get3A_339, %get3A_340] {strides = array<i32>} : memref<640x16xf32, #tpu.memory_space<vmem>>, vector<16xf32>,
      %mul3A_342 = arith.mulf %get3A_341, %broadcast_in_dim3A_106 : vector<16xf32>
      %add3A_343 = arith.addf %mul3A_338, %mul3A_342 : vector<16xf32>
      %swap3A_344 = arith.index_cast %add3A_331 : i32 to index
      %swap3A_345 = arith.constant 0 : index
      %swap3A_346 = tpu.vector_load %arg10[%swap3A_344, %swap3A_345] {strides = array<i32>} : memref<1000x16xf32, #tpu.memory_space<vmem>>, vector<16xf32>,
      tpu.vector_store %arg10[%swap3A_344, %swap3A_345], %add3A_343 {strides = array<i32>} : memref<1000x16xf32, #tpu.memory_space<vmem>>, vector<16xf32>,
      %mul3A_347 = arith.constant 16 : i32
      %mul3A_348 = arith.muli %scan3A_117, %mul3A_347 : i32
      %add3A_349 = arith.constant 12 : i32
      %add3A_350 = arith.addi %mul3A_348, %add3A_349 : i32
      %get3A_351 = arith.index_cast %add3A_350 : i32 to index
      %get3A_352 = arith.constant 0 : index
      %get3A_353 = tpu.vector_load %arg10[%get3A_351, %get3A_352] {strides = array<i32>} : memref<1000x16xf32, #tpu.memory_space<vmem>>, vector<16xf32>,
      %slice3A_354 = vector.extract_strided_slice %get3A_121 {offsets = [12], sizes = [1], strides = [1]} : vector<16xf32> to vector<1xf32>
      %squeeze3A_355 = vector.extract %slice3A_354[0] : f32 from vector<1xf32>
      %broadcast_in_dim3A_356 = vector.broadcast %squeeze3A_355 : f32 to vector<16xf32>
      %mul3A_357 = arith.mulf %get3A_353, %broadcast_in_dim3A_356 : vector<16xf32>
      %get3A_358 = arith.index_cast %add3A_350 : i32 to index
      %get3A_359 = arith.constant 0 : index
      %get3A_360 = tpu.vector_load %arg15[%get3A_358, %get3A_359] {strides = array<i32>} : memref<640x16xf32, #tpu.memory_space<vmem>>, vector<16xf32>,
      %mul3A_361 = arith.mulf %get3A_360, %broadcast_in_dim3A_106 : vector<16xf32>
      %add3A_362 = arith.addf %mul3A_357, %mul3A_361 : vector<16xf32>
      %swap3A_363 = arith.index_cast %add3A_350 : i32 to index
      %swap3A_364 = arith.constant 0 : index
      %swap3A_365 = tpu.vector_load %arg10[%swap3A_363, %swap3A_364] {strides = array<i32>} : memref<1000x16xf32, #tpu.memory_space<vmem>>, vector<16xf32>,
      tpu.vector_store %arg10[%swap3A_363, %swap3A_364], %add3A_362 {strides = array<i32>} : memref<1000x16xf32, #tpu.memory_space<vmem>>, vector<16xf32>,
      %mul3A_366 = arith.constant 16 : i32
      %mul3A_367 = arith.muli %scan3A_117, %mul3A_366 : i32
      %add3A_368 = arith.constant 13 : i32
      %add3A_369 = arith.addi %mul3A_367, %add3A_368 : i32
      %get3A_370 = arith.index_cast %add3A_369 : i32 to index
      %get3A_371 = arith.constant 0 : index
      %get3A_372 = tpu.vector_load %arg10[%get3A_370, %get3A_371] {strides = array<i32>} : memref<1000x16xf32, #tpu.memory_space<vmem>>, vector<16xf32>,
      %slice3A_373 = vector.extract_strided_slice %get3A_121 {offsets = [13], sizes = [1], strides = [1]} : vector<16xf32> to vector<1xf32>
      %squeeze3A_374 = vector.extract %slice3A_373[0] : f32 from vector<1xf32>
      %broadcast_in_dim3A_375 = vector.broadcast %squeeze3A_374 : f32 to vector<16xf32>
      %mul3A_376 = arith.mulf %get3A_372, %broadcast_in_dim3A_375 : vector<16xf32>
      %get3A_377 = arith.index_cast %add3A_369 : i32 to index
      %get3A_378 = arith.constant 0 : index
      %get3A_379 = tpu.vector_load %arg15[%get3A_377, %get3A_378] {strides = array<i32>} : memref<640x16xf32, #tpu.memory_space<vmem>>, vector<16xf32>,
      %mul3A_380 = arith.mulf %get3A_379, %broadcast_in_dim3A_106 : vector<16xf32>
      %add3A_381 = arith.addf %mul3A_376, %mul3A_380 : vector<16xf32>
      %swap3A_382 = arith.index_cast %add3A_369 : i32 to index
      %swap3A_383 = arith.constant 0 : index
      %swap3A_384 = tpu.vector_load %arg10[%swap3A_382, %swap3A_383] {strides = array<i32>} : memref<1000x16xf32, #tpu.memory_space<vmem>>, vector<16xf32>,
      tpu.vector_store %arg10[%swap3A_382, %swap3A_383], %add3A_381 {strides = array<i32>} : memref<1000x16xf32, #tpu.memory_space<vmem>>, vector<16xf32>,
      %mul3A_385 = arith.constant 16 : i32
      %mul3A_386 = arith.muli %scan3A_117, %mul3A_385 : i32
      %add3A_387 = arith.constant 14 : i32
      %add3A_388 = arith.addi %mul3A_386, %add3A_387 : i32
      %get3A_389 = arith.index_cast %add3A_388 : i32 to index
      %get3A_390 = arith.constant 0 : index
      %get3A_391 = tpu.vector_load %arg10[%get3A_389, %get3A_390] {strides = array<i32>} : memref<1000x16xf32, #tpu.memory_space<vmem>>, vector<16xf32>,
      %slice3A_392 = vector.extract_strided_slice %get3A_121 {offsets = [14], sizes = [1], strides = [1]} : vector<16xf32> to vector<1xf32>
      %squeeze3A_393 = vector.extract %slice3A_392[0] : f32 from vector<1xf32>
      %broadcast_in_dim3A_394 = vector.broadcast %squeeze3A_393 : f32 to vector<16xf32>
      %mul3A_395 = arith.mulf %get3A_391, %broadcast_in_dim3A_394 : vector<16xf32>
      %get3A_396 = arith.index_cast %add3A_388 : i32 to index
      %get3A_397 = arith.constant 0 : index
      %get3A_398 = tpu.vector_load %arg15[%get3A_396, %get3A_397] {strides = array<i32>} : memref<640x16xf32, #tpu.memory_space<vmem>>, vector<16xf32>,
      %mul3A_399 = arith.mulf %get3A_398, %broadcast_in_dim3A_106 : vector<16xf32>
      %add3A_400 = arith.addf %mul3A_395, %mul3A_399 : vector<16xf32>
      %swap3A_401 = arith.index_cast %add3A_388 : i32 to index
      %swap3A_402 = arith.constant 0 : index
      %swap3A_403 = tpu.vector_load %arg10[%swap3A_401, %swap3A_402] {strides = array<i32>} : memref<1000x16xf32, #tpu.memory_space<vmem>>, vector<16xf32>,
      tpu.vector_store %arg10[%swap3A_401, %swap3A_402], %add3A_400 {strides = array<i32>} : memref<1000x16xf32, #tpu.memory_space<vmem>>, vector<16xf32>,
      %mul3A_404 = arith.constant 16 : i32
      %mul3A_405 = arith.muli %scan3A_117, %mul3A_404 : i32
      %add3A_406 = arith.constant 15 : i32
      %add3A_407 = arith.addi %mul3A_405, %add3A_406 : i32
      %get3A_408 = arith.index_cast %add3A_407 : i32 to index
      %get3A_409 = arith.constant 0 : index
      %get3A_410 = tpu.vector_load %arg10[%get3A_408, %get3A_409] {strides = array<i32>} : memref<1000x16xf32, #tpu.memory_space<vmem>>, vector<16xf32>,
      %slice3A_411 = vector.extract_strided_slice %get3A_121 {offsets = [15], sizes = [1], strides = [1]} : vector<16xf32> to vector<1xf32>
      %squeeze3A_412 = vector.extract %slice3A_411[0] : f32 from vector<1xf32>
      %broadcast_in_dim3A_413 = vector.broadcast %squeeze3A_412 : f32 to vector<16xf32>
      %mul3A_414 = arith.mulf %get3A_410, %broadcast_in_dim3A_413 : vector<16xf32>
      %get3A_415 = arith.index_cast %add3A_407 : i32 to index
      %get3A_416 = arith.constant 0 : index
      %get3A_417 = tpu.vector_load %arg15[%get3A_415, %get3A_416] {strides = array<i32>} : memref<640x16xf32, #tpu.memory_space<vmem>>, vector<16xf32>,
      %mul3A_418 = arith.mulf %get3A_417, %broadcast_in_dim3A_106 : vector<16xf32>
      %add3A_419 = arith.addf %mul3A_414, %mul3A_418 : vector<16xf32>
      %swap3A_420 = arith.index_cast %add3A_407 : i32 to index
      %swap3A_421 = arith.constant 0 : index
      %swap3A_422 = tpu.vector_load %arg10[%swap3A_420, %swap3A_421] {strides = array<i32>} : memref<1000x16xf32, #tpu.memory_space<vmem>>, vector<16xf32>,
      tpu.vector_store %arg10[%swap3A_420, %swap3A_421], %add3A_419 {strides = array<i32>} : memref<1000x16xf32, #tpu.memory_space<vmem>>, vector<16xf32>,
      %scan3A_423 = arith.constant 0 : i32
      scf.yield %scan3A_423 : i32
    }
    %scan3A_113 = arith.constant 40 : i32
    %mul3A_114 = arith.constant 10240 : i32
    %mul3A_115 = arith.muli %arg0, %mul3A_114 : i32
    %add3A_116 = arith.addi %mul3A_115, %mul3A_103 : i32
    "tpu.region"() ({
      %run_scoped3A = tpu.sem_alloc : memref<!tpu.dma_semaphore, #tpu.memory_space<semaphore_mem>>
      %dma_start3A_117 = arith.constant 0 : i32
      %dma_start3A_118 = arith.constant 0 : i32
      %dma_start3A_119 = tpu.memref_slice %arg10[%dma_start3A_117, %dma_start3A_118] : memref<1000x16xf32, #tpu.memory_space<vmem>> -> memref<640x16xf32, #tpu.memory_space<vmem>>
      %dma_start3A_120 = arith.constant 0 : i32
      %dma_start3A_121 = tpu.memref_slice %arg7[%add3A_116, %dma_start3A_120] : memref<20480x16xf32, #tpu.memory_space<hbm>> -> memref<640x16xf32, #tpu.memory_space<hbm>>
      %dma_start3A_122 = arith.constant 0 : i32
      %dma_start3A_123 = tpu.memref_slice %arg7[%add3A_116, %dma_start3A_122] : memref<20480x16xf32, #tpu.memory_space<hbm>> -> memref<640x16xf32, #tpu.memory_space<hbm>>
      %dma_start3A_124 = arith.constant 0 : i32
      %dma_start3A_125 = arith.constant 0 : i32
      %dma_start3A_126 = tpu.memref_slice %arg10[%dma_start3A_124, %dma_start3A_125] : memref<1000x16xf32, #tpu.memory_space<vmem>> -> memref<640x16xf32, #tpu.memory_space<vmem>>
      tpu.enqueue_dma source(%dma_start3A_126 : memref<640x16xf32, #tpu.memory_space<vmem>>) target(%dma_start3A_123 : memref<640x16xf32, #tpu.memory_space<hbm>>) target_semaphore(%run_scoped3A : memref<!tpu.dma_semaphore, #tpu.memory_space<semaphore_mem>>)
      %dma_wait3A_127 = arith.constant 0 : i32
      %dma_wait3A_128 = arith.constant 0 : i32
      %dma_wait3A_129 = tpu.memref_slice %arg10[%dma_wait3A_127, %dma_wait3A_128] : memref<1000x16xf32, #tpu.memory_space<vmem>> -> memref<640x16xf32, #tpu.memory_space<vmem>>
      %dma_wait3A_130 = arith.constant 0 : i32
      %dma_wait3A_131 = tpu.memref_slice %arg7[%add3A_116, %dma_wait3A_130] : memref<20480x16xf32, #tpu.memory_space<hbm>> -> memref<640x16xf32, #tpu.memory_space<hbm>>
      %dma_wait3A_132 = arith.constant 0 : i32
      %dma_wait3A_133 = tpu.memref_slice %arg7[%add3A_116, %dma_wait3A_132] : memref<20480x16xf32, #tpu.memory_space<hbm>> -> memref<640x16xf32, #tpu.memory_space<hbm>>
      %dma_wait3A_134 = arith.constant 0 : i32
      %dma_wait3A_135 = arith.constant 0 : i32
      %dma_wait3A_136 = tpu.memref_slice %arg10[%dma_wait3A_134, %dma_wait3A_135] : memref<1000x16xf32, #tpu.memory_space<vmem>> -> memref<640x16xf32, #tpu.memory_space<vmem>>
      tpu.wait_dma2 semaphore(%run_scoped3A : memref<!tpu.dma_semaphore, #tpu.memory_space<semaphore_mem>>) src(%dma_wait3A_136 : memref<640x16xf32, #tpu.memory_space<vmem>>) dst(%dma_wait3A_133 : memref<640x16xf32, #tpu.memory_space<hbm>>)
      tpu.yield
    }) : () -> ()
    return
  }
}

module attributes {stable_mosaic.version = 14 : i64} {
  func.func @_proj1_body(%arg0: i32, %arg1: memref<1280x128xf32, #tpu.memory_space<vmem>>, %arg2: memref<128x16xf32, #tpu.memory_space<vmem>>, %arg3: memref<128x16xf32, #tpu.memory_space<vmem>>, %arg4: memref<1x16xf32, #tpu.memory_space<vmem>>, %arg5: memref<1280x16xf32, #tpu.memory_space<vmem>>, %arg6: memref<1280x16xf32, #tpu.memory_space<vmem>>) attributes {dimension_semantics = [#tpu.dimension_semantics<arbitrary>], iteration_bounds = array<i64: 8>, scalar_prefetch = 0 : i64, scratch_operands = 0 : i64, tpu.core_type = #tpu.core_type<tc>, window_params = [{transform_indices = @transform_0, window_bounds = array<i64: 1280, 128>}, {pipeline_mode = #tpu.pipeline_mode<synchronous>, transform_indices = @transform_1, window_bounds = array<i64: 128, 16>}, {pipeline_mode = #tpu.pipeline_mode<synchronous>, transform_indices = @transform_2, window_bounds = array<i64: 128, 16>}, {pipeline_mode = #tpu.pipeline_mode<synchronous>, transform_indices = @transform_3, window_bounds = array<i64: 1, 16>}, {transform_indices = @transform_4, window_bounds = array<i64: 1280, 16>}, {transform_indices = @transform_5, window_bounds = array<i64: 1280, 16>}]} {
    %get3A = arith.constant 0 : index
    %get3A_0 = arith.constant 0 : index
    %get3A_1 = vector.load %arg1[%get3A, %get3A_0] : memref<1280x128xf32, #tpu.memory_space<vmem>>, vector<1280x128xf32>
    %get3A_2 = arith.constant 0 : index
    %get3A_3 = arith.constant 0 : index
    %get3A_4 = vector.load %arg2[%get3A_2, %get3A_3] : memref<128x16xf32, #tpu.memory_space<vmem>>, vector<128x16xf32>
    %dot_general3A = arith.constant dense<0.000000e+00> : vector<1280x16xf32>
    %dot_general3A_5 = tpu.matmul %get3A_1, %get3A_4, %dot_general3A {dimension_numbers = #tpu.dot_dimension_numbers<[1], [0], [0], [1], [0, 0, 1, 1], [], []>, transpose_lhs_hint = false} : vector<1280x128xf32>, vector<128x16xf32>, vector<1280x16xf32> -> vector<1280x16xf32>
    %swap3A = arith.constant 0 : index
    %swap3A_6 = arith.constant 0 : index
    %swap3A_7 = vector.load %arg5[%swap3A, %swap3A_6] : memref<1280x16xf32, #tpu.memory_space<vmem>>, vector<1280x16xf32>
    tpu.vector_store %arg5[%swap3A, %swap3A_6], %dot_general3A_5 {strides = array<i32>} : memref<1280x16xf32, #tpu.memory_space<vmem>>, vector<1280x16xf32>,
    %get3A_8 = arith.constant 0 : index
    %get3A_9 = arith.constant 0 : index
    %get3A_10 = vector.load %arg3[%get3A_8, %get3A_9] : memref<128x16xf32, #tpu.memory_space<vmem>>, vector<128x16xf32>
    %dot_general3A_11 = arith.constant dense<0.000000e+00> : vector<1280x16xf32>
    %dot_general3A_12 = tpu.matmul %get3A_1, %get3A_10, %dot_general3A_11 {dimension_numbers = #tpu.dot_dimension_numbers<[1], [0], [0], [1], [0, 0, 1, 1], [], []>, transpose_lhs_hint = false} : vector<1280x128xf32>, vector<128x16xf32>, vector<1280x16xf32> -> vector<1280x16xf32>
    %get3A_13 = arith.constant 0 : index
    %get3A_14 = arith.constant 0 : index
    %get3A_15 = vector.load %arg4[%get3A_13, %get3A_14] : memref<1x16xf32, #tpu.memory_space<vmem>>, vector<1x16xf32>
    %add3A = vector.broadcast %get3A_15 : vector<1x16xf32> to vector<1280x16xf32>
    %add3A_16 = arith.addf %dot_general3A_12, %add3A : vector<1280x16xf32>
    %swap3A_17 = arith.constant 0 : index
    %swap3A_18 = arith.constant 0 : index
    %swap3A_19 = vector.load %arg6[%swap3A_17, %swap3A_18] : memref<1280x16xf32, #tpu.memory_space<vmem>>, vector<1280x16xf32>
    tpu.vector_store %arg6[%swap3A_17, %swap3A_18], %add3A_16 {strides = array<i32>} : memref<1280x16xf32, #tpu.memory_space<vmem>>, vector<1280x16xf32>,
    return
  }
  func.func @transform_0(%arg0: i32) -> (i32, i32) {
    %c0_i32 = arith.constant 0 : i32
    %c0_i32_0 = arith.constant 0 : i32
    return %arg0, %c0_i32 : i32, i32
  }
  func.func @transform_1(%arg0: i32) -> (i32, i32) {
    %c0_i32 = arith.constant 0 : i32
    %c0_i32_0 = arith.constant 0 : i32
    %c0_i32_1 = arith.constant 0 : i32
    return %c0_i32, %c0_i32_0 : i32, i32
  }
  func.func @transform_2(%arg0: i32) -> (i32, i32) {
    %c0_i32 = arith.constant 0 : i32
    %c0_i32_0 = arith.constant 0 : i32
    %c0_i32_1 = arith.constant 0 : i32
    return %c0_i32, %c0_i32_0 : i32, i32
  }
  func.func @transform_3(%arg0: i32) -> (i32, i32) {
    %c0_i32 = arith.constant 0 : i32
    %c0_i32_0 = arith.constant 0 : i32
    %c0_i32_1 = arith.constant 0 : i32
    return %c0_i32, %c0_i32_0 : i32, i32
  }
  func.func @transform_4(%arg0: i32) -> (i32, i32) {
    %c0_i32 = arith.constant 0 : i32
    %c0_i32_0 = arith.constant 0 : i32
    return %arg0, %c0_i32 : i32, i32
  }
  func.func @transform_5(%arg0: i32) -> (i32, i32) {
    %c0_i32 = arith.constant 0 : i32
    %c0_i32_0 = arith.constant 0 : i32
    return %arg0, %c0_i32 : i32, i32
  }
}

module attributes {stable_mosaic.version = 14 : i64} {
  func.func @_mid_body(%arg0: i32, %arg1: memref<160x128xf32, #tpu.memory_space<vmem>>, %arg2: memref<160x128xf32, #tpu.memory_space<vmem>>, %arg3: memref<128x128xf32, #tpu.memory_space<vmem>>, %arg4: memref<128x128xf32, #tpu.memory_space<vmem>>, %arg5: memref<1x128xf32, #tpu.memory_space<vmem>>, %arg6: memref<160x128xf32, #tpu.memory_space<vmem>>, %arg7: memref<160x128xf32, #tpu.memory_space<vmem>>) attributes {dimension_semantics = [#tpu.dimension_semantics<arbitrary>], iteration_bounds = array<i64: 8>, scalar_prefetch = 0 : i64, scratch_operands = 0 : i64, tpu.core_type = #tpu.core_type<tc>, window_params = [{transform_indices = @transform_0, window_bounds = array<i64: 160, 128>}, {transform_indices = @transform_1, window_bounds = array<i64: 160, 128>}, {pipeline_mode = #tpu.pipeline_mode<synchronous>, transform_indices = @transform_2, window_bounds = array<i64: 128, 128>}, {pipeline_mode = #tpu.pipeline_mode<synchronous>, transform_indices = @transform_3, window_bounds = array<i64: 128, 128>}, {pipeline_mode = #tpu.pipeline_mode<synchronous>, transform_indices = @transform_4, window_bounds = array<i64: 1, 128>}, {transform_indices = @transform_5, window_bounds = array<i64: 160, 128>}, {transform_indices = @transform_6, window_bounds = array<i64: 160, 128>}]} {
    %get3A = arith.constant 0 : index
    %get3A_0 = arith.constant 0 : index
    %get3A_1 = vector.load %arg1[%get3A, %get3A_0] : memref<160x128xf32, #tpu.memory_space<vmem>>, vector<160x128xf32>
    %get3A_2 = arith.constant 0 : index
    %get3A_3 = arith.constant 0 : index
    %get3A_4 = vector.load %arg2[%get3A_2, %get3A_3] : memref<160x128xf32, #tpu.memory_space<vmem>>, vector<160x128xf32>
    %add3A = arith.addf %get3A_1, %get3A_4 : vector<160x128xf32>
    %max3A = arith.constant 0.000000e+00 : f32
    %max3A_5 = vector.broadcast %max3A : f32 to vector<160x128xf32>
    %max3A_6 = arith.maximumf %add3A, %max3A_5 : vector<160x128xf32>
    %get3A_7 = arith.constant 0 : index
    %get3A_8 = arith.constant 0 : index
    %get3A_9 = vector.load %arg3[%get3A_7, %get3A_8] : memref<128x128xf32, #tpu.memory_space<vmem>>, vector<128x128xf32>
    %dot_general3A = arith.constant dense<0.000000e+00> : vector<160x128xf32>
    %dot_general3A_10 = tpu.matmul %max3A_6, %get3A_9, %dot_general3A {dimension_numbers = #tpu.dot_dimension_numbers<[1], [0], [0], [1], [0, 0, 1, 1], [], []>, transpose_lhs_hint = false} : vector<160x128xf32>, vector<128x128xf32>, vector<160x128xf32> -> vector<160x128xf32>
    %swap3A = arith.constant 0 : index
    %swap3A_11 = arith.constant 0 : index
    %swap3A_12 = vector.load %arg6[%swap3A, %swap3A_11] : memref<160x128xf32, #tpu.memory_space<vmem>>, vector<160x128xf32>
    tpu.vector_store %arg6[%swap3A, %swap3A_11], %dot_general3A_10 {strides = array<i32>} : memref<160x128xf32, #tpu.memory_space<vmem>>, vector<160x128xf32>,
    %get3A_13 = arith.constant 0 : index
    %get3A_14 = arith.constant 0 : index
    %get3A_15 = vector.load %arg4[%get3A_13, %get3A_14] : memref<128x128xf32, #tpu.memory_space<vmem>>, vector<128x128xf32>
    %dot_general3A_16 = arith.constant dense<0.000000e+00> : vector<160x128xf32>
    %dot_general3A_17 = tpu.matmul %max3A_6, %get3A_15, %dot_general3A_16 {dimension_numbers = #tpu.dot_dimension_numbers<[1], [0], [0], [1], [0, 0, 1, 1], [], []>, transpose_lhs_hint = false} : vector<160x128xf32>, vector<128x128xf32>, vector<160x128xf32> -> vector<160x128xf32>
    %get3A_18 = arith.constant 0 : index
    %get3A_19 = arith.constant 0 : index
    %get3A_20 = vector.load %arg5[%get3A_18, %get3A_19] : memref<1x128xf32, #tpu.memory_space<vmem>>, vector<1x128xf32>
    %add3A_21 = vector.broadcast %get3A_20 : vector<1x128xf32> to vector<160x128xf32>
    %add3A_22 = arith.addf %dot_general3A_17, %add3A_21 : vector<160x128xf32>
    %swap3A_23 = arith.constant 0 : index
    %swap3A_24 = arith.constant 0 : index
    %swap3A_25 = vector.load %arg7[%swap3A_23, %swap3A_24] : memref<160x128xf32, #tpu.memory_space<vmem>>, vector<160x128xf32>
    tpu.vector_store %arg7[%swap3A_23, %swap3A_24], %add3A_22 {strides = array<i32>} : memref<160x128xf32, #tpu.memory_space<vmem>>, vector<160x128xf32>,
    return
  }
  func.func @transform_0(%arg0: i32) -> (i32, i32) {
    %c0_i32 = arith.constant 0 : i32
    %c0_i32_0 = arith.constant 0 : i32
    return %arg0, %c0_i32 : i32, i32
  }
  func.func @transform_1(%arg0: i32) -> (i32, i32) {
    %add3A = arith.constant 8 : i32
    %add3A_0 = arith.addi %arg0, %add3A : i32
    %c0_i32 = arith.constant 0 : i32
    %c0_i32_1 = arith.constant 0 : i32
    return %add3A_0, %c0_i32 : i32, i32
  }
  func.func @transform_2(%arg0: i32) -> (i32, i32) {
    %c0_i32 = arith.constant 0 : i32
    %c0_i32_0 = arith.constant 0 : i32
    %c0_i32_1 = arith.constant 0 : i32
    return %c0_i32, %c0_i32_0 : i32, i32
  }
  func.func @transform_3(%arg0: i32) -> (i32, i32) {
    %c0_i32 = arith.constant 0 : i32
    %c0_i32_0 = arith.constant 0 : i32
    %c0_i32_1 = arith.constant 0 : i32
    return %c0_i32, %c0_i32_0 : i32, i32
  }
  func.func @transform_4(%arg0: i32) -> (i32, i32) {
    %c0_i32 = arith.constant 0 : i32
    %c0_i32_0 = arith.constant 0 : i32
    %c0_i32_1 = arith.constant 0 : i32
    return %c0_i32, %c0_i32_0 : i32, i32
  }
  func.func @transform_5(%arg0: i32) -> (i32, i32) {
    %c0_i32 = arith.constant 0 : i32
    %c0_i32_0 = arith.constant 0 : i32
    return %arg0, %c0_i32 : i32, i32
  }
  func.func @transform_6(%arg0: i32) -> (i32, i32) {
    %c0_i32 = arith.constant 0 : i32
    %c0_i32_0 = arith.constant 0 : i32
    return %arg0, %c0_i32 : i32, i32
  }
}

module attributes {stable_mosaic.version = 14 : i64} {
  func.func @_fin_body(%arg0: i32, %arg1: memref<160x128xf32, #tpu.memory_space<vmem>>, %arg2: memref<160x128xf32, #tpu.memory_space<vmem>>, %arg3: memref<128x128xf32, #tpu.memory_space<vmem>>, %arg4: memref<160x128xf32, #tpu.memory_space<vmem>>) attributes {dimension_semantics = [#tpu.dimension_semantics<arbitrary>], iteration_bounds = array<i64: 8>, scalar_prefetch = 0 : i64, scratch_operands = 0 : i64, tpu.core_type = #tpu.core_type<tc>, window_params = [{transform_indices = @transform_0, window_bounds = array<i64: 160, 128>}, {transform_indices = @transform_1, window_bounds = array<i64: 160, 128>}, {pipeline_mode = #tpu.pipeline_mode<synchronous>, transform_indices = @transform_2, window_bounds = array<i64: 128, 128>}, {transform_indices = @transform_3, window_bounds = array<i64: 160, 128>}]} {
    %get3A = arith.constant 0 : index
    %get3A_0 = arith.constant 0 : index
    %get3A_1 = vector.load %arg1[%get3A, %get3A_0] : memref<160x128xf32, #tpu.memory_space<vmem>>, vector<160x128xf32>
    %get3A_2 = arith.constant 0 : index
    %get3A_3 = arith.constant 0 : index
    %get3A_4 = vector.load %arg2[%get3A_2, %get3A_3] : memref<160x128xf32, #tpu.memory_space<vmem>>, vector<160x128xf32>
    %add3A = arith.addf %get3A_1, %get3A_4 : vector<160x128xf32>
    %exp3A = math.exp %add3A : vector<160x128xf32>
    %get3A_5 = arith.constant 0 : index
    %get3A_6 = arith.constant 0 : index
    %get3A_7 = vector.load %arg3[%get3A_5, %get3A_6] : memref<128x128xf32, #tpu.memory_space<vmem>>, vector<128x128xf32>
    %dot_general3A = arith.constant dense<0.000000e+00> : vector<160x128xf32>
    %dot_general3A_8 = tpu.matmul %exp3A, %get3A_7, %dot_general3A {dimension_numbers = #tpu.dot_dimension_numbers<[1], [0], [0], [1], [0, 0, 1, 1], [], []>, precision = #tpu.contract_precision<fp32>, transpose_lhs_hint = false} : vector<160x128xf32>, vector<128x128xf32>, vector<160x128xf32> -> vector<160x128xf32>
    %div3A = arith.divf %exp3A, %dot_general3A_8 : vector<160x128xf32>
    %swap3A = arith.constant 0 : index
    %swap3A_9 = arith.constant 0 : index
    %swap3A_10 = vector.load %arg4[%swap3A, %swap3A_9] : memref<160x128xf32, #tpu.memory_space<vmem>>, vector<160x128xf32>
    tpu.vector_store %arg4[%swap3A, %swap3A_9], %div3A {strides = array<i32>} : memref<160x128xf32, #tpu.memory_space<vmem>>, vector<160x128xf32>,
    return
  }
  func.func @transform_0(%arg0: i32) -> (i32, i32) {
    %c0_i32 = arith.constant 0 : i32
    %c0_i32_0 = arith.constant 0 : i32
    return %arg0, %c0_i32 : i32, i32
  }
  func.func @transform_1(%arg0: i32) -> (i32, i32) {
    %add3A = arith.constant 8 : i32
    %add3A_0 = arith.addi %arg0, %add3A : i32
    %c0_i32 = arith.constant 0 : i32
    %c0_i32_1 = arith.constant 0 : i32
    return %add3A_0, %c0_i32 : i32, i32
  }
  func.func @transform_2(%arg0: i32) -> (i32, i32) {
    %c0_i32 = arith.constant 0 : i32
    %c0_i32_0 = arith.constant 0 : i32
    %c0_i32_1 = arith.constant 0 : i32
    return %c0_i32, %c0_i32_0 : i32, i32
  }
  func.func @transform_3(%arg0: i32) -> (i32, i32) {
    %c0_i32 = arith.constant 0 : i32
    %c0_i32_0 = arith.constant 0 : i32
    return %arg0, %c0_i32 : i32, i32
  }
}

</mosaic_0001>

<sc_bundles>
// kernel: kernel.10.cloned.1.call-start
scs
__scs_entry_jumppad:
0x0: {  	(pc) =	sbr.rel $0x88, $3  }
0x1: {  	(tag) =	ssettag $0x0;
	lr =	simm.s32 $0x1  }
0x2: {  	[smem:$0x3F99] =	sst lr;
	_ =	strace $0xD0000000  }
0x3: {  	_ = 	snop  }
0x4: {  	_ = 	snop  }
0x5: {  	_ = 	snop  }
0x6: {  	_ = 	snop  }
0x7: {  	_ = 	snop  }
__scs_overlays_trampoline_lowered:
0x8: {  	[smem:$0x3FA8] =	sst s0  }
0x9: {  	[smem:$0x3FA9] =	sst s1  }
0xa: {  	[smem:$0x3FAA] =	sst s2  }
0xb: {  	[smem:$0x3FAB] =	sst s3  }
0xc: {  	[smem:$0x3FAC] =	sst s4  }
0xd: {  	[smem:$0x3FAD] =	sst s5  }
0xe: {  	[smem:$0x3FAE] =	sst s6  }
0xf: {  	[smem:$0x3FAF] =	sst s7  }
0x10: {  	[smem:$0x3FB0] =	sst s8  }
0x11: {  	[smem:$0x3FB1] =	sst s9;
	s0 =	simm.s32 @!p0 $0x0  }
0x12: {  	s1 =	sld [smem:$0x3F97];
	s0 =	simm.s32 @p0 $0x1  }
0x13: {  	[smem:$0x3FB2] =	sst s0;
	s0 =	simm.s32 @!p1 $0x0  }
0x14: {  	s2 =	sld [smem:$0x3F96];
	s0 =	simm.s32 @p1 $0x1  }
0x15: {  	[smem:$0x3FB3] =	sst s0;
	s0 =	simm.s32 @!p2 $0x0  }
0x16: {  	s3 =	sld [smem:$0x3FDB];
	s0 =	simm.s32 @p2 $0x1  }
0x17: {  	s4 =	simm.s32 $0x1BF5;
	[smem:$0x3FB5] =	sst s0  }
0x18: {  	s0 =	sld [smem:$0x3F98];
	_ =	swait.ge [sflag:s4], $0x0  }
0x19: {  	s7 =	sld [smem:$0x3F99]  }
0x1a: {  	s8 =	sadd.s32 $0xFFFFE003, lr  }
0x1b: {  	s9 =	sadd.s32 $0xFFFFFEF7, lr;
	s5 =	simm.s32 $0xFFFFFFFF;
	p2 =	slt.u32 s8, $0xFFFFF086  }
0x1c: {  	p1 =	slt.u32 s9, $0xF7A;
	s5 =	simm.s32 @!p2 $0x0  }
0x1d: {  	s5 =	simm.s32 @p1 $0x1;
	p0 =	seq.s32 s7, s2  }
0x1e: {  	s7 =	smul.u32 @!p0 $0xF7A, s2;
	p2 =	seq.s32 @!p0 s5, $0x0  }
0x1f: {  	s9 =	smul.u32 $0xF7A, s1;
	s8 =	simm.s32 @!p0 $0x1BF5;
	p2 =	por !p2, p0  }
0x20: {  	[sflag:s8] =	ssyncset.s32 @!p0 $0xFFFFF086;
	s6 =	sadd.s32 @!p0 s3, s7;
	s7 =	simm.s32 @!p0 $0x108  }
0x21: {  	s3 =	sadd.s32 s3, s9;
	s6 =	sadd.s32 @!p0 $0x88, s6;
	s7 =	simm.s32 @p2 $0x1082  }
0x22: {  	[simem:s7], [sflag:s8] =	dma.local @!p0 [hbm:s6], $0xF7A  }
0x23: {  	s9 =	sor.u32 $0xD0000000, s2;
	s6 =	simm.s32 $0x108;
	_ =	swait.ge @!p0 [sflag:s8], $0x0  }
0x24: {  	s3 =	sadd.s32 $0x88, s3;
	s6 =	simm.s32 @!p1 $0x1082;
	[sflag:s4] =	ssyncset.s32 $0xFFFFF086  }
0x25: {  	[simem:s6], [sflag:s4] =	dma.local [hbm:s3], $0xF7A  }
0x26: {  	[smem:$0x3F99] =	sst s1;
	(tag) =	ssettag s2;
	_ =	strace s9  }
0x27: {  	s1 =	sld [smem:$0x3FA9]  }
0x28: {  	s2 =	sld [smem:$0x3FAA]  }
0x29: {  	s4 =	sld [smem:$0x3FAC]  }
0x2a: {  	p0 =	seq.s32 s5, $0x0;
	s5 =	sld [smem:$0x3FAD]  }
0x2b: {  	s6 =	sld [smem:$0x3FAE]  }
0x2c: {  	s7 =	sld [smem:$0x3FAF]  }
0x2d: {  	s3 =	simm.s32 $0x108;
	s8 =	sld [smem:$0x3FB0]  }
0x2e: {  	s3 =	simm.s32 @!p0 $0x1082;
	s9 =	sld [smem:$0x3FB1]  }
0x2f: {  	lr =	sadd.s32 s0, s3;
	s0 =	sld [smem:$0x3FA8]  }
0x30: {  	s3 =	sld [smem:$0x3FAB]  }
0x31: {  	[smem:$0x3FB4] =	sst s10  }
0x32: {  	s10 =	sld [smem:$0x3FB2];
	_ =	sdelay $0x3  }
0x33: {  	p0 =	seq.s32 s10, $0x1;
	s10 =	sld [smem:$0x3FB4];
	_ =	sdelay $0x3  }
0x34: {  	[smem:$0x3FB4] =	sst s10  }
0x35: {  	s10 =	sld [smem:$0x3FB3];
	_ =	sdelay $0x3  }
0x36: {  	p1 =	seq.s32 s10, $0x1;
	s10 =	sld [smem:$0x3FB4];
	_ =	sdelay $0x3  }
0x37: {  	[smem:$0x3FB4] =	sst s10  }
0x38: {  	s10 =	sld [smem:$0x3FB5]  }
0x39: {  	_ = 	snop;
	(pc) =	sbr.ind lr, $3  }
0x3a: {  	_ = 	snop  }
0x3b: {  	_ = 	snop  }
0x3c: {  	p2 =	seq.s32 s10, $0x1;
	s10 =	sld [smem:$0x3FB4]  }
0x3d: {  	_ =	shalt  }
0x3e: {  	_ =	shalt  }
0x3f: {  	_ =	shalt  }
0x40: {  	_ =	shalt  }
0x41: {  	_ =	shalt  }
0x42: {  	_ =	shalt  }
0x43: {  	_ =	shalt  }
0x44: {  	_ =	shalt  }
0x45: {  	_ =	shalt  }
0x46: {  	_ =	shalt  }
0x47: {  	_ =	shalt  }
0x48: {  	_ =	shalt  }
0x49: {  	_ =	shalt  }
0x4a: {  	_ =	shalt  }
0x4b: {  	_ =	shalt  }
0x4c: {  	_ =	shalt  }
0x4d: {  	_ =	shalt  }
0x4e: {  	_ =	shalt  }
0x4f: {  	_ =	shalt  }
0x50: {  	_ =	shalt  }
0x51: {  	_ =	shalt  }
0x52: {  	_ =	shalt  }
0x53: {  	_ =	shalt  }
0x54: {  	_ =	shalt  }
0x55: {  	_ =	shalt  }
0x56: {  	_ =	shalt  }
0x57: {  	_ =	shalt  }
0x58: {  	_ =	shalt  }
0x59: {  	_ =	shalt  }
0x5a: {  	_ =	shalt  }
0x5b: {  	_ =	shalt  }
0x5c: {  	_ =	shalt  }
0x5d: {  	_ =	shalt  }
0x5e: {  	_ =	shalt  }
0x5f: {  	_ =	shalt  }
0x60: {  	_ =	shalt  }
0x61: {  	_ =	shalt  }
0x62: {  	_ =	shalt  }
0x63: {  	_ =	shalt  }
0x64: {  	_ =	shalt  }
0x65: {  	_ =	shalt  }
0x66: {  	_ =	shalt  }
0x67: {  	_ =	shalt  }
0x68: {  	_ =	shalt  }
0x69: {  	_ =	shalt  }
0x6a: {  	_ =	shalt  }
0x6b: {  	_ =	shalt  }
0x6c: {  	_ =	shalt  }
0x6d: {  	_ =	shalt  }
0x6e: {  	_ =	shalt  }
0x6f: {  	_ =	shalt  }
0x70: {  	_ =	shalt  }
0x71: {  	_ =	shalt  }
0x72: {  	_ =	shalt  }
0x73: {  	_ =	shalt  }
0x74: {  	_ =	shalt  }
0x75: {  	_ =	shalt  }
0x76: {  	_ =	shalt  }
0x77: {  	_ =	shalt  }
0x78: {  	_ =	shalt  }
0x79: {  	_ =	shalt  }
0x7a: {  	_ =	shalt  }
0x7b: {  	_ =	shalt  }
0x7c: {  	_ =	shalt  }
0x7d: {  	_ =	shalt  }
0x7e: {  	_ =	shalt  }
0x7f: {  	_ =	shalt  }
0x80: {  	_ =	shalt  }
0x81: {  	_ =	shalt  }
0x82: {  	_ =	shalt  }
0x83: {  	_ =	shalt  }
0x84: {  	_ =	shalt  }
0x85: {  	_ =	shalt  }
0x86: {  	_ =	shalt  }
0x87: {  	_ =	shalt  }
.Lfunc_end0:
.L_simem_size_0:
called_computation.1_lowered:
.L_overlay_start_0:
0x88: {  	s2 =	sld [smem:$0x3FD9]  }
0x89: {  	s3 =	sld [smem:$0x3FFE];
	_ =	sdelay $0x1  }
0x8a: {  	s1 =	srdreg.scid  }
0x8b: {  	s0 =	sand.u32 $0x1, s1  }
0x8c: {  	s17 =	sshll.u32 s0, $0xA;
	s2 =	sadd.s32 s3, s2  }
0x8d: {  	s2 =	sadd.s32 s2, s17  }
0x8e: {  	[smem:$0x3FC0] =	sst s2  }
0x8f: {  	_ = 	snop  }
0x90: {  	s2 =	sld [smem:$0x3FD0];
	(tm) =	ssettm $0x1  }
0x91: {  	s18 =	sld [smem:$0x3FFB];
	_ =	sdelay $0x3  }
0x92: {  	_ =	strace s18  }
0x93: {  	s3 =	sld [smem:$0x3FFC];
	_ =	sdelay $0x3  }
0x94: {  	_ =	strace s3  }
0x95: {  	s3 =	sld [smem:$0x3FFD];
	_ =	sdelay $0x3  }
0x96: {  	_ =	strace s3  }
0x97: {  	_ =	strace $0x8FFFFFFF  }
0x98: {  	s19 =	sld [smem:$0x3FDB];
	_ =	sdelay $0x1  }
0x99: {  	s4 =	simm.s32 $_scs_section_size  }
0x9a: {  	s5 =	simm.s32 $_size__tile_overlayer_lowered;
	s6 =	simm.s32 $_tile_overlayer_lowered  }
0x9b: {  	s22 =	simm.s32 $0x1BFF;
	s21 =	sshll.u32 s6, $0x1;
	s3 =	sadd.s32 s4, s19  }
0x9c: {  	s7 =	simm.s32 $0x0;
	s20 =	sshll.u32 s5, $0x1;
	s5 =	sadd.s32 s21, s3  }
0x9d: {  	[timem:s7], [sflag:s22] =	dma.local [hbm:s5], s20  }
0x9e: {  	_ =	swait.ge [sflag:s22], s20  }
0x9f: {  	s4 =	ssub.s32 $0x0, s20;
	[sflag:s22] =	ssyncset.done $0x0  }
0xa0: {  	[sflag:s22] =	ssyncadd.s32 s4;
	_ =	sdelay $0x1  }
0xa1: {  	s23 =	simm.s32 $0x1B8B  }
0xa2: {  	_ =	swait.ge [sflag:s23], $0x1  }
0xa3: {  	[sflag:s23] =	ssyncset.done $0x0  }
0xa4: {  	s25 =	simm.s32 $0x1B8E;
	s24 =	sld [smem:$0x3FFE];
	[sflag:s23] =	ssyncadd.s32 $0xFFFFFFFF  }
0xa5: {  	s26 =	simm.s32 $execute0_lowered;
	[smem:$0x3FD2] =	sst s25  }
0xa6: {  	s5 =	sshll.u32 s26, $0x1;
	_ =	strace $0x80000049;
	[dreg:$0x1] =	wrdreg $0xFFFFFFFF  }
0xa7: {  	s28 =	simm.s32 $_size_execute0_lowered;
	s3 =	sadd.s32 s3, s5;
	[dreg:$0x0] =	wrdreg $0x0  }
0xa8: {  	s5 =	sshll.u32 s28, $0x1;
	[dreg:$0x2] =	wrdreg s3  }
0xa9: {  	[dreg:$0x3] =	wrdreg s5  }
0xaa: {  	[dreg:$0x4] =	wrdreg $0xC0  }
0xab: {  	_ =	task [dreg:s7], $0x5FFFF  }
0xac: {  	[dreg:$0x1] =	wrdreg $0xFFFFFFFF  }
0xad: {  	[dreg:$0x0] =	wrdreg $0x60  }
0xae: {  	[dreg:$0x2] =	wrdreg s24  }
0xaf: {  	[dreg:$0x3] =	wrdreg s2  }
0xb0: {  	[dreg:$0x4] =	wrdreg $0x70D00  }
0xb1: {  	[dreg:$0x5] =	wrdreg $0x97E00  }
0xb2: {  	[dreg:$0x6] =	wrdreg $0x9  }
0xb3: {  	_ =	task.clear_ibuf [dreg:s7], $0x7FFFF;
	_ =	strace $0x90000049  }
0xb4: {  	s29 =	simm.s32 $0x9;
	_ =	strace $0x8000004B  }
0xb5: {  	_ =	swait.ge [sflag:s29], $0x1  }
0xb6: {  	[sflag:s29] =	ssyncadd.s32 $0xFFFFFFFF  }
0xb7: {  	_ =	strace $0x9000004B  }
0xb8: {  	_ =	sfence  }
0xb9: {  	s30 =	sld [smem:$0x0];
	_ =	sdelay $0x2  }
0xba: {  	s31 =	sshll.u32 s1, $0xD;
	s1 =	sshrl.u32 s1, $0x2  }
0xbb: {  	s3 =	sand.u32 $0x4000, s31;
	s1 =	sadd.s32 s1, s30  }
0xbc: {  	s0 =	sor.u32 s3, s0;
	s1 =	sshll.u32 s1, $0x11  }
0xbd: {  	s0 =	sor.u32 s1, s0  }
0xbe: {  	s0 =	sadd.s32 $0x8F2B, s0  }
0xbf: {  	[sflag:s0] =	ssyncadd.remote.s32 $0x1  }
0xc0: {  	_ =	sfence.sel $0xFFFF  }
0xc1: {  	[dreg:$0x0] =	wrdreg $0xFFFFFFFF;
	(pc) =	sbr.abs _section_cstart, $3  }
0xc2: {  	[dreg:$0x1] =	wrdreg $0xFFFFFFFF  }
0xc3: {  	_ =	task.clear_ibuf [dreg:s7], $0x2FFFF;
	_ =	strace $0x9FFFFFFF  }
0xc4: {  	(tm) =	ssettm $0x7FFFFFFF  }
0xc5: {  	_ =	shalt  }
tec
execute0_lowered:
.L_overlay_start_1:
0x0: {  	(tag) =	ssettag $0x1  }
0x1: {  	s2 =	rddreg [dreg:$0x0]  }
0x2: {  	s31 =	stileid.u32;
	s3 =	rddreg [dreg:$0x1]  }
0x3: {  	s4 =	srdreg.scid;
	s0 =	smul.u32 $0x3E80, s31  }
0x4: {  	s7 =	simm.s32 $0x0;
	s1 =	smul.u32 $0x2800, s31;
	s4 =	sand.u32 $0x1, s4  }
0x5: {  	s6 =	smul.u32 $0x280, s31;
	[smem:$0x7FF] =	sst s7;
	s20 =	sadd.s32 $0xFE00, s2  }
0x6: {  	s25 =	sadd.s32 $0x6000, s2;
	s23 =	smul.u32 $0x2800, s4;
	s8 =	sshll.u32 s4, $0x4  }
0x7: {  	s10 =	ssub.s32 $0x2, s4;
	p0 =	seq.s32 s4, $0x0;
	s4 =	simm.s32 $0x0  }
0x8: {  	s5 =	sshrl.u32 s0, $0x3;
	s9 =	sshrl.u32 s1, $0x3;
	s8 =	sor.u32 s31, s8  }
0x9: {  	s24 =	sshrl.u32 s10, $0x1;
	s5 =	sadd.s32 s5, s2;
	s7 =	sadd.s32 s6, s23  }
0xa: {  	s19 =	smul.u32 $0x2710, s8;
	s29 =	sadd.s32 s9, s2;
	s6 =	sshrl.u32 s6, $0x3  }
0xb: {  	s7 =	sshll.u32 s7, $0x1;
	s3 =	sadd.s32 s3, s6;
	s29 =	sadd.s32 $0x19C00, s29  }
0xc: {  	s2 =	sadd.s32 s7, s2;
	s7 =	ssub.s32 s10, s24;
	s8 =	sadd.s32 $0x3E8, s19  }
0xd: {  	[dreg:$0x5] =	wrdreg s3;
	s26 =	sshrl.u32 s19, $0x3;
	s15 =	sadd.s32 $0xBB8, s19  }
0xe: {  	s21 =	sadd.s32 $0x1388, s19;
	s13 =	sshrl.u32 s8, $0x3;
	s14 =	sadd.s32 $0xFA, s26  }
0xf: {  	s17 =	sshrl.u32 s15, $0x3;
	s22 =	sadd.s32 $0x1F4, s26;
	s12 =	sshrl.u32 s21, $0x3  }
0x10: {  	s23 =	sadd.s32 $0x2EE, s26;
	s15 =	sadd.s32 $0x1B58, s19;
	s3 =	sadd.s32 $0x3E8, s26  }
0x11: {  	s30 =	sadd.s32 $0x1EC00, s2;
	s2 =	simm.s32 $0x3E8;
	s8 =	sadd.s32 s20, s13  }
0x12: {  	s6 =	sadd.s32 s25, s13;
	s16 =	sadd.s32 s20, s14;
	s18 =	sadd.s32 s20, s17  }
0x13: {  	s9 =	sadd.s32 s20, s22;
	s10 =	sadd.s32 s25, s22;
	s11 =	sadd.s32 s20, s12  }
0x14: {  	s12 =	sadd.s32 s25, s12;
	s13 =	sadd.s32 s20, s23;
	[dreg:$0x6] =	wrdreg s8  }
0x15: {  	s24 =	sshrl.u32 s15, $0x3;
	s21 =	sadd.s32 s20, s3;
	[dreg:$0x7] =	wrdreg s6  }
0x16: {  	s22 =	sadd.s32 s25, s3;
	s3 =	simm.f32 $1.000000000e+00;
	[dreg:$0x8] =	wrdreg s16  }
0x17: {  	s8 =	sadd.s32 s25, s14;
	[dreg:$0xa] =	wrdreg s18;
	s6 =	sadd.s32 s25, s17  }
0x18: {  	s14 =	sadd.s32 s25, s23;
	s15 =	sadd.s32 s20, s24;
	s17 =	sadd.s32 s20, s26  }
0x19: {  	s18 =	sadd.s32 s25, s26;
	s26 =	sadd.s32 $0x2328, s19;
	s19 =	rddreg [dreg:$0x2]  }
0x1a: {  	s16 =	sadd.s32 s25, s24;
	s24 =	rddreg [dreg:$0x3];
	s3 =	simm.s32 @!p0 $0x0  }
0x1b: {  	p0 =	sgt.u32 s31, $0x9;
	s31 =	smax.u32 s7, $0x1;
	[dreg:$0x9] =	wrdreg s8  }
0x1c: {  	[dreg:$0xb] =	wrdreg s6;
	s6 =	sshrl.u32 s26, $0x3;
	s0 =	sadd.s32 s0, s19  }
0x1d: {  	s26 =	sadd.s32 $0x1000, s5;
	s28 =	sadd.s32 s1, s24;
	s1 =	simm.s32 $0x3  }
0x1e: {  	v0 =	vmov s3;
	s3 =	simm.s32 $0x1;
	s23 =	sadd.s32 s20, s6;
	s25 =	sadd.s32 s25, s6  }
0x1f: {  	v1 =	vimm.f32 $0.0e+00;
	_ =	strace $0x8000004A;
	s20 =	sshrl.u32 @!p0 s0, $0x3;
	s0 =	simm.s32 $0x7D0  }
.LBB2_1:
0x20: {  	s5 =	stileid.u32  }
0x21: {  	s5 =	sshll.u32 @!p0 s5, $0x6  }
0x22: {  	s5 =	sor.u32 @!p0 $0x1C02, s5  }
0x23: {  	[spmem:s20], [sflag:s5] =	dma.local @!p0 [hbm:s26], $0x7D0  }
0x24: {  	s6 =	simm.s32 $0x0;
	s5 =	simm.s32 $0x40  }
.LBB2_2:
0x25: {  	p1 =	sne.s32 s5, $0x9FC0;
	[tilespmem:s6+$0x7D0] =	vst v1;
	s6 =	smov.u32 s5;
	s5 =	sadd.s32 $0x40, s5  }
.Ltmp0:
0x26: {  	(pc) =	sbr.rel @p1 .LBB2_2-.Ltmp0, $2  }
0x27: {  	_ =	sdelay $0x2  }
0x28: {  	s6 =	sshra.s32 s6, $0x2  }
0x29: {  	[tilespmem:s6+$0x7D0] =	vst v1  }
0x2a: {  	[spmem:s28] =	stream.linear.scatter [tilespmem:s0], [sflag:$0x3], $0x2800, $0x38;
	[tilespmem:$0xBFE0] =	vst v63  }
0x2b: {  	_ =	swait.ge [sflag:s1], $0x2800  }
0x2c: {  	s5 =	simm.s32 $0x0;
	[sflag:s1] =	ssyncset.done $0x0  }
0x2d: {  	s7 =	simm.s32 $0x4650;
	s8 =	rddreg [dreg:$0x5];
	[sflag:s1] =	ssyncadd.s32 $0xFFFFD800  }
0x2e: {  	[tilespmem:s7], [sflag:$0x3] =	stream.linear.gather [hbm4b:s8+s5], $0x280, $0x38;
	[tilespmem:$0xBFE0] =	vst v63  }
0x2f: {  	_ =	swait.ge [sflag:s1], $0x280  }
0x30: {  	[sflag:s1] =	ssyncset.done $0x0  }
0x31: {  	s5 =	simm.s32 @!p0 $0x2;
	[sflag:s1] =	ssyncadd.s32 $0xFFFFFD80  }
0x32: {  	_ =	swait.ge @!p0 [sflag:s5], $0x7D0  }
0x33: {  	[sflag:s5] =	ssyncset.done @!p0 $0x0  }
0x34: {  	[sflag:s5] =	ssyncadd.s32 @!p0 $0xFFFFF830  }
0x35: {  	s5 =	simm.s32 $0x0;
	[bflag:$0x0] =	sbarrier.arrive $0xFFFF  }
0x36: {  	[tilespmem:s5], [sflag:$0x3] =	stream.linear.gather [hbm4b:s17+s5], $0x3E8, $0x38;
	[tilespmem:$0xBFE0] =	vst v63  }
0x37: {  	_ =	swait.ge [sflag:s1], $0x3E8  }
0x38: {  	[sflag:s1] =	ssyncset.done $0x0  }
0x39: {  	[sflag:s1] =	ssyncadd.s32 $0xFFFFFC18  }
0x3a: {  	[tilespmem:s2], [sflag:$0x3] =	stream.linear.gather [hbm4b:s18+s5], $0x3E8, $0x38;
	[tilespmem:$0xBFE0] =	vst v63  }
0x3b: {  	_ =	swait.ge [sflag:s1], $0x3E8  }
0x3c: {  	[sflag:s1] =	ssyncset.done $0x0  }
0x3d: {  	[sflag:s1] =	ssyncadd.s32 $0xFFFFFC18  }
0x3e: {  	[tilespmem:s0], [sflag:$0x1] =	stream.indirect.gather [spmem:s19], $0x10, s5, s2, $0xb8;
	[tilespmem:$0xBFE0] =	vst v63  }
0x3f: {  	_ =	swait.ge [sflag:s3], $0x3E80  }
0x40: {  	[sflag:s3] =	ssyncset.done $0x0  }
0x41: {  	[sflag:s3] =	ssyncadd.s32 $0xFFFFC180  }
0x42: {  	[spmem:s24] =	stream.indirect.scatter.add.f32 [tilespmem:s0], [sflag:$0x3], $0x10, s2, s2, $0xb8;
	[tilespmem:$0xBFE0] =	vst v63  }
0x43: {  	_ =	swait.ge [sflag:s1], $0x3E80  }
0x44: {  	[sflag:s1] =	ssyncset.done $0x0  }
0x45: {  	s8 =	rddreg [dreg:$0x6];
	[sflag:s1] =	ssyncadd.s32 $0xFFFFC180  }
0x46: {  	[tilespmem:s5], [sflag:$0x3] =	stream.linear.gather [hbm4b:s8+s5], $0x3E8, $0x38;
	[tilespmem:$0xBFE0] =	vst v63  }
0x47: {  	_ =	swait.ge [sflag:s1], $0x3E8  }
0x48: {  	[sflag:s1] =	ssyncset.done $0x0  }
0x49: {  	s7 =	rddreg [dreg:$0x7];
	[sflag:s1] =	ssyncadd.s32 $0xFFFFFC18  }
0x4a: {  	[tilespmem:s2], [sflag:$0x3] =	stream.linear.gather [hbm4b:s7+s5], $0x3E8, $0x38;
	[tilespmem:$0xBFE0] =	vst v63  }
0x4b: {  	_ =	swait.ge [sflag:s1], $0x3E8  }
0x4c: {  	[sflag:s1] =	ssyncset.done $0x0  }
0x4d: {  	[sflag:s1] =	ssyncadd.s32 $0xFFFFFC18  }
0x4e: {  	[tilespmem:s0], [sflag:$0x1] =	stream.indirect.gather [spmem:s19], $0x10, s5, s2, $0xb8;
	[tilespmem:$0xBFE0] =	vst v63  }
0x4f: {  	_ =	swait.ge [sflag:s3], $0x3E80  }
0x50: {  	[sflag:s3] =	ssyncset.done $0x0  }
0x51: {  	[sflag:s3] =	ssyncadd.s32 $0xFFFFC180  }
0x52: {  	[spmem:s24] =	stream.indirect.scatter.add.f32 [tilespmem:s0], [sflag:$0x3], $0x10, s2, s2, $0xb8;
	[tilespmem:$0xBFE0] =	vst v63  }
0x53: {  	_ =	swait.ge [sflag:s1], $0x3E80  }
0x54: {  	[sflag:s1] =	ssyncset.done $0x0  }
0x55: {  	s8 =	rddreg [dreg:$0x8];
	[sflag:s1] =	ssyncadd.s32 $0xFFFFC180  }
0x56: {  	[tilespmem:s5], [sflag:$0x3] =	stream.linear.gather [hbm4b:s8+s5], $0x3E8, $0x38;
	[tilespmem:$0xBFE0] =	vst v63  }
0x57: {  	_ =	swait.ge [sflag:s1], $0x3E8  }
0x58: {  	[sflag:s1] =	ssyncset.done $0x0  }
0x59: {  	s7 =	rddreg [dreg:$0x9];
	[sflag:s1] =	ssyncadd.s32 $0xFFFFFC18  }
0x5a: {  	[tilespmem:s2], [sflag:$0x3] =	stream.linear.gather [hbm4b:s7+s5], $0x3E8, $0x38;
	[tilespmem:$0xBFE0] =	vst v63  }
0x5b: {  	_ =	swait.ge [sflag:s1], $0x3E8  }
0x5c: {  	[sflag:s1] =	ssyncset.done $0x0  }
0x5d: {  	[sflag:s1] =	ssyncadd.s32 $0xFFFFFC18  }
0x5e: {  	[tilespmem:s0], [sflag:$0x1] =	stream.indirect.gather [spmem:s19], $0x10, s5, s2, $0xb8;
	[tilespmem:$0xBFE0] =	vst v63  }
0x5f: {  	_ =	swait.ge [sflag:s3], $0x3E80  }
0x60: {  	[sflag:s3] =	ssyncset.done $0x0  }
0x61: {  	[sflag:s3] =	ssyncadd.s32 $0xFFFFC180  }
0x62: {  	[spmem:s24] =	stream.indirect.scatter.add.f32 [tilespmem:s0], [sflag:$0x3], $0x10, s2, s2, $0xb8;
	[tilespmem:$0xBFE0] =	vst v63  }
0x63: {  	_ =	swait.ge [sflag:s1], $0x3E80  }
0x64: {  	[sflag:s1] =	ssyncset.done $0x0  }
0x65: {  	s8 =	rddreg [dreg:$0xa];
	[sflag:s1] =	ssyncadd.s32 $0xFFFFC180  }
0x66: {  	[tilespmem:s5], [sflag:$0x3] =	stream.linear.gather [hbm4b:s8+s5], $0x3E8, $0x38;
	[tilespmem:$0xBFE0] =	vst v63  }
0x67: {  	_ =	swait.ge [sflag:s1], $0x3E8  }
0x68: {  	[sflag:s1] =	ssyncset.done $0x0  }
0x69: {  	s7 =	rddreg [dreg:$0xb];
	[sflag:s1] =	ssyncadd.s32 $0xFFFFFC18  }
0x6a: {  	[tilespmem:s2], [sflag:$0x3] =	stream.linear.gather [hbm4b:s7+s5], $0x3E8, $0x38;
	[tilespmem:$0xBFE0] =	vst v63  }
0x6b: {  	_ =	swait.ge [sflag:s1], $0x3E8  }
0x6c: {  	[sflag:s1] =	ssyncset.done $0x0  }
0x6d: {  	[sflag:s1] =	ssyncadd.s32 $0xFFFFFC18  }
0x6e: {  	[tilespmem:s0], [sflag:$0x1] =	stream.indirect.gather [spmem:s19], $0x10, s5, s2, $0xb8;
	[tilespmem:$0xBFE0] =	vst v63  }
0x6f: {  	_ =	swait.ge [sflag:s3], $0x3E80  }
0x70: {  	[sflag:s3] =	ssyncset.done $0x0  }
0x71: {  	[sflag:s3] =	ssyncadd.s32 $0xFFFFC180  }
0x72: {  	[spmem:s24] =	stream.indirect.scatter.add.f32 [tilespmem:s0], [sflag:$0x3], $0x10, s2, s2, $0xb8;
	[tilespmem:$0xBFE0] =	vst v63  }
0x73: {  	_ =	swait.ge [sflag:s1], $0x3E80  }
0x74: {  	[sflag:s1] =	ssyncset.done $0x0  }
0x75: {  	[sflag:s1] =	ssyncadd.s32 $0xFFFFC180  }
0x76: {  	[tilespmem:s5], [sflag:$0x3] =	stream.linear.gather [hbm4b:s9+s5], $0x3E8, $0x38;
	[tilespmem:$0xBFE0] =	vst v63  }
0x77: {  	_ =	swait.ge [sflag:s1], $0x3E8  }
0x78: {  	[sflag:s1] =	ssyncset.done $0x0  }
0x79: {  	[sflag:s1] =	ssyncadd.s32 $0xFFFFFC18  }
0x7a: {  	[tilespmem:s2], [sflag:$0x3] =	stream.linear.gather [hbm4b:s10+s5], $0x3E8, $0x38;
	[tilespmem:$0xBFE0] =	vst v63  }
0x7b: {  	_ =	swait.ge [sflag:s1], $0x3E8  }
0x7c: {  	[sflag:s1] =	ssyncset.done $0x0  }
0x7d: {  	[sflag:s1] =	ssyncadd.s32 $0xFFFFFC18  }
0x7e: {  	[tilespmem:s0], [sflag:$0x1] =	stream.indirect.gather [spmem:s19], $0x10, s5, s2, $0xb8;
	[tilespmem:$0xBFE0] =	vst v63  }
0x7f: {  	_ =	swait.ge [sflag:s3], $0x3E80  }
0x80: {  	[sflag:s3] =	ssyncset.done $0x0  }
0x81: {  	[sflag:s3] =	ssyncadd.s32 $0xFFFFC180  }
0x82: {  	[spmem:s24] =	stream.indirect.scatter.add.f32 [tilespmem:s0], [sflag:$0x3], $0x10, s2, s2, $0xb8;
	[tilespmem:$0xBFE0] =	vst v63  }
0x83: {  	_ =	swait.ge [sflag:s1], $0x3E80  }
0x84: {  	[sflag:s1] =	ssyncset.done $0x0  }
0x85: {  	[sflag:s1] =	ssyncadd.s32 $0xFFFFC180  }
0x86: {  	[tilespmem:s5], [sflag:$0x3] =	stream.linear.gather [hbm4b:s11+s5], $0x3E8, $0x38;
	[tilespmem:$0xBFE0] =	vst v63  }
0x87: {  	_ =	swait.ge [sflag:s1], $0x3E8  }
0x88: {  	[sflag:s1] =	ssyncset.done $0x0  }
0x89: {  	[sflag:s1] =	ssyncadd.s32 $0xFFFFFC18  }
0x8a: {  	[tilespmem:s2], [sflag:$0x3] =	stream.linear.gather [hbm4b:s12+s5], $0x3E8, $0x38;
	[tilespmem:$0xBFE0] =	vst v63  }
0x8b: {  	_ =	swait.ge [sflag:s1], $0x3E8  }
0x8c: {  	[sflag:s1] =	ssyncset.done $0x0  }
0x8d: {  	[sflag:s1] =	ssyncadd.s32 $0xFFFFFC18  }
0x8e: {  	[tilespmem:s0], [sflag:$0x1] =	stream.indirect.gather [spmem:s19], $0x10, s5, s2, $0xb8;
	[tilespmem:$0xBFE0] =	vst v63  }
0x8f: {  	_ =	swait.ge [sflag:s3], $0x3E80  }
0x90: {  	[sflag:s3] =	ssyncset.done $0x0  }
0x91: {  	[sflag:s3] =	ssyncadd.s32 $0xFFFFC180  }
0x92: {  	[spmem:s24] =	stream.indirect.scatter.add.f32 [tilespmem:s0], [sflag:$0x3], $0x10, s2, s2, $0xb8;
	[tilespmem:$0xBFE0] =	vst v63  }
0x93: {  	_ =	swait.ge [sflag:s1], $0x3E80  }
0x94: {  	[sflag:s1] =	ssyncset.done $0x0  }
0x95: {  	[sflag:s1] =	ssyncadd.s32 $0xFFFFC180  }
0x96: {  	[tilespmem:s5], [sflag:$0x3] =	stream.linear.gather [hbm4b:s13+s5], $0x3E8, $0x38;
	[tilespmem:$0xBFE0] =	vst v63  }
0x97: {  	_ =	swait.ge [sflag:s1], $0x3E8  }
0x98: {  	[sflag:s1] =	ssyncset.done $0x0  }
0x99: {  	[sflag:s1] =	ssyncadd.s32 $0xFFFFFC18  }
0x9a: {  	[tilespmem:s2], [sflag:$0x3] =	stream.linear.gather [hbm4b:s14+s5], $0x3E8, $0x38;
	[tilespmem:$0xBFE0] =	vst v63  }
0x9b: {  	_ =	swait.ge [sflag:s1], $0x3E8  }
0x9c: {  	[sflag:s1] =	ssyncset.done $0x0  }
0x9d: {  	[sflag:s1] =	ssyncadd.s32 $0xFFFFFC18  }
0x9e: {  	[tilespmem:s0], [sflag:$0x1] =	stream.indirect.gather [spmem:s19], $0x10, s5, s2, $0xb8;
	[tilespmem:$0xBFE0] =	vst v63  }
0x9f: {  	_ =	swait.ge [sflag:s3], $0x3E80  }
0xa0: {  	[sflag:s3] =	ssyncset.done $0x0  }
0xa1: {  	[sflag:s3] =	ssyncadd.s32 $0xFFFFC180  }
0xa2: {  	[spmem:s24] =	stream.indirect.scatter.add.f32 [tilespmem:s0], [sflag:$0x3], $0x10, s2, s2, $0xb8;
	[tilespmem:$0xBFE0] =	vst v63  }
0xa3: {  	_ =	swait.ge [sflag:s1], $0x3E80  }
0xa4: {  	[sflag:s1] =	ssyncset.done $0x0  }
0xa5: {  	[sflag:s1] =	ssyncadd.s32 $0xFFFFC180  }
0xa6: {  	[tilespmem:s5], [sflag:$0x3] =	stream.linear.gather [hbm4b:s15+s5], $0x3E8, $0x38;
	[tilespmem:$0xBFE0] =	vst v63  }
0xa7: {  	_ =	swait.ge [sflag:s1], $0x3E8  }
0xa8: {  	[sflag:s1] =	ssyncset.done $0x0  }
0xa9: {  	[sflag:s1] =	ssyncadd.s32 $0xFFFFFC18  }
0xaa: {  	[tilespmem:s2], [sflag:$0x3] =	stream.linear.gather [hbm4b:s16+s5], $0x3E8, $0x38;
	[tilespmem:$0xBFE0] =	vst v63  }
0xab: {  	_ =	swait.ge [sflag:s1], $0x3E8  }
0xac: {  	[sflag:s1] =	ssyncset.done $0x0  }
0xad: {  	[sflag:s1] =	ssyncadd.s32 $0xFFFFFC18  }
0xae: {  	[tilespmem:s0], [sflag:$0x1] =	stream.indirect.gather [spmem:s19], $0x10, s5, s2, $0xb8;
	[tilespmem:$0xBFE0] =	vst v63  }
0xaf: {  	_ =	swait.ge [sflag:s3], $0x3E80  }
0xb0: {  	[sflag:s3] =	ssyncset.done $0x0  }
0xb1: {  	[sflag:s3] =	ssyncadd.s32 $0xFFFFC180  }
0xb2: {  	[spmem:s24] =	stream.indirect.scatter.add.f32 [tilespmem:s0], [sflag:$0x3], $0x10, s2, s2, $0xb8;
	[tilespmem:$0xBFE0] =	vst v63  }
0xb3: {  	_ =	swait.ge [sflag:s1], $0x3E80  }
0xb4: {  	[sflag:s1] =	ssyncset.done $0x0  }
0xb5: {  	[sflag:s1] =	ssyncadd.s32 $0xFFFFC180  }
0xb6: {  	[tilespmem:s5], [sflag:$0x3] =	stream.linear.gather [hbm4b:s21+s5], $0x3E8, $0x38;
	[tilespmem:$0xBFE0] =	vst v63  }
0xb7: {  	_ =	swait.ge [sflag:s1], $0x3E8  }
0xb8: {  	[sflag:s1] =	ssyncset.done $0x0  }
0xb9: {  	[sflag:s1] =	ssyncadd.s32 $0xFFFFFC18  }
0xba: {  	[tilespmem:s2], [sflag:$0x3] =	stream.linear.gather [hbm4b:s22+s5], $0x3E8, $0x38;
	[tilespmem:$0xBFE0] =	vst v63  }
0xbb: {  	_ =	swait.ge [sflag:s1], $0x3E8  }
0xbc: {  	[sflag:s1] =	ssyncset.done $0x0  }
0xbd: {  	[sflag:s1] =	ssyncadd.s32 $0xFFFFFC18  }
0xbe: {  	[tilespmem:s0], [sflag:$0x1] =	stream.indirect.gather [spmem:s19], $0x10, s5, s2, $0xb8;
	[tilespmem:$0xBFE0] =	vst v63  }
0xbf: {  	_ =	swait.ge [sflag:s3], $0x3E80  }
0xc0: {  	[sflag:s3] =	ssyncset.done $0x0  }
0xc1: {  	[sflag:s3] =	ssyncadd.s32 $0xFFFFC180  }
0xc2: {  	[spmem:s24] =	stream.indirect.scatter.add.f32 [tilespmem:s0], [sflag:$0x3], $0x10, s2, s2, $0xb8;
	[tilespmem:$0xBFE0] =	vst v63  }
0xc3: {  	_ =	swait.ge [sflag:s1], $0x3E80  }
0xc4: {  	[sflag:s1] =	ssyncset.done $0x0  }
0xc5: {  	[sflag:s1] =	ssyncadd.s32 $0xFFFFC180  }
0xc6: {  	[tilespmem:s5], [sflag:$0x3] =	stream.linear.gather [hbm4b:s23+s5], $0x3E8, $0x38;
	[tilespmem:$0xBFE0] =	vst v63  }
0xc7: {  	_ =	swait.ge [sflag:s1], $0x3E8  }
0xc8: {  	[sflag:s1] =	ssyncset.done $0x0  }
0xc9: {  	[sflag:s1] =	ssyncadd.s32 $0xFFFFFC18  }
0xca: {  	[tilespmem:s2], [sflag:$0x3] =	stream.linear.gather [hbm4b:s25+s5], $0x3E8, $0x38;
	[tilespmem:$0xBFE0] =	vst v63  }
0xcb: {  	_ =	swait.ge [sflag:s1], $0x3E8  }
0xcc: {  	[sflag:s1] =	ssyncset.done $0x0  }
0xcd: {  	[sflag:s1] =	ssyncadd.s32 $0xFFFFFC18  }
0xce: {  	[tilespmem:s0], [sflag:$0x1] =	stream.indirect.gather [spmem:s19], $0x10, s5, s2, $0xb8;
	[tilespmem:$0xBFE0] =	vst v63  }
0xcf: {  	_ =	swait.ge [sflag:s3], $0x3E80  }
0xd0: {  	[sflag:s3] =	ssyncset.done $0x0  }
0xd1: {  	[sflag:s3] =	ssyncadd.s32 $0xFFFFC180  }
0xd2: {  	[spmem:s24] =	stream.indirect.scatter.add.f32 [tilespmem:s0], [sflag:$0x3], $0x10, s2, s2, $0xb8;
	[tilespmem:$0xBFE0] =	vst v63  }
0xd3: {  	_ =	swait.ge [sflag:s1], $0x3E80  }
0xd4: {  	[sflag:s1] =	ssyncset.done $0x0  }
0xd5: {  	s8 =	simm.s32 $0x48D0;
	[sflag:s1] =	ssyncadd.s32 $0xFFFFC180  }
0xd6: {  	[tilespmem:s8], [sflag:$0x3] =	stream.linear.gather [hbm4b:s29+s5], $0x2800, $0x38;
	[tilespmem:$0xBFE0] =	vst v63  }
0xd7: {  	_ =	swait.ge [sflag:s1], $0x2800  }
0xd8: {  	[sflag:s1] =	ssyncset.done $0x0  }
0xd9: {  	[sflag:s1] =	ssyncadd.s32 $0xFFFFD800  }
0xda: {  	[bflag:$0x0] =	sbarrier.arrive $0xFFFF  }
0xdb: {  	[tilespmem:s0], [sflag:$0x3] =	stream.linear.gather [spmem:s28], $0x2800, $0x38;
	[tilespmem:$0xBFE0] =	vst v63  }
0xdc: {  	_ =	swait.ge [sflag:s1], $0x2800  }
0xdd: {  	[sflag:s1] =	ssyncset.done $0x0  }
0xde: {  	s5 =	simm.s32 $0x0;
	[sflag:s1] =	ssyncadd.s32 $0xFFFFD800  }
0xdf: {  	v2 =	vld [tilespmem:s5+$0x48D0]  }
0xe0: {  	v3 =	vld [tilespmem:s5+$0x48E0]  }
0xe1: {  	v4 =	vld [tilespmem:s5+$0x48F0]  }
0xe2: {  	v8 =	vld [tilespmem:s5+$0x4900]  }
0xe3: {  	v18 =	vld [tilespmem:s5+$0x4910]  }
0xe4: {  	v19 =	vld [tilespmem:s5+$0x4920]  }
0xe5: {  	v15 =	vld [tilespmem:s5+$0x4930]  }
0xe6: {  	v12 =	vld [tilespmem:s5+$0x4940]  }
0xe7: {  	v13 =	vld [tilespmem:s5+$0x4950]  }
0xe8: {  	v11 =	vld [tilespmem:s5+$0x4960]  }
0xe9: {  	v10 =	vld [tilespmem:s5+$0x4970]  }
0xea: {  	v5 =	vld [tilespmem:s5+$0x4980]  }
0xeb: {  	v6 =	vld [tilespmem:s5+$0x4990]  }
0xec: {  	v7 =	vld [tilespmem:s5+$0x49A0];
	v16 =	vmul.f32 v2, v0;
	v14 =	vmul.f32 v3, v0  }
0xed: {  	s6 =	simm.s32 $0x4650;
	v17 =	vld [tilespmem:s5+$0x800];
	v9 =	vmul.f32 v4, v0;
	v8 =	vmul.f32 v8, v0  }
0xee: {  	s7 =	simm.s32 $0x400;
	v2 =	vld [tilespmem:s6+$0x0];
	v4 =	vmul.f32 v18, v0;
	v3 =	vmul.f32 v19, v0  }
.LBB2_4:
0xef: {  	p1 =	sne.s32 s7, $0x9C00;
	v18 =	vld [tilespmem:s5+$0x7E0];
	v15 =	vmul.f32 v15, v0;
	v12 =	vmul.f32 v12, v0  }
0xf0: {  	v13 =	vmul.f32 v13, v0;
	v11 =	vmul.f32 v11, v0;
	v19 =	vld [tilespmem:s5+$0x7D0]  }
0xf1: {  	v10 =	vmul.f32 v10, v0;
	v5 =	vmul.f32 v5, v0;
	v20 =	vld [tilespmem:s5+$0x7F0]  }
0xf2: {  	v6 =	vmul.f32 v6, v0;
	v7 =	vmul.f32 v7, v0;
	v21 =	vld [tilespmem:s5+$0x49B0]  }
0xf3: {  	v22 =	vbroadcast v2, $0x0;
	v23 =	vbroadcast v2, $0x1;
	v24 =	vld [tilespmem:s5+$0x49C0]  }
0xf4: {  	v25 =	vbroadcast v2, $0x2;
	v26 =	vbroadcast v2, $0x3;
	v27 =	vld [tilespmem:s5+$0x810]  }
0xf5: {  	v19 =	vmul.f32 v22, v19;
	v18 =	vmul.f32 v18, v23;
	v22 =	vld [tilespmem:s5+$0x820]  }
0xf6: {  	v17 =	vmul.f32 v17, v26;
	v20 =	vmul.f32 v20, v25;
	v23 =	vld [tilespmem:s5+$0x830]  }
0xf7: {  	v16 =	vadd.f32 v16, v19;
	v14 =	vadd.f32 v14, v18;
	v18 =	vbroadcast v2, $0x4;
	v19 =	vld [tilespmem:s5+$0x840]  }
0xf8: {  	v8 =	vadd.f32 v8, v17;
	v17 =	vbroadcast v2, $0x5;
	v9 =	vadd.f32 v9, v20;
	v20 =	vld [tilespmem:s5+$0x850]  }
0xf9: {  	[tilespmem:s5+$0x7D0] =	vst v16;
	v16 =	vmul.f32 v27, v18;
	v18 =	vbroadcast v2, $0x6;
	v25 =	vld [tilespmem:s5+$0x860]  }
0xfa: {  	[tilespmem:s5+$0x7E0] =	vst v14;
	v14 =	vmul.f32 v22, v17;
	v17 =	vbroadcast v2, $0x7;
	v22 =	vld [tilespmem:s5+$0x870]  }
0xfb: {  	[tilespmem:s5+$0x7F0] =	vst v9;
	v4 =	vadd.f32 v4, v16;
	v9 =	vmul.f32 v23, v18;
	v16 =	vbroadcast v2, $0x8;
	v18 =	vld [tilespmem:s5+$0x880]  }
0xfc: {  	[tilespmem:s5+$0x800] =	vst v8;
	v3 =	vadd.f32 v3, v14;
	v8 =	vmul.f32 v19, v17;
	v14 =	vbroadcast v2, $0x9;
	v17 =	vld [tilespmem:s5+$0x890]  }
0xfd: {  	[tilespmem:s5+$0x810] =	vst v4;
	v4 =	vadd.f32 v15, v9;
	v9 =	vmul.f32 v20, v16;
	v15 =	vbroadcast v2, $0xA;
	v16 =	vld [tilespmem:s5+$0x8A0]  }
0xfe: {  	[tilespmem:s5+$0x820] =	vst v3;
	v3 =	vadd.f32 v12, v8;
	v8 =	vmul.f32 v25, v14;
	v12 =	vbroadcast v2, $0xB;
	v14 =	vld [tilespmem:s5+$0x8B0]  }
0xff: {  	s8 =	sshra.s32 s7, $0x2;
	[tilespmem:s5+$0x830] =	vst v4;
	v4 =	vadd.f32 v13, v9;
	v9 =	vmul.f32 v22, v15;
	v13 =	vbroadcast v2, $0xC;
	v15 =	vld [tilespmem:s5+$0x8C0]  }
0x100: {  	v19 =	vld [tilespmem:s8+$0x48D0];
	[tilespmem:s5+$0x840] =	vst v3;
	v3 =	vadd.f32 v11, v8;
	v8 =	vmul.f32 v18, v12;
	v11 =	vbroadcast v2, $0xD  }
0x101: {  	v18 =	vld [tilespmem:s8+$0x48E0];
	[tilespmem:s5+$0x850] =	vst v4;
	v4 =	vadd.f32 v10, v9;
	v9 =	vmul.f32 v17, v13;
	v10 =	vbroadcast v2, $0xE  }
0x102: {  	v2 =	vbroadcast v2, $0xF;
	v17 =	vld [tilespmem:s8+$0x48F0];
	[tilespmem:s5+$0x860] =	vst v3;
	v3 =	vadd.f32 v5, v8;
	v5 =	vmul.f32 v16, v11  }
0x103: {  	v8 =	vld [tilespmem:s8+$0x4900];
	[tilespmem:s5+$0x870] =	vst v4;
	v4 =	vadd.f32 v6, v9;
	v6 =	vmul.f32 v14, v10;
	v9 =	vmul.f32 v21, v0  }
0x104: {  	v20 =	vld [tilespmem:s8+$0x4910];
	[tilespmem:s5+$0x880] =	vst v3;
	v3 =	vadd.f32 v7, v5;
	v2 =	vmul.f32 v15, v2;
	v5 =	vmul.f32 v24, v0  }
0x105: {  	v21 =	vld [tilespmem:s8+$0x4920];
	[tilespmem:s5+$0x890] =	vst v4;
	v4 =	vadd.f32 v9, v6  }
0x106: {  	v15 =	vld [tilespmem:s8+$0x4930];
	[tilespmem:s5+$0x8A0] =	vst v3;
	v2 =	vadd.f32 v5, v2  }
0x107: {  	v12 =	vld [tilespmem:s8+$0x4940];
	[tilespmem:s5+$0x8B0] =	vst v4  }
0x108: {  	v13 =	vld [tilespmem:s8+$0x4950];
	[tilespmem:s5+$0x8C0] =	vst v2;
	s5 =	smov.u32 s8  }
0x109: {  	v11 =	vld [tilespmem:s5+$0x4960]  }
0x10a: {  	v10 =	vld [tilespmem:s5+$0x4970]  }
.Ltmp1:
0x10b: {  	v5 =	vld [tilespmem:s5+$0x4980];
	(pc) =	sbr.rel @p1 .LBB2_4-.Ltmp1, $4  }
0x10c: {  	v6 =	vld [tilespmem:s5+$0x4990]  }
0x10d: {  	v16 =	vmul.f32 v19, v0;
	v14 =	vmul.f32 v18, v0;
	v7 =	vld [tilespmem:s5+$0x49A0]  }
0x10e: {  	s6 =	sadd.s32 $0x10, s6;
	v9 =	vmul.f32 v17, v0;
	v8 =	vmul.f32 v8, v0;
	v17 =	vld [tilespmem:s5+$0x800]  }
0x10f: {  	s7 =	sadd.s32 $0x400, s7;
	v4 =	vmul.f32 v20, v0;
	v3 =	vmul.f32 v21, v0;
	v2 =	vld [tilespmem:s6+$0x0]  }
0x110: {  	_ =	sdelay $0x2  }
0x111: {  	v43 =	vmul.f32 v11, v0  }
0x112: {  	v18 =	vld [tilespmem:s5+$0x7E0];
	v5 =	vmul.f32 v5, v0;
	v22 =	vbroadcast v2, $0x0  }
0x113: {  	v19 =	vld [tilespmem:s5+$0x7D0];
	v25 =	vbroadcast v2, $0x1;
	v27 =	vbroadcast v2, $0x2  }
0x114: {  	v20 =	vld [tilespmem:s5+$0x7F0];
	v38 =	vbroadcast v2, $0x3;
	v40 =	vbroadcast v2, $0x4  }
0x115: {  	v21 =	vld [tilespmem:s5+$0x49B0];
	v42 =	vbroadcast v2, $0x5;
	v45 =	vbroadcast v2, $0x6  }
0x116: {  	v23 =	vld [tilespmem:s5+$0x49C0];
	v47 =	vbroadcast v2, $0x7;
	v49 =	vbroadcast v2, $0x8  }
0x117: {  	v44 =	vld [tilespmem:s5+$0x880];
	v51 =	vbroadcast v2, $0x9;
	v52 =	vbroadcast v2, $0xA  }
0x118: {  	v35 =	vld [tilespmem:s5+$0x820];
	v54 =	vbroadcast v2, $0xB;
	v19 =	vmul.f32 v22, v19  }
0x119: {  	v56 =	vld [tilespmem:s5+$0x8C0];
	v55 =	vbroadcast v2, $0xC;
	v18 =	vmul.f32 v18, v25  }
0x11a: {  	v24 =	vld [tilespmem:s5+$0x810];
	v57 =	vbroadcast v2, $0xD;
	v20 =	vmul.f32 v20, v27;
	v16 =	vadd.f32 v16, v19  }
0x11b: {  	v26 =	vld [tilespmem:s5+$0x830];
	v59 =	vbroadcast v2, $0xE;
	v17 =	vmul.f32 v17, v38;
	v14 =	vadd.f32 v14, v18  }
0x11c: {  	v37 =	vld [tilespmem:s5+$0x850];
	v2 =	vbroadcast v2, $0xF;
	v11 =	vmul.f32 v44, v54;
	v9 =	vadd.f32 v9, v20;
	[tilespmem:s5+$0x7D0] =	vst v16  }
0x11d: {  	v36 =	vld [tilespmem:s5+$0x840];
	v8 =	vadd.f32 v8, v17;
	v17 =	vmul.f32 v35, v42;
	[tilespmem:s5+$0x7E0] =	vst v14  }
0x11e: {  	v41 =	vld [tilespmem:s5+$0x870];
	v63 =	vmul.f32 v23, v0;
	v2 =	vmul.f32 v56, v2;
	v5 =	vadd.f32 v5, v11;
	[tilespmem:s5+$0x7F0] =	vst v9  }
0x11f: {  	v15 =	vmul.f32 v15, v0;
	v39 =	vld [tilespmem:s5+$0x860];
	v18 =	vmul.f32 v24, v40;
	[tilespmem:s5+$0x800] =	vst v8;
	v3 =	vadd.f32 v3, v17  }
0x120: {  	v12 =	vmul.f32 v12, v0;
	v46 =	vld [tilespmem:s5+$0x890];
	v20 =	vmul.f32 v26, v45;
	v2 =	vadd.f32 v63, v2;
	[tilespmem:s5+$0x880] =	vst v5  }
0x121: {  	v13 =	vmul.f32 v13, v0;
	v50 =	vld [tilespmem:s5+$0x8A0];
	v4 =	vadd.f32 v4, v18;
	[tilespmem:s5+$0x820] =	vst v3;
	v3 =	vmul.f32 v37, v49  }
0x122: {  	v10 =	vmul.f32 v10, v0;
	v53 =	vld [tilespmem:s5+$0x8B0];
	v18 =	vmul.f32 v36, v47;
	v15 =	vadd.f32 v15, v20;
	[tilespmem:s5+$0x8C0] =	vst v2  }
0x123: {  	v48 =	vmul.f32 v7, v0;
	v7 =	vmul.f32 v41, v52;
	[tilespmem:s5+$0x810] =	vst v4;
	v3 =	vadd.f32 v13, v3  }
0x124: {  	v16 =	vmul.f32 v39, v51;
	v12 =	vadd.f32 v12, v18;
	[tilespmem:s5+$0x830] =	vst v15  }
0x125: {  	v6 =	vmul.f32 v6, v0;
	v58 =	vmul.f32 v46, v55;
	[tilespmem:s5+$0x850] =	vst v3;
	v3 =	vadd.f32 v10, v7  }
0x126: {  	v60 =	vmul.f32 v50, v57;
	v9 =	vadd.f32 v43, v16;
	[tilespmem:s5+$0x840] =	vst v12  }
0x127: {  	v62 =	vmul.f32 v21, v0;
	v61 =	vmul.f32 v53, v59;
	[tilespmem:s5+$0x870] =	vst v3;
	v3 =	vadd.f32 v6, v58  }
0x128: {  	v4 =	vadd.f32 v48, v60;
	[tilespmem:s5+$0x860] =	vst v9  }
0x129: {  	s4 =	sadd.s32 $0x1, s4;
	[tilespmem:s5+$0x890] =	vst v3;
	v3 =	vadd.f32 v62, v61  }
0x12a: {  	p1 =	sne.s32 s4, s31;
	[tilespmem:s5+$0x8A0] =	vst v4  }
.Ltmp2:
0x12b: {  	s8 =	simm.s32 $0x0;
	[tilespmem:s5+$0x8B0] =	vst v3;
	(pc) =	sbr.rel @p1 .LBB2_1-.Ltmp2, $4  }
0x12c: {  	[hbm4b:s30+s8] =	stream.linear.scatter [tilespmem:s0], [sflag:$0x3], $0x2800, $0x38;
	[tilespmem:$0xBFE0] =	vst v63  }
0x12d: {  	_ =	swait.ge [sflag:s1], $0x2800  }
0x12e: {  	[sflag:s1] =	ssyncset.done $0x0  }
0x12f: {  	[sflag:s1] =	ssyncadd.s32 $0xFFFFD800  }
0x130: {  	_ =	sfence.sel $0x180000  }
0x131: {  	[bflag:$0x0] =	sbarrier.arrive $0xFFFF  }
0x132: {  	_ =	strace $0x9000004A  }
0x133: {  	s0 =	stileid.u32;
	[bflag:$0x2] =	sbarrier.arrive $0xFFFF  }
0x134: {  	p0 =	sne.s32 s0, $0x0;
	s0 =	rddreg [dreg:$0x4]  }
0x135: {  	s0 =	sadd.s32 @!p0 $0x100000, s0  }
0x136: {  	[sflag:s0] =	ssyncadd.tile.s32 @!p0 $0x1;
	_ =	shalt  }
.Lfunc_end2:
_tile_overlayer_lowered:
.L_overlay_start_2:
0x137: {  	(tag) =	ssettag $0x2  }
0x138: {  	s0 =	rddreg [dreg:$0x0];
	s2 =	stileid.u32  }
0x139: {  	s1 =	rddreg [dreg:$0x1];
	p0 =	sne.s32 s2, $0x0  }
0x13a: {  	s3 =	rddreg [dreg:$0x2];
	[bflag:$0x3] =	sbarrier.arrive $0xFFFF;
	s2 =	simm.s32 @!p0 $0x1C03  }
0x13b: {  	[timem:s3], [sflag:s2] =	dma.local @!p0 [hbm:s0], s1  }
0x13c: {  	s0 =	simm.s32 @!p0 $0x3  }
0x13d: {  	_ =	swait.ge @!p0 [sflag:s0], s1  }
0x13e: {  	s1 =	ssub.s32 @!p0 $0x0, s1;
	[sflag:s0] =	ssyncset.done @!p0 $0x0  }
0x13f: {  	[sflag:s0] =	ssyncadd.s32 @!p0 s1  }
0x140: {  	[bflag:$0x3] =	sbarrier.arrive $0xFFFF  }
0x141: {  	_ =	shalt  }

// kernel: kernel.7.cloned.1.call-start
scs
__scs_entry_jumppad:
0x0: {  	(pc) =	sbr.rel $0x88, $3  }
0x1: {  	(tag) =	ssettag $0x0;
	lr =	simm.s32 $0x1  }
0x2: {  	[smem:$0x3F99] =	sst lr;
	_ =	strace $0xD0000000  }
0x3: {  	_ = 	snop  }
0x4: {  	_ = 	snop  }
0x5: {  	_ = 	snop  }
0x6: {  	_ = 	snop  }
0x7: {  	_ = 	snop  }
__scs_overlays_trampoline_lowered:
0x8: {  	[smem:$0x3FA8] =	sst s0  }
0x9: {  	[smem:$0x3FA9] =	sst s1  }
0xa: {  	[smem:$0x3FAA] =	sst s2  }
0xb: {  	[smem:$0x3FAB] =	sst s3  }
0xc: {  	[smem:$0x3FAC] =	sst s4  }
0xd: {  	[smem:$0x3FAD] =	sst s5  }
0xe: {  	[smem:$0x3FAE] =	sst s6  }
0xf: {  	[smem:$0x3FAF] =	sst s7  }
0x10: {  	[smem:$0x3FB0] =	sst s8  }
0x11: {  	[smem:$0x3FB1] =	sst s9;
	s0 =	simm.s32 @!p0 $0x0  }
0x12: {  	s1 =	sld [smem:$0x3F97];
	s0 =	simm.s32 @p0 $0x1  }
0x13: {  	[smem:$0x3FB2] =	sst s0;
	s0 =	simm.s32 @!p1 $0x0  }
0x14: {  	s2 =	sld [smem:$0x3F96];
	s0 =	simm.s32 @p1 $0x1  }
0x15: {  	[smem:$0x3FB3] =	sst s0;
	s0 =	simm.s32 @!p2 $0x0  }
0x16: {  	s3 =	sld [smem:$0x3FDB];
	s0 =	simm.s32 @p2 $0x1  }
0x17: {  	s4 =	simm.s32 $0x1BF5;
	[smem:$0x3FB5] =	sst s0  }
0x18: {  	s0 =	sld [smem:$0x3F98];
	_ =	swait.ge [sflag:s4], $0x0  }
0x19: {  	s7 =	sld [smem:$0x3F99]  }
0x1a: {  	s8 =	sadd.s32 $0xFFFFE003, lr  }
0x1b: {  	s9 =	sadd.s32 $0xFFFFFEF7, lr;
	s5 =	simm.s32 $0xFFFFFFFF;
	p2 =	slt.u32 s8, $0xFFFFF086  }
0x1c: {  	p1 =	slt.u32 s9, $0xF7A;
	s5 =	simm.s32 @!p2 $0x0  }
0x1d: {  	s5 =	simm.s32 @p1 $0x1;
	p0 =	seq.s32 s7, s2  }
0x1e: {  	s7 =	smul.u32 @!p0 $0xF7A, s2;
	p2 =	seq.s32 @!p0 s5, $0x0  }
0x1f: {  	s9 =	smul.u32 $0xF7A, s1;
	s8 =	simm.s32 @!p0 $0x1BF5;
	p2 =	por !p2, p0  }
0x20: {  	[sflag:s8] =	ssyncset.s32 @!p0 $0xFFFFF086;
	s6 =	sadd.s32 @!p0 s3, s7;
	s7 =	simm.s32 @!p0 $0x108  }
0x21: {  	s3 =	sadd.s32 s3, s9;
	s6 =	sadd.s32 @!p0 $0x88, s6;
	s7 =	simm.s32 @p2 $0x1082  }
0x22: {  	[simem:s7], [sflag:s8] =	dma.local @!p0 [hbm:s6], $0xF7A  }
0x23: {  	s9 =	sor.u32 $0xD0000000, s2;
	s6 =	simm.s32 $0x108;
	_ =	swait.ge @!p0 [sflag:s8], $0x0  }
0x24: {  	s3 =	sadd.s32 $0x88, s3;
	s6 =	simm.s32 @!p1 $0x1082;
	[sflag:s4] =	ssyncset.s32 $0xFFFFF086  }
0x25: {  	[simem:s6], [sflag:s4] =	dma.local [hbm:s3], $0xF7A  }
0x26: {  	[smem:$0x3F99] =	sst s1;
	(tag) =	ssettag s2;
	_ =	strace s9  }
0x27: {  	s1 =	sld [smem:$0x3FA9]  }
0x28: {  	s2 =	sld [smem:$0x3FAA]  }
0x29: {  	s4 =	sld [smem:$0x3FAC]  }
0x2a: {  	p0 =	seq.s32 s5, $0x0;
	s5 =	sld [smem:$0x3FAD]  }
0x2b: {  	s6 =	sld [smem:$0x3FAE]  }
0x2c: {  	s7 =	sld [smem:$0x3FAF]  }
0x2d: {  	s3 =	simm.s32 $0x108;
	s8 =	sld [smem:$0x3FB0]  }
0x2e: {  	s3 =	simm.s32 @!p0 $0x1082;
	s9 =	sld [smem:$0x3FB1]  }
0x2f: {  	lr =	sadd.s32 s0, s3;
	s0 =	sld [smem:$0x3FA8]  }
0x30: {  	s3 =	sld [smem:$0x3FAB]  }
0x31: {  	[smem:$0x3FB4] =	sst s10  }
0x32: {  	s10 =	sld [smem:$0x3FB2];
	_ =	sdelay $0x3  }
0x33: {  	p0 =	seq.s32 s10, $0x1;
	s10 =	sld [smem:$0x3FB4];
	_ =	sdelay $0x3  }
0x34: {  	[smem:$0x3FB4] =	sst s10  }
0x35: {  	s10 =	sld [smem:$0x3FB3];
	_ =	sdelay $0x3  }
0x36: {  	p1 =	seq.s32 s10, $0x1;
	s10 =	sld [smem:$0x3FB4];
	_ =	sdelay $0x3  }
0x37: {  	[smem:$0x3FB4] =	sst s10  }
0x38: {  	s10 =	sld [smem:$0x3FB5]  }
0x39: {  	_ = 	snop;
	(pc) =	sbr.ind lr, $3  }
0x3a: {  	_ = 	snop  }
0x3b: {  	_ = 	snop  }
0x3c: {  	p2 =	seq.s32 s10, $0x1;
	s10 =	sld [smem:$0x3FB4]  }
0x3d: {  	_ =	shalt  }
0x3e: {  	_ =	shalt  }
0x3f: {  	_ =	shalt  }
0x40: {  	_ =	shalt  }
0x41: {  	_ =	shalt  }
0x42: {  	_ =	shalt  }
0x43: {  	_ =	shalt  }
0x44: {  	_ =	shalt  }
0x45: {  	_ =	shalt  }
0x46: {  	_ =	shalt  }
0x47: {  	_ =	shalt  }
0x48: {  	_ =	shalt  }
0x49: {  	_ =	shalt  }
0x4a: {  	_ =	shalt  }
0x4b: {  	_ =	shalt  }
0x4c: {  	_ =	shalt  }
0x4d: {  	_ =	shalt  }
0x4e: {  	_ =	shalt  }
0x4f: {  	_ =	shalt  }
0x50: {  	_ =	shalt  }
0x51: {  	_ =	shalt  }
0x52: {  	_ =	shalt  }
0x53: {  	_ =	shalt  }
0x54: {  	_ =	shalt  }
0x55: {  	_ =	shalt  }
0x56: {  	_ =	shalt  }
0x57: {  	_ =	shalt  }
0x58: {  	_ =	shalt  }
0x59: {  	_ =	shalt  }
0x5a: {  	_ =	shalt  }
0x5b: {  	_ =	shalt  }
0x5c: {  	_ =	shalt  }
0x5d: {  	_ =	shalt  }
0x5e: {  	_ =	shalt  }
0x5f: {  	_ =	shalt  }
0x60: {  	_ =	shalt  }
0x61: {  	_ =	shalt  }
0x62: {  	_ =	shalt  }
0x63: {  	_ =	shalt  }
0x64: {  	_ =	shalt  }
0x65: {  	_ =	shalt  }
0x66: {  	_ =	shalt  }
0x67: {  	_ =	shalt  }
0x68: {  	_ =	shalt  }
0x69: {  	_ =	shalt  }
0x6a: {  	_ =	shalt  }
0x6b: {  	_ =	shalt  }
0x6c: {  	_ =	shalt  }
0x6d: {  	_ =	shalt  }
0x6e: {  	_ =	shalt  }
0x6f: {  	_ =	shalt  }
0x70: {  	_ =	shalt  }
0x71: {  	_ =	shalt  }
0x72: {  	_ =	shalt  }
0x73: {  	_ =	shalt  }
0x74: {  	_ =	shalt  }
0x75: {  	_ =	shalt  }
0x76: {  	_ =	shalt  }
0x77: {  	_ =	shalt  }
0x78: {  	_ =	shalt  }
0x79: {  	_ =	shalt  }
0x7a: {  	_ =	shalt  }
0x7b: {  	_ =	shalt  }
0x7c: {  	_ =	shalt  }
0x7d: {  	_ =	shalt  }
0x7e: {  	_ =	shalt  }
0x7f: {  	_ =	shalt  }
0x80: {  	_ =	shalt  }
0x81: {  	_ =	shalt  }
0x82: {  	_ =	shalt  }
0x83: {  	_ =	shalt  }
0x84: {  	_ =	shalt  }
0x85: {  	_ =	shalt  }
0x86: {  	_ =	shalt  }
0x87: {  	_ =	shalt  }
.Lfunc_end0:
.L_simem_size_0:
called_computation_lowered:
.L_overlay_start_0:
0x88: {  	s2 =	sld [smem:$0x3FD9]  }
0x89: {  	s3 =	sld [smem:$0x3FFE];
	_ =	sdelay $0x1  }
0x8a: {  	s1 =	srdreg.scid  }
0x8b: {  	s0 =	sand.u32 $0x1, s1  }
0x8c: {  	s17 =	sshll.u32 s0, $0xA;
	s2 =	sadd.s32 s3, s2  }
0x8d: {  	s2 =	sadd.s32 s2, s17  }
0x8e: {  	[smem:$0x3FC0] =	sst s2  }
0x8f: {  	_ = 	snop  }
0x90: {  	s2 =	sld [smem:$0x3FD0];
	(tm) =	ssettm $0x1  }
0x91: {  	s18 =	sld [smem:$0x3FFB];
	_ =	sdelay $0x3  }
0x92: {  	_ =	strace s18  }
0x93: {  	s3 =	sld [smem:$0x3FFC];
	_ =	sdelay $0x3  }
0x94: {  	_ =	strace s3  }
0x95: {  	s3 =	sld [smem:$0x3FFD];
	_ =	sdelay $0x3  }
0x96: {  	_ =	strace s3  }
0x97: {  	_ =	strace $0x8FFFFFFF  }
0x98: {  	s19 =	sld [smem:$0x3FDB];
	_ =	sdelay $0x1  }
0x99: {  	s4 =	simm.s32 $_scs_section_size  }
0x9a: {  	s5 =	simm.s32 $_size__tile_overlayer_lowered;
	s6 =	simm.s32 $_tile_overlayer_lowered  }
0x9b: {  	s22 =	simm.s32 $0x1BFF;
	s21 =	sshll.u32 s6, $0x1;
	s3 =	sadd.s32 s4, s19  }
0x9c: {  	s7 =	simm.s32 $0x0;
	s20 =	sshll.u32 s5, $0x1;
	s5 =	sadd.s32 s21, s3  }
0x9d: {  	[timem:s7], [sflag:s22] =	dma.local [hbm:s5], s20  }
0x9e: {  	_ =	swait.ge [sflag:s22], s20  }
0x9f: {  	s4 =	ssub.s32 $0x0, s20;
	[sflag:s22] =	ssyncset.done $0x0  }
0xa0: {  	[sflag:s22] =	ssyncadd.s32 s4;
	_ =	sdelay $0x1  }
0xa1: {  	s23 =	simm.s32 $0x1B8B  }
0xa2: {  	_ =	swait.ge [sflag:s23], $0x1  }
0xa3: {  	[sflag:s23] =	ssyncset.done $0x0  }
0xa4: {  	s25 =	simm.s32 $0x1B8E;
	s24 =	sld [smem:$0x3FFE];
	[sflag:s23] =	ssyncadd.s32 $0xFFFFFFFF  }
0xa5: {  	s26 =	simm.s32 $execute0_lowered;
	[smem:$0x3FD2] =	sst s25  }
0xa6: {  	s5 =	sshll.u32 s26, $0x1;
	_ =	strace $0x80000046;
	[dreg:$0x1] =	wrdreg $0xFFFFFFFF  }
0xa7: {  	s28 =	simm.s32 $_size_execute0_lowered;
	s3 =	sadd.s32 s3, s5;
	[dreg:$0x0] =	wrdreg $0x0  }
0xa8: {  	s5 =	sshll.u32 s28, $0x1;
	[dreg:$0x2] =	wrdreg s3  }
0xa9: {  	[dreg:$0x3] =	wrdreg s5  }
0xaa: {  	[dreg:$0x4] =	wrdreg $0xC0  }
0xab: {  	_ =	task [dreg:s7], $0x5FFFF  }
0xac: {  	[dreg:$0x1] =	wrdreg $0xFFFFFFFF  }
0xad: {  	[dreg:$0x0] =	wrdreg $0x60  }
0xae: {  	[dreg:$0x2] =	wrdreg s24  }
0xaf: {  	[dreg:$0x3] =	wrdreg s2  }
0xb0: {  	[dreg:$0x4] =	wrdreg $0x70D00  }
0xb1: {  	[dreg:$0x5] =	wrdreg $0x97E00  }
0xb2: {  	[dreg:$0x6] =	wrdreg $0x10FE00  }
0xb3: {  	[dreg:$0x7] =	wrdreg $0x9  }
0xb4: {  	_ =	task.clear_ibuf [dreg:s7], $0x8FFFF;
	_ =	strace $0x90000046  }
0xb5: {  	s29 =	simm.s32 $0x9;
	_ =	strace $0x80000048  }
0xb6: {  	_ =	swait.ge [sflag:s29], $0x1  }
0xb7: {  	[sflag:s29] =	ssyncadd.s32 $0xFFFFFFFF  }
0xb8: {  	_ =	strace $0x90000048  }
0xb9: {  	_ =	sfence  }
0xba: {  	s30 =	sld [smem:$0x0];
	_ =	sdelay $0x2  }
0xbb: {  	s31 =	sshll.u32 s1, $0xD;
	s1 =	sshrl.u32 s1, $0x2  }
0xbc: {  	s3 =	sand.u32 $0x4000, s31;
	s1 =	sadd.s32 s1, s30  }
0xbd: {  	s0 =	sor.u32 s3, s0;
	s1 =	sshll.u32 s1, $0x11  }
0xbe: {  	s0 =	sor.u32 s1, s0  }
0xbf: {  	s0 =	sadd.s32 $0x8F2B, s0  }
0xc0: {  	[sflag:s0] =	ssyncadd.remote.s32 $0x1  }
0xc1: {  	_ =	sfence.sel $0xFFFF  }
0xc2: {  	[dreg:$0x0] =	wrdreg $0xFFFFFFFF;
	(pc) =	sbr.abs _section_cstart, $3  }
0xc3: {  	[dreg:$0x1] =	wrdreg $0xFFFFFFFF  }
0xc4: {  	_ =	task.clear_ibuf [dreg:s7], $0x2FFFF;
	_ =	strace $0x9FFFFFFF  }
0xc5: {  	(tm) =	ssettm $0x7FFFFFFF  }
tec
execute0_lowered:
.L_overlay_start_1:
0x0: {  	(tag) =	ssettag $0x1  }
0x1: {  	s16 =	stileid.u32;
	s0 =	srdreg.scid  }
0x2: {  	s2 =	rddreg [dreg:$0x0];
	s3 =	simm.s32 $0x0;
	s8 =	smul.u32 $0x3E80, s16  }
0x3: {  	s28 =	simm.s32 $0x1;
	s29 =	simm.s32 $0x0;
	s1 =	smul.u32 $0x2800, s16  }
0x4: {  	s9 =	sand.u32 $0x1, s0;
	s5 =	smul.u32 $0x280, s16;
	[smem:$0x7FF] =	sst s3  }
0x5: {  	s3 =	sadd.s32 $0xFE00, s2;
	s0 =	sadd.s32 $0x6000, s2;
	s14 =	smul.u32 $0x4E20, s16  }
0x6: {  	s4 =	smul.u32 $0x2800, s9;
	s7 =	ssub.s32 $0x2, s9;
	s30 =	sshll.u32 s9, $0x4  }
0x7: {  	p1 =	seq.s32 s9, $0x0;
	p0 =	sne.s32 s9, $0x0;
	s25 =	sshrl.u32 s8, $0x3  }
0x8: {  	s6 =	sshrl.u32 s1, $0x3;
	s26 =	sshrl.u32 s7, $0x1;
	s31 =	sadd.s32 $0x3E8, s14  }
0x9: {  	s15 =	sadd.s32 $0xBB8, s14;
	s17 =	sadd.s32 $0x1388, s14;
	s21 =	sadd.s32 $0x2328, s14  }
0xa: {  	s22 =	sadd.s32 $0x2AF8, s14;
	s23 =	sadd.s32 $0x32C8, s14;
	s10 =	sadd.s32 s25, s2  }
0xb: {  	s4 =	sadd.s32 s5, s4;
	s13 =	sadd.s32 s6, s2;
	s12 =	ssub.s32 s7, s26  }
0xc: {  	s6 =	sor.u32 s16, s30;
	s7 =	sshrl.u32 s14, $0x3;
	s18 =	sshrl.u32 s17, $0x3  }
0xd: {  	s24 =	sshrl.u32 s22, $0x3;
	s25 =	sshrl.u32 s23, $0x3;
	s30 =	sadd.s32 $0x3A98, s14  }
0xe: {  	s4 =	sshll.u32 s4, $0x1;
	s26 =	sadd.s32 s0, s25;
	s6 =	smul.u32 $0x2710, s6  }
0xf: {  	s12 =	smax.u32 s12, $0x1;
	s11 =	sadd.s32 s4, s2;
	s4 =	sshrl.u32 s31, $0x3  }
0x10: {  	s2 =	sadd.s32 s0, s7;
	[dreg:$0xc] =	wrdreg s26;
	s4 =	sadd.s32 s0, s4  }
0x11: {  	s31 =	sadd.s32 $0x4268, s14;
	s25 =	sadd.s32 $0x1388, s6;
	[dreg:$0x6] =	wrdreg s4  }
0x12: {  	s4 =	sshrl.u32 s15, $0x3;
	s15 =	sadd.s32 $0x1B58, s14;
	s26 =	sshrl.u32 s25, $0x3  }
0x13: {  	s25 =	rddreg [dreg:$0x1];
	s4 =	sadd.s32 s0, s4;
	s19 =	sshrl.u32 s15, $0x3  }
0x14: {  	s15 =	sadd.s32 $0x4A38, s14;
	[dreg:$0x7] =	wrdreg s4;
	s4 =	sadd.s32 s0, s18  }
0x15: {  	s20 =	sadd.s32 s0, s19;
	s17 =	sshrl.u32 s15, $0x3;
	[dreg:$0x8] =	wrdreg s4  }
0x16: {  	s15 =	sadd.s32 s3, s26;
	[dreg:$0x9] =	wrdreg s20;
	s4 =	sshrl.u32 s21, $0x3  }
0x17: {  	s21 =	sadd.s32 $0xBB8, s6;
	[dreg:$0x18] =	wrdreg s15;
	s4 =	sadd.s32 s0, s4  }
0x18: {  	s22 =	sshrl.u32 s21, $0x3;
	[dreg:$0xa] =	wrdreg s4;
	s4 =	sadd.s32 s0, s24  }
0x19: {  	s24 =	sadd.s32 s3, s22;
	[dreg:$0xb] =	wrdreg s4;
	s4 =	sshrl.u32 s30, $0x3  }
0x1a: {  	s7 =	sshrl.u32 s31, $0x3;
	[dreg:$0x14] =	wrdreg s24;
	s4 =	sadd.s32 s0, s4  }
0x1b: {  	s18 =	sadd.s32 $0x3E8, s6;
	[dreg:$0xd] =	wrdreg s4;
	s4 =	sadd.s32 s0, s7  }
0x1c: {  	s7 =	sshrl.u32 s18, $0x3;
	[dreg:$0xe] =	wrdreg s4;
	s4 =	sadd.s32 s0, s17  }
0x1d: {  	s11 =	sadd.s32 $0x1EC00, s11;
	s19 =	sadd.s32 s3, s7;
	[dreg:$0xf] =	wrdreg s4  }
0x1e: {  	s15 =	sadd.s32 $0x1F4, s2;
	s7 =	sadd.s32 s0, s7;
	[dreg:$0x10] =	wrdreg s19  }
0x1f: {  	s18 =	sadd.s32 $0x1B58, s6;
	[dreg:$0x11] =	wrdreg s7;
	s7 =	sadd.s32 s0, s22  }
0x20: {  	s4 =	sshrl.u32 s6, $0x3;
	[dreg:$0x15] =	wrdreg s7;
	s7 =	sadd.s32 s0, s26  }
0x21: {  	s6 =	sadd.s32 $0x2328, s6;
	s21 =	sadd.s32 s3, s4;
	[dreg:$0x19] =	wrdreg s7  }
0x22: {  	s20 =	sadd.s32 $0xFA, s4;
	s22 =	sadd.s32 s0, s4;
	[dreg:$0x1e] =	wrdreg s21  }
0x23: {  	s30 =	sadd.s32 $0x1F4, s4;
	s23 =	sadd.s32 s3, s20;
	[dreg:$0x1f] =	wrdreg s22  }
0x24: {  	s17 =	sadd.s32 $0x2EE, s4;
	s14 =	sadd.s32 s0, s20;
	[dreg:$0x12] =	wrdreg s23  }
0x25: {  	s4 =	sadd.s32 $0x3E8, s4;
	s31 =	sadd.s32 s3, s30;
	[dreg:$0x13] =	wrdreg s14  }
0x26: {  	s6 =	sshrl.u32 s6, $0x3;
	s19 =	sadd.s32 s3, s17;
	[dreg:$0x16] =	wrdreg s31  }
0x27: {  	s7 =	sadd.s32 s0, s17;
	s20 =	sshrl.u32 s18, $0x3;
	[dreg:$0x1a] =	wrdreg s19  }
0x28: {  	s24 =	sadd.s32 s3, s4;
	s4 =	sadd.s32 s0, s4;
	[dreg:$0x1b] =	wrdreg s7  }
0x29: {  	s17 =	sadd.s32 $0x3E8, s2;
	s18 =	sadd.s32 $0x4E2, s2;
	[smem:$0x7FA] =	sst s24  }
0x2a: {  	s21 =	sadd.s32 $0x7D0, s2;
	s22 =	sadd.s32 $0x8CA, s2;
	[smem:$0x7FB] =	sst s4  }
0x2b: {  	s14 =	sadd.s32 s0, s30;
	s7 =	sadd.s32 s0, s20;
	s30 =	rddreg [dreg:$0x4]  }
0x2c: {  	s23 =	smul.u32 $0xA000, s16;
	s0 =	sadd.s32 s0, s6;
	s4 =	rddreg [dreg:$0x2]  }
0x2d: {  	s31 =	sshrl.u32 s5, $0x3;
	s19 =	sadd.s32 $0x5DC, s2;
	[dreg:$0x17] =	wrdreg s14  }
0x2e: {  	s24 =	simm.s32 $0x3;
	s14 =	sadd.s32 s3, s20;
	[dreg:$0x1d] =	wrdreg s7  }
0x2f: {  	s3 =	sadd.s32 s3, s6;
	[smem:$0x7FD] =	sst s0;
	s5 =	sadd.s32 s5, s30  }
0x30: {  	s6 =	sadd.s32 s25, s31;
	s7 =	rddreg [dreg:$0x3];
	s0 =	sadd.s32 s8, s4  }
0x31: {  	s8 =	sadd.s32 $0x1000, s10;
	s10 =	sadd.s32 $0x19C00, s13;
	[dreg:$0x1c] =	wrdreg s14  }
0x32: {  	s20 =	sadd.s32 $0x6D6, s2;
	s25 =	simm.s32 $0x3E8;
	[smem:$0x7FC] =	sst s3  }
0x33: {  	s26 =	sshrl.u32 s23, $0x2;
	s9 =	sadd.s32 s1, s7;
	s1 =	simm.f32 $1.000000000e+00  }
0x34: {  	s14 =	sadd.s32 $0xFA, s2;
	s23 =	simm.s32 $0x7D0;
	s3 =	sadd.s32 s26, s30  }
0x35: {  	_ =	strace $0x80000047;
	s1 =	simm.s32 @!p1 $0x0;
	p1 =	sgt.u32 s16, $0x9  }
0x36: {  	v1 =	vimm.f32 $0.0e+00;
	v2 =	vimm.f32 $1.000000000e+00;
	s16 =	sadd.s32 $0x2EE, s2;
	s26 =	simm.s32 $0xBFE0;
	s13 =	sshrl.u32 @!p1 s0, $0x3;
	v0 =	vmov s1  }
.LBB2_1:
0x37: {  	s0 =	stileid.u32  }
0x38: {  	s0 =	sshll.u32 @!p1 s0, $0x6  }
0x39: {  	s0 =	sor.u32 @!p1 $0x1C02, s0  }
0x3a: {  	[spmem:s13], [sflag:s0] =	dma.local @!p1 [hbm:s8], $0x7D0  }
0x3b: {  	s1 =	simm.s32 $0x0;
	s0 =	simm.s32 $0x40  }
.LBB2_2:
0x3c: {  	p2 =	sne.s32 s0, $0x9FC0;
	[tilespmem:s1+$0x7D0] =	vst v1;
	s1 =	smov.u32 s0;
	s0 =	sadd.s32 $0x40, s0  }
.Ltmp0:
0x3d: {  	(pc) =	sbr.rel @p2 .LBB2_2-.Ltmp0, $2  }
0x3e: {  	_ =	sdelay $0x2  }
0x3f: {  	s1 =	sshra.s32 s1, $0x2  }
0x40: {  	[tilespmem:s1+$0x7D0] =	vst v1  }
0x41: {  	[spmem:s9] =	stream.linear.scatter [tilespmem:s23], [sflag:$0x3], $0x2800, $0x38;
	[tilespmem:$0x137E0] =	vst v63  }
0x42: {  	_ =	swait.ge [sflag:s24], $0x2800  }
0x43: {  	[sflag:s24] =	ssyncset.done $0x0  }
0x44: {  	s0 =	simm.s32 $0x40;
	s1 =	simm.s32 $0x0;
	[sflag:s24] =	ssyncadd.s32 $0xFFFFD800  }
.LBB2_4:
0x45: {  	p2 =	sne.s32 s0, $0x9FC0;
	[tilespmem:s1+$0xBFE0] =	vst v1;
	s1 =	smov.u32 s0;
	s0 =	sadd.s32 $0x40, s0  }
.Ltmp1:
0x46: {  	(pc) =	sbr.rel @p2 .LBB2_4-.Ltmp1, $2  }
0x47: {  	_ =	sdelay $0x2  }
0x48: {  	s1 =	sshra.s32 s1, $0x2  }
0x49: {  	[tilespmem:s1+$0xBFE0] =	vst v1;
	s0 =	simm.s32 $0x0  }
0x4a: {  	[tilespmem:s25], [sflag:$0x3] =	stream.linear.gather [hbm4b:s2+s0], $0x3E8, $0x38;
	[tilespmem:$0x137E0] =	vst v63  }
0x4b: {  	_ =	swait.ge [sflag:s24], $0x3E8  }
0x4c: {  	[sflag:s24] =	ssyncset.done $0x0  }
0x4d: {  	s1 =	simm.s32 $0x0;
	s0 =	simm.s32 $0x40;
	[sflag:s24] =	ssyncadd.s32 $0xFFFFFC18  }
.LBB2_6:
0x4e: {  	p2 =	sne.s32 s0, $0xF40;
	v3 =	vld [tilespmem:s1+$0x3E8];
	_ =	sdelay $0x3  }
.Ltmp2:
0x4f: {  	(pc) =	sbr.rel @p2 .LBB2_6-.Ltmp2, $2  }
0x50: {  	_ =	sdelay $0x2  }
0x51: {  	s1 =	sshra.s32 s0, $0x2;
	s0 =	sadd.s32 $0x40, s0;
	[tilespmem:v3+s26+$0x0] =	vst.idx.add.f32.msk $0xffff, v2  }
0x52: {  	v3 =	vld [tilespmem:s1+$0x3E8];
	_ =	sdelay $0x7  }
0x53: {  	s0 =	simm.s32 $0x0;
	s31 =	rddreg [dreg:$0x6];
	[tilespmem:v3+s26+$0x0] =	vst.idx.add.f32.msk $0xffff, v2  }
0x54: {  	[tilespmem:s25], [sflag:$0x3] =	stream.linear.gather [hbm4b:s31+s0], $0x3E8, $0x38;
	[tilespmem:$0x137E0] =	vst v63  }
0x55: {  	_ =	swait.ge [sflag:s24], $0x3E8  }
0x56: {  	[sflag:s24] =	ssyncset.done $0x0  }
0x57: {  	s1 =	simm.s32 $0x0;
	s0 =	simm.s32 $0x40;
	[sflag:s24] =	ssyncadd.s32 $0xFFFFFC18  }
.LBB2_8:
0x58: {  	p2 =	sne.s32 s0, $0xF40;
	v3 =	vld [tilespmem:s1+$0x3E8];
	_ =	sdelay $0x3  }
.Ltmp3:
0x59: {  	(pc) =	sbr.rel @p2 .LBB2_8-.Ltmp3, $2  }
0x5a: {  	_ =	sdelay $0x2  }
0x5b: {  	s1 =	sshra.s32 s0, $0x2;
	s0 =	sadd.s32 $0x40, s0;
	[tilespmem:v3+s26+$0x0] =	vst.idx.add.f32.msk $0xffff, v2  }
0x5c: {  	v3 =	vld [tilespmem:s1+$0x3E8];
	_ =	sdelay $0x7  }
0x5d: {  	s0 =	simm.s32 $0x0;
	[tilespmem:v3+s26+$0x0] =	vst.idx.add.f32.msk $0xffff, v2  }
0x5e: {  	[tilespmem:s25], [sflag:$0x3] =	stream.linear.gather [hbm4b:s14+s0], $0x3E8, $0x38;
	[tilespmem:$0x137E0] =	vst v63  }
0x5f: {  	_ =	swait.ge [sflag:s24], $0x3E8  }
0x60: {  	[sflag:s24] =	ssyncset.done $0x0  }
0x61: {  	s1 =	simm.s32 $0x0;
	s0 =	simm.s32 $0x40;
	[sflag:s24] =	ssyncadd.s32 $0xFFFFFC18  }
.LBB2_10:
0x62: {  	p2 =	sne.s32 s0, $0xF40;
	v3 =	vld [tilespmem:s1+$0x3E8];
	_ =	sdelay $0x3  }
.Ltmp4:
0x63: {  	(pc) =	sbr.rel @p2 .LBB2_10-.Ltmp4, $2  }
0x64: {  	_ =	sdelay $0x2  }
0x65: {  	s1 =	sshra.s32 s0, $0x2;
	s0 =	sadd.s32 $0x40, s0;
	[tilespmem:v3+s26+$0x0] =	vst.idx.add.f32.msk $0xffff, v2  }
0x66: {  	v3 =	vld [tilespmem:s1+$0x3E8];
	_ =	sdelay $0x7  }
0x67: {  	s0 =	simm.s32 $0x0;
	s31 =	rddreg [dreg:$0x7];
	[tilespmem:v3+s26+$0x0] =	vst.idx.add.f32.msk $0xffff, v2  }
0x68: {  	[tilespmem:s25], [sflag:$0x3] =	stream.linear.gather [hbm4b:s31+s0], $0x3E8, $0x38;
	[tilespmem:$0x137E0] =	vst v63  }
0x69: {  	_ =	swait.ge [sflag:s24], $0x3E8  }
0x6a: {  	[sflag:s24] =	ssyncset.done $0x0  }
0x6b: {  	s1 =	simm.s32 $0x0;
	s0 =	simm.s32 $0x40;
	[sflag:s24] =	ssyncadd.s32 $0xFFFFFC18  }
.LBB2_12:
0x6c: {  	p2 =	sne.s32 s0, $0xF40;
	v3 =	vld [tilespmem:s1+$0x3E8];
	_ =	sdelay $0x3  }
.Ltmp5:
0x6d: {  	(pc) =	sbr.rel @p2 .LBB2_12-.Ltmp5, $2  }
0x6e: {  	_ =	sdelay $0x2  }
0x6f: {  	s1 =	sshra.s32 s0, $0x2;
	s0 =	sadd.s32 $0x40, s0;
	[tilespmem:v3+s26+$0x0] =	vst.idx.add.f32.msk $0xffff, v2  }
0x70: {  	v3 =	vld [tilespmem:s1+$0x3E8];
	_ =	sdelay $0x7  }
0x71: {  	s0 =	simm.s32 $0x0;
	[tilespmem:v3+s26+$0x0] =	vst.idx.add.f32.msk $0xffff, v2  }
0x72: {  	[tilespmem:s25], [sflag:$0x3] =	stream.linear.gather [hbm4b:s15+s0], $0x3E8, $0x38;
	[tilespmem:$0x137E0] =	vst v63  }
0x73: {  	_ =	swait.ge [sflag:s24], $0x3E8  }
0x74: {  	[sflag:s24] =	ssyncset.done $0x0  }
0x75: {  	s1 =	simm.s32 $0x0;
	s0 =	simm.s32 $0x40;
	[sflag:s24] =	ssyncadd.s32 $0xFFFFFC18  }
.LBB2_14:
0x76: {  	p2 =	sne.s32 s0, $0xF40;
	v3 =	vld [tilespmem:s1+$0x3E8];
	_ =	sdelay $0x3  }
.Ltmp6:
0x77: {  	(pc) =	sbr.rel @p2 .LBB2_14-.Ltmp6, $2  }
0x78: {  	_ =	sdelay $0x2  }
0x79: {  	s1 =	sshra.s32 s0, $0x2;
	s0 =	sadd.s32 $0x40, s0;
	[tilespmem:v3+s26+$0x0] =	vst.idx.add.f32.msk $0xffff, v2  }
0x7a: {  	v3 =	vld [tilespmem:s1+$0x3E8];
	_ =	sdelay $0x7  }
0x7b: {  	s0 =	simm.s32 $0x0;
	s31 =	rddreg [dreg:$0x8];
	[tilespmem:v3+s26+$0x0] =	vst.idx.add.f32.msk $0xffff, v2  }
0x7c: {  	[tilespmem:s25], [sflag:$0x3] =	stream.linear.gather [hbm4b:s31+s0], $0x3E8, $0x38;
	[tilespmem:$0x137E0] =	vst v63  }
0x7d: {  	_ =	swait.ge [sflag:s24], $0x3E8  }
0x7e: {  	[sflag:s24] =	ssyncset.done $0x0  }
0x7f: {  	s1 =	simm.s32 $0x0;
	s0 =	simm.s32 $0x40;
	[sflag:s24] =	ssyncadd.s32 $0xFFFFFC18  }
.LBB2_16:
0x80: {  	p2 =	sne.s32 s0, $0xF40;
	v3 =	vld [tilespmem:s1+$0x3E8];
	_ =	sdelay $0x3  }
.Ltmp7:
0x81: {  	(pc) =	sbr.rel @p2 .LBB2_16-.Ltmp7, $2  }
0x82: {  	_ =	sdelay $0x2  }
0x83: {  	s1 =	sshra.s32 s0, $0x2;
	s0 =	sadd.s32 $0x40, s0;
	[tilespmem:v3+s26+$0x0] =	vst.idx.add.f32.msk $0xffff, v2  }
0x84: {  	v3 =	vld [tilespmem:s1+$0x3E8];
	_ =	sdelay $0x7  }
0x85: {  	s0 =	simm.s32 $0x0;
	[tilespmem:v3+s26+$0x0] =	vst.idx.add.f32.msk $0xffff, v2  }
0x86: {  	[tilespmem:s25], [sflag:$0x3] =	stream.linear.gather [hbm4b:s16+s0], $0x3E8, $0x38;
	[tilespmem:$0x137E0] =	vst v63  }
0x87: {  	_ =	swait.ge [sflag:s24], $0x3E8  }
0x88: {  	[sflag:s24] =	ssyncset.done $0x0  }
0x89: {  	s1 =	simm.s32 $0x0;
	s0 =	simm.s32 $0x40;
	[sflag:s24] =	ssyncadd.s32 $0xFFFFFC18  }
.LBB2_18:
0x8a: {  	p2 =	sne.s32 s0, $0xF40;
	v3 =	vld [tilespmem:s1+$0x3E8];
	_ =	sdelay $0x3  }
.Ltmp8:
0x8b: {  	(pc) =	sbr.rel @p2 .LBB2_18-.Ltmp8, $2  }
0x8c: {  	_ =	sdelay $0x2  }
0x8d: {  	s1 =	sshra.s32 s0, $0x2;
	s0 =	sadd.s32 $0x40, s0;
	[tilespmem:v3+s26+$0x0] =	vst.idx.add.f32.msk $0xffff, v2  }
0x8e: {  	v3 =	vld [tilespmem:s1+$0x3E8];
	_ =	sdelay $0x7  }
0x8f: {  	s0 =	simm.s32 $0x0;
	s31 =	rddreg [dreg:$0x9];
	[tilespmem:v3+s26+$0x0] =	vst.idx.add.f32.msk $0xffff, v2  }
0x90: {  	[tilespmem:s25], [sflag:$0x3] =	stream.linear.gather [hbm4b:s31+s0], $0x3E8, $0x38;
	[tilespmem:$0x137E0] =	vst v63  }
0x91: {  	_ =	swait.ge [sflag:s24], $0x3E8  }
0x92: {  	[sflag:s24] =	ssyncset.done $0x0  }
0x93: {  	s1 =	simm.s32 $0x0;
	s0 =	simm.s32 $0x40;
	[sflag:s24] =	ssyncadd.s32 $0xFFFFFC18  }
.LBB2_20:
0x94: {  	p2 =	sne.s32 s0, $0xF40;
	v3 =	vld [tilespmem:s1+$0x3E8];
	_ =	sdelay $0x3  }
.Ltmp9:
0x95: {  	(pc) =	sbr.rel @p2 .LBB2_20-.Ltmp9, $2  }
0x96: {  	_ =	sdelay $0x2  }
0x97: {  	s1 =	sshra.s32 s0, $0x2;
	s0 =	sadd.s32 $0x40, s0;
	[tilespmem:v3+s26+$0x0] =	vst.idx.add.f32.msk $0xffff, v2  }
0x98: {  	v3 =	vld [tilespmem:s1+$0x3E8];
	_ =	sdelay $0x7  }
0x99: {  	s0 =	simm.s32 $0x0;
	[tilespmem:v3+s26+$0x0] =	vst.idx.add.f32.msk $0xffff, v2  }
0x9a: {  	[tilespmem:s25], [sflag:$0x3] =	stream.linear.gather [hbm4b:s17+s0], $0x3E8, $0x38;
	[tilespmem:$0x137E0] =	vst v63  }
0x9b: {  	_ =	swait.ge [sflag:s24], $0x3E8  }
0x9c: {  	[sflag:s24] =	ssyncset.done $0x0  }
0x9d: {  	s1 =	simm.s32 $0x0;
	s0 =	simm.s32 $0x40;
	[sflag:s24] =	ssyncadd.s32 $0xFFFFFC18  }
.LBB2_22:
0x9e: {  	p2 =	sne.s32 s0, $0xF40;
	v3 =	vld [tilespmem:s1+$0x3E8];
	_ =	sdelay $0x3  }
.Ltmp10:
0x9f: {  	(pc) =	sbr.rel @p2 .LBB2_22-.Ltmp10, $2  }
0xa0: {  	_ =	sdelay $0x2  }
0xa1: {  	s1 =	sshra.s32 s0, $0x2;
	s0 =	sadd.s32 $0x40, s0;
	[tilespmem:v3+s26+$0x0] =	vst.idx.add.f32.msk $0xffff, v2  }
0xa2: {  	v3 =	vld [tilespmem:s1+$0x3E8];
	_ =	sdelay $0x7  }
0xa3: {  	s0 =	simm.s32 $0x0;
	s31 =	rddreg [dreg:$0xa];
	[tilespmem:v3+s26+$0x0] =	vst.idx.add.f32.msk $0xffff, v2  }
0xa4: {  	[tilespmem:s25], [sflag:$0x3] =	stream.linear.gather [hbm4b:s31+s0], $0x3E8, $0x38;
	[tilespmem:$0x137E0] =	vst v63  }
0xa5: {  	_ =	swait.ge [sflag:s24], $0x3E8  }
0xa6: {  	[sflag:s24] =	ssyncset.done $0x0  }
0xa7: {  	s1 =	simm.s32 $0x0;
	s0 =	simm.s32 $0x40;
	[sflag:s24] =	ssyncadd.s32 $0xFFFFFC18  }
.LBB2_24:
0xa8: {  	p2 =	sne.s32 s0, $0xF40;
	v3 =	vld [tilespmem:s1+$0x3E8];
	_ =	sdelay $0x3  }
.Ltmp11:
0xa9: {  	(pc) =	sbr.rel @p2 .LBB2_24-.Ltmp11, $2  }
0xaa: {  	_ =	sdelay $0x2  }
0xab: {  	s1 =	sshra.s32 s0, $0x2;
	s0 =	sadd.s32 $0x40, s0;
	[tilespmem:v3+s26+$0x0] =	vst.idx.add.f32.msk $0xffff, v2  }
0xac: {  	v3 =	vld [tilespmem:s1+$0x3E8];
	_ =	sdelay $0x7  }
0xad: {  	s0 =	simm.s32 $0x0;
	[tilespmem:v3+s26+$0x0] =	vst.idx.add.f32.msk $0xffff, v2  }
0xae: {  	[tilespmem:s25], [sflag:$0x3] =	stream.linear.gather [hbm4b:s18+s0], $0x3E8, $0x38;
	[tilespmem:$0x137E0] =	vst v63  }
0xaf: {  	_ =	swait.ge [sflag:s24], $0x3E8  }
0xb0: {  	[sflag:s24] =	ssyncset.done $0x0  }
0xb1: {  	s1 =	simm.s32 $0x0;
	s0 =	simm.s32 $0x40;
	[sflag:s24] =	ssyncadd.s32 $0xFFFFFC18  }
.LBB2_26:
0xb2: {  	p2 =	sne.s32 s0, $0xF40;
	v3 =	vld [tilespmem:s1+$0x3E8];
	_ =	sdelay $0x3  }
.Ltmp12:
0xb3: {  	(pc) =	sbr.rel @p2 .LBB2_26-.Ltmp12, $2  }
0xb4: {  	_ =	sdelay $0x2  }
0xb5: {  	s1 =	sshra.s32 s0, $0x2;
	s0 =	sadd.s32 $0x40, s0;
	[tilespmem:v3+s26+$0x0] =	vst.idx.add.f32.msk $0xffff, v2  }
0xb6: {  	v3 =	vld [tilespmem:s1+$0x3E8];
	_ =	sdelay $0x7  }
0xb7: {  	s0 =	simm.s32 $0x0;
	s31 =	rddreg [dreg:$0xb];
	[tilespmem:v3+s26+$0x0] =	vst.idx.add.f32.msk $0xffff, v2  }
0xb8: {  	[tilespmem:s25], [sflag:$0x3] =	stream.linear.gather [hbm4b:s31+s0], $0x3E8, $0x38;
	[tilespmem:$0x137E0] =	vst v63  }
0xb9: {  	_ =	swait.ge [sflag:s24], $0x3E8  }
0xba: {  	[sflag:s24] =	ssyncset.done $0x0  }
0xbb: {  	s1 =	simm.s32 $0x0;
	s0 =	simm.s32 $0x40;
	[sflag:s24] =	ssyncadd.s32 $0xFFFFFC18  }
.LBB2_28:
0xbc: {  	p2 =	sne.s32 s0, $0xF40;
	v3 =	vld [tilespmem:s1+$0x3E8];
	_ =	sdelay $0x3  }
.Ltmp13:
0xbd: {  	(pc) =	sbr.rel @p2 .LBB2_28-.Ltmp13, $2  }
0xbe: {  	_ =	sdelay $0x2  }
0xbf: {  	s1 =	sshra.s32 s0, $0x2;
	s0 =	sadd.s32 $0x40, s0;
	[tilespmem:v3+s26+$0x0] =	vst.idx.add.f32.msk $0xffff, v2  }
0xc0: {  	v3 =	vld [tilespmem:s1+$0x3E8];
	_ =	sdelay $0x7  }
0xc1: {  	s0 =	simm.s32 $0x0;
	[tilespmem:v3+s26+$0x0] =	vst.idx.add.f32.msk $0xffff, v2  }
0xc2: {  	[tilespmem:s25], [sflag:$0x3] =	stream.linear.gather [hbm4b:s19+s0], $0x3E8, $0x38;
	[tilespmem:$0x137E0] =	vst v63  }
0xc3: {  	_ =	swait.ge [sflag:s24], $0x3E8  }
0xc4: {  	[sflag:s24] =	ssyncset.done $0x0  }
0xc5: {  	s1 =	simm.s32 $0x0;
	s0 =	simm.s32 $0x40;
	[sflag:s24] =	ssyncadd.s32 $0xFFFFFC18  }
.LBB2_30:
0xc6: {  	p2 =	sne.s32 s0, $0xF40;
	v3 =	vld [tilespmem:s1+$0x3E8];
	_ =	sdelay $0x3  }
.Ltmp14:
0xc7: {  	(pc) =	sbr.rel @p2 .LBB2_30-.Ltmp14, $2  }
0xc8: {  	_ =	sdelay $0x2  }
0xc9: {  	s1 =	sshra.s32 s0, $0x2;
	s0 =	sadd.s32 $0x40, s0;
	[tilespmem:v3+s26+$0x0] =	vst.idx.add.f32.msk $0xffff, v2  }
0xca: {  	v3 =	vld [tilespmem:s1+$0x3E8];
	_ =	sdelay $0x7  }
0xcb: {  	s0 =	simm.s32 $0x0;
	s31 =	rddreg [dreg:$0xc];
	[tilespmem:v3+s26+$0x0] =	vst.idx.add.f32.msk $0xffff, v2  }
0xcc: {  	[tilespmem:s25], [sflag:$0x3] =	stream.linear.gather [hbm4b:s31+s0], $0x3E8, $0x38;
	[tilespmem:$0x137E0] =	vst v63  }
0xcd: {  	_ =	swait.ge [sflag:s24], $0x3E8  }
0xce: {  	[sflag:s24] =	ssyncset.done $0x0  }
0xcf: {  	s1 =	simm.s32 $0x0;
	s0 =	simm.s32 $0x40;
	[sflag:s24] =	ssyncadd.s32 $0xFFFFFC18  }
.LBB2_32:
0xd0: {  	p2 =	sne.s32 s0, $0xF40;
	v3 =	vld [tilespmem:s1+$0x3E8];
	_ =	sdelay $0x3  }
.Ltmp15:
0xd1: {  	(pc) =	sbr.rel @p2 .LBB2_32-.Ltmp15, $2  }
0xd2: {  	_ =	sdelay $0x2  }
0xd3: {  	s1 =	sshra.s32 s0, $0x2;
	s0 =	sadd.s32 $0x40, s0;
	[tilespmem:v3+s26+$0x0] =	vst.idx.add.f32.msk $0xffff, v2  }
0xd4: {  	v3 =	vld [tilespmem:s1+$0x3E8];
	_ =	sdelay $0x7  }
0xd5: {  	s0 =	simm.s32 $0x0;
	[tilespmem:v3+s26+$0x0] =	vst.idx.add.f32.msk $0xffff, v2  }
0xd6: {  	[tilespmem:s25], [sflag:$0x3] =	stream.linear.gather [hbm4b:s20+s0], $0x3E8, $0x38;
	[tilespmem:$0x137E0] =	vst v63  }
0xd7: {  	_ =	swait.ge [sflag:s24], $0x3E8  }
0xd8: {  	[sflag:s24] =	ssyncset.done $0x0  }
0xd9: {  	s1 =	simm.s32 $0x0;
	s0 =	simm.s32 $0x40;
	[sflag:s24] =	ssyncadd.s32 $0xFFFFFC18  }
.LBB2_34:
0xda: {  	p2 =	sne.s32 s0, $0xF40;
	v3 =	vld [tilespmem:s1+$0x3E8];
	_ =	sdelay $0x3  }
.Ltmp16:
0xdb: {  	(pc) =	sbr.rel @p2 .LBB2_34-.Ltmp16, $2  }
0xdc: {  	_ =	sdelay $0x2  }
0xdd: {  	s1 =	sshra.s32 s0, $0x2;
	s0 =	sadd.s32 $0x40, s0;
	[tilespmem:v3+s26+$0x0] =	vst.idx.add.f32.msk $0xffff, v2  }
0xde: {  	v3 =	vld [tilespmem:s1+$0x3E8];
	_ =	sdelay $0x7  }
0xdf: {  	s0 =	simm.s32 $0x0;
	s31 =	rddreg [dreg:$0xd];
	[tilespmem:v3+s26+$0x0] =	vst.idx.add.f32.msk $0xffff, v2  }
0xe0: {  	[tilespmem:s25], [sflag:$0x3] =	stream.linear.gather [hbm4b:s31+s0], $0x3E8, $0x38;
	[tilespmem:$0x137E0] =	vst v63  }
0xe1: {  	_ =	swait.ge [sflag:s24], $0x3E8  }
0xe2: {  	[sflag:s24] =	ssyncset.done $0x0  }
0xe3: {  	s1 =	simm.s32 $0x0;
	s0 =	simm.s32 $0x40;
	[sflag:s24] =	ssyncadd.s32 $0xFFFFFC18  }
.LBB2_36:
0xe4: {  	p2 =	sne.s32 s0, $0xF40;
	v3 =	vld [tilespmem:s1+$0x3E8];
	_ =	sdelay $0x3  }
.Ltmp17:
0xe5: {  	(pc) =	sbr.rel @p2 .LBB2_36-.Ltmp17, $2  }
0xe6: {  	_ =	sdelay $0x2  }
0xe7: {  	s1 =	sshra.s32 s0, $0x2;
	s0 =	sadd.s32 $0x40, s0;
	[tilespmem:v3+s26+$0x0] =	vst.idx.add.f32.msk $0xffff, v2  }
0xe8: {  	v3 =	vld [tilespmem:s1+$0x3E8];
	_ =	sdelay $0x7  }
0xe9: {  	s0 =	simm.s32 $0x0;
	[tilespmem:v3+s26+$0x0] =	vst.idx.add.f32.msk $0xffff, v2  }
0xea: {  	[tilespmem:s25], [sflag:$0x3] =	stream.linear.gather [hbm4b:s21+s0], $0x3E8, $0x38;
	[tilespmem:$0x137E0] =	vst v63  }
0xeb: {  	_ =	swait.ge [sflag:s24], $0x3E8  }
0xec: {  	[sflag:s24] =	ssyncset.done $0x0  }
0xed: {  	s1 =	simm.s32 $0x0;
	s0 =	simm.s32 $0x40;
	[sflag:s24] =	ssyncadd.s32 $0xFFFFFC18  }
.LBB2_38:
0xee: {  	p2 =	sne.s32 s0, $0xF40;
	v3 =	vld [tilespmem:s1+$0x3E8];
	_ =	sdelay $0x3  }
.Ltmp18:
0xef: {  	(pc) =	sbr.rel @p2 .LBB2_38-.Ltmp18, $2  }
0xf0: {  	_ =	sdelay $0x2  }
0xf1: {  	s1 =	sshra.s32 s0, $0x2;
	s0 =	sadd.s32 $0x40, s0;
	[tilespmem:v3+s26+$0x0] =	vst.idx.add.f32.msk $0xffff, v2  }
0xf2: {  	v3 =	vld [tilespmem:s1+$0x3E8];
	_ =	sdelay $0x7  }
0xf3: {  	s0 =	simm.s32 $0x0;
	s31 =	rddreg [dreg:$0xe];
	[tilespmem:v3+s26+$0x0] =	vst.idx.add.f32.msk $0xffff, v2  }
0xf4: {  	[tilespmem:s25], [sflag:$0x3] =	stream.linear.gather [hbm4b:s31+s0], $0x3E8, $0x38;
	[tilespmem:$0x137E0] =	vst v63  }
0xf5: {  	_ =	swait.ge [sflag:s24], $0x3E8  }
0xf6: {  	[sflag:s24] =	ssyncset.done $0x0  }
0xf7: {  	s1 =	simm.s32 $0x0;
	s0 =	simm.s32 $0x40;
	[sflag:s24] =	ssyncadd.s32 $0xFFFFFC18  }
.LBB2_40:
0xf8: {  	p2 =	sne.s32 s0, $0xF40;
	v3 =	vld [tilespmem:s1+$0x3E8];
	_ =	sdelay $0x3  }
.Ltmp19:
0xf9: {  	(pc) =	sbr.rel @p2 .LBB2_40-.Ltmp19, $2  }
0xfa: {  	_ =	sdelay $0x2  }
0xfb: {  	s1 =	sshra.s32 s0, $0x2;
	s0 =	sadd.s32 $0x40, s0;
	[tilespmem:v3+s26+$0x0] =	vst.idx.add.f32.msk $0xffff, v2  }
0xfc: {  	v3 =	vld [tilespmem:s1+$0x3E8];
	_ =	sdelay $0x7  }
0xfd: {  	s0 =	simm.s32 $0x0;
	[tilespmem:v3+s26+$0x0] =	vst.idx.add.f32.msk $0xffff, v2  }
0xfe: {  	[tilespmem:s25], [sflag:$0x3] =	stream.linear.gather [hbm4b:s22+s0], $0x3E8, $0x38;
	[tilespmem:$0x137E0] =	vst v63  }
0xff: {  	_ =	swait.ge [sflag:s24], $0x3E8  }
0x100: {  	[sflag:s24] =	ssyncset.done $0x0  }
0x101: {  	s1 =	simm.s32 $0x0;
	s0 =	simm.s32 $0x40;
	[sflag:s24] =	ssyncadd.s32 $0xFFFFFC18  }
.LBB2_42:
0x102: {  	p2 =	sne.s32 s0, $0xF40;
	v3 =	vld [tilespmem:s1+$0x3E8];
	_ =	sdelay $0x3  }
.Ltmp20:
0x103: {  	(pc) =	sbr.rel @p2 .LBB2_42-.Ltmp20, $2  }
0x104: {  	_ =	sdelay $0x2  }
0x105: {  	s1 =	sshra.s32 s0, $0x2;
	s0 =	sadd.s32 $0x40, s0;
	[tilespmem:v3+s26+$0x0] =	vst.idx.add.f32.msk $0xffff, v2  }
0x106: {  	v3 =	vld [tilespmem:s1+$0x3E8];
	_ =	sdelay $0x7  }
0x107: {  	s0 =	simm.s32 $0x0;
	s31 =	rddreg [dreg:$0xf];
	[tilespmem:v3+s26+$0x0] =	vst.idx.add.f32.msk $0xffff, v2  }
0x108: {  	[tilespmem:s25], [sflag:$0x3] =	stream.linear.gather [hbm4b:s31+s0], $0x3E8, $0x38;
	[tilespmem:$0x137E0] =	vst v63  }
0x109: {  	_ =	swait.ge [sflag:s24], $0x3E8  }
0x10a: {  	[sflag:s24] =	ssyncset.done $0x0  }
0x10b: {  	s1 =	simm.s32 $0x0;
	s0 =	simm.s32 $0x40;
	[sflag:s24] =	ssyncadd.s32 $0xFFFFFC18  }
.LBB2_44:
0x10c: {  	p2 =	sne.s32 s0, $0xF40;
	v3 =	vld [tilespmem:s1+$0x3E8];
	_ =	sdelay $0x3  }
.Ltmp21:
0x10d: {  	(pc) =	sbr.rel @p2 .LBB2_44-.Ltmp21, $2  }
0x10e: {  	_ =	sdelay $0x2  }
0x10f: {  	s1 =	sshra.s32 s0, $0x2;
	s0 =	sadd.s32 $0x40, s0;
	[tilespmem:v3+s26+$0x0] =	vst.idx.add.f32.msk $0xffff, v2  }
0x110: {  	v3 =	vld [tilespmem:s1+$0x3E8];
	_ =	sdelay $0x7  }
0x111: {  	[tilespmem:v3+s26+$0x0] =	vst.idx.add.f32.msk $0xffff, v2  }
0x112: {  	[spmem:s3] =	stream.linear.scatter [tilespmem:s26], [sflag:$0x3], $0x2800, $0x38;
	[tilespmem:$0x137E0] =	vst v63  }
0x113: {  	_ =	swait.ge [sflag:s24], $0x2800  }
0x114: {  	[sflag:s24] =	ssyncset.done $0x0  }
0x115: {  	s0 =	simm.s32 @!p1 $0x2;
	[sflag:s24] =	ssyncadd.s32 $0xFFFFD800  }
0x116: {  	_ =	swait.ge @!p1 [sflag:s0], $0x7D0  }
0x117: {  	[sflag:s0] =	ssyncset.done @!p1 $0x0  }
0x118: {  	[sflag:s0] =	ssyncadd.s32 @!p1 $0xFFFFF830  }
0x119: {  	[bflag:$0x0] =	sbarrier.arrive $0xFFFF  }
0x11a: {  	s30 =	simm.s32 $0x0;
	s1 =	rddreg [dreg:$0x1e]  }
0x11b: {  	[tilespmem:s30], [sflag:$0x3] =	stream.linear.gather [hbm4b:s1+s30], $0x3E8, $0x38;
	[tilespmem:$0x137E0] =	vst v63  }
0x11c: {  	_ =	swait.ge [sflag:s24], $0x3E8  }
0x11d: {  	[sflag:s24] =	ssyncset.done $0x0  }
0x11e: {  	s1 =	rddreg [dreg:$0x1f];
	[sflag:s24] =	ssyncadd.s32 $0xFFFFFC18  }
0x11f: {  	[tilespmem:s25], [sflag:$0x3] =	stream.linear.gather [hbm4b:s1+s30], $0x3E8, $0x38;
	[tilespmem:$0x137E0] =	vst v63  }
0x120: {  	_ =	swait.ge [sflag:s24], $0x3E8  }
0x121: {  	[sflag:s24] =	ssyncset.done $0x0  }
0x122: {  	[sflag:s24] =	ssyncadd.s32 $0xFFFFFC18  }
0x123: {  	[tilespmem:s23], [sflag:$0x1] =	stream.indirect.gather [spmem:s4], $0x10, s30, s25, $0xb8;
	[tilespmem:$0x137E0] =	vst v63  }
0x124: {  	_ =	swait.ge [sflag:s28], $0x3E80  }
0x125: {  	[sflag:s28] =	ssyncset.done $0x0  }
0x126: {  	[sflag:s28] =	ssyncadd.s32 $0xFFFFC180  }
0x127: {  	[spmem:s7] =	stream.indirect.scatter.add.f32 [tilespmem:s23], [sflag:$0x3], $0x10, s25, s25, $0xb8;
	[tilespmem:$0x137E0] =	vst v63  }
0x128: {  	_ =	swait.ge [sflag:s24], $0x3E80  }
0x129: {  	[sflag:s24] =	ssyncset.done $0x0  }
0x12a: {  	s1 =	rddreg [dreg:$0x10];
	[sflag:s24] =	ssyncadd.s32 $0xFFFFC180  }
0x12b: {  	[tilespmem:s30], [sflag:$0x3] =	stream.linear.gather [hbm4b:s1+s30], $0x3E8, $0x38;
	[tilespmem:$0x137E0] =	vst v63  }
0x12c: {  	_ =	swait.ge [sflag:s24], $0x3E8  }
0x12d: {  	[sflag:s24] =	ssyncset.done $0x0  }
0x12e: {  	s1 =	rddreg [dreg:$0x11];
	[sflag:s24] =	ssyncadd.s32 $0xFFFFFC18  }
0x12f: {  	[tilespmem:s25], [sflag:$0x3] =	stream.linear.gather [hbm4b:s1+s30], $0x3E8, $0x38;
	[tilespmem:$0x137E0] =	vst v63  }
0x130: {  	_ =	swait.ge [sflag:s24], $0x3E8  }
0x131: {  	[sflag:s24] =	ssyncset.done $0x0  }
0x132: {  	[sflag:s24] =	ssyncadd.s32 $0xFFFFFC18  }
0x133: {  	[tilespmem:s23], [sflag:$0x1] =	stream.indirect.gather [spmem:s4], $0x10, s30, s25, $0xb8;
	[tilespmem:$0x137E0] =	vst v63  }
0x134: {  	_ =	swait.ge [sflag:s28], $0x3E80  }
0x135: {  	[sflag:s28] =	ssyncset.done $0x0  }
0x136: {  	[sflag:s28] =	ssyncadd.s32 $0xFFFFC180  }
0x137: {  	[spmem:s7] =	stream.indirect.scatter.add.f32 [tilespmem:s23], [sflag:$0x3], $0x10, s25, s25, $0xb8;
	[tilespmem:$0x137E0] =	vst v63  }
0x138: {  	_ =	swait.ge [sflag:s24], $0x3E80  }
0x139: {  	[sflag:s24] =	ssyncset.done $0x0  }
0x13a: {  	s1 =	rddreg [dreg:$0x12];
	[sflag:s24] =	ssyncadd.s32 $0xFFFFC180  }
0x13b: {  	[tilespmem:s30], [sflag:$0x3] =	stream.linear.gather [hbm4b:s1+s30], $0x3E8, $0x38;
	[tilespmem:$0x137E0] =	vst v63  }
0x13c: {  	_ =	swait.ge [sflag:s24], $0x3E8  }
0x13d: {  	[sflag:s24] =	ssyncset.done $0x0  }
0x13e: {  	s1 =	rddreg [dreg:$0x13];
	[sflag:s24] =	ssyncadd.s32 $0xFFFFFC18  }
0x13f: {  	[tilespmem:s25], [sflag:$0x3] =	stream.linear.gather [hbm4b:s1+s30], $0x3E8, $0x38;
	[tilespmem:$0x137E0] =	vst v63  }
0x140: {  	_ =	swait.ge [sflag:s24], $0x3E8  }
0x141: {  	[sflag:s24] =	ssyncset.done $0x0  }
0x142: {  	[sflag:s24] =	ssyncadd.s32 $0xFFFFFC18  }
0x143: {  	[tilespmem:s23], [sflag:$0x1] =	stream.indirect.gather [spmem:s4], $0x10, s30, s25, $0xb8;
	[tilespmem:$0x137E0] =	vst v63  }
0x144: {  	_ =	swait.ge [sflag:s28], $0x3E80  }
0x145: {  	[sflag:s28] =	ssyncset.done $0x0  }
0x146: {  	[sflag:s28] =	ssyncadd.s32 $0xFFFFC180  }
0x147: {  	[spmem:s7] =	stream.indirect.scatter.add.f32 [tilespmem:s23], [sflag:$0x3], $0x10, s25, s25, $0xb8;
	[tilespmem:$0x137E0] =	vst v63  }
0x148: {  	_ =	swait.ge [sflag:s24], $0x3E80  }
0x149: {  	[sflag:s24] =	ssyncset.done $0x0  }
0x14a: {  	s1 =	rddreg [dreg:$0x14];
	[sflag:s24] =	ssyncadd.s32 $0xFFFFC180  }
0x14b: {  	[tilespmem:s30], [sflag:$0x3] =	stream.linear.gather [hbm4b:s1+s30], $0x3E8, $0x38;
	[tilespmem:$0x137E0] =	vst v63  }
0x14c: {  	_ =	swait.ge [sflag:s24], $0x3E8  }
0x14d: {  	[sflag:s24] =	ssyncset.done $0x0  }
0x14e: {  	s1 =	rddreg [dreg:$0x15];
	[sflag:s24] =	ssyncadd.s32 $0xFFFFFC18  }
0x14f: {  	[tilespmem:s25], [sflag:$0x3] =	stream.linear.gather [hbm4b:s1+s30], $0x3E8, $0x38;
	[tilespmem:$0x137E0] =	vst v63  }
0x150: {  	_ =	swait.ge [sflag:s24], $0x3E8  }
0x151: {  	[sflag:s24] =	ssyncset.done $0x0  }
0x152: {  	[sflag:s24] =	ssyncadd.s32 $0xFFFFFC18  }
0x153: {  	[tilespmem:s23], [sflag:$0x1] =	stream.indirect.gather [spmem:s4], $0x10, s30, s25, $0xb8;
	[tilespmem:$0x137E0] =	vst v63  }
0x154: {  	_ =	swait.ge [sflag:s28], $0x3E80  }
0x155: {  	[sflag:s28] =	ssyncset.done $0x0  }
0x156: {  	[sflag:s28] =	ssyncadd.s32 $0xFFFFC180  }
0x157: {  	[spmem:s7] =	stream.indirect.scatter.add.f32 [tilespmem:s23], [sflag:$0x3], $0x10, s25, s25, $0xb8;
	[tilespmem:$0x137E0] =	vst v63  }
0x158: {  	_ =	swait.ge [sflag:s24], $0x3E80  }
0x159: {  	[sflag:s24] =	ssyncset.done $0x0  }
0x15a: {  	s1 =	rddreg [dreg:$0x16];
	[sflag:s24] =	ssyncadd.s32 $0xFFFFC180  }
0x15b: {  	[tilespmem:s30], [sflag:$0x3] =	stream.linear.gather [hbm4b:s1+s30], $0x3E8, $0x38;
	[tilespmem:$0x137E0] =	vst v63  }
0x15c: {  	_ =	swait.ge [sflag:s24], $0x3E8  }
0x15d: {  	[sflag:s24] =	ssyncset.done $0x0  }
0x15e: {  	s1 =	rddreg [dreg:$0x17];
	[sflag:s24] =	ssyncadd.s32 $0xFFFFFC18  }
0x15f: {  	[tilespmem:s25], [sflag:$0x3] =	stream.linear.gather [hbm4b:s1+s30], $0x3E8, $0x38;
	[tilespmem:$0x137E0] =	vst v63  }
0x160: {  	_ =	swait.ge [sflag:s24], $0x3E8  }
0x161: {  	[sflag:s24] =	ssyncset.done $0x0  }
0x162: {  	[sflag:s24] =	ssyncadd.s32 $0xFFFFFC18  }
0x163: {  	[tilespmem:s23], [sflag:$0x1] =	stream.indirect.gather [spmem:s4], $0x10, s30, s25, $0xb8;
	[tilespmem:$0x137E0] =	vst v63  }
0x164: {  	_ =	swait.ge [sflag:s28], $0x3E80  }
0x165: {  	[sflag:s28] =	ssyncset.done $0x0  }
0x166: {  	[sflag:s28] =	ssyncadd.s32 $0xFFFFC180  }
0x167: {  	[spmem:s7] =	stream.indirect.scatter.add.f32 [tilespmem:s23], [sflag:$0x3], $0x10, s25, s25, $0xb8;
	[tilespmem:$0x137E0] =	vst v63  }
0x168: {  	_ =	swait.ge [sflag:s24], $0x3E80  }
0x169: {  	[sflag:s24] =	ssyncset.done $0x0  }
0x16a: {  	s1 =	rddreg [dreg:$0x18];
	[sflag:s24] =	ssyncadd.s32 $0xFFFFC180  }
0x16b: {  	[tilespmem:s30], [sflag:$0x3] =	stream.linear.gather [hbm4b:s1+s30], $0x3E8, $0x38;
	[tilespmem:$0x137E0] =	vst v63  }
0x16c: {  	_ =	swait.ge [sflag:s24], $0x3E8  }
0x16d: {  	[sflag:s24] =	ssyncset.done $0x0  }
0x16e: {  	s1 =	rddreg [dreg:$0x19];
	[sflag:s24] =	ssyncadd.s32 $0xFFFFFC18  }
0x16f: {  	[tilespmem:s25], [sflag:$0x3] =	stream.linear.gather [hbm4b:s1+s30], $0x3E8, $0x38;
	[tilespmem:$0x137E0] =	vst v63  }
0x170: {  	_ =	swait.ge [sflag:s24], $0x3E8  }
0x171: {  	[sflag:s24] =	ssyncset.done $0x0  }
0x172: {  	[sflag:s24] =	ssyncadd.s32 $0xFFFFFC18  }
0x173: {  	[tilespmem:s23], [sflag:$0x1] =	stream.indirect.gather [spmem:s4], $0x10, s30, s25, $0xb8;
	[tilespmem:$0x137E0] =	vst v63  }
0x174: {  	_ =	swait.ge [sflag:s28], $0x3E80  }
0x175: {  	[sflag:s28] =	ssyncset.done $0x0  }
0x176: {  	[sflag:s28] =	ssyncadd.s32 $0xFFFFC180  }
0x177: {  	[spmem:s7] =	stream.indirect.scatter.add.f32 [tilespmem:s23], [sflag:$0x3], $0x10, s25, s25, $0xb8;
	[tilespmem:$0x137E0] =	vst v63  }
0x178: {  	_ =	swait.ge [sflag:s24], $0x3E80  }
0x179: {  	[sflag:s24] =	ssyncset.done $0x0  }
0x17a: {  	s1 =	rddreg [dreg:$0x1a];
	[sflag:s24] =	ssyncadd.s32 $0xFFFFC180  }
0x17b: {  	[tilespmem:s30], [sflag:$0x3] =	stream.linear.gather [hbm4b:s1+s30], $0x3E8, $0x38;
	[tilespmem:$0x137E0] =	vst v63  }
0x17c: {  	_ =	swait.ge [sflag:s24], $0x3E8  }
0x17d: {  	[sflag:s24] =	ssyncset.done $0x0  }
0x17e: {  	s1 =	rddreg [dreg:$0x1b];
	[sflag:s24] =	ssyncadd.s32 $0xFFFFFC18  }
0x17f: {  	[tilespmem:s25], [sflag:$0x3] =	stream.linear.gather [hbm4b:s1+s30], $0x3E8, $0x38;
	[tilespmem:$0x137E0] =	vst v63  }
0x180: {  	_ =	swait.ge [sflag:s24], $0x3E8  }
0x181: {  	[sflag:s24] =	ssyncset.done $0x0  }
0x182: {  	[sflag:s24] =	ssyncadd.s32 $0xFFFFFC18  }
0x183: {  	[tilespmem:s23], [sflag:$0x1] =	stream.indirect.gather [spmem:s4], $0x10, s30, s25, $0xb8;
	[tilespmem:$0x137E0] =	vst v63  }
0x184: {  	_ =	swait.ge [sflag:s28], $0x3E80  }
0x185: {  	[sflag:s28] =	ssyncset.done $0x0  }
0x186: {  	[sflag:s28] =	ssyncadd.s32 $0xFFFFC180  }
0x187: {  	[spmem:s7] =	stream.indirect.scatter.add.f32 [tilespmem:s23], [sflag:$0x3], $0x10, s25, s25, $0xb8;
	[tilespmem:$0x137E0] =	vst v63  }
0x188: {  	_ =	swait.ge [sflag:s24], $0x3E80  }
0x189: {  	[sflag:s24] =	ssyncset.done $0x0  }
0x18a: {  	s1 =	rddreg [dreg:$0x1c];
	[sflag:s24] =	ssyncadd.s32 $0xFFFFC180  }
0x18b: {  	[tilespmem:s30], [sflag:$0x3] =	stream.linear.gather [hbm4b:s1+s30], $0x3E8, $0x38;
	[tilespmem:$0x137E0] =	vst v63  }
0x18c: {  	_ =	swait.ge [sflag:s24], $0x3E8  }
0x18d: {  	[sflag:s24] =	ssyncset.done $0x0  }
0x18e: {  	s1 =	rddreg [dreg:$0x1d];
	[sflag:s24] =	ssyncadd.s32 $0xFFFFFC18  }
0x18f: {  	[tilespmem:s25], [sflag:$0x3] =	stream.linear.gather [hbm4b:s1+s30], $0x3E8, $0x38;
	[tilespmem:$0x137E0] =	vst v63  }
0x190: {  	_ =	swait.ge [sflag:s24], $0x3E8  }
0x191: {  	[sflag:s24] =	ssyncset.done $0x0  }
0x192: {  	[sflag:s24] =	ssyncadd.s32 $0xFFFFFC18  }
0x193: {  	[tilespmem:s23], [sflag:$0x1] =	stream.indirect.gather [spmem:s4], $0x10, s30, s25, $0xb8;
	[tilespmem:$0x137E0] =	vst v63  }
0x194: {  	_ =	swait.ge [sflag:s28], $0x3E80  }
0x195: {  	[sflag:s28] =	ssyncset.done $0x0  }
0x196: {  	[sflag:s28] =	ssyncadd.s32 $0xFFFFC180  }
0x197: {  	[spmem:s7] =	stream.indirect.scatter.add.f32 [tilespmem:s23], [sflag:$0x3], $0x10, s25, s25, $0xb8;
	[tilespmem:$0x137E0] =	vst v63  }
0x198: {  	_ =	swait.ge [sflag:s24], $0x3E80  }
0x199: {  	s1 =	sld [smem:$0x7FA]  }
0x19a: {  	[sflag:s24] =	ssyncset.done $0x0  }
0x19b: {  	[sflag:s24] =	ssyncadd.s32 $0xFFFFC180  }
0x19c: {  	[tilespmem:s30], [sflag:$0x3] =	stream.linear.gather [hbm4b:s1+s30], $0x3E8, $0x38;
	[tilespmem:$0x137E0] =	vst v63  }
0x19d: {  	_ =	swait.ge [sflag:s24], $0x3E8  }
0x19e: {  	s1 =	sld [smem:$0x7FB]  }
0x19f: {  	[sflag:s24] =	ssyncset.done $0x0  }
0x1a0: {  	[sflag:s24] =	ssyncadd.s32 $0xFFFFFC18  }
0x1a1: {  	[tilespmem:s25], [sflag:$0x3] =	stream.linear.gather [hbm4b:s1+s30], $0x3E8, $0x38;
	[tilespmem:$0x137E0] =	vst v63  }
0x1a2: {  	_ =	swait.ge [sflag:s24], $0x3E8  }
0x1a3: {  	[sflag:s24] =	ssyncset.done $0x0  }
0x1a4: {  	[sflag:s24] =	ssyncadd.s32 $0xFFFFFC18  }
0x1a5: {  	[tilespmem:s23], [sflag:$0x1] =	stream.indirect.gather [spmem:s4], $0x10, s30, s25, $0xb8;
	[tilespmem:$0x137E0] =	vst v63  }
0x1a6: {  	_ =	swait.ge [sflag:s28], $0x3E80  }
0x1a7: {  	[sflag:s28] =	ssyncset.done $0x0  }
0x1a8: {  	[sflag:s28] =	ssyncadd.s32 $0xFFFFC180  }
0x1a9: {  	[spmem:s7] =	stream.indirect.scatter.add.f32 [tilespmem:s23], [sflag:$0x3], $0x10, s25, s25, $0xb8;
	[tilespmem:$0x137E0] =	vst v63  }
0x1aa: {  	_ =	swait.ge [sflag:s24], $0x3E80  }
0x1ab: {  	s1 =	sld [smem:$0x7FC]  }
0x1ac: {  	[sflag:s24] =	ssyncset.done $0x0  }
0x1ad: {  	[sflag:s24] =	ssyncadd.s32 $0xFFFFC180  }
0x1ae: {  	[tilespmem:s30], [sflag:$0x3] =	stream.linear.gather [hbm4b:s1+s30], $0x3E8, $0x38;
	[tilespmem:$0x137E0] =	vst v63  }
0x1af: {  	_ =	swait.ge [sflag:s24], $0x3E8  }
0x1b0: {  	s1 =	sld [smem:$0x7FD]  }
0x1b1: {  	[sflag:s24] =	ssyncset.done $0x0  }
0x1b2: {  	[sflag:s24] =	ssyncadd.s32 $0xFFFFFC18  }
0x1b3: {  	[tilespmem:s25], [sflag:$0x3] =	stream.linear.gather [hbm4b:s1+s30], $0x3E8, $0x38;
	[tilespmem:$0x137E0] =	vst v63  }
0x1b4: {  	_ =	swait.ge [sflag:s24], $0x3E8  }
0x1b5: {  	[sflag:s24] =	ssyncset.done $0x0  }
0x1b6: {  	[sflag:s24] =	ssyncadd.s32 $0xFFFFFC18  }
0x1b7: {  	[tilespmem:s23], [sflag:$0x1] =	stream.indirect.gather [spmem:s4], $0x10, s30, s25, $0xb8;
	[tilespmem:$0x137E0] =	vst v63  }
0x1b8: {  	_ =	swait.ge [sflag:s28], $0x3E80  }
0x1b9: {  	[sflag:s28] =	ssyncset.done $0x0  }
0x1ba: {  	[sflag:s28] =	ssyncadd.s32 $0xFFFFC180  }
0x1bb: {  	[spmem:s7] =	stream.indirect.scatter.add.f32 [tilespmem:s23], [sflag:$0x3], $0x10, s25, s25, $0xb8;
	[tilespmem:$0x137E0] =	vst v63  }
0x1bc: {  	_ =	swait.ge [sflag:s24], $0x3E80  }
0x1bd: {  	[sflag:s24] =	ssyncset.done $0x0  }
0x1be: {  	s1 =	simm.s32 $0x48D0;
	[sflag:s24] =	ssyncadd.s32 $0xFFFFC180  }
0x1bf: {  	[tilespmem:s1], [sflag:$0x3] =	stream.linear.gather [hbm4b:s10+s30], $0x2800, $0x38;
	[tilespmem:$0x137E0] =	vst v63  }
0x1c0: {  	_ =	swait.ge [sflag:s24], $0x2800  }
0x1c1: {  	s0 =	simm.s32 $0x280;
	[sflag:s24] =	ssyncset.done $0x0  }
0x1c2: {  	s1 =	simm.s32 $0x2800;
	s30 =	simm.s32 $0xE7E0;
	[sflag:s24] =	ssyncadd.s32 $0xFFFFD800  }
0x1c3: {  	[tilespmem:s30], [sflag:$0x3] =	stream.strided.gather [spmem:s5], $0x2800, s1, s0, $0x38;
	[tilespmem:$0x137E0] =	vst v63  }
0x1c4: {  	_ =	swait.ge [sflag:s24], $0x2800  }
0x1c5: {  	[sflag:s24] =	ssyncset.done $0x0  }
0x1c6: {  	s30 =	simm.s32 $0x0;
	[sflag:s24] =	ssyncadd.s32 $0xFFFFD800  }
0x1c7: {  	v3 =	vld [tilespmem:s30+$0xE7E0]  }
0x1c8: {  	v4 =	vld [tilespmem:s30+$0xEA60];
	_ =	sdelay $0x1  }
0x1c9: {  	v5 =	vld [tilespmem:s30+$0xECE0];
	_ =	sdelay $0x1  }
0x1ca: {  	v6 =	vld [tilespmem:s30+$0xEF60]  }
0x1cb: {  	v3 =	vadd.f32 v4, v3  }
0x1cc: {  	v4 =	vld [tilespmem:s30+$0xF1E0]  }
0x1cd: {  	v3 =	vadd.f32 v5, v3  }
0x1ce: {  	v5 =	vld [tilespmem:s30+$0xF460]  }
0x1cf: {  	v3 =	vadd.f32 v6, v3  }
0x1d0: {  	v6 =	vld [tilespmem:s30+$0xF6E0]  }
0x1d1: {  	v3 =	vadd.f32 v4, v3  }
0x1d2: {  	v4 =	vld [tilespmem:s30+$0xF960]  }
0x1d3: {  	s1 =	simm.s32 $0x10;
	v7 =	vld [tilespmem:s30+$0xFBE0];
	v3 =	vadd.f32 v5, v3  }
0x1d4: {  	v8 =	vld [tilespmem:s1+$0xE7E0]  }
0x1d5: {  	v5 =	vld [tilespmem:s30+$0xFE60];
	v3 =	vadd.f32 v6, v3  }
0x1d6: {  	v6 =	vld [tilespmem:s1+$0xEA60]  }
0x1d7: {  	v9 =	vld [tilespmem:s1+$0xECE0];
	v3 =	vadd.f32 v4, v3  }
0x1d8: {  	v4 =	vld [tilespmem:s30+$0x100E0]  }
0x1d9: {  	v10 =	vld [tilespmem:s1+$0xEF60];
	v3 =	vadd.f32 v7, v3  }
0x1da: {  	v7 =	vld [tilespmem:s30+$0x10360]  }
0x1db: {  	v6 =	vadd.f32 v6, v8;
	v8 =	vld [tilespmem:s1+$0xF1E0];
	v3 =	vadd.f32 v5, v3  }
0x1dc: {  	v5 =	vld [tilespmem:s30+$0x105E0]  }
0x1dd: {  	v11 =	vld [tilespmem:s1+$0xF460];
	v6 =	vadd.f32 v9, v6;
	v3 =	vadd.f32 v4, v3  }
0x1de: {  	v9 =	vld [tilespmem:s30+$0x10860]  }
0x1df: {  	v4 =	vadd.f32 v10, v6;
	v10 =	vld [tilespmem:s30+$0x10AE0];
	v3 =	vadd.f32 v7, v3  }
0x1e0: {  	v7 =	vld [tilespmem:s1+$0xF6E0]  }
0x1e1: {  	v6 =	vld [tilespmem:s30+$0x10D60];
	v8 =	vadd.f32 v8, v4;
	v5 =	vadd.f32 v5, v3  }
0x1e2: {  	v4 =	vld [tilespmem:s1+$0xF960]  }
0x1e3: {  	v3 =	vld [tilespmem:s1+$0xFE60];
	v11 =	vadd.f32 v11, v8;
	v9 =	vadd.f32 v9, v5  }
0x1e4: {  	s31 =	simm.s32 $0x20;
	v5 =	vld [tilespmem:s1+$0xFBE0]  }
0x1e5: {  	s0 =	simm.s32 $0xC0;
	v8 =	vld [tilespmem:s31+$0xE7E0];
	v7 =	vadd.f32 v7, v11;
	v9 =	vadd.f32 v10, v9  }
.LBB2_46:
0x1e6: {  	p2 =	sne.s32 s0, $0x9C0;
	v10 =	vld [tilespmem:s31+$0xEA60]  }
0x1e7: {  	v4 =	vadd.f32 v4, v7;
	v7 =	vld [tilespmem:s1+$0x100E0];
	v6 =	vadd.f32 v6, v9  }
0x1e8: {  	v9 =	vld [tilespmem:s31+$0xECE0]  }
0x1e9: {  	v4 =	vadd.f32 v5, v4;
	v5 =	vld [tilespmem:s1+$0x10360];
	v6 =	vmax.f32 v6, $1.000000000e+00  }
0x1ea: {  	v11 =	vld [tilespmem:s31+$0xEF60];
	(erf) = vrcp.f32 v6  }
0x1eb: {  	v6 =	vadd.f32 v10, v8;
	v3 =	vadd.f32 v3, v4;
	v4 =	vld [tilespmem:s1+$0x105E0]  }
0x1ec: {  	v8 =	vld [tilespmem:s31+$0xF1E0]  }
0x1ed: {  	v6 =	vadd.f32 v9, v6;
	v3 =	vadd.f32 v7, v3;
	v7 =	vld [tilespmem:s1+$0x10860]  }
0x1ee: {  	v9 =	vld [tilespmem:s31+$0xF460]  }
0x1ef: {  	v6 =	vadd.f32 v11, v6;
	v3 =	vadd.f32 v5, v3;
	v10 =	vld [tilespmem:s1+$0x10AE0]  }
0x1f0: {  	v11 =	vld [tilespmem:s31+$0xF6E0]  }
.Ltmp22:
0x1f1: {  	v5 =	vadd.f32 v8, v6;
	v8 =	vadd.f32 v4, v3;
	v6 =	vld [tilespmem:s1+$0x10D60];
	(pc) =	sbr.rel @p2 .LBB2_46-.Ltmp22, $4  }
0x1f2: {  	v4 =	vld [tilespmem:s31+$0xF960]  }
0x1f3: {  	v9 =	vadd.f32 v9, v5;
	v3 =	vld [tilespmem:s31+$0xFE60];
	v12 =	vadd.f32 v7, v8;
	v7 =	vpop (erf)  }
0x1f4: {  	v5 =	vld [tilespmem:s31+$0xFBE0];
	[tilespmem:s30+$0x4650] =	vst v7;
	s30 =	smov.u32 s1;
	s1 =	smov.u32 s31;
	s31 =	sshra.s32 s0, $0x2  }
0x1f5: {  	s0 =	sadd.s32 $0x40, s0;
	v8 =	vld [tilespmem:s31+$0xE7E0];
	v7 =	vadd.f32 v11, v9;
	v9 =	vadd.f32 v10, v12  }
0x1f6: {  	v10 =	vld [tilespmem:s31+$0xEA60];
	_ =	sdelay $0x1  }
0x1f7: {  	v11 =	vld [tilespmem:s31+$0xECE0];
	_ =	sdelay $0x1  }
0x1f8: {  	v6 =	vadd.f32 v6, v9;
	v9 =	vld [tilespmem:s31+$0xEF60]  }
0x1f9: {  	v8 =	vadd.f32 v10, v8  }
0x1fa: {  	v6 =	vmax.f32 v6, $1.000000000e+00;
	v10 =	vld [tilespmem:s31+$0xF1E0]  }
0x1fb: {  	v12 =	vld [tilespmem:s1+$0x100E0];
	(erf) = vrcp.f32 v6;
	v6 =	vadd.f32 v11, v8  }
0x1fc: {  	v8 =	vld [tilespmem:s31+$0xF460]  }
0x1fd: {  	v13 =	vld [tilespmem:s1+$0x10360];
	v6 =	vadd.f32 v9, v6  }
0x1fe: {  	v9 =	vld [tilespmem:s31+$0xF6E0]  }
0x1ff: {  	v14 =	vld [tilespmem:s1+$0x10860];
	v6 =	vadd.f32 v10, v6  }
0x200: {  	v10 =	vld [tilespmem:s31+$0xF960]  }
0x201: {  	v15 =	vld [tilespmem:s1+$0x10AE0];
	v6 =	vadd.f32 v8, v6  }
0x202: {  	v8 =	vld [tilespmem:s31+$0xFBE0]  }
0x203: {  	v16 =	vld [tilespmem:s1+$0x10D60];
	v6 =	vadd.f32 v9, v6  }
0x204: {  	v4 =	vadd.f32 v4, v7;
	v7 =	vld [tilespmem:s31+$0xFE60];
	v9 =	vpop (erf)  }
0x205: {  	v11 =	vld [tilespmem:s1+$0x105E0];
	[tilespmem:s30+$0x4650] =	vst v9;
	v6 =	vadd.f32 v10, v6  }
0x206: {  	v4 =	vadd.f32 v5, v4;
	v5 =	vld [tilespmem:s31+$0x100E0]  }
0x207: {  	v6 =	vadd.f32 v8, v6  }
0x208: {  	v3 =	vadd.f32 v3, v4;
	v4 =	vld [tilespmem:s31+$0x10360]  }
0x209: {  	v6 =	vadd.f32 v7, v6  }
0x20a: {  	v3 =	vadd.f32 v12, v3;
	v7 =	vld [tilespmem:s31+$0x105E0]  }
0x20b: {  	v5 =	vadd.f32 v5, v6  }
0x20c: {  	v3 =	vadd.f32 v13, v3;
	v6 =	vld [tilespmem:s31+$0x10860]  }
0x20d: {  	v4 =	vadd.f32 v4, v5  }
0x20e: {  	v3 =	vadd.f32 v11, v3;
	v5 =	vld [tilespmem:s31+$0x10AE0]  }
0x20f: {  	v4 =	vadd.f32 v7, v4  }
0x210: {  	v3 =	vadd.f32 v14, v3;
	v7 =	vld [tilespmem:s31+$0x10D60]  }
0x211: {  	v4 =	vadd.f32 v6, v4  }
0x212: {  	v3 =	vadd.f32 v15, v3  }
0x213: {  	v4 =	vadd.f32 v5, v4  }
0x214: {  	v3 =	vadd.f32 v16, v3  }
0x215: {  	v4 =	vadd.f32 v7, v4  }
0x216: {  	v3 =	vmax.f32 v3, $1.000000000e+00  }
0x217: {  	(erf) = vrcp.f32 v3;
	v3 =	vmax.f32 v4, $1.000000000e+00  }
0x218: {  	(erf) = vrcp.f32 v3;
	_ =	sdelay $0x7  }
0x219: {  	v3 =	vpop (erf)  }
0x21a: {  	[tilespmem:s1+$0x4650] =	vst v3;
	v3 =	vpop (erf)  }
0x21b: {  	[tilespmem:s31+$0x4650] =	vst v3  }
0x21c: {  	[bflag:$0x0] =	sbarrier.arrive $0xFFFF  }
0x21d: {  	[tilespmem:s23], [sflag:$0x3] =	stream.linear.gather [spmem:s9], $0x2800, $0x38;
	[tilespmem:$0x137E0] =	vst v63  }
0x21e: {  	_ =	swait.ge [sflag:s24], $0x2800  }
0x21f: {  	[sflag:s24] =	ssyncset.done $0x0  }
0x220: {  	s30 =	simm.s32 $0x0;
	[sflag:s24] =	ssyncadd.s32 $0xFFFFD800  }
0x221: {  	v3 =	vld [tilespmem:s30+$0x48D0]  }
0x222: {  	v4 =	vld [tilespmem:s30+$0x48E0]  }
0x223: {  	v5 =	vld [tilespmem:s30+$0x48F0]  }
0x224: {  	v9 =	vld [tilespmem:s30+$0x4900]  }
0x225: {  	v19 =	vld [tilespmem:s30+$0x4910]  }
0x226: {  	v20 =	vld [tilespmem:s30+$0x4920]  }
0x227: {  	v16 =	vld [tilespmem:s30+$0x4930]  }
0x228: {  	v13 =	vld [tilespmem:s30+$0x4940]  }
0x229: {  	v14 =	vld [tilespmem:s30+$0x4950]  }
0x22a: {  	v12 =	vld [tilespmem:s30+$0x4960]  }
0x22b: {  	v11 =	vld [tilespmem:s30+$0x4970]  }
0x22c: {  	v6 =	vld [tilespmem:s30+$0x4980]  }
0x22d: {  	v7 =	vld [tilespmem:s30+$0x4990]  }
0x22e: {  	v8 =	vld [tilespmem:s30+$0x49A0];
	v17 =	vmul.f32 v3, v0;
	v15 =	vmul.f32 v4, v0  }
0x22f: {  	s31 =	simm.s32 $0x4650;
	v18 =	vld [tilespmem:s30+$0x800];
	v10 =	vmul.f32 v5, v0;
	v9 =	vmul.f32 v9, v0  }
0x230: {  	s1 =	simm.s32 $0x400;
	v3 =	vld [tilespmem:s31+$0x0];
	v5 =	vmul.f32 v19, v0;
	v4 =	vmul.f32 v20, v0  }
.LBB2_48:
0x231: {  	p2 =	sne.s32 s1, $0x9C00;
	v19 =	vld [tilespmem:s30+$0x7E0];
	v16 =	vmul.f32 v16, v0;
	v13 =	vmul.f32 v13, v0  }
0x232: {  	v14 =	vmul.f32 v14, v0;
	v12 =	vmul.f32 v12, v0;
	v20 =	vld [tilespmem:s30+$0x7D0]  }
0x233: {  	v11 =	vmul.f32 v11, v0;
	v6 =	vmul.f32 v6, v0;
	v21 =	vld [tilespmem:s30+$0x7F0]  }
0x234: {  	v7 =	vmul.f32 v7, v0;
	v8 =	vmul.f32 v8, v0;
	v22 =	vld [tilespmem:s30+$0x49B0]  }
0x235: {  	v23 =	vbroadcast v3, $0x0;
	v24 =	vbroadcast v3, $0x1;
	v25 =	vld [tilespmem:s30+$0x49C0]  }
0x236: {  	v26 =	vbroadcast v3, $0x2;
	v27 =	vbroadcast v3, $0x3;
	v28 =	vld [tilespmem:s30+$0x810]  }
0x237: {  	v20 =	vmul.f32 v23, v20;
	v19 =	vmul.f32 v19, v24;
	v23 =	vld [tilespmem:s30+$0x820]  }
0x238: {  	v18 =	vmul.f32 v18, v27;
	v21 =	vmul.f32 v21, v26;
	v24 =	vld [tilespmem:s30+$0x830]  }
0x239: {  	v17 =	vadd.f32 v17, v20;
	v15 =	vadd.f32 v15, v19;
	v19 =	vbroadcast v3, $0x4;
	v20 =	vld [tilespmem:s30+$0x840]  }
0x23a: {  	v9 =	vadd.f32 v9, v18;
	v18 =	vbroadcast v3, $0x5;
	v10 =	vadd.f32 v10, v21;
	v21 =	vld [tilespmem:s30+$0x850]  }
0x23b: {  	[tilespmem:s30+$0x7D0] =	vst v17;
	v17 =	vmul.f32 v28, v19;
	v19 =	vbroadcast v3, $0x6;
	v26 =	vld [tilespmem:s30+$0x860]  }
0x23c: {  	[tilespmem:s30+$0x7E0] =	vst v15;
	v15 =	vmul.f32 v23, v18;
	v18 =	vbroadcast v3, $0x7;
	v23 =	vld [tilespmem:s30+$0x870]  }
0x23d: {  	[tilespmem:s30+$0x7F0] =	vst v10;
	v5 =	vadd.f32 v5, v17;
	v10 =	vmul.f32 v24, v19;
	v17 =	vbroadcast v3, $0x8;
	v19 =	vld [tilespmem:s30+$0x880]  }
0x23e: {  	[tilespmem:s30+$0x800] =	vst v9;
	v4 =	vadd.f32 v4, v15;
	v9 =	vmul.f32 v20, v18;
	v15 =	vbroadcast v3, $0x9;
	v18 =	vld [tilespmem:s30+$0x890]  }
0x23f: {  	[tilespmem:s30+$0x810] =	vst v5;
	v5 =	vadd.f32 v16, v10;
	v10 =	vmul.f32 v21, v17;
	v16 =	vbroadcast v3, $0xA;
	v17 =	vld [tilespmem:s30+$0x8A0]  }
0x240: {  	[tilespmem:s30+$0x820] =	vst v4;
	v4 =	vadd.f32 v13, v9;
	v9 =	vmul.f32 v26, v15;
	v13 =	vbroadcast v3, $0xB;
	v15 =	vld [tilespmem:s30+$0x8B0]  }
0x241: {  	s0 =	sshra.s32 s1, $0x2;
	[tilespmem:s30+$0x830] =	vst v5;
	v5 =	vadd.f32 v14, v10;
	v10 =	vmul.f32 v23, v16;
	v14 =	vbroadcast v3, $0xC;
	v16 =	vld [tilespmem:s30+$0x8C0]  }
0x242: {  	v20 =	vld [tilespmem:s0+$0x48D0];
	[tilespmem:s30+$0x840] =	vst v4;
	v4 =	vadd.f32 v12, v9;
	v9 =	vmul.f32 v19, v13;
	v12 =	vbroadcast v3, $0xD  }
0x243: {  	v19 =	vld [tilespmem:s0+$0x48E0];
	[tilespmem:s30+$0x850] =	vst v5;
	v5 =	vadd.f32 v11, v10;
	v10 =	vmul.f32 v18, v14;
	v11 =	vbroadcast v3, $0xE  }
0x244: {  	v3 =	vbroadcast v3, $0xF;
	v18 =	vld [tilespmem:s0+$0x48F0];
	[tilespmem:s30+$0x860] =	vst v4;
	v4 =	vadd.f32 v6, v9;
	v6 =	vmul.f32 v17, v12  }
0x245: {  	v9 =	vld [tilespmem:s0+$0x4900];
	[tilespmem:s30+$0x870] =	vst v5;
	v5 =	vadd.f32 v7, v10;
	v7 =	vmul.f32 v15, v11;
	v10 =	vmul.f32 v22, v0  }
0x246: {  	v21 =	vld [tilespmem:s0+$0x4910];
	[tilespmem:s30+$0x880] =	vst v4;
	v4 =	vadd.f32 v8, v6;
	v3 =	vmul.f32 v16, v3;
	v6 =	vmul.f32 v25, v0  }
0x247: {  	v22 =	vld [tilespmem:s0+$0x4920];
	[tilespmem:s30+$0x890] =	vst v5;
	v5 =	vadd.f32 v10, v7  }
0x248: {  	v16 =	vld [tilespmem:s0+$0x4930];
	[tilespmem:s30+$0x8A0] =	vst v4;
	v3 =	vadd.f32 v6, v3  }
0x249: {  	v13 =	vld [tilespmem:s0+$0x4940];
	[tilespmem:s30+$0x8B0] =	vst v5  }
0x24a: {  	v14 =	vld [tilespmem:s0+$0x4950];
	[tilespmem:s30+$0x8C0] =	vst v3;
	s30 =	smov.u32 s0  }
0x24b: {  	v12 =	vld [tilespmem:s30+$0x4960]  }
0x24c: {  	v11 =	vld [tilespmem:s30+$0x4970]  }
.Ltmp23:
0x24d: {  	v6 =	vld [tilespmem:s30+$0x4980];
	(pc) =	sbr.rel @p2 .LBB2_48-.Ltmp23, $4  }
0x24e: {  	v7 =	vld [tilespmem:s30+$0x4990]  }
0x24f: {  	v17 =	vmul.f32 v20, v0;
	v15 =	vmul.f32 v19, v0;
	v8 =	vld [tilespmem:s30+$0x49A0]  }
0x250: {  	s31 =	sadd.s32 $0x10, s31;
	v10 =	vmul.f32 v18, v0;
	v9 =	vmul.f32 v9, v0;
	v18 =	vld [tilespmem:s30+$0x800]  }
0x251: {  	s1 =	sadd.s32 $0x400, s1;
	v5 =	vmul.f32 v21, v0;
	v4 =	vmul.f32 v22, v0;
	v3 =	vld [tilespmem:s31+$0x0]  }
0x252: {  	_ =	sdelay $0x1  }
0x253: {  	v19 =	vld [tilespmem:s30+$0x7E0];
	v39 =	vmul.f32 v12, v0;
	v11 =	vmul.f32 v11, v0  }
0x254: {  	v20 =	vld [tilespmem:s30+$0x7D0];
	v6 =	vmul.f32 v6, v0;
	v7 =	vmul.f32 v7, v0  }
0x255: {  	v21 =	vld [tilespmem:s30+$0x7F0];
	v44 =	vmul.f32 v8, v0;
	v23 =	vbroadcast v3, $0x0  }
0x256: {  	v22 =	vld [tilespmem:s30+$0x49B0];
	v26 =	vbroadcast v3, $0x1;
	v28 =	vbroadcast v3, $0x2  }
0x257: {  	v24 =	vld [tilespmem:s30+$0x49C0];
	v34 =	vbroadcast v3, $0x3;
	v36 =	vbroadcast v3, $0x4  }
0x258: {  	v25 =	vld [tilespmem:s30+$0x810];
	v38 =	vbroadcast v3, $0x5;
	v41 =	vbroadcast v3, $0x6  }
0x259: {  	v37 =	vld [tilespmem:s30+$0x870];
	v43 =	vbroadcast v3, $0x7;
	v45 =	vbroadcast v3, $0x8  }
0x25a: {  	v40 =	vld [tilespmem:s30+$0x880];
	v47 =	vbroadcast v3, $0x9;
	v20 =	vmul.f32 v23, v20  }
0x25b: {  	v42 =	vld [tilespmem:s30+$0x890];
	v49 =	vbroadcast v3, $0xA;
	v19 =	vmul.f32 v19, v26  }
0x25c: {  	v50 =	vld [tilespmem:s30+$0x8B0];
	v51 =	vbroadcast v3, $0xB;
	v21 =	vmul.f32 v21, v28;
	v17 =	vadd.f32 v17, v20  }
0x25d: {  	v53 =	vld [tilespmem:s30+$0x8C0];
	v52 =	vbroadcast v3, $0xC;
	v18 =	vmul.f32 v18, v34;
	v15 =	vadd.f32 v15, v19  }
0x25e: {  	v63 =	vld [tilespmem:s30+$0x820];
	v54 =	vbroadcast v3, $0xD;
	v8 =	vmul.f32 v37, v49;
	v10 =	vadd.f32 v10, v21;
	[tilespmem:s30+$0x7D0] =	vst v17  }
0x25f: {  	v57 =	vbroadcast v3, $0xE;
	v12 =	vmul.f32 v40, v51;
	v9 =	vadd.f32 v9, v18;
	[tilespmem:s30+$0x7E0] =	vst v15  }
0x260: {  	v27 =	vld [tilespmem:s30+$0x830];
	v3 =	vbroadcast v3, $0xF;
	v56 =	vmul.f32 v42, v52;
	v55 =	vadd.f32 v11, v8;
	[tilespmem:s30+$0x7F0] =	vst v10  }
0x261: {  	v32 =	vld [tilespmem:s30+$0x840];
	v61 =	vmul.f32 v22, v0;
	v60 =	vmul.f32 v50, v57;
	v6 =	vadd.f32 v6, v12;
	[tilespmem:s30+$0x800] =	vst v9  }
0x262: {  	v33 =	vld [tilespmem:s30+$0x850];
	v62 =	vmul.f32 v24, v0;
	v3 =	vmul.f32 v53, v3;
	v59 =	vadd.f32 v7, v56;
	[tilespmem:s30+$0x870] =	vst v55  }
0x263: {  	v35 =	vld [tilespmem:s30+$0x860];
	v19 =	vmul.f32 v25, v36;
	v18 =	vmul.f32 v63, v38;
	v63 =	vadd.f32 v61, v60;
	[tilespmem:s30+$0x880] =	vst v6  }
0x264: {  	v46 =	vld [tilespmem:s30+$0x8A0];
	v3 =	vadd.f32 v62, v3;
	[tilespmem:s30+$0x890] =	vst v59  }
0x265: {  	v16 =	vmul.f32 v16, v0;
	v21 =	vmul.f32 v27, v41;
	v5 =	vadd.f32 v5, v19;
	[tilespmem:s30+$0x8B0] =	vst v63  }
0x266: {  	v13 =	vmul.f32 v13, v0;
	v4 =	vadd.f32 v4, v18;
	v19 =	vmul.f32 v32, v43;
	[tilespmem:s30+$0x8C0] =	vst v3  }
0x267: {  	v14 =	vmul.f32 v14, v0;
	v48 =	vmul.f32 v33, v45;
	v16 =	vadd.f32 v16, v21;
	[tilespmem:s30+$0x810] =	vst v5  }
0x268: {  	v17 =	vmul.f32 v35, v47;
	[tilespmem:s30+$0x820] =	vst v4;
	v13 =	vadd.f32 v13, v19  }
0x269: {  	v58 =	vmul.f32 v46, v54;
	[tilespmem:s30+$0x830] =	vst v16;
	v4 =	vadd.f32 v14, v48  }
0x26a: {  	v10 =	vadd.f32 v39, v17;
	[tilespmem:s30+$0x840] =	vst v13  }
0x26b: {  	v5 =	vadd.f32 v44, v58;
	[tilespmem:s30+$0x850] =	vst v4  }
0x26c: {  	[tilespmem:s30+$0x860] =	vst v10  }
0x26d: {  	s0 =	simm.s32 $0x0;
	[tilespmem:s30+$0x8A0] =	vst v5  }
0x26e: {  	[hbm4b:s11+s0] =	stream.linear.scatter [tilespmem:s23], [sflag:$0x3], $0x2800, $0x38;
	[tilespmem:$0x137E0] =	vst v63  }
0x26f: {  	_ =	swait.ge [sflag:s24], $0x2800  }
0x270: {  	s1 =	simm.s32 @!p0 $0x4650;
	s29 =	sadd.s32 $0x1, s29;
	[sflag:s24] =	ssyncset.done $0x0  }
0x271: {  	p2 =	sne.s32 s29, s12;
	s0 =	simm.s32 @!p0 $0x0;
	[sflag:s24] =	ssyncadd.s32 $0xFFFFD800  }
0x272: {  	[hbm4b:s6+s0] =	stream.linear.scatter @!p0 [tilespmem:s1], [sflag:$0x3], $0x280, $0x38;
	[tilespmem:$0x137E0] =	vst v63  }
.Ltmp24:
0x273: {  	_ = 	snop;
	(pc) =	sbr.rel @p2 .LBB2_1-.Ltmp24, $4  }
0x274: {  	s0 =	simm.s32 @!p0 $0x3  }
0x275: {  	_ =	swait.ge @!p0 [sflag:s0], $0x280  }
0x276: {  	[sflag:s0] =	ssyncset.done @!p0 $0x0  }
0x277: {  	[sflag:s0] =	ssyncadd.s32 @!p0 $0xFFFFFD80  }
0x278: {  	_ =	sfence.sel $0x180000  }
0x279: {  	[bflag:$0x0] =	sbarrier.arrive $0xFFFF  }
0x27a: {  	_ =	strace $0x90000047  }
0x27b: {  	s0 =	stileid.u32;
	[bflag:$0x2] =	sbarrier.arrive $0xFFFF  }
0x27c: {  	p0 =	sne.s32 s0, $0x0;
	s0 =	rddreg [dreg:$0x5]  }
0x27d: {  	s0 =	sadd.s32 @!p0 $0x100000, s0  }
0x27e: {  	[sflag:s0] =	ssyncadd.tile.s32 @!p0 $0x1;
	_ =	shalt  }
.Lfunc_end2:
_tile_overlayer_lowered:
.L_overlay_start_2:
0x27f: {  	(tag) =	ssettag $0x2  }
0x280: {  	s0 =	rddreg [dreg:$0x0];
	s2 =	stileid.u32  }
0x281: {  	s1 =	rddreg [dreg:$0x1];
	p0 =	sne.s32 s2, $0x0  }
0x282: {  	s3 =	rddreg [dreg:$0x2];
	[bflag:$0x3] =	sbarrier.arrive $0xFFFF;
	s2 =	simm.s32 @!p0 $0x1C03  }
0x283: {  	[timem:s3], [sflag:s2] =	dma.local @!p0 [hbm:s0], s1  }
0x284: {  	s0 =	simm.s32 @!p0 $0x3  }
0x285: {  	_ =	swait.ge @!p0 [sflag:s0], s1  }
0x286: {  	s1 =	ssub.s32 @!p0 $0x0, s1;
	[sflag:s0] =	ssyncset.done @!p0 $0x0  }
0x287: {  	[sflag:s0] =	ssyncadd.s32 @!p0 s1  }
0x288: {  	[bflag:$0x3] =	sbarrier.arrive $0xFFFF  }
0x289: {  	_ =	shalt  }

</sc_bundles>
